<compile_context>
chip_gen: v7x
topology: tpu7x:2x2x1
jax: 0.10.2.dev20260603
libtpu: 0.0.44.dev20260713+nightly
codegen_flags: <defaults>
</compile_context>

<pallas_src>
import functools

import jax
import jax.numpy as jnp
from jax.experimental import pallas as pl
from jax.experimental.pallas import tpu as pltpu
from jax.experimental.pallas import tpu_sc as plsc

D = 64
LANES = 16
CHUNK = 256
NC = 2
NS = 16
NW = NC * NS
SCALE = 8.0


def _sc_embed(x_flat, table):
    n = x_flat.shape[0]
    per_w = n // NW
    nchunks = per_w // CHUNK
    assert nchunks >= 4 and nchunks % 2 == 0
    mesh = plsc.VectorSubcoreMesh(core_axis_name="c", subcore_axis_name="s")

    @functools.partial(
        pl.kernel,
        out_type=jax.ShapeDtypeStruct((n, D), jnp.float32),
        mesh=mesh,
        compiler_params=pltpu.CompilerParams(use_tc_tiling_on_sc=False),
        scratch_types=[
            pltpu.VMEM((per_w,), jnp.int32),
            pltpu.VMEM((CHUNK, D), jnp.float32),
            pltpu.VMEM((CHUNK, D), jnp.float32),
            pltpu.VMEM((CHUNK, D), jnp.float32),
            pltpu.VMEM((CHUNK, D), jnp.float32),
            pltpu.SemaphoreType.DMA,
            pltpu.SemaphoreType.DMA,
            pltpu.SemaphoreType.DMA,
            pltpu.SemaphoreType.DMA,
        ],
    )
    def k(table_hbm, idx_hbm, out_hbm, idx_v, gb0, gb1, sb0, sb1,
          gsem0, gsem1, ssem0, ssem1):
        wid = jax.lax.axis_index("s") * NC + jax.lax.axis_index("c")
        base = wid * per_w
        pltpu.sync_copy(idx_hbm.at[pl.ds(base, per_w)], idx_v)

        gbufs = (gb0, gb1)
        sbufs = (sb0, sb1)
        gsems = (gsem0, gsem1)
        ssems = (ssem0, ssem1)

        def gather(g, b):
            return pltpu.make_async_copy(
                table_hbm.at[idx_v.at[pl.ds(g * CHUNK, CHUNK)]],
                gbufs[b], gsems[b])

        def store(g, b):
            return pltpu.make_async_copy(
                sbufs[b], out_hbm.at[pl.ds(base + g * CHUNK, CHUNK)],
                ssems[b])

        def scale(b):
            gb, sb = gbufs[b], sbufs[b]

            @pl.loop(0, CHUNK, step=8)
            def _(r0):
                for r in range(8):
                    for j in range(0, D, LANES):
                        sb.at[r0 + r, pl.ds(j, LANES)][...] = (
                            gb.at[r0 + r, pl.ds(j, LANES)][...] * SCALE)

        gather(0, 0).start()
        gather(1, 1).start()
        for b in range(2):
            gather(b, b).wait()
            scale(b)
            store(b, b).start()
            gather(b + 2, b).start()

        @pl.loop(2, nchunks - 2, step=2)
        def _(g):
            for b in range(2):
                gather(g + b, b).wait()
                store(g + b - 2, b).wait()
                scale(b)
                store(g + b, b).start()
                gather(g + b + 2, b).start()

        for b in range(2):
            g = nchunks - 2 + b
            gather(g, b).wait()
            store(g - 2, b).wait()
            scale(b)
            store(g, b).start()
        for b in range(2):
            store(nchunks - 2 + b, b).wait()

    return k(table, x_flat)


def kernel(x, table):
    b, s = x.shape
    x_flat = x.reshape(b * s).astype(jnp.int32)
    out = _sc_embed(x_flat, table)
    return out.reshape(b, s, D)

# --- scband reference (transcript-rebuilt; emitter-appended) ---
"""Pipeline reference for scband-embedding-58308476010954 (READ-ONLY COPY).

The authoritative reference and input builder live on the scoring server;
editing this copy changes nothing except your own understanding.
"""

import jax, jax.numpy as jnp
import numpy as np

VOCAB_SIZE = 1000000
D_MODEL = 64
BATCH = 16384
SEQ = 50

def setup_inputs(seed: int = 0) -> dict:
    key = jax.random.key(seed)
    k1, k2 = jax.random.split(key)
    x = jax.random.randint(k1, (BATCH, SEQ), 0, VOCAB_SIZE, dtype=jnp.int64 if jax.config.jax_enable_x64 else jnp.int32)
    # embedding table initialized like nn.Embedding (N(0,1))
    table = jax.random.normal(k2, (VOCAB_SIZE, D_MODEL), dtype=jnp.float32)
    return {"x": x, "table": table}

def reference(x, table):
    # Faithful: embedding lookup scaled by sqrt(d_model)
    emb = jnp.take(table, x, axis=0)
    return emb * np.sqrt(D_MODEL)

if __name__ == "__main__":
    import jax
    _d = setup_inputs()
    print(jax.jit(kernel)(*tuple(_d.values())))

</pallas_src>

<mosaic_0001>
#map = affine_map<(d0, d1) -> (0, 0)>
#map1 = affine_map<(d0, d1) -> (0)>
module attributes {stable_mosaic.version = 14 : i64} {
  func.func @k(%arg0: i32, %arg1: i32, %arg2: memref<1000000x64xf32, #tpu.memory_space<hbm>>, %arg3: memref<819200xi32, #tpu.memory_space<hbm>>, %arg4: memref<819200x64xf32, #tpu.memory_space<hbm>>, %arg5: memref<25600xi32, #tpu.memory_space<vmem>>, %arg6: memref<256x64xf32, #tpu.memory_space<vmem>>, %arg7: memref<256x64xf32, #tpu.memory_space<vmem>>, %arg8: memref<256x64xf32, #tpu.memory_space<vmem>>, %arg9: memref<256x64xf32, #tpu.memory_space<vmem>>, %arg10: memref<!tpu.dma_semaphore, #tpu.memory_space<semaphore_mem>>, %arg11: memref<!tpu.dma_semaphore, #tpu.memory_space<semaphore_mem>>, %arg12: memref<!tpu.dma_semaphore, #tpu.memory_space<semaphore_mem>>, %arg13: memref<!tpu.dma_semaphore, #tpu.memory_space<semaphore_mem>>) attributes {dimension_semantics = [#tpu.dimension_semantics<core_parallel>, #tpu.dimension_semantics<subcore_parallel>], iteration_bounds = array<i64: 2, 16>, scalar_prefetch = 0 : i64, scratch_operands = 9 : i64, tpu.core_type = #tpu.core_type<sc_vector_subcore>, window_params = [{transform_indices = #map}, {transform_indices = #map1}, {transform_indices = #map}]} {
    %mul3A = arith.constant 2 : i32
    %mul3A_0 = arith.muli %arg1, %mul3A : i32
    %add3A = arith.addi %mul3A_0, %arg0 : i32
    %mul3A_1 = arith.constant 25600 : i32
    %mul3A_2 = arith.muli %add3A, %mul3A_1 : i32
    "tpu.region"() ({
      %run_scoped3A = tpu.sem_alloc : memref<!tpu.dma_semaphore, #tpu.memory_space<semaphore_mem>>
      %dma_start3A_113 = tpu.memref_slice %arg3[%mul3A_2] : memref<819200xi32, #tpu.memory_space<hbm>> -> memref<25600xi32, #tpu.memory_space<hbm>>
      %dma_start3A_114 = tpu.memref_slice %arg3[%mul3A_2] : memref<819200xi32, #tpu.memory_space<hbm>> -> memref<25600xi32, #tpu.memory_space<hbm>>
      tpu.enqueue_dma source(%dma_start3A_114 : memref<25600xi32, #tpu.memory_space<hbm>>) target(%arg5 : memref<25600xi32, #tpu.memory_space<vmem>>) target_semaphore(%run_scoped3A : memref<!tpu.dma_semaphore, #tpu.memory_space<semaphore_mem>>)
      %dma_wait3A_115 = tpu.memref_slice %arg3[%mul3A_2] : memref<819200xi32, #tpu.memory_space<hbm>> -> memref<25600xi32, #tpu.memory_space<hbm>>
      %dma_wait3A_116 = tpu.memref_slice %arg3[%mul3A_2] : memref<819200xi32, #tpu.memory_space<hbm>> -> memref<25600xi32, #tpu.memory_space<hbm>>
      tpu.wait_dma2 semaphore(%run_scoped3A : memref<!tpu.dma_semaphore, #tpu.memory_space<semaphore_mem>>) src(%dma_wait3A_116 : memref<25600xi32, #tpu.memory_space<hbm>>) dst(%arg5 : memref<25600xi32, #tpu.memory_space<vmem>>)
      tpu.yield
    }) : () -> ()
    %dma_start3A = arith.constant 0 : i32
    %dma_start3A_3 = tpu.memref_slice %arg5[%dma_start3A] : memref<25600xi32, #tpu.memory_space<vmem>> -> memref<256xi32, #tpu.memory_space<vmem>>
    %dma_start3A_4 = arith.constant 0 : i32
    %dma_start3A_5 = arith.constant 0 : i32
    %dma_start3A_6 = tpu.memref_slice %arg2[%dma_start3A_4, %dma_start3A_5] : memref<1000000x64xf32, #tpu.memory_space<hbm>> -> memref<1000000x64xf32, #tpu.memory_space<hbm>>
    tpu.enqueue_indirect_dma source(%dma_start3A_6 : memref<1000000x64xf32, #tpu.memory_space<hbm>>) target(%arg6 : memref<256x64xf32, #tpu.memory_space<vmem>>) offsets(%dma_start3A_3 : memref<256xi32, #tpu.memory_space<vmem>>) semaphore(%arg10 : memref<!tpu.dma_semaphore, #tpu.memory_space<semaphore_mem>>)
    %dma_start3A_7 = arith.constant 256 : i32
    %dma_start3A_8 = tpu.memref_slice %arg5[%dma_start3A_7] : memref<25600xi32, #tpu.memory_space<vmem>> -> memref<256xi32, #tpu.memory_space<vmem>>
    %dma_start3A_9 = arith.constant 0 : i32
    %dma_start3A_10 = arith.constant 0 : i32
    %dma_start3A_11 = tpu.memref_slice %arg2[%dma_start3A_9, %dma_start3A_10] : memref<1000000x64xf32, #tpu.memory_space<hbm>> -> memref<1000000x64xf32, #tpu.memory_space<hbm>>
    tpu.enqueue_indirect_dma source(%dma_start3A_11 : memref<1000000x64xf32, #tpu.memory_space<hbm>>) target(%arg7 : memref<256x64xf32, #tpu.memory_space<vmem>>) offsets(%dma_start3A_8 : memref<256xi32, #tpu.memory_space<vmem>>) semaphore(%arg11 : memref<!tpu.dma_semaphore, #tpu.memory_space<semaphore_mem>>)
    %dma_wait3A = arith.constant 0 : i32
    %dma_wait3A_12 = tpu.memref_slice %arg5[%dma_wait3A] : memref<25600xi32, #tpu.memory_space<vmem>> -> memref<256xi32, #tpu.memory_space<vmem>>
    %dma_wait3A_13 = arith.constant 0 : i32
    %dma_wait3A_14 = arith.constant 0 : i32
    %dma_wait3A_15 = tpu.memref_slice %arg2[%dma_wait3A_13, %dma_wait3A_14] : memref<1000000x64xf32, #tpu.memory_space<hbm>> -> memref<1000000x64xf32, #tpu.memory_space<hbm>>
    tpu.wait_indirect_dma semaphore(%arg10 : memref<!tpu.dma_semaphore, #tpu.memory_space<semaphore_mem>>) src(%dma_wait3A_15 : memref<1000000x64xf32, #tpu.memory_space<hbm>>) dst(%arg6 : memref<256x64xf32, #tpu.memory_space<vmem>>)
    %scan3A = arith.constant 0 : i32
    %scan3A_16 = arith.constant 32 : i32
    %scan3A_17 = arith.addi %scan3A, %scan3A_16 : i32
    %scan3A_18 = arith.constant 1 : i32
    scf.for %scan3A_113 = %scan3A to %scan3A_17 step %scan3A_18  : i32 {
      %mul3A_114 = arith.constant 8 : i32
      %mul3A_115 = arith.muli %scan3A_113, %mul3A_114 : i32
      %add3A_116 = arith.constant 0 : i32
      %add3A_117 = arith.addi %add3A_116, %mul3A_115 : i32
      %add3A_118 = arith.constant 0 : i32
      %add3A_119 = arith.addi %add3A_117, %add3A_118 : i32
      %get3A = arith.index_cast %add3A_119 : i32 to index
      %get3A_120 = arith.constant 0 : index
      %get3A_121 = tpu.vector_load %arg6[%get3A, %get3A_120] {strides = array<i32>} : memref<256x64xf32, #tpu.memory_space<vmem>>, vector<1x16xf32>,
      %get3A_122 = vector.shape_cast %get3A_121 : vector<1x16xf32> to vector<16xf32>
      %mul3A_123 = arith.constant 8.000000e+00 : f32
      %mul3A_124 = vector.broadcast %mul3A_123 : f32 to vector<16xf32>
      %mul3A_125 = arith.mulf %get3A_122, %mul3A_124 : vector<16xf32>
      %add3A_126 = arith.constant 0 : i32
      %add3A_127 = arith.addi %add3A_117, %add3A_126 : i32
      %swap3A = arith.index_cast %add3A_127 : i32 to index
      %swap3A_128 = arith.constant 0 : index
      %swap3A_129 = tpu.vector_load %arg8[%swap3A, %swap3A_128] {strides = array<i32>} : memref<256x64xf32, #tpu.memory_space<vmem>>, vector<1x16xf32>,
      %swap3A_130 = vector.shape_cast %swap3A_129 : vector<1x16xf32> to vector<16xf32>
      %swap3A_131 = vector.shape_cast %mul3A_125 : vector<16xf32> to vector<1x16xf32>
      tpu.vector_store %arg8[%swap3A, %swap3A_128], %swap3A_131 {strides = array<i32>} : memref<256x64xf32, #tpu.memory_space<vmem>>, vector<1x16xf32>,
      %add3A_132 = arith.constant 0 : i32
      %add3A_133 = arith.addi %add3A_117, %add3A_132 : i32
      %get3A_134 = arith.index_cast %add3A_133 : i32 to index
      %get3A_135 = arith.constant 16 : index
      %get3A_136 = tpu.vector_load %arg6[%get3A_134, %get3A_135] {strides = array<i32>} : memref<256x64xf32, #tpu.memory_space<vmem>>, vector<1x16xf32>,
      %get3A_137 = vector.shape_cast %get3A_136 : vector<1x16xf32> to vector<16xf32>
      %mul3A_138 = arith.constant 8.000000e+00 : f32
      %mul3A_139 = vector.broadcast %mul3A_138 : f32 to vector<16xf32>
      %mul3A_140 = arith.mulf %get3A_137, %mul3A_139 : vector<16xf32>
      %add3A_141 = arith.constant 0 : i32
      %add3A_142 = arith.addi %add3A_117, %add3A_141 : i32
      %swap3A_143 = arith.index_cast %add3A_142 : i32 to index
      %swap3A_144 = arith.constant 16 : index
      %swap3A_145 = tpu.vector_load %arg8[%swap3A_143, %swap3A_144] {strides = array<i32>} : memref<256x64xf32, #tpu.memory_space<vmem>>, vector<1x16xf32>,
      %swap3A_146 = vector.shape_cast %swap3A_145 : vector<1x16xf32> to vector<16xf32>
      %swap3A_147 = vector.shape_cast %mul3A_140 : vector<16xf32> to vector<1x16xf32>
      tpu.vector_store %arg8[%swap3A_143, %swap3A_144], %swap3A_147 {strides = array<i32>} : memref<256x64xf32, #tpu.memory_space<vmem>>, vector<1x16xf32>,
      %add3A_148 = arith.constant 0 : i32
      %add3A_149 = arith.addi %add3A_117, %add3A_148 : i32
      %get3A_150 = arith.index_cast %add3A_149 : i32 to index
      %get3A_151 = arith.constant 32 : index
      %get3A_152 = tpu.vector_load %arg6[%get3A_150, %get3A_151] {strides = array<i32>} : memref<256x64xf32, #tpu.memory_space<vmem>>, vector<1x16xf32>,
      %get3A_153 = vector.shape_cast %get3A_152 : vector<1x16xf32> to vector<16xf32>
      %mul3A_154 = arith.constant 8.000000e+00 : f32
      %mul3A_155 = vector.broadcast %mul3A_154 : f32 to vector<16xf32>
      %mul3A_156 = arith.mulf %get3A_153, %mul3A_155 : vector<16xf32>
      %add3A_157 = arith.constant 0 : i32
      %add3A_158 = arith.addi %add3A_117, %add3A_157 : i32
      %swap3A_159 = arith.index_cast %add3A_158 : i32 to index
      %swap3A_160 = arith.constant 32 : index
      %swap3A_161 = tpu.vector_load %arg8[%swap3A_159, %swap3A_160] {strides = array<i32>} : memref<256x64xf32, #tpu.memory_space<vmem>>, vector<1x16xf32>,
      %swap3A_162 = vector.shape_cast %swap3A_161 : vector<1x16xf32> to vector<16xf32>
      %swap3A_163 = vector.shape_cast %mul3A_156 : vector<16xf32> to vector<1x16xf32>
      tpu.vector_store %arg8[%swap3A_159, %swap3A_160], %swap3A_163 {strides = array<i32>} : memref<256x64xf32, #tpu.memory_space<vmem>>, vector<1x16xf32>,
      %add3A_164 = arith.constant 0 : i32
      %add3A_165 = arith.addi %add3A_117, %add3A_164 : i32
      %get3A_166 = arith.index_cast %add3A_165 : i32 to index
      %get3A_167 = arith.constant 48 : index
      %get3A_168 = tpu.vector_load %arg6[%get3A_166, %get3A_167] {strides = array<i32>} : memref<256x64xf32, #tpu.memory_space<vmem>>, vector<1x16xf32>,
      %get3A_169 = vector.shape_cast %get3A_168 : vector<1x16xf32> to vector<16xf32>
      %mul3A_170 = arith.constant 8.000000e+00 : f32
      %mul3A_171 = vector.broadcast %mul3A_170 : f32 to vector<16xf32>
      %mul3A_172 = arith.mulf %get3A_169, %mul3A_171 : vector<16xf32>
      %add3A_173 = arith.constant 0 : i32
      %add3A_174 = arith.addi %add3A_117, %add3A_173 : i32
      %swap3A_175 = arith.index_cast %add3A_174 : i32 to index
      %swap3A_176 = arith.constant 48 : index
      %swap3A_177 = tpu.vector_load %arg8[%swap3A_175, %swap3A_176] {strides = array<i32>} : memref<256x64xf32, #tpu.memory_space<vmem>>, vector<1x16xf32>,
      %swap3A_178 = vector.shape_cast %swap3A_177 : vector<1x16xf32> to vector<16xf32>
      %swap3A_179 = vector.shape_cast %mul3A_172 : vector<16xf32> to vector<1x16xf32>
      tpu.vector_store %arg8[%swap3A_175, %swap3A_176], %swap3A_179 {strides = array<i32>} : memref<256x64xf32, #tpu.memory_space<vmem>>, vector<1x16xf32>,
      %add3A_180 = arith.constant 1 : i32
      %add3A_181 = arith.addi %add3A_117, %add3A_180 : i32
      %get3A_182 = arith.index_cast %add3A_181 : i32 to index
      %get3A_183 = arith.constant 0 : index
      %get3A_184 = tpu.vector_load %arg6[%get3A_182, %get3A_183] {strides = array<i32>} : memref<256x64xf32, #tpu.memory_space<vmem>>, vector<1x16xf32>,
      %get3A_185 = vector.shape_cast %get3A_184 : vector<1x16xf32> to vector<16xf32>
      %mul3A_186 = arith.constant 8.000000e+00 : f32
      %mul3A_187 = vector.broadcast %mul3A_186 : f32 to vector<16xf32>
      %mul3A_188 = arith.mulf %get3A_185, %mul3A_187 : vector<16xf32>
      %add3A_189 = arith.constant 1 : i32
      %add3A_190 = arith.addi %add3A_117, %add3A_189 : i32
      %swap3A_191 = arith.index_cast %add3A_190 : i32 to index
      %swap3A_192 = arith.constant 0 : index
      %swap3A_193 = tpu.vector_load %arg8[%swap3A_191, %swap3A_192] {strides = array<i32>} : memref<256x64xf32, #tpu.memory_space<vmem>>, vector<1x16xf32>,
      %swap3A_194 = vector.shape_cast %swap3A_193 : vector<1x16xf32> to vector<16xf32>
      %swap3A_195 = vector.shape_cast %mul3A_188 : vector<16xf32> to vector<1x16xf32>
      tpu.vector_store %arg8[%swap3A_191, %swap3A_192], %swap3A_195 {strides = array<i32>} : memref<256x64xf32, #tpu.memory_space<vmem>>, vector<1x16xf32>,
      %add3A_196 = arith.constant 1 : i32
      %add3A_197 = arith.addi %add3A_117, %add3A_196 : i32
      %get3A_198 = arith.index_cast %add3A_197 : i32 to index
      %get3A_199 = arith.constant 16 : index
      %get3A_200 = tpu.vector_load %arg6[%get3A_198, %get3A_199] {strides = array<i32>} : memref<256x64xf32, #tpu.memory_space<vmem>>, vector<1x16xf32>,
      %get3A_201 = vector.shape_cast %get3A_200 : vector<1x16xf32> to vector<16xf32>
      %mul3A_202 = arith.constant 8.000000e+00 : f32
      %mul3A_203 = vector.broadcast %mul3A_202 : f32 to vector<16xf32>
      %mul3A_204 = arith.mulf %get3A_201, %mul3A_203 : vector<16xf32>
      %add3A_205 = arith.constant 1 : i32
      %add3A_206 = arith.addi %add3A_117, %add3A_205 : i32
      %swap3A_207 = arith.index_cast %add3A_206 : i32 to index
      %swap3A_208 = arith.constant 16 : index
      %swap3A_209 = tpu.vector_load %arg8[%swap3A_207, %swap3A_208] {strides = array<i32>} : memref<256x64xf32, #tpu.memory_space<vmem>>, vector<1x16xf32>,
      %swap3A_210 = vector.shape_cast %swap3A_209 : vector<1x16xf32> to vector<16xf32>
      %swap3A_211 = vector.shape_cast %mul3A_204 : vector<16xf32> to vector<1x16xf32>
      tpu.vector_store %arg8[%swap3A_207, %swap3A_208], %swap3A_211 {strides = array<i32>} : memref<256x64xf32, #tpu.memory_space<vmem>>, vector<1x16xf32>,
      %add3A_212 = arith.constant 1 : i32
      %add3A_213 = arith.addi %add3A_117, %add3A_212 : i32
      %get3A_214 = arith.index_cast %add3A_213 : i32 to index
      %get3A_215 = arith.constant 32 : index
      %get3A_216 = tpu.vector_load %arg6[%get3A_214, %get3A_215] {strides = array<i32>} : memref<256x64xf32, #tpu.memory_space<vmem>>, vector<1x16xf32>,
      %get3A_217 = vector.shape_cast %get3A_216 : vector<1x16xf32> to vector<16xf32>
      %mul3A_218 = arith.constant 8.000000e+00 : f32
      %mul3A_219 = vector.broadcast %mul3A_218 : f32 to vector<16xf32>
      %mul3A_220 = arith.mulf %get3A_217, %mul3A_219 : vector<16xf32>
      %add3A_221 = arith.constant 1 : i32
      %add3A_222 = arith.addi %add3A_117, %add3A_221 : i32
      %swap3A_223 = arith.index_cast %add3A_222 : i32 to index
      %swap3A_224 = arith.constant 32 : index
      %swap3A_225 = tpu.vector_load %arg8[%swap3A_223, %swap3A_224] {strides = array<i32>} : memref<256x64xf32, #tpu.memory_space<vmem>>, vector<1x16xf32>,
      %swap3A_226 = vector.shape_cast %swap3A_225 : vector<1x16xf32> to vector<16xf32>
      %swap3A_227 = vector.shape_cast %mul3A_220 : vector<16xf32> to vector<1x16xf32>
      tpu.vector_store %arg8[%swap3A_223, %swap3A_224], %swap3A_227 {strides = array<i32>} : memref<256x64xf32, #tpu.memory_space<vmem>>, vector<1x16xf32>,
      %add3A_228 = arith.constant 1 : i32
      %add3A_229 = arith.addi %add3A_117, %add3A_228 : i32
      %get3A_230 = arith.index_cast %add3A_229 : i32 to index
      %get3A_231 = arith.constant 48 : index
      %get3A_232 = tpu.vector_load %arg6[%get3A_230, %get3A_231] {strides = array<i32>} : memref<256x64xf32, #tpu.memory_space<vmem>>, vector<1x16xf32>,
      %get3A_233 = vector.shape_cast %get3A_232 : vector<1x16xf32> to vector<16xf32>
      %mul3A_234 = arith.constant 8.000000e+00 : f32
      %mul3A_235 = vector.broadcast %mul3A_234 : f32 to vector<16xf32>
      %mul3A_236 = arith.mulf %get3A_233, %mul3A_235 : vector<16xf32>
      %add3A_237 = arith.constant 1 : i32
      %add3A_238 = arith.addi %add3A_117, %add3A_237 : i32
      %swap3A_239 = arith.index_cast %add3A_238 : i32 to index
      %swap3A_240 = arith.constant 48 : index
      %swap3A_241 = tpu.vector_load %arg8[%swap3A_239, %swap3A_240] {strides = array<i32>} : memref<256x64xf32, #tpu.memory_space<vmem>>, vector<1x16xf32>,
      %swap3A_242 = vector.shape_cast %swap3A_241 : vector<1x16xf32> to vector<16xf32>
      %swap3A_243 = vector.shape_cast %mul3A_236 : vector<16xf32> to vector<1x16xf32>
      tpu.vector_store %arg8[%swap3A_239, %swap3A_240], %swap3A_243 {strides = array<i32>} : memref<256x64xf32, #tpu.memory_space<vmem>>, vector<1x16xf32>,
      %add3A_244 = arith.constant 2 : i32
      %add3A_245 = arith.addi %add3A_117, %add3A_244 : i32
      %get3A_246 = arith.index_cast %add3A_245 : i32 to index
      %get3A_247 = arith.constant 0 : index
      %get3A_248 = tpu.vector_load %arg6[%get3A_246, %get3A_247] {strides = array<i32>} : memref<256x64xf32, #tpu.memory_space<vmem>>, vector<1x16xf32>,
      %get3A_249 = vector.shape_cast %get3A_248 : vector<1x16xf32> to vector<16xf32>
      %mul3A_250 = arith.constant 8.000000e+00 : f32
      %mul3A_251 = vector.broadcast %mul3A_250 : f32 to vector<16xf32>
      %mul3A_252 = arith.mulf %get3A_249, %mul3A_251 : vector<16xf32>
      %add3A_253 = arith.constant 2 : i32
      %add3A_254 = arith.addi %add3A_117, %add3A_253 : i32
      %swap3A_255 = arith.index_cast %add3A_254 : i32 to index
      %swap3A_256 = arith.constant 0 : index
      %swap3A_257 = tpu.vector_load %arg8[%swap3A_255, %swap3A_256] {strides = array<i32>} : memref<256x64xf32, #tpu.memory_space<vmem>>, vector<1x16xf32>,
      %swap3A_258 = vector.shape_cast %swap3A_257 : vector<1x16xf32> to vector<16xf32>
      %swap3A_259 = vector.shape_cast %mul3A_252 : vector<16xf32> to vector<1x16xf32>
      tpu.vector_store %arg8[%swap3A_255, %swap3A_256], %swap3A_259 {strides = array<i32>} : memref<256x64xf32, #tpu.memory_space<vmem>>, vector<1x16xf32>,
      %add3A_260 = arith.constant 2 : i32
      %add3A_261 = arith.addi %add3A_117, %add3A_260 : i32
      %get3A_262 = arith.index_cast %add3A_261 : i32 to index
      %get3A_263 = arith.constant 16 : index
      %get3A_264 = tpu.vector_load %arg6[%get3A_262, %get3A_263] {strides = array<i32>} : memref<256x64xf32, #tpu.memory_space<vmem>>, vector<1x16xf32>,
      %get3A_265 = vector.shape_cast %get3A_264 : vector<1x16xf32> to vector<16xf32>
      %mul3A_266 = arith.constant 8.000000e+00 : f32
      %mul3A_267 = vector.broadcast %mul3A_266 : f32 to vector<16xf32>
      %mul3A_268 = arith.mulf %get3A_265, %mul3A_267 : vector<16xf32>
      %add3A_269 = arith.constant 2 : i32
      %add3A_270 = arith.addi %add3A_117, %add3A_269 : i32
      %swap3A_271 = arith.index_cast %add3A_270 : i32 to index
      %swap3A_272 = arith.constant 16 : index
      %swap3A_273 = tpu.vector_load %arg8[%swap3A_271, %swap3A_272] {strides = array<i32>} : memref<256x64xf32, #tpu.memory_space<vmem>>, vector<1x16xf32>,
      %swap3A_274 = vector.shape_cast %swap3A_273 : vector<1x16xf32> to vector<16xf32>
      %swap3A_275 = vector.shape_cast %mul3A_268 : vector<16xf32> to vector<1x16xf32>
      tpu.vector_store %arg8[%swap3A_271, %swap3A_272], %swap3A_275 {strides = array<i32>} : memref<256x64xf32, #tpu.memory_space<vmem>>, vector<1x16xf32>,
      %add3A_276 = arith.constant 2 : i32
      %add3A_277 = arith.addi %add3A_117, %add3A_276 : i32
      %get3A_278 = arith.index_cast %add3A_277 : i32 to index
      %get3A_279 = arith.constant 32 : index
      %get3A_280 = tpu.vector_load %arg6[%get3A_278, %get3A_279] {strides = array<i32>} : memref<256x64xf32, #tpu.memory_space<vmem>>, vector<1x16xf32>,
      %get3A_281 = vector.shape_cast %get3A_280 : vector<1x16xf32> to vector<16xf32>
      %mul3A_282 = arith.constant 8.000000e+00 : f32
      %mul3A_283 = vector.broadcast %mul3A_282 : f32 to vector<16xf32>
      %mul3A_284 = arith.mulf %get3A_281, %mul3A_283 : vector<16xf32>
      %add3A_285 = arith.constant 2 : i32
      %add3A_286 = arith.addi %add3A_117, %add3A_285 : i32
      %swap3A_287 = arith.index_cast %add3A_286 : i32 to index
      %swap3A_288 = arith.constant 32 : index
      %swap3A_289 = tpu.vector_load %arg8[%swap3A_287, %swap3A_288] {strides = array<i32>} : memref<256x64xf32, #tpu.memory_space<vmem>>, vector<1x16xf32>,
      %swap3A_290 = vector.shape_cast %swap3A_289 : vector<1x16xf32> to vector<16xf32>
      %swap3A_291 = vector.shape_cast %mul3A_284 : vector<16xf32> to vector<1x16xf32>
      tpu.vector_store %arg8[%swap3A_287, %swap3A_288], %swap3A_291 {strides = array<i32>} : memref<256x64xf32, #tpu.memory_space<vmem>>, vector<1x16xf32>,
      %add3A_292 = arith.constant 2 : i32
      %add3A_293 = arith.addi %add3A_117, %add3A_292 : i32
      %get3A_294 = arith.index_cast %add3A_293 : i32 to index
      %get3A_295 = arith.constant 48 : index
      %get3A_296 = tpu.vector_load %arg6[%get3A_294, %get3A_295] {strides = array<i32>} : memref<256x64xf32, #tpu.memory_space<vmem>>, vector<1x16xf32>,
      %get3A_297 = vector.shape_cast %get3A_296 : vector<1x16xf32> to vector<16xf32>
      %mul3A_298 = arith.constant 8.000000e+00 : f32
      %mul3A_299 = vector.broadcast %mul3A_298 : f32 to vector<16xf32>
      %mul3A_300 = arith.mulf %get3A_297, %mul3A_299 : vector<16xf32>
      %add3A_301 = arith.constant 2 : i32
      %add3A_302 = arith.addi %add3A_117, %add3A_301 : i32
      %swap3A_303 = arith.index_cast %add3A_302 : i32 to index
      %swap3A_304 = arith.constant 48 : index
      %swap3A_305 = tpu.vector_load %arg8[%swap3A_303, %swap3A_304] {strides = array<i32>} : memref<256x64xf32, #tpu.memory_space<vmem>>, vector<1x16xf32>,
      %swap3A_306 = vector.shape_cast %swap3A_305 : vector<1x16xf32> to vector<16xf32>
      %swap3A_307 = vector.shape_cast %mul3A_300 : vector<16xf32> to vector<1x16xf32>
      tpu.vector_store %arg8[%swap3A_303, %swap3A_304], %swap3A_307 {strides = array<i32>} : memref<256x64xf32, #tpu.memory_space<vmem>>, vector<1x16xf32>,
      %add3A_308 = arith.constant 3 : i32
      %add3A_309 = arith.addi %add3A_117, %add3A_308 : i32
      %get3A_310 = arith.index_cast %add3A_309 : i32 to index
      %get3A_311 = arith.constant 0 : index
      %get3A_312 = tpu.vector_load %arg6[%get3A_310, %get3A_311] {strides = array<i32>} : memref<256x64xf32, #tpu.memory_space<vmem>>, vector<1x16xf32>,
      %get3A_313 = vector.shape_cast %get3A_312 : vector<1x16xf32> to vector<16xf32>
      %mul3A_314 = arith.constant 8.000000e+00 : f32
      %mul3A_315 = vector.broadcast %mul3A_314 : f32 to vector<16xf32>
      %mul3A_316 = arith.mulf %get3A_313, %mul3A_315 : vector<16xf32>
      %add3A_317 = arith.constant 3 : i32
      %add3A_318 = arith.addi %add3A_117, %add3A_317 : i32
      %swap3A_319 = arith.index_cast %add3A_318 : i32 to index
      %swap3A_320 = arith.constant 0 : index
      %swap3A_321 = tpu.vector_load %arg8[%swap3A_319, %swap3A_320] {strides = array<i32>} : memref<256x64xf32, #tpu.memory_space<vmem>>, vector<1x16xf32>,
      %swap3A_322 = vector.shape_cast %swap3A_321 : vector<1x16xf32> to vector<16xf32>
      %swap3A_323 = vector.shape_cast %mul3A_316 : vector<16xf32> to vector<1x16xf32>
      tpu.vector_store %arg8[%swap3A_319, %swap3A_320], %swap3A_323 {strides = array<i32>} : memref<256x64xf32, #tpu.memory_space<vmem>>, vector<1x16xf32>,
      %add3A_324 = arith.constant 3 : i32
      %add3A_325 = arith.addi %add3A_117, %add3A_324 : i32
      %get3A_326 = arith.index_cast %add3A_325 : i32 to index
      %get3A_327 = arith.constant 16 : index
      %get3A_328 = tpu.vector_load %arg6[%get3A_326, %get3A_327] {strides = array<i32>} : memref<256x64xf32, #tpu.memory_space<vmem>>, vector<1x16xf32>,
      %get3A_329 = vector.shape_cast %get3A_328 : vector<1x16xf32> to vector<16xf32>
      %mul3A_330 = arith.constant 8.000000e+00 : f32
      %mul3A_331 = vector.broadcast %mul3A_330 : f32 to vector<16xf32>
      %mul3A_332 = arith.mulf %get3A_329, %mul3A_331 : vector<16xf32>
      %add3A_333 = arith.constant 3 : i32
      %add3A_334 = arith.addi %add3A_117, %add3A_333 : i32
      %swap3A_335 = arith.index_cast %add3A_334 : i32 to index
      %swap3A_336 = arith.constant 16 : index
      %swap3A_337 = tpu.vector_load %arg8[%swap3A_335, %swap3A_336] {strides = array<i32>} : memref<256x64xf32, #tpu.memory_space<vmem>>, vector<1x16xf32>,
      %swap3A_338 = vector.shape_cast %swap3A_337 : vector<1x16xf32> to vector<16xf32>
      %swap3A_339 = vector.shape_cast %mul3A_332 : vector<16xf32> to vector<1x16xf32>
      tpu.vector_store %arg8[%swap3A_335, %swap3A_336], %swap3A_339 {strides = array<i32>} : memref<256x64xf32, #tpu.memory_space<vmem>>, vector<1x16xf32>,
      %add3A_340 = arith.constant 3 : i32
      %add3A_341 = arith.addi %add3A_117, %add3A_340 : i32
      %get3A_342 = arith.index_cast %add3A_341 : i32 to index
      %get3A_343 = arith.constant 32 : index
      %get3A_344 = tpu.vector_load %arg6[%get3A_342, %get3A_343] {strides = array<i32>} : memref<256x64xf32, #tpu.memory_space<vmem>>, vector<1x16xf32>,
      %get3A_345 = vector.shape_cast %get3A_344 : vector<1x16xf32> to vector<16xf32>
      %mul3A_346 = arith.constant 8.000000e+00 : f32
      %mul3A_347 = vector.broadcast %mul3A_346 : f32 to vector<16xf32>
      %mul3A_348 = arith.mulf %get3A_345, %mul3A_347 : vector<16xf32>
      %add3A_349 = arith.constant 3 : i32
      %add3A_350 = arith.addi %add3A_117, %add3A_349 : i32
      %swap3A_351 = arith.index_cast %add3A_350 : i32 to index
      %swap3A_352 = arith.constant 32 : index
      %swap3A_353 = tpu.vector_load %arg8[%swap3A_351, %swap3A_352] {strides = array<i32>} : memref<256x64xf32, #tpu.memory_space<vmem>>, vector<1x16xf32>,
      %swap3A_354 = vector.shape_cast %swap3A_353 : vector<1x16xf32> to vector<16xf32>
      %swap3A_355 = vector.shape_cast %mul3A_348 : vector<16xf32> to vector<1x16xf32>
      tpu.vector_store %arg8[%swap3A_351, %swap3A_352], %swap3A_355 {strides = array<i32>} : memref<256x64xf32, #tpu.memory_space<vmem>>, vector<1x16xf32>,
      %add3A_356 = arith.constant 3 : i32
      %add3A_357 = arith.addi %add3A_117, %add3A_356 : i32
      %get3A_358 = arith.index_cast %add3A_357 : i32 to index
      %get3A_359 = arith.constant 48 : index
      %get3A_360 = tpu.vector_load %arg6[%get3A_358, %get3A_359] {strides = array<i32>} : memref<256x64xf32, #tpu.memory_space<vmem>>, vector<1x16xf32>,
      %get3A_361 = vector.shape_cast %get3A_360 : vector<1x16xf32> to vector<16xf32>
      %mul3A_362 = arith.constant 8.000000e+00 : f32
      %mul3A_363 = vector.broadcast %mul3A_362 : f32 to vector<16xf32>
      %mul3A_364 = arith.mulf %get3A_361, %mul3A_363 : vector<16xf32>
      %add3A_365 = arith.constant 3 : i32
      %add3A_366 = arith.addi %add3A_117, %add3A_365 : i32
      %swap3A_367 = arith.index_cast %add3A_366 : i32 to index
      %swap3A_368 = arith.constant 48 : index
      %swap3A_369 = tpu.vector_load %arg8[%swap3A_367, %swap3A_368] {strides = array<i32>} : memref<256x64xf32, #tpu.memory_space<vmem>>, vector<1x16xf32>,
      %swap3A_370 = vector.shape_cast %swap3A_369 : vector<1x16xf32> to vector<16xf32>
      %swap3A_371 = vector.shape_cast %mul3A_364 : vector<16xf32> to vector<1x16xf32>
      tpu.vector_store %arg8[%swap3A_367, %swap3A_368], %swap3A_371 {strides = array<i32>} : memref<256x64xf32, #tpu.memory_space<vmem>>, vector<1x16xf32>,
      %add3A_372 = arith.constant 4 : i32
      %add3A_373 = arith.addi %add3A_117, %add3A_372 : i32
      %get3A_374 = arith.index_cast %add3A_373 : i32 to index
      %get3A_375 = arith.constant 0 : index
      %get3A_376 = tpu.vector_load %arg6[%get3A_374, %get3A_375] {strides = array<i32>} : memref<256x64xf32, #tpu.memory_space<vmem>>, vector<1x16xf32>,
      %get3A_377 = vector.shape_cast %get3A_376 : vector<1x16xf32> to vector<16xf32>
      %mul3A_378 = arith.constant 8.000000e+00 : f32
      %mul3A_379 = vector.broadcast %mul3A_378 : f32 to vector<16xf32>
      %mul3A_380 = arith.mulf %get3A_377, %mul3A_379 : vector<16xf32>
      %add3A_381 = arith.constant 4 : i32
      %add3A_382 = arith.addi %add3A_117, %add3A_381 : i32
      %swap3A_383 = arith.index_cast %add3A_382 : i32 to index
      %swap3A_384 = arith.constant 0 : index
      %swap3A_385 = tpu.vector_load %arg8[%swap3A_383, %swap3A_384] {strides = array<i32>} : memref<256x64xf32, #tpu.memory_space<vmem>>, vector<1x16xf32>,
      %swap3A_386 = vector.shape_cast %swap3A_385 : vector<1x16xf32> to vector<16xf32>
      %swap3A_387 = vector.shape_cast %mul3A_380 : vector<16xf32> to vector<1x16xf32>
      tpu.vector_store %arg8[%swap3A_383, %swap3A_384], %swap3A_387 {strides = array<i32>} : memref<256x64xf32, #tpu.memory_space<vmem>>, vector<1x16xf32>,
      %add3A_388 = arith.constant 4 : i32
      %add3A_389 = arith.addi %add3A_117, %add3A_388 : i32
      %get3A_390 = arith.index_cast %add3A_389 : i32 to index
      %get3A_391 = arith.constant 16 : index
      %get3A_392 = tpu.vector_load %arg6[%get3A_390, %get3A_391] {strides = array<i32>} : memref<256x64xf32, #tpu.memory_space<vmem>>, vector<1x16xf32>,
      %get3A_393 = vector.shape_cast %get3A_392 : vector<1x16xf32> to vector<16xf32>
      %mul3A_394 = arith.constant 8.000000e+00 : f32
      %mul3A_395 = vector.broadcast %mul3A_394 : f32 to vector<16xf32>
      %mul3A_396 = arith.mulf %get3A_393, %mul3A_395 : vector<16xf32>
      %add3A_397 = arith.constant 4 : i32
      %add3A_398 = arith.addi %add3A_117, %add3A_397 : i32
      %swap3A_399 = arith.index_cast %add3A_398 : i32 to index
      %swap3A_400 = arith.constant 16 : index
      %swap3A_401 = tpu.vector_load %arg8[%swap3A_399, %swap3A_400] {strides = array<i32>} : memref<256x64xf32, #tpu.memory_space<vmem>>, vector<1x16xf32>,
      %swap3A_402 = vector.shape_cast %swap3A_401 : vector<1x16xf32> to vector<16xf32>
      %swap3A_403 = vector.shape_cast %mul3A_396 : vector<16xf32> to vector<1x16xf32>
      tpu.vector_store %arg8[%swap3A_399, %swap3A_400], %swap3A_403 {strides = array<i32>} : memref<256x64xf32, #tpu.memory_space<vmem>>, vector<1x16xf32>,
      %add3A_404 = arith.constant 4 : i32
      %add3A_405 = arith.addi %add3A_117, %add3A_404 : i32
      %get3A_406 = arith.index_cast %add3A_405 : i32 to index
      %get3A_407 = arith.constant 32 : index
      %get3A_408 = tpu.vector_load %arg6[%get3A_406, %get3A_407] {strides = array<i32>} : memref<256x64xf32, #tpu.memory_space<vmem>>, vector<1x16xf32>,
      %get3A_409 = vector.shape_cast %get3A_408 : vector<1x16xf32> to vector<16xf32>
      %mul3A_410 = arith.constant 8.000000e+00 : f32
      %mul3A_411 = vector.broadcast %mul3A_410 : f32 to vector<16xf32>
      %mul3A_412 = arith.mulf %get3A_409, %mul3A_411 : vector<16xf32>
      %add3A_413 = arith.constant 4 : i32
      %add3A_414 = arith.addi %add3A_117, %add3A_413 : i32
      %swap3A_415 = arith.index_cast %add3A_414 : i32 to index
      %swap3A_416 = arith.constant 32 : index
      %swap3A_417 = tpu.vector_load %arg8[%swap3A_415, %swap3A_416] {strides = array<i32>} : memref<256x64xf32, #tpu.memory_space<vmem>>, vector<1x16xf32>,
      %swap3A_418 = vector.shape_cast %swap3A_417 : vector<1x16xf32> to vector<16xf32>
      %swap3A_419 = vector.shape_cast %mul3A_412 : vector<16xf32> to vector<1x16xf32>
      tpu.vector_store %arg8[%swap3A_415, %swap3A_416], %swap3A_419 {strides = array<i32>} : memref<256x64xf32, #tpu.memory_space<vmem>>, vector<1x16xf32>,
      %add3A_420 = arith.constant 4 : i32
      %add3A_421 = arith.addi %add3A_117, %add3A_420 : i32
      %get3A_422 = arith.index_cast %add3A_421 : i32 to index
      %get3A_423 = arith.constant 48 : index
      %get3A_424 = tpu.vector_load %arg6[%get3A_422, %get3A_423] {strides = array<i32>} : memref<256x64xf32, #tpu.memory_space<vmem>>, vector<1x16xf32>,
      %get3A_425 = vector.shape_cast %get3A_424 : vector<1x16xf32> to vector<16xf32>
      %mul3A_426 = arith.constant 8.000000e+00 : f32
      %mul3A_427 = vector.broadcast %mul3A_426 : f32 to vector<16xf32>
      %mul3A_428 = arith.mulf %get3A_425, %mul3A_427 : vector<16xf32>
      %add3A_429 = arith.constant 4 : i32
      %add3A_430 = arith.addi %add3A_117, %add3A_429 : i32
      %swap3A_431 = arith.index_cast %add3A_430 : i32 to index
      %swap3A_432 = arith.constant 48 : index
      %swap3A_433 = tpu.vector_load %arg8[%swap3A_431, %swap3A_432] {strides = array<i32>} : memref<256x64xf32, #tpu.memory_space<vmem>>, vector<1x16xf32>,
      %swap3A_434 = vector.shape_cast %swap3A_433 : vector<1x16xf32> to vector<16xf32>
      %swap3A_435 = vector.shape_cast %mul3A_428 : vector<16xf32> to vector<1x16xf32>
      tpu.vector_store %arg8[%swap3A_431, %swap3A_432], %swap3A_435 {strides = array<i32>} : memref<256x64xf32, #tpu.memory_space<vmem>>, vector<1x16xf32>,
      %add3A_436 = arith.constant 5 : i32
      %add3A_437 = arith.addi %add3A_117, %add3A_436 : i32
      %get3A_438 = arith.index_cast %add3A_437 : i32 to index
      %get3A_439 = arith.constant 0 : index
      %get3A_440 = tpu.vector_load %arg6[%get3A_438, %get3A_439] {strides = array<i32>} : memref<256x64xf32, #tpu.memory_space<vmem>>, vector<1x16xf32>,
      %get3A_441 = vector.shape_cast %get3A_440 : vector<1x16xf32> to vector<16xf32>
      %mul3A_442 = arith.constant 8.000000e+00 : f32
      %mul3A_443 = vector.broadcast %mul3A_442 : f32 to vector<16xf32>
      %mul3A_444 = arith.mulf %get3A_441, %mul3A_443 : vector<16xf32>
      %add3A_445 = arith.constant 5 : i32
      %add3A_446 = arith.addi %add3A_117, %add3A_445 : i32
      %swap3A_447 = arith.index_cast %add3A_446 : i32 to index
      %swap3A_448 = arith.constant 0 : index
      %swap3A_449 = tpu.vector_load %arg8[%swap3A_447, %swap3A_448] {strides = array<i32>} : memref<256x64xf32, #tpu.memory_space<vmem>>, vector<1x16xf32>,
      %swap3A_450 = vector.shape_cast %swap3A_449 : vector<1x16xf32> to vector<16xf32>
      %swap3A_451 = vector.shape_cast %mul3A_444 : vector<16xf32> to vector<1x16xf32>
      tpu.vector_store %arg8[%swap3A_447, %swap3A_448], %swap3A_451 {strides = array<i32>} : memref<256x64xf32, #tpu.memory_space<vmem>>, vector<1x16xf32>,
      %add3A_452 = arith.constant 5 : i32
      %add3A_453 = arith.addi %add3A_117, %add3A_452 : i32
      %get3A_454 = arith.index_cast %add3A_453 : i32 to index
      %get3A_455 = arith.constant 16 : index
      %get3A_456 = tpu.vector_load %arg6[%get3A_454, %get3A_455] {strides = array<i32>} : memref<256x64xf32, #tpu.memory_space<vmem>>, vector<1x16xf32>,
      %get3A_457 = vector.shape_cast %get3A_456 : vector<1x16xf32> to vector<16xf32>
      %mul3A_458 = arith.constant 8.000000e+00 : f32
      %mul3A_459 = vector.broadcast %mul3A_458 : f32 to vector<16xf32>
      %mul3A_460 = arith.mulf %get3A_457, %mul3A_459 : vector<16xf32>
      %add3A_461 = arith.constant 5 : i32
      %add3A_462 = arith.addi %add3A_117, %add3A_461 : i32
      %swap3A_463 = arith.index_cast %add3A_462 : i32 to index
      %swap3A_464 = arith.constant 16 : index
      %swap3A_465 = tpu.vector_load %arg8[%swap3A_463, %swap3A_464] {strides = array<i32>} : memref<256x64xf32, #tpu.memory_space<vmem>>, vector<1x16xf32>,
      %swap3A_466 = vector.shape_cast %swap3A_465 : vector<1x16xf32> to vector<16xf32>
      %swap3A_467 = vector.shape_cast %mul3A_460 : vector<16xf32> to vector<1x16xf32>
      tpu.vector_store %arg8[%swap3A_463, %swap3A_464], %swap3A_467 {strides = array<i32>} : memref<256x64xf32, #tpu.memory_space<vmem>>, vector<1x16xf32>,
      %add3A_468 = arith.constant 5 : i32
      %add3A_469 = arith.addi %add3A_117, %add3A_468 : i32
      %get3A_470 = arith.index_cast %add3A_469 : i32 to index
      %get3A_471 = arith.constant 32 : index
      %get3A_472 = tpu.vector_load %arg6[%get3A_470, %get3A_471] {strides = array<i32>} : memref<256x64xf32, #tpu.memory_space<vmem>>, vector<1x16xf32>,
      %get3A_473 = vector.shape_cast %get3A_472 : vector<1x16xf32> to vector<16xf32>
      %mul3A_474 = arith.constant 8.000000e+00 : f32
      %mul3A_475 = vector.broadcast %mul3A_474 : f32 to vector<16xf32>
      %mul3A_476 = arith.mulf %get3A_473, %mul3A_475 : vector<16xf32>
      %add3A_477 = arith.constant 5 : i32
      %add3A_478 = arith.addi %add3A_117, %add3A_477 : i32
      %swap3A_479 = arith.index_cast %add3A_478 : i32 to index
      %swap3A_480 = arith.constant 32 : index
      %swap3A_481 = tpu.vector_load %arg8[%swap3A_479, %swap3A_480] {strides = array<i32>} : memref<256x64xf32, #tpu.memory_space<vmem>>, vector<1x16xf32>,
      %swap3A_482 = vector.shape_cast %swap3A_481 : vector<1x16xf32> to vector<16xf32>
      %swap3A_483 = vector.shape_cast %mul3A_476 : vector<16xf32> to vector<1x16xf32>
      tpu.vector_store %arg8[%swap3A_479, %swap3A_480], %swap3A_483 {strides = array<i32>} : memref<256x64xf32, #tpu.memory_space<vmem>>, vector<1x16xf32>,
      %add3A_484 = arith.constant 5 : i32
      %add3A_485 = arith.addi %add3A_117, %add3A_484 : i32
      %get3A_486 = arith.index_cast %add3A_485 : i32 to index
      %get3A_487 = arith.constant 48 : index
      %get3A_488 = tpu.vector_load %arg6[%get3A_486, %get3A_487] {strides = array<i32>} : memref<256x64xf32, #tpu.memory_space<vmem>>, vector<1x16xf32>,
      %get3A_489 = vector.shape_cast %get3A_488 : vector<1x16xf32> to vector<16xf32>
      %mul3A_490 = arith.constant 8.000000e+00 : f32
      %mul3A_491 = vector.broadcast %mul3A_490 : f32 to vector<16xf32>
      %mul3A_492 = arith.mulf %get3A_489, %mul3A_491 : vector<16xf32>
      %add3A_493 = arith.constant 5 : i32
      %add3A_494 = arith.addi %add3A_117, %add3A_493 : i32
      %swap3A_495 = arith.index_cast %add3A_494 : i32 to index
      %swap3A_496 = arith.constant 48 : index
      %swap3A_497 = tpu.vector_load %arg8[%swap3A_495, %swap3A_496] {strides = array<i32>} : memref<256x64xf32, #tpu.memory_space<vmem>>, vector<1x16xf32>,
      %swap3A_498 = vector.shape_cast %swap3A_497 : vector<1x16xf32> to vector<16xf32>
      %swap3A_499 = vector.shape_cast %mul3A_492 : vector<16xf32> to vector<1x16xf32>
      tpu.vector_store %arg8[%swap3A_495, %swap3A_496], %swap3A_499 {strides = array<i32>} : memref<256x64xf32, #tpu.memory_space<vmem>>, vector<1x16xf32>,
      %add3A_500 = arith.constant 6 : i32
      %add3A_501 = arith.addi %add3A_117, %add3A_500 : i32
      %get3A_502 = arith.index_cast %add3A_501 : i32 to index
      %get3A_503 = arith.constant 0 : index
      %get3A_504 = tpu.vector_load %arg6[%get3A_502, %get3A_503] {strides = array<i32>} : memref<256x64xf32, #tpu.memory_space<vmem>>, vector<1x16xf32>,
      %get3A_505 = vector.shape_cast %get3A_504 : vector<1x16xf32> to vector<16xf32>
      %mul3A_506 = arith.constant 8.000000e+00 : f32
      %mul3A_507 = vector.broadcast %mul3A_506 : f32 to vector<16xf32>
      %mul3A_508 = arith.mulf %get3A_505, %mul3A_507 : vector<16xf32>
      %add3A_509 = arith.constant 6 : i32
      %add3A_510 = arith.addi %add3A_117, %add3A_509 : i32
      %swap3A_511 = arith.index_cast %add3A_510 : i32 to index
      %swap3A_512 = arith.constant 0 : index
      %swap3A_513 = tpu.vector_load %arg8[%swap3A_511, %swap3A_512] {strides = array<i32>} : memref<256x64xf32, #tpu.memory_space<vmem>>, vector<1x16xf32>,
      %swap3A_514 = vector.shape_cast %swap3A_513 : vector<1x16xf32> to vector<16xf32>
      %swap3A_515 = vector.shape_cast %mul3A_508 : vector<16xf32> to vector<1x16xf32>
      tpu.vector_store %arg8[%swap3A_511, %swap3A_512], %swap3A_515 {strides = array<i32>} : memref<256x64xf32, #tpu.memory_space<vmem>>, vector<1x16xf32>,
      %add3A_516 = arith.constant 6 : i32
      %add3A_517 = arith.addi %add3A_117, %add3A_516 : i32
      %get3A_518 = arith.index_cast %add3A_517 : i32 to index
      %get3A_519 = arith.constant 16 : index
      %get3A_520 = tpu.vector_load %arg6[%get3A_518, %get3A_519] {strides = array<i32>} : memref<256x64xf32, #tpu.memory_space<vmem>>, vector<1x16xf32>,
      %get3A_521 = vector.shape_cast %get3A_520 : vector<1x16xf32> to vector<16xf32>
      %mul3A_522 = arith.constant 8.000000e+00 : f32
      %mul3A_523 = vector.broadcast %mul3A_522 : f32 to vector<16xf32>
      %mul3A_524 = arith.mulf %get3A_521, %mul3A_523 : vector<16xf32>
      %add3A_525 = arith.constant 6 : i32
      %add3A_526 = arith.addi %add3A_117, %add3A_525 : i32
      %swap3A_527 = arith.index_cast %add3A_526 : i32 to index
      %swap3A_528 = arith.constant 16 : index
      %swap3A_529 = tpu.vector_load %arg8[%swap3A_527, %swap3A_528] {strides = array<i32>} : memref<256x64xf32, #tpu.memory_space<vmem>>, vector<1x16xf32>,
      %swap3A_530 = vector.shape_cast %swap3A_529 : vector<1x16xf32> to vector<16xf32>
      %swap3A_531 = vector.shape_cast %mul3A_524 : vector<16xf32> to vector<1x16xf32>
      tpu.vector_store %arg8[%swap3A_527, %swap3A_528], %swap3A_531 {strides = array<i32>} : memref<256x64xf32, #tpu.memory_space<vmem>>, vector<1x16xf32>,
      %add3A_532 = arith.constant 6 : i32
      %add3A_533 = arith.addi %add3A_117, %add3A_532 : i32
      %get3A_534 = arith.index_cast %add3A_533 : i32 to index
      %get3A_535 = arith.constant 32 : index
      %get3A_536 = tpu.vector_load %arg6[%get3A_534, %get3A_535] {strides = array<i32>} : memref<256x64xf32, #tpu.memory_space<vmem>>, vector<1x16xf32>,
      %get3A_537 = vector.shape_cast %get3A_536 : vector<1x16xf32> to vector<16xf32>
      %mul3A_538 = arith.constant 8.000000e+00 : f32
      %mul3A_539 = vector.broadcast %mul3A_538 : f32 to vector<16xf32>
      %mul3A_540 = arith.mulf %get3A_537, %mul3A_539 : vector<16xf32>
      %add3A_541 = arith.constant 6 : i32
      %add3A_542 = arith.addi %add3A_117, %add3A_541 : i32
      %swap3A_543 = arith.index_cast %add3A_542 : i32 to index
      %swap3A_544 = arith.constant 32 : index
      %swap3A_545 = tpu.vector_load %arg8[%swap3A_543, %swap3A_544] {strides = array<i32>} : memref<256x64xf32, #tpu.memory_space<vmem>>, vector<1x16xf32>,
      %swap3A_546 = vector.shape_cast %swap3A_545 : vector<1x16xf32> to vector<16xf32>
      %swap3A_547 = vector.shape_cast %mul3A_540 : vector<16xf32> to vector<1x16xf32>
      tpu.vector_store %arg8[%swap3A_543, %swap3A_544], %swap3A_547 {strides = array<i32>} : memref<256x64xf32, #tpu.memory_space<vmem>>, vector<1x16xf32>,
      %add3A_548 = arith.constant 6 : i32
      %add3A_549 = arith.addi %add3A_117, %add3A_548 : i32
      %get3A_550 = arith.index_cast %add3A_549 : i32 to index
      %get3A_551 = arith.constant 48 : index
      %get3A_552 = tpu.vector_load %arg6[%get3A_550, %get3A_551] {strides = array<i32>} : memref<256x64xf32, #tpu.memory_space<vmem>>, vector<1x16xf32>,
      %get3A_553 = vector.shape_cast %get3A_552 : vector<1x16xf32> to vector<16xf32>
      %mul3A_554 = arith.constant 8.000000e+00 : f32
      %mul3A_555 = vector.broadcast %mul3A_554 : f32 to vector<16xf32>
      %mul3A_556 = arith.mulf %get3A_553, %mul3A_555 : vector<16xf32>
      %add3A_557 = arith.constant 6 : i32
      %add3A_558 = arith.addi %add3A_117, %add3A_557 : i32
      %swap3A_559 = arith.index_cast %add3A_558 : i32 to index
      %swap3A_560 = arith.constant 48 : index
      %swap3A_561 = tpu.vector_load %arg8[%swap3A_559, %swap3A_560] {strides = array<i32>} : memref<256x64xf32, #tpu.memory_space<vmem>>, vector<1x16xf32>,
      %swap3A_562 = vector.shape_cast %swap3A_561 : vector<1x16xf32> to vector<16xf32>
      %swap3A_563 = vector.shape_cast %mul3A_556 : vector<16xf32> to vector<1x16xf32>
      tpu.vector_store %arg8[%swap3A_559, %swap3A_560], %swap3A_563 {strides = array<i32>} : memref<256x64xf32, #tpu.memory_space<vmem>>, vector<1x16xf32>,
      %add3A_564 = arith.constant 7 : i32
      %add3A_565 = arith.addi %add3A_117, %add3A_564 : i32
      %get3A_566 = arith.index_cast %add3A_565 : i32 to index
      %get3A_567 = arith.constant 0 : index
      %get3A_568 = tpu.vector_load %arg6[%get3A_566, %get3A_567] {strides = array<i32>} : memref<256x64xf32, #tpu.memory_space<vmem>>, vector<1x16xf32>,
      %get3A_569 = vector.shape_cast %get3A_568 : vector<1x16xf32> to vector<16xf32>
      %mul3A_570 = arith.constant 8.000000e+00 : f32
      %mul3A_571 = vector.broadcast %mul3A_570 : f32 to vector<16xf32>
      %mul3A_572 = arith.mulf %get3A_569, %mul3A_571 : vector<16xf32>
      %add3A_573 = arith.constant 7 : i32
      %add3A_574 = arith.addi %add3A_117, %add3A_573 : i32
      %swap3A_575 = arith.index_cast %add3A_574 : i32 to index
      %swap3A_576 = arith.constant 0 : index
      %swap3A_577 = tpu.vector_load %arg8[%swap3A_575, %swap3A_576] {strides = array<i32>} : memref<256x64xf32, #tpu.memory_space<vmem>>, vector<1x16xf32>,
      %swap3A_578 = vector.shape_cast %swap3A_577 : vector<1x16xf32> to vector<16xf32>
      %swap3A_579 = vector.shape_cast %mul3A_572 : vector<16xf32> to vector<1x16xf32>
      tpu.vector_store %arg8[%swap3A_575, %swap3A_576], %swap3A_579 {strides = array<i32>} : memref<256x64xf32, #tpu.memory_space<vmem>>, vector<1x16xf32>,
      %add3A_580 = arith.constant 7 : i32
      %add3A_581 = arith.addi %add3A_117, %add3A_580 : i32
      %get3A_582 = arith.index_cast %add3A_581 : i32 to index
      %get3A_583 = arith.constant 16 : index
      %get3A_584 = tpu.vector_load %arg6[%get3A_582, %get3A_583] {strides = array<i32>} : memref<256x64xf32, #tpu.memory_space<vmem>>, vector<1x16xf32>,
      %get3A_585 = vector.shape_cast %get3A_584 : vector<1x16xf32> to vector<16xf32>
      %mul3A_586 = arith.constant 8.000000e+00 : f32
      %mul3A_587 = vector.broadcast %mul3A_586 : f32 to vector<16xf32>
      %mul3A_588 = arith.mulf %get3A_585, %mul3A_587 : vector<16xf32>
      %add3A_589 = arith.constant 7 : i32
      %add3A_590 = arith.addi %add3A_117, %add3A_589 : i32
      %swap3A_591 = arith.index_cast %add3A_590 : i32 to index
      %swap3A_592 = arith.constant 16 : index
      %swap3A_593 = tpu.vector_load %arg8[%swap3A_591, %swap3A_592] {strides = array<i32>} : memref<256x64xf32, #tpu.memory_space<vmem>>, vector<1x16xf32>,
      %swap3A_594 = vector.shape_cast %swap3A_593 : vector<1x16xf32> to vector<16xf32>
      %swap3A_595 = vector.shape_cast %mul3A_588 : vector<16xf32> to vector<1x16xf32>
      tpu.vector_store %arg8[%swap3A_591, %swap3A_592], %swap3A_595 {strides = array<i32>} : memref<256x64xf32, #tpu.memory_space<vmem>>, vector<1x16xf32>,
      %add3A_596 = arith.constant 7 : i32
      %add3A_597 = arith.addi %add3A_117, %add3A_596 : i32
      %get3A_598 = arith.index_cast %add3A_597 : i32 to index
      %get3A_599 = arith.constant 32 : index
      %get3A_600 = tpu.vector_load %arg6[%get3A_598, %get3A_599] {strides = array<i32>} : memref<256x64xf32, #tpu.memory_space<vmem>>, vector<1x16xf32>,
      %get3A_601 = vector.shape_cast %get3A_600 : vector<1x16xf32> to vector<16xf32>
      %mul3A_602 = arith.constant 8.000000e+00 : f32
      %mul3A_603 = vector.broadcast %mul3A_602 : f32 to vector<16xf32>
      %mul3A_604 = arith.mulf %get3A_601, %mul3A_603 : vector<16xf32>
      %add3A_605 = arith.constant 7 : i32
      %add3A_606 = arith.addi %add3A_117, %add3A_605 : i32
      %swap3A_607 = arith.index_cast %add3A_606 : i32 to index
      %swap3A_608 = arith.constant 32 : index
      %swap3A_609 = tpu.vector_load %arg8[%swap3A_607, %swap3A_608] {strides = array<i32>} : memref<256x64xf32, #tpu.memory_space<vmem>>, vector<1x16xf32>,
      %swap3A_610 = vector.shape_cast %swap3A_609 : vector<1x16xf32> to vector<16xf32>
      %swap3A_611 = vector.shape_cast %mul3A_604 : vector<16xf32> to vector<1x16xf32>
      tpu.vector_store %arg8[%swap3A_607, %swap3A_608], %swap3A_611 {strides = array<i32>} : memref<256x64xf32, #tpu.memory_space<vmem>>, vector<1x16xf32>,
      %add3A_612 = arith.constant 7 : i32
      %add3A_613 = arith.addi %add3A_117, %add3A_612 : i32
      %get3A_614 = arith.index_cast %add3A_613 : i32 to index
      %get3A_615 = arith.constant 48 : index
      %get3A_616 = tpu.vector_load %arg6[%get3A_614, %get3A_615] {strides = array<i32>} : memref<256x64xf32, #tpu.memory_space<vmem>>, vector<1x16xf32>,
      %get3A_617 = vector.shape_cast %get3A_616 : vector<1x16xf32> to vector<16xf32>
      %mul3A_618 = arith.constant 8.000000e+00 : f32
      %mul3A_619 = vector.broadcast %mul3A_618 : f32 to vector<16xf32>
      %mul3A_620 = arith.mulf %get3A_617, %mul3A_619 : vector<16xf32>
      %add3A_621 = arith.constant 7 : i32
      %add3A_622 = arith.addi %add3A_117, %add3A_621 : i32
      %swap3A_623 = arith.index_cast %add3A_622 : i32 to index
      %swap3A_624 = arith.constant 48 : index
      %swap3A_625 = tpu.vector_load %arg8[%swap3A_623, %swap3A_624] {strides = array<i32>} : memref<256x64xf32, #tpu.memory_space<vmem>>, vector<1x16xf32>,
      %swap3A_626 = vector.shape_cast %swap3A_625 : vector<1x16xf32> to vector<16xf32>
      %swap3A_627 = vector.shape_cast %mul3A_620 : vector<16xf32> to vector<1x16xf32>
      tpu.vector_store %arg8[%swap3A_623, %swap3A_624], %swap3A_627 {strides = array<i32>} : memref<256x64xf32, #tpu.memory_space<vmem>>, vector<1x16xf32>,
    }
    %scan3A_19 = arith.constant 32 : i32
    %add3A_20 = arith.constant 0 : i32
    %add3A_21 = arith.addi %mul3A_2, %add3A_20 : i32
    %dma_start3A_22 = arith.constant 0 : i32
    %dma_start3A_23 = tpu.memref_slice %arg4[%add3A_21, %dma_start3A_22] : memref<819200x64xf32, #tpu.memory_space<hbm>> -> memref<256x64xf32, #tpu.memory_space<hbm>>
    %dma_start3A_24 = arith.constant 0 : i32
    %dma_start3A_25 = tpu.memref_slice %arg4[%add3A_21, %dma_start3A_24] : memref<819200x64xf32, #tpu.memory_space<hbm>> -> memref<256x64xf32, #tpu.memory_space<hbm>>
    tpu.enqueue_dma source(%arg8 : memref<256x64xf32, #tpu.memory_space<vmem>>) target(%dma_start3A_25 : memref<256x64xf32, #tpu.memory_space<hbm>>) target_semaphore(%arg12 : memref<!tpu.dma_semaphore, #tpu.memory_space<semaphore_mem>>)
    %dma_start3A_26 = arith.constant 512 : i32
    %dma_start3A_27 = tpu.memref_slice %arg5[%dma_start3A_26] : memref<25600xi32, #tpu.memory_space<vmem>> -> memref<256xi32, #tpu.memory_space<vmem>>
    %dma_start3A_28 = arith.constant 0 : i32
    %dma_start3A_29 = arith.constant 0 : i32
    %dma_start3A_30 = tpu.memref_slice %arg2[%dma_start3A_28, %dma_start3A_29] : memref<1000000x64xf32, #tpu.memory_space<hbm>> -> memref<1000000x64xf32, #tpu.memory_space<hbm>>
    tpu.enqueue_indirect_dma source(%dma_start3A_30 : memref<1000000x64xf32, #tpu.memory_space<hbm>>) target(%arg6 : memref<256x64xf32, #tpu.memory_space<vmem>>) offsets(%dma_start3A_27 : memref<256xi32, #tpu.memory_space<vmem>>) semaphore(%arg10 : memref<!tpu.dma_semaphore, #tpu.memory_space<semaphore_mem>>)
    %dma_wait3A_31 = arith.constant 256 : i32
    %dma_wait3A_32 = tpu.memref_slice %arg5[%dma_wait3A_31] : memref<25600xi32, #tpu.memory_space<vmem>> -> memref<256xi32, #tpu.memory_space<vmem>>
    %dma_wait3A_33 = arith.constant 0 : i32
    %dma_wait3A_34 = arith.constant 0 : i32
    %dma_wait3A_35 = tpu.memref_slice %arg2[%dma_wait3A_33, %dma_wait3A_34] : memref<1000000x64xf32, #tpu.memory_space<hbm>> -> memref<1000000x64xf32, #tpu.memory_space<hbm>>
    tpu.wait_indirect_dma semaphore(%arg11 : memref<!tpu.dma_semaphore, #tpu.memory_space<semaphore_mem>>) src(%dma_wait3A_35 : memref<1000000x64xf32, #tpu.memory_space<hbm>>) dst(%arg7 : memref<256x64xf32, #tpu.memory_space<vmem>>)
    %scan3A_36 = arith.constant 0 : i32
    %scan3A_37 = arith.constant 32 : i32
    %scan3A_38 = arith.addi %scan3A_36, %scan3A_37 : i32
    %scan3A_39 = arith.constant 1 : i32
    scf.for %scan3A_113 = %scan3A_36 to %scan3A_38 step %scan3A_39  : i32 {
      %mul3A_114 = arith.constant 8 : i32
      %mul3A_115 = arith.muli %scan3A_113, %mul3A_114 : i32
      %add3A_116 = arith.constant 0 : i32
      %add3A_117 = arith.addi %add3A_116, %mul3A_115 : i32
      %add3A_118 = arith.constant 0 : i32
      %add3A_119 = arith.addi %add3A_117, %add3A_118 : i32
      %get3A = arith.index_cast %add3A_119 : i32 to index
      %get3A_120 = arith.constant 0 : index
      %get3A_121 = tpu.vector_load %arg7[%get3A, %get3A_120] {strides = array<i32>} : memref<256x64xf32, #tpu.memory_space<vmem>>, vector<1x16xf32>,
      %get3A_122 = vector.shape_cast %get3A_121 : vector<1x16xf32> to vector<16xf32>
      %mul3A_123 = arith.constant 8.000000e+00 : f32
      %mul3A_124 = vector.broadcast %mul3A_123 : f32 to vector<16xf32>
      %mul3A_125 = arith.mulf %get3A_122, %mul3A_124 : vector<16xf32>
      %add3A_126 = arith.constant 0 : i32
      %add3A_127 = arith.addi %add3A_117, %add3A_126 : i32
      %swap3A = arith.index_cast %add3A_127 : i32 to index
      %swap3A_128 = arith.constant 0 : index
      %swap3A_129 = tpu.vector_load %arg9[%swap3A, %swap3A_128] {strides = array<i32>} : memref<256x64xf32, #tpu.memory_space<vmem>>, vector<1x16xf32>,
      %swap3A_130 = vector.shape_cast %swap3A_129 : vector<1x16xf32> to vector<16xf32>
      %swap3A_131 = vector.shape_cast %mul3A_125 : vector<16xf32> to vector<1x16xf32>
      tpu.vector_store %arg9[%swap3A, %swap3A_128], %swap3A_131 {strides = array<i32>} : memref<256x64xf32, #tpu.memory_space<vmem>>, vector<1x16xf32>,
      %add3A_132 = arith.constant 0 : i32
      %add3A_133 = arith.addi %add3A_117, %add3A_132 : i32
      %get3A_134 = arith.index_cast %add3A_133 : i32 to index
      %get3A_135 = arith.constant 16 : index
      %get3A_136 = tpu.vector_load %arg7[%get3A_134, %get3A_135] {strides = array<i32>} : memref<256x64xf32, #tpu.memory_space<vmem>>, vector<1x16xf32>,
      %get3A_137 = vector.shape_cast %get3A_136 : vector<1x16xf32> to vector<16xf32>
      %mul3A_138 = arith.constant 8.000000e+00 : f32
      %mul3A_139 = vector.broadcast %mul3A_138 : f32 to vector<16xf32>
      %mul3A_140 = arith.mulf %get3A_137, %mul3A_139 : vector<16xf32>
      %add3A_141 = arith.constant 0 : i32
      %add3A_142 = arith.addi %add3A_117, %add3A_141 : i32
      %swap3A_143 = arith.index_cast %add3A_142 : i32 to index
      %swap3A_144 = arith.constant 16 : index
      %swap3A_145 = tpu.vector_load %arg9[%swap3A_143, %swap3A_144] {strides = array<i32>} : memref<256x64xf32, #tpu.memory_space<vmem>>, vector<1x16xf32>,
      %swap3A_146 = vector.shape_cast %swap3A_145 : vector<1x16xf32> to vector<16xf32>
      %swap3A_147 = vector.shape_cast %mul3A_140 : vector<16xf32> to vector<1x16xf32>
      tpu.vector_store %arg9[%swap3A_143, %swap3A_144], %swap3A_147 {strides = array<i32>} : memref<256x64xf32, #tpu.memory_space<vmem>>, vector<1x16xf32>,
      %add3A_148 = arith.constant 0 : i32
      %add3A_149 = arith.addi %add3A_117, %add3A_148 : i32
      %get3A_150 = arith.index_cast %add3A_149 : i32 to index
      %get3A_151 = arith.constant 32 : index
      %get3A_152 = tpu.vector_load %arg7[%get3A_150, %get3A_151] {strides = array<i32>} : memref<256x64xf32, #tpu.memory_space<vmem>>, vector<1x16xf32>,
      %get3A_153 = vector.shape_cast %get3A_152 : vector<1x16xf32> to vector<16xf32>
      %mul3A_154 = arith.constant 8.000000e+00 : f32
      %mul3A_155 = vector.broadcast %mul3A_154 : f32 to vector<16xf32>
      %mul3A_156 = arith.mulf %get3A_153, %mul3A_155 : vector<16xf32>
      %add3A_157 = arith.constant 0 : i32
      %add3A_158 = arith.addi %add3A_117, %add3A_157 : i32
      %swap3A_159 = arith.index_cast %add3A_158 : i32 to index
      %swap3A_160 = arith.constant 32 : index
      %swap3A_161 = tpu.vector_load %arg9[%swap3A_159, %swap3A_160] {strides = array<i32>} : memref<256x64xf32, #tpu.memory_space<vmem>>, vector<1x16xf32>,
      %swap3A_162 = vector.shape_cast %swap3A_161 : vector<1x16xf32> to vector<16xf32>
      %swap3A_163 = vector.shape_cast %mul3A_156 : vector<16xf32> to vector<1x16xf32>
      tpu.vector_store %arg9[%swap3A_159, %swap3A_160], %swap3A_163 {strides = array<i32>} : memref<256x64xf32, #tpu.memory_space<vmem>>, vector<1x16xf32>,
      %add3A_164 = arith.constant 0 : i32
      %add3A_165 = arith.addi %add3A_117, %add3A_164 : i32
      %get3A_166 = arith.index_cast %add3A_165 : i32 to index
      %get3A_167 = arith.constant 48 : index
      %get3A_168 = tpu.vector_load %arg7[%get3A_166, %get3A_167] {strides = array<i32>} : memref<256x64xf32, #tpu.memory_space<vmem>>, vector<1x16xf32>,
      %get3A_169 = vector.shape_cast %get3A_168 : vector<1x16xf32> to vector<16xf32>
      %mul3A_170 = arith.constant 8.000000e+00 : f32
      %mul3A_171 = vector.broadcast %mul3A_170 : f32 to vector<16xf32>
      %mul3A_172 = arith.mulf %get3A_169, %mul3A_171 : vector<16xf32>
      %add3A_173 = arith.constant 0 : i32
      %add3A_174 = arith.addi %add3A_117, %add3A_173 : i32
      %swap3A_175 = arith.index_cast %add3A_174 : i32 to index
      %swap3A_176 = arith.constant 48 : index
      %swap3A_177 = tpu.vector_load %arg9[%swap3A_175, %swap3A_176] {strides = array<i32>} : memref<256x64xf32, #tpu.memory_space<vmem>>, vector<1x16xf32>,
      %swap3A_178 = vector.shape_cast %swap3A_177 : vector<1x16xf32> to vector<16xf32>
      %swap3A_179 = vector.shape_cast %mul3A_172 : vector<16xf32> to vector<1x16xf32>
      tpu.vector_store %arg9[%swap3A_175, %swap3A_176], %swap3A_179 {strides = array<i32>} : memref<256x64xf32, #tpu.memory_space<vmem>>, vector<1x16xf32>,
      %add3A_180 = arith.constant 1 : i32
      %add3A_181 = arith.addi %add3A_117, %add3A_180 : i32
      %get3A_182 = arith.index_cast %add3A_181 : i32 to index
      %get3A_183 = arith.constant 0 : index
      %get3A_184 = tpu.vector_load %arg7[%get3A_182, %get3A_183] {strides = array<i32>} : memref<256x64xf32, #tpu.memory_space<vmem>>, vector<1x16xf32>,
      %get3A_185 = vector.shape_cast %get3A_184 : vector<1x16xf32> to vector<16xf32>
      %mul3A_186 = arith.constant 8.000000e+00 : f32
      %mul3A_187 = vector.broadcast %mul3A_186 : f32 to vector<16xf32>
      %mul3A_188 = arith.mulf %get3A_185, %mul3A_187 : vector<16xf32>
      %add3A_189 = arith.constant 1 : i32
      %add3A_190 = arith.addi %add3A_117, %add3A_189 : i32
      %swap3A_191 = arith.index_cast %add3A_190 : i32 to index
      %swap3A_192 = arith.constant 0 : index
      %swap3A_193 = tpu.vector_load %arg9[%swap3A_191, %swap3A_192] {strides = array<i32>} : memref<256x64xf32, #tpu.memory_space<vmem>>, vector<1x16xf32>,
      %swap3A_194 = vector.shape_cast %swap3A_193 : vector<1x16xf32> to vector<16xf32>
      %swap3A_195 = vector.shape_cast %mul3A_188 : vector<16xf32> to vector<1x16xf32>
      tpu.vector_store %arg9[%swap3A_191, %swap3A_192], %swap3A_195 {strides = array<i32>} : memref<256x64xf32, #tpu.memory_space<vmem>>, vector<1x16xf32>,
      %add3A_196 = arith.constant 1 : i32
      %add3A_197 = arith.addi %add3A_117, %add3A_196 : i32
      %get3A_198 = arith.index_cast %add3A_197 : i32 to index
      %get3A_199 = arith.constant 16 : index
      %get3A_200 = tpu.vector_load %arg7[%get3A_198, %get3A_199] {strides = array<i32>} : memref<256x64xf32, #tpu.memory_space<vmem>>, vector<1x16xf32>,
      %get3A_201 = vector.shape_cast %get3A_200 : vector<1x16xf32> to vector<16xf32>
      %mul3A_202 = arith.constant 8.000000e+00 : f32
      %mul3A_203 = vector.broadcast %mul3A_202 : f32 to vector<16xf32>
      %mul3A_204 = arith.mulf %get3A_201, %mul3A_203 : vector<16xf32>
      %add3A_205 = arith.constant 1 : i32
      %add3A_206 = arith.addi %add3A_117, %add3A_205 : i32
      %swap3A_207 = arith.index_cast %add3A_206 : i32 to index
      %swap3A_208 = arith.constant 16 : index
      %swap3A_209 = tpu.vector_load %arg9[%swap3A_207, %swap3A_208] {strides = array<i32>} : memref<256x64xf32, #tpu.memory_space<vmem>>, vector<1x16xf32>,
      %swap3A_210 = vector.shape_cast %swap3A_209 : vector<1x16xf32> to vector<16xf32>
      %swap3A_211 = vector.shape_cast %mul3A_204 : vector<16xf32> to vector<1x16xf32>
      tpu.vector_store %arg9[%swap3A_207, %swap3A_208], %swap3A_211 {strides = array<i32>} : memref<256x64xf32, #tpu.memory_space<vmem>>, vector<1x16xf32>,
      %add3A_212 = arith.constant 1 : i32
      %add3A_213 = arith.addi %add3A_117, %add3A_212 : i32
      %get3A_214 = arith.index_cast %add3A_213 : i32 to index
      %get3A_215 = arith.constant 32 : index
      %get3A_216 = tpu.vector_load %arg7[%get3A_214, %get3A_215] {strides = array<i32>} : memref<256x64xf32, #tpu.memory_space<vmem>>, vector<1x16xf32>,
      %get3A_217 = vector.shape_cast %get3A_216 : vector<1x16xf32> to vector<16xf32>
      %mul3A_218 = arith.constant 8.000000e+00 : f32
      %mul3A_219 = vector.broadcast %mul3A_218 : f32 to vector<16xf32>
      %mul3A_220 = arith.mulf %get3A_217, %mul3A_219 : vector<16xf32>
      %add3A_221 = arith.constant 1 : i32
      %add3A_222 = arith.addi %add3A_117, %add3A_221 : i32
      %swap3A_223 = arith.index_cast %add3A_222 : i32 to index
      %swap3A_224 = arith.constant 32 : index
      %swap3A_225 = tpu.vector_load %arg9[%swap3A_223, %swap3A_224] {strides = array<i32>} : memref<256x64xf32, #tpu.memory_space<vmem>>, vector<1x16xf32>,
      %swap3A_226 = vector.shape_cast %swap3A_225 : vector<1x16xf32> to vector<16xf32>
      %swap3A_227 = vector.shape_cast %mul3A_220 : vector<16xf32> to vector<1x16xf32>
      tpu.vector_store %arg9[%swap3A_223, %swap3A_224], %swap3A_227 {strides = array<i32>} : memref<256x64xf32, #tpu.memory_space<vmem>>, vector<1x16xf32>,
      %add3A_228 = arith.constant 1 : i32
      %add3A_229 = arith.addi %add3A_117, %add3A_228 : i32
      %get3A_230 = arith.index_cast %add3A_229 : i32 to index
      %get3A_231 = arith.constant 48 : index
      %get3A_232 = tpu.vector_load %arg7[%get3A_230, %get3A_231] {strides = array<i32>} : memref<256x64xf32, #tpu.memory_space<vmem>>, vector<1x16xf32>,
      %get3A_233 = vector.shape_cast %get3A_232 : vector<1x16xf32> to vector<16xf32>
      %mul3A_234 = arith.constant 8.000000e+00 : f32
      %mul3A_235 = vector.broadcast %mul3A_234 : f32 to vector<16xf32>
      %mul3A_236 = arith.mulf %get3A_233, %mul3A_235 : vector<16xf32>
      %add3A_237 = arith.constant 1 : i32
      %add3A_238 = arith.addi %add3A_117, %add3A_237 : i32
      %swap3A_239 = arith.index_cast %add3A_238 : i32 to index
      %swap3A_240 = arith.constant 48 : index
      %swap3A_241 = tpu.vector_load %arg9[%swap3A_239, %swap3A_240] {strides = array<i32>} : memref<256x64xf32, #tpu.memory_space<vmem>>, vector<1x16xf32>,
      %swap3A_242 = vector.shape_cast %swap3A_241 : vector<1x16xf32> to vector<16xf32>
      %swap3A_243 = vector.shape_cast %mul3A_236 : vector<16xf32> to vector<1x16xf32>
      tpu.vector_store %arg9[%swap3A_239, %swap3A_240], %swap3A_243 {strides = array<i32>} : memref<256x64xf32, #tpu.memory_space<vmem>>, vector<1x16xf32>,
      %add3A_244 = arith.constant 2 : i32
      %add3A_245 = arith.addi %add3A_117, %add3A_244 : i32
      %get3A_246 = arith.index_cast %add3A_245 : i32 to index
      %get3A_247 = arith.constant 0 : index
      %get3A_248 = tpu.vector_load %arg7[%get3A_246, %get3A_247] {strides = array<i32>} : memref<256x64xf32, #tpu.memory_space<vmem>>, vector<1x16xf32>,
      %get3A_249 = vector.shape_cast %get3A_248 : vector<1x16xf32> to vector<16xf32>
      %mul3A_250 = arith.constant 8.000000e+00 : f32
      %mul3A_251 = vector.broadcast %mul3A_250 : f32 to vector<16xf32>
      %mul3A_252 = arith.mulf %get3A_249, %mul3A_251 : vector<16xf32>
      %add3A_253 = arith.constant 2 : i32
      %add3A_254 = arith.addi %add3A_117, %add3A_253 : i32
      %swap3A_255 = arith.index_cast %add3A_254 : i32 to index
      %swap3A_256 = arith.constant 0 : index
      %swap3A_257 = tpu.vector_load %arg9[%swap3A_255, %swap3A_256] {strides = array<i32>} : memref<256x64xf32, #tpu.memory_space<vmem>>, vector<1x16xf32>,
      %swap3A_258 = vector.shape_cast %swap3A_257 : vector<1x16xf32> to vector<16xf32>
      %swap3A_259 = vector.shape_cast %mul3A_252 : vector<16xf32> to vector<1x16xf32>
      tpu.vector_store %arg9[%swap3A_255, %swap3A_256], %swap3A_259 {strides = array<i32>} : memref<256x64xf32, #tpu.memory_space<vmem>>, vector<1x16xf32>,
      %add3A_260 = arith.constant 2 : i32
      %add3A_261 = arith.addi %add3A_117, %add3A_260 : i32
      %get3A_262 = arith.index_cast %add3A_261 : i32 to index
      %get3A_263 = arith.constant 16 : index
      %get3A_264 = tpu.vector_load %arg7[%get3A_262, %get3A_263] {strides = array<i32>} : memref<256x64xf32, #tpu.memory_space<vmem>>, vector<1x16xf32>,
      %get3A_265 = vector.shape_cast %get3A_264 : vector<1x16xf32> to vector<16xf32>
      %mul3A_266 = arith.constant 8.000000e+00 : f32
      %mul3A_267 = vector.broadcast %mul3A_266 : f32 to vector<16xf32>
      %mul3A_268 = arith.mulf %get3A_265, %mul3A_267 : vector<16xf32>
      %add3A_269 = arith.constant 2 : i32
      %add3A_270 = arith.addi %add3A_117, %add3A_269 : i32
      %swap3A_271 = arith.index_cast %add3A_270 : i32 to index
      %swap3A_272 = arith.constant 16 : index
      %swap3A_273 = tpu.vector_load %arg9[%swap3A_271, %swap3A_272] {strides = array<i32>} : memref<256x64xf32, #tpu.memory_space<vmem>>, vector<1x16xf32>,
      %swap3A_274 = vector.shape_cast %swap3A_273 : vector<1x16xf32> to vector<16xf32>
      %swap3A_275 = vector.shape_cast %mul3A_268 : vector<16xf32> to vector<1x16xf32>
      tpu.vector_store %arg9[%swap3A_271, %swap3A_272], %swap3A_275 {strides = array<i32>} : memref<256x64xf32, #tpu.memory_space<vmem>>, vector<1x16xf32>,
      %add3A_276 = arith.constant 2 : i32
      %add3A_277 = arith.addi %add3A_117, %add3A_276 : i32
      %get3A_278 = arith.index_cast %add3A_277 : i32 to index
      %get3A_279 = arith.constant 32 : index
      %get3A_280 = tpu.vector_load %arg7[%get3A_278, %get3A_279] {strides = array<i32>} : memref<256x64xf32, #tpu.memory_space<vmem>>, vector<1x16xf32>,
      %get3A_281 = vector.shape_cast %get3A_280 : vector<1x16xf32> to vector<16xf32>
      %mul3A_282 = arith.constant 8.000000e+00 : f32
      %mul3A_283 = vector.broadcast %mul3A_282 : f32 to vector<16xf32>
      %mul3A_284 = arith.mulf %get3A_281, %mul3A_283 : vector<16xf32>
      %add3A_285 = arith.constant 2 : i32
      %add3A_286 = arith.addi %add3A_117, %add3A_285 : i32
      %swap3A_287 = arith.index_cast %add3A_286 : i32 to index
      %swap3A_288 = arith.constant 32 : index
      %swap3A_289 = tpu.vector_load %arg9[%swap3A_287, %swap3A_288] {strides = array<i32>} : memref<256x64xf32, #tpu.memory_space<vmem>>, vector<1x16xf32>,
      %swap3A_290 = vector.shape_cast %swap3A_289 : vector<1x16xf32> to vector<16xf32>
      %swap3A_291 = vector.shape_cast %mul3A_284 : vector<16xf32> to vector<1x16xf32>
      tpu.vector_store %arg9[%swap3A_287, %swap3A_288], %swap3A_291 {strides = array<i32>} : memref<256x64xf32, #tpu.memory_space<vmem>>, vector<1x16xf32>,
      %add3A_292 = arith.constant 2 : i32
      %add3A_293 = arith.addi %add3A_117, %add3A_292 : i32
      %get3A_294 = arith.index_cast %add3A_293 : i32 to index
      %get3A_295 = arith.constant 48 : index
      %get3A_296 = tpu.vector_load %arg7[%get3A_294, %get3A_295] {strides = array<i32>} : memref<256x64xf32, #tpu.memory_space<vmem>>, vector<1x16xf32>,
      %get3A_297 = vector.shape_cast %get3A_296 : vector<1x16xf32> to vector<16xf32>
      %mul3A_298 = arith.constant 8.000000e+00 : f32
      %mul3A_299 = vector.broadcast %mul3A_298 : f32 to vector<16xf32>
      %mul3A_300 = arith.mulf %get3A_297, %mul3A_299 : vector<16xf32>
      %add3A_301 = arith.constant 2 : i32
      %add3A_302 = arith.addi %add3A_117, %add3A_301 : i32
      %swap3A_303 = arith.index_cast %add3A_302 : i32 to index
      %swap3A_304 = arith.constant 48 : index
      %swap3A_305 = tpu.vector_load %arg9[%swap3A_303, %swap3A_304] {strides = array<i32>} : memref<256x64xf32, #tpu.memory_space<vmem>>, vector<1x16xf32>,
      %swap3A_306 = vector.shape_cast %swap3A_305 : vector<1x16xf32> to vector<16xf32>
      %swap3A_307 = vector.shape_cast %mul3A_300 : vector<16xf32> to vector<1x16xf32>
      tpu.vector_store %arg9[%swap3A_303, %swap3A_304], %swap3A_307 {strides = array<i32>} : memref<256x64xf32, #tpu.memory_space<vmem>>, vector<1x16xf32>,
      %add3A_308 = arith.constant 3 : i32
      %add3A_309 = arith.addi %add3A_117, %add3A_308 : i32
      %get3A_310 = arith.index_cast %add3A_309 : i32 to index
      %get3A_311 = arith.constant 0 : index
      %get3A_312 = tpu.vector_load %arg7[%get3A_310, %get3A_311] {strides = array<i32>} : memref<256x64xf32, #tpu.memory_space<vmem>>, vector<1x16xf32>,
      %get3A_313 = vector.shape_cast %get3A_312 : vector<1x16xf32> to vector<16xf32>
      %mul3A_314 = arith.constant 8.000000e+00 : f32
      %mul3A_315 = vector.broadcast %mul3A_314 : f32 to vector<16xf32>
      %mul3A_316 = arith.mulf %get3A_313, %mul3A_315 : vector<16xf32>
      %add3A_317 = arith.constant 3 : i32
      %add3A_318 = arith.addi %add3A_117, %add3A_317 : i32
      %swap3A_319 = arith.index_cast %add3A_318 : i32 to index
      %swap3A_320 = arith.constant 0 : index
      %swap3A_321 = tpu.vector_load %arg9[%swap3A_319, %swap3A_320] {strides = array<i32>} : memref<256x64xf32, #tpu.memory_space<vmem>>, vector<1x16xf32>,
      %swap3A_322 = vector.shape_cast %swap3A_321 : vector<1x16xf32> to vector<16xf32>
      %swap3A_323 = vector.shape_cast %mul3A_316 : vector<16xf32> to vector<1x16xf32>
      tpu.vector_store %arg9[%swap3A_319, %swap3A_320], %swap3A_323 {strides = array<i32>} : memref<256x64xf32, #tpu.memory_space<vmem>>, vector<1x16xf32>,
      %add3A_324 = arith.constant 3 : i32
      %add3A_325 = arith.addi %add3A_117, %add3A_324 : i32
      %get3A_326 = arith.index_cast %add3A_325 : i32 to index
      %get3A_327 = arith.constant 16 : index
      %get3A_328 = tpu.vector_load %arg7[%get3A_326, %get3A_327] {strides = array<i32>} : memref<256x64xf32, #tpu.memory_space<vmem>>, vector<1x16xf32>,
      %get3A_329 = vector.shape_cast %get3A_328 : vector<1x16xf32> to vector<16xf32>
      %mul3A_330 = arith.constant 8.000000e+00 : f32
      %mul3A_331 = vector.broadcast %mul3A_330 : f32 to vector<16xf32>
      %mul3A_332 = arith.mulf %get3A_329, %mul3A_331 : vector<16xf32>
      %add3A_333 = arith.constant 3 : i32
      %add3A_334 = arith.addi %add3A_117, %add3A_333 : i32
      %swap3A_335 = arith.index_cast %add3A_334 : i32 to index
      %swap3A_336 = arith.constant 16 : index
      %swap3A_337 = tpu.vector_load %arg9[%swap3A_335, %swap3A_336] {strides = array<i32>} : memref<256x64xf32, #tpu.memory_space<vmem>>, vector<1x16xf32>,
      %swap3A_338 = vector.shape_cast %swap3A_337 : vector<1x16xf32> to vector<16xf32>
      %swap3A_339 = vector.shape_cast %mul3A_332 : vector<16xf32> to vector<1x16xf32>
      tpu.vector_store %arg9[%swap3A_335, %swap3A_336], %swap3A_339 {strides = array<i32>} : memref<256x64xf32, #tpu.memory_space<vmem>>, vector<1x16xf32>,
      %add3A_340 = arith.constant 3 : i32
      %add3A_341 = arith.addi %add3A_117, %add3A_340 : i32
      %get3A_342 = arith.index_cast %add3A_341 : i32 to index
      %get3A_343 = arith.constant 32 : index
      %get3A_344 = tpu.vector_load %arg7[%get3A_342, %get3A_343] {strides = array<i32>} : memref<256x64xf32, #tpu.memory_space<vmem>>, vector<1x16xf32>,
      %get3A_345 = vector.shape_cast %get3A_344 : vector<1x16xf32> to vector<16xf32>
      %mul3A_346 = arith.constant 8.000000e+00 : f32
      %mul3A_347 = vector.broadcast %mul3A_346 : f32 to vector<16xf32>
      %mul3A_348 = arith.mulf %get3A_345, %mul3A_347 : vector<16xf32>
      %add3A_349 = arith.constant 3 : i32
      %add3A_350 = arith.addi %add3A_117, %add3A_349 : i32
      %swap3A_351 = arith.index_cast %add3A_350 : i32 to index
      %swap3A_352 = arith.constant 32 : index
      %swap3A_353 = tpu.vector_load %arg9[%swap3A_351, %swap3A_352] {strides = array<i32>} : memref<256x64xf32, #tpu.memory_space<vmem>>, vector<1x16xf32>,
      %swap3A_354 = vector.shape_cast %swap3A_353 : vector<1x16xf32> to vector<16xf32>
      %swap3A_355 = vector.shape_cast %mul3A_348 : vector<16xf32> to vector<1x16xf32>
      tpu.vector_store %arg9[%swap3A_351, %swap3A_352], %swap3A_355 {strides = array<i32>} : memref<256x64xf32, #tpu.memory_space<vmem>>, vector<1x16xf32>,
      %add3A_356 = arith.constant 3 : i32
      %add3A_357 = arith.addi %add3A_117, %add3A_356 : i32
      %get3A_358 = arith.index_cast %add3A_357 : i32 to index
      %get3A_359 = arith.constant 48 : index
      %get3A_360 = tpu.vector_load %arg7[%get3A_358, %get3A_359] {strides = array<i32>} : memref<256x64xf32, #tpu.memory_space<vmem>>, vector<1x16xf32>,
      %get3A_361 = vector.shape_cast %get3A_360 : vector<1x16xf32> to vector<16xf32>
      %mul3A_362 = arith.constant 8.000000e+00 : f32
      %mul3A_363 = vector.broadcast %mul3A_362 : f32 to vector<16xf32>
      %mul3A_364 = arith.mulf %get3A_361, %mul3A_363 : vector<16xf32>
      %add3A_365 = arith.constant 3 : i32
      %add3A_366 = arith.addi %add3A_117, %add3A_365 : i32
      %swap3A_367 = arith.index_cast %add3A_366 : i32 to index
      %swap3A_368 = arith.constant 48 : index
      %swap3A_369 = tpu.vector_load %arg9[%swap3A_367, %swap3A_368] {strides = array<i32>} : memref<256x64xf32, #tpu.memory_space<vmem>>, vector<1x16xf32>,
      %swap3A_370 = vector.shape_cast %swap3A_369 : vector<1x16xf32> to vector<16xf32>
      %swap3A_371 = vector.shape_cast %mul3A_364 : vector<16xf32> to vector<1x16xf32>
      tpu.vector_store %arg9[%swap3A_367, %swap3A_368], %swap3A_371 {strides = array<i32>} : memref<256x64xf32, #tpu.memory_space<vmem>>, vector<1x16xf32>,
      %add3A_372 = arith.constant 4 : i32
      %add3A_373 = arith.addi %add3A_117, %add3A_372 : i32
      %get3A_374 = arith.index_cast %add3A_373 : i32 to index
      %get3A_375 = arith.constant 0 : index
      %get3A_376 = tpu.vector_load %arg7[%get3A_374, %get3A_375] {strides = array<i32>} : memref<256x64xf32, #tpu.memory_space<vmem>>, vector<1x16xf32>,
      %get3A_377 = vector.shape_cast %get3A_376 : vector<1x16xf32> to vector<16xf32>
      %mul3A_378 = arith.constant 8.000000e+00 : f32
      %mul3A_379 = vector.broadcast %mul3A_378 : f32 to vector<16xf32>
      %mul3A_380 = arith.mulf %get3A_377, %mul3A_379 : vector<16xf32>
      %add3A_381 = arith.constant 4 : i32
      %add3A_382 = arith.addi %add3A_117, %add3A_381 : i32
      %swap3A_383 = arith.index_cast %add3A_382 : i32 to index
      %swap3A_384 = arith.constant 0 : index
      %swap3A_385 = tpu.vector_load %arg9[%swap3A_383, %swap3A_384] {strides = array<i32>} : memref<256x64xf32, #tpu.memory_space<vmem>>, vector<1x16xf32>,
      %swap3A_386 = vector.shape_cast %swap3A_385 : vector<1x16xf32> to vector<16xf32>
      %swap3A_387 = vector.shape_cast %mul3A_380 : vector<16xf32> to vector<1x16xf32>
      tpu.vector_store %arg9[%swap3A_383, %swap3A_384], %swap3A_387 {strides = array<i32>} : memref<256x64xf32, #tpu.memory_space<vmem>>, vector<1x16xf32>,
      %add3A_388 = arith.constant 4 : i32
      %add3A_389 = arith.addi %add3A_117, %add3A_388 : i32
      %get3A_390 = arith.index_cast %add3A_389 : i32 to index
      %get3A_391 = arith.constant 16 : index
      %get3A_392 = tpu.vector_load %arg7[%get3A_390, %get3A_391] {strides = array<i32>} : memref<256x64xf32, #tpu.memory_space<vmem>>, vector<1x16xf32>,
      %get3A_393 = vector.shape_cast %get3A_392 : vector<1x16xf32> to vector<16xf32>
      %mul3A_394 = arith.constant 8.000000e+00 : f32
      %mul3A_395 = vector.broadcast %mul3A_394 : f32 to vector<16xf32>
      %mul3A_396 = arith.mulf %get3A_393, %mul3A_395 : vector<16xf32>
      %add3A_397 = arith.constant 4 : i32
      %add3A_398 = arith.addi %add3A_117, %add3A_397 : i32
      %swap3A_399 = arith.index_cast %add3A_398 : i32 to index
      %swap3A_400 = arith.constant 16 : index
      %swap3A_401 = tpu.vector_load %arg9[%swap3A_399, %swap3A_400] {strides = array<i32>} : memref<256x64xf32, #tpu.memory_space<vmem>>, vector<1x16xf32>,
      %swap3A_402 = vector.shape_cast %swap3A_401 : vector<1x16xf32> to vector<16xf32>
      %swap3A_403 = vector.shape_cast %mul3A_396 : vector<16xf32> to vector<1x16xf32>
      tpu.vector_store %arg9[%swap3A_399, %swap3A_400], %swap3A_403 {strides = array<i32>} : memref<256x64xf32, #tpu.memory_space<vmem>>, vector<1x16xf32>,
      %add3A_404 = arith.constant 4 : i32
      %add3A_405 = arith.addi %add3A_117, %add3A_404 : i32
      %get3A_406 = arith.index_cast %add3A_405 : i32 to index
      %get3A_407 = arith.constant 32 : index
      %get3A_408 = tpu.vector_load %arg7[%get3A_406, %get3A_407] {strides = array<i32>} : memref<256x64xf32, #tpu.memory_space<vmem>>, vector<1x16xf32>,
      %get3A_409 = vector.shape_cast %get3A_408 : vector<1x16xf32> to vector<16xf32>
      %mul3A_410 = arith.constant 8.000000e+00 : f32
      %mul3A_411 = vector.broadcast %mul3A_410 : f32 to vector<16xf32>
      %mul3A_412 = arith.mulf %get3A_409, %mul3A_411 : vector<16xf32>
      %add3A_413 = arith.constant 4 : i32
      %add3A_414 = arith.addi %add3A_117, %add3A_413 : i32
      %swap3A_415 = arith.index_cast %add3A_414 : i32 to index
      %swap3A_416 = arith.constant 32 : index
      %swap3A_417 = tpu.vector_load %arg9[%swap3A_415, %swap3A_416] {strides = array<i32>} : memref<256x64xf32, #tpu.memory_space<vmem>>, vector<1x16xf32>,
      %swap3A_418 = vector.shape_cast %swap3A_417 : vector<1x16xf32> to vector<16xf32>
      %swap3A_419 = vector.shape_cast %mul3A_412 : vector<16xf32> to vector<1x16xf32>
      tpu.vector_store %arg9[%swap3A_415, %swap3A_416], %swap3A_419 {strides = array<i32>} : memref<256x64xf32, #tpu.memory_space<vmem>>, vector<1x16xf32>,
      %add3A_420 = arith.constant 4 : i32
      %add3A_421 = arith.addi %add3A_117, %add3A_420 : i32
      %get3A_422 = arith.index_cast %add3A_421 : i32 to index
      %get3A_423 = arith.constant 48 : index
      %get3A_424 = tpu.vector_load %arg7[%get3A_422, %get3A_423] {strides = array<i32>} : memref<256x64xf32, #tpu.memory_space<vmem>>, vector<1x16xf32>,
      %get3A_425 = vector.shape_cast %get3A_424 : vector<1x16xf32> to vector<16xf32>
      %mul3A_426 = arith.constant 8.000000e+00 : f32
      %mul3A_427 = vector.broadcast %mul3A_426 : f32 to vector<16xf32>
      %mul3A_428 = arith.mulf %get3A_425, %mul3A_427 : vector<16xf32>
      %add3A_429 = arith.constant 4 : i32
      %add3A_430 = arith.addi %add3A_117, %add3A_429 : i32
      %swap3A_431 = arith.index_cast %add3A_430 : i32 to index
      %swap3A_432 = arith.constant 48 : index
      %swap3A_433 = tpu.vector_load %arg9[%swap3A_431, %swap3A_432] {strides = array<i32>} : memref<256x64xf32, #tpu.memory_space<vmem>>, vector<1x16xf32>,
      %swap3A_434 = vector.shape_cast %swap3A_433 : vector<1x16xf32> to vector<16xf32>
      %swap3A_435 = vector.shape_cast %mul3A_428 : vector<16xf32> to vector<1x16xf32>
      tpu.vector_store %arg9[%swap3A_431, %swap3A_432], %swap3A_435 {strides = array<i32>} : memref<256x64xf32, #tpu.memory_space<vmem>>, vector<1x16xf32>,
      %add3A_436 = arith.constant 5 : i32
      %add3A_437 = arith.addi %add3A_117, %add3A_436 : i32
      %get3A_438 = arith.index_cast %add3A_437 : i32 to index
      %get3A_439 = arith.constant 0 : index
      %get3A_440 = tpu.vector_load %arg7[%get3A_438, %get3A_439] {strides = array<i32>} : memref<256x64xf32, #tpu.memory_space<vmem>>, vector<1x16xf32>,
      %get3A_441 = vector.shape_cast %get3A_440 : vector<1x16xf32> to vector<16xf32>
      %mul3A_442 = arith.constant 8.000000e+00 : f32
      %mul3A_443 = vector.broadcast %mul3A_442 : f32 to vector<16xf32>
      %mul3A_444 = arith.mulf %get3A_441, %mul3A_443 : vector<16xf32>
      %add3A_445 = arith.constant 5 : i32
      %add3A_446 = arith.addi %add3A_117, %add3A_445 : i32
      %swap3A_447 = arith.index_cast %add3A_446 : i32 to index
      %swap3A_448 = arith.constant 0 : index
      %swap3A_449 = tpu.vector_load %arg9[%swap3A_447, %swap3A_448] {strides = array<i32>} : memref<256x64xf32, #tpu.memory_space<vmem>>, vector<1x16xf32>,
      %swap3A_450 = vector.shape_cast %swap3A_449 : vector<1x16xf32> to vector<16xf32>
      %swap3A_451 = vector.shape_cast %mul3A_444 : vector<16xf32> to vector<1x16xf32>
      tpu.vector_store %arg9[%swap3A_447, %swap3A_448], %swap3A_451 {strides = array<i32>} : memref<256x64xf32, #tpu.memory_space<vmem>>, vector<1x16xf32>,
      %add3A_452 = arith.constant 5 : i32
      %add3A_453 = arith.addi %add3A_117, %add3A_452 : i32
      %get3A_454 = arith.index_cast %add3A_453 : i32 to index
      %get3A_455 = arith.constant 16 : index
      %get3A_456 = tpu.vector_load %arg7[%get3A_454, %get3A_455] {strides = array<i32>} : memref<256x64xf32, #tpu.memory_space<vmem>>, vector<1x16xf32>,
      %get3A_457 = vector.shape_cast %get3A_456 : vector<1x16xf32> to vector<16xf32>
      %mul3A_458 = arith.constant 8.000000e+00 : f32
      %mul3A_459 = vector.broadcast %mul3A_458 : f32 to vector<16xf32>
      %mul3A_460 = arith.mulf %get3A_457, %mul3A_459 : vector<16xf32>
      %add3A_461 = arith.constant 5 : i32
      %add3A_462 = arith.addi %add3A_117, %add3A_461 : i32
      %swap3A_463 = arith.index_cast %add3A_462 : i32 to index
      %swap3A_464 = arith.constant 16 : index
      %swap3A_465 = tpu.vector_load %arg9[%swap3A_463, %swap3A_464] {strides = array<i32>} : memref<256x64xf32, #tpu.memory_space<vmem>>, vector<1x16xf32>,
      %swap3A_466 = vector.shape_cast %swap3A_465 : vector<1x16xf32> to vector<16xf32>
      %swap3A_467 = vector.shape_cast %mul3A_460 : vector<16xf32> to vector<1x16xf32>
      tpu.vector_store %arg9[%swap3A_463, %swap3A_464], %swap3A_467 {strides = array<i32>} : memref<256x64xf32, #tpu.memory_space<vmem>>, vector<1x16xf32>,
      %add3A_468 = arith.constant 5 : i32
      %add3A_469 = arith.addi %add3A_117, %add3A_468 : i32
      %get3A_470 = arith.index_cast %add3A_469 : i32 to index
      %get3A_471 = arith.constant 32 : index
      %get3A_472 = tpu.vector_load %arg7[%get3A_470, %get3A_471] {strides = array<i32>} : memref<256x64xf32, #tpu.memory_space<vmem>>, vector<1x16xf32>,
      %get3A_473 = vector.shape_cast %get3A_472 : vector<1x16xf32> to vector<16xf32>
      %mul3A_474 = arith.constant 8.000000e+00 : f32
      %mul3A_475 = vector.broadcast %mul3A_474 : f32 to vector<16xf32>
      %mul3A_476 = arith.mulf %get3A_473, %mul3A_475 : vector<16xf32>
      %add3A_477 = arith.constant 5 : i32
      %add3A_478 = arith.addi %add3A_117, %add3A_477 : i32
      %swap3A_479 = arith.index_cast %add3A_478 : i32 to index
      %swap3A_480 = arith.constant 32 : index
      %swap3A_481 = tpu.vector_load %arg9[%swap3A_479, %swap3A_480] {strides = array<i32>} : memref<256x64xf32, #tpu.memory_space<vmem>>, vector<1x16xf32>,
      %swap3A_482 = vector.shape_cast %swap3A_481 : vector<1x16xf32> to vector<16xf32>
      %swap3A_483 = vector.shape_cast %mul3A_476 : vector<16xf32> to vector<1x16xf32>
      tpu.vector_store %arg9[%swap3A_479, %swap3A_480], %swap3A_483 {strides = array<i32>} : memref<256x64xf32, #tpu.memory_space<vmem>>, vector<1x16xf32>,
      %add3A_484 = arith.constant 5 : i32
      %add3A_485 = arith.addi %add3A_117, %add3A_484 : i32
      %get3A_486 = arith.index_cast %add3A_485 : i32 to index
      %get3A_487 = arith.constant 48 : index
      %get3A_488 = tpu.vector_load %arg7[%get3A_486, %get3A_487] {strides = array<i32>} : memref<256x64xf32, #tpu.memory_space<vmem>>, vector<1x16xf32>,
      %get3A_489 = vector.shape_cast %get3A_488 : vector<1x16xf32> to vector<16xf32>
      %mul3A_490 = arith.constant 8.000000e+00 : f32
      %mul3A_491 = vector.broadcast %mul3A_490 : f32 to vector<16xf32>
      %mul3A_492 = arith.mulf %get3A_489, %mul3A_491 : vector<16xf32>
      %add3A_493 = arith.constant 5 : i32
      %add3A_494 = arith.addi %add3A_117, %add3A_493 : i32
      %swap3A_495 = arith.index_cast %add3A_494 : i32 to index
      %swap3A_496 = arith.constant 48 : index
      %swap3A_497 = tpu.vector_load %arg9[%swap3A_495, %swap3A_496] {strides = array<i32>} : memref<256x64xf32, #tpu.memory_space<vmem>>, vector<1x16xf32>,
      %swap3A_498 = vector.shape_cast %swap3A_497 : vector<1x16xf32> to vector<16xf32>
      %swap3A_499 = vector.shape_cast %mul3A_492 : vector<16xf32> to vector<1x16xf32>
      tpu.vector_store %arg9[%swap3A_495, %swap3A_496], %swap3A_499 {strides = array<i32>} : memref<256x64xf32, #tpu.memory_space<vmem>>, vector<1x16xf32>,
      %add3A_500 = arith.constant 6 : i32
      %add3A_501 = arith.addi %add3A_117, %add3A_500 : i32
      %get3A_502 = arith.index_cast %add3A_501 : i32 to index
      %get3A_503 = arith.constant 0 : index
      %get3A_504 = tpu.vector_load %arg7[%get3A_502, %get3A_503] {strides = array<i32>} : memref<256x64xf32, #tpu.memory_space<vmem>>, vector<1x16xf32>,
      %get3A_505 = vector.shape_cast %get3A_504 : vector<1x16xf32> to vector<16xf32>
      %mul3A_506 = arith.constant 8.000000e+00 : f32
      %mul3A_507 = vector.broadcast %mul3A_506 : f32 to vector<16xf32>
      %mul3A_508 = arith.mulf %get3A_505, %mul3A_507 : vector<16xf32>
      %add3A_509 = arith.constant 6 : i32
      %add3A_510 = arith.addi %add3A_117, %add3A_509 : i32
      %swap3A_511 = arith.index_cast %add3A_510 : i32 to index
      %swap3A_512 = arith.constant 0 : index
      %swap3A_513 = tpu.vector_load %arg9[%swap3A_511, %swap3A_512] {strides = array<i32>} : memref<256x64xf32, #tpu.memory_space<vmem>>, vector<1x16xf32>,
      %swap3A_514 = vector.shape_cast %swap3A_513 : vector<1x16xf32> to vector<16xf32>
      %swap3A_515 = vector.shape_cast %mul3A_508 : vector<16xf32> to vector<1x16xf32>
      tpu.vector_store %arg9[%swap3A_511, %swap3A_512], %swap3A_515 {strides = array<i32>} : memref<256x64xf32, #tpu.memory_space<vmem>>, vector<1x16xf32>,
      %add3A_516 = arith.constant 6 : i32
      %add3A_517 = arith.addi %add3A_117, %add3A_516 : i32
      %get3A_518 = arith.index_cast %add3A_517 : i32 to index
      %get3A_519 = arith.constant 16 : index
      %get3A_520 = tpu.vector_load %arg7[%get3A_518, %get3A_519] {strides = array<i32>} : memref<256x64xf32, #tpu.memory_space<vmem>>, vector<1x16xf32>,
      %get3A_521 = vector.shape_cast %get3A_520 : vector<1x16xf32> to vector<16xf32>
      %mul3A_522 = arith.constant 8.000000e+00 : f32
      %mul3A_523 = vector.broadcast %mul3A_522 : f32 to vector<16xf32>
      %mul3A_524 = arith.mulf %get3A_521, %mul3A_523 : vector<16xf32>
      %add3A_525 = arith.constant 6 : i32
      %add3A_526 = arith.addi %add3A_117, %add3A_525 : i32
      %swap3A_527 = arith.index_cast %add3A_526 : i32 to index
      %swap3A_528 = arith.constant 16 : index
      %swap3A_529 = tpu.vector_load %arg9[%swap3A_527, %swap3A_528] {strides = array<i32>} : memref<256x64xf32, #tpu.memory_space<vmem>>, vector<1x16xf32>,
      %swap3A_530 = vector.shape_cast %swap3A_529 : vector<1x16xf32> to vector<16xf32>
      %swap3A_531 = vector.shape_cast %mul3A_524 : vector<16xf32> to vector<1x16xf32>
      tpu.vector_store %arg9[%swap3A_527, %swap3A_528], %swap3A_531 {strides = array<i32>} : memref<256x64xf32, #tpu.memory_space<vmem>>, vector<1x16xf32>,
      %add3A_532 = arith.constant 6 : i32
      %add3A_533 = arith.addi %add3A_117, %add3A_532 : i32
      %get3A_534 = arith.index_cast %add3A_533 : i32 to index
      %get3A_535 = arith.constant 32 : index
      %get3A_536 = tpu.vector_load %arg7[%get3A_534, %get3A_535] {strides = array<i32>} : memref<256x64xf32, #tpu.memory_space<vmem>>, vector<1x16xf32>,
      %get3A_537 = vector.shape_cast %get3A_536 : vector<1x16xf32> to vector<16xf32>
      %mul3A_538 = arith.constant 8.000000e+00 : f32
      %mul3A_539 = vector.broadcast %mul3A_538 : f32 to vector<16xf32>
      %mul3A_540 = arith.mulf %get3A_537, %mul3A_539 : vector<16xf32>
      %add3A_541 = arith.constant 6 : i32
      %add3A_542 = arith.addi %add3A_117, %add3A_541 : i32
      %swap3A_543 = arith.index_cast %add3A_542 : i32 to index
      %swap3A_544 = arith.constant 32 : index
      %swap3A_545 = tpu.vector_load %arg9[%swap3A_543, %swap3A_544] {strides = array<i32>} : memref<256x64xf32, #tpu.memory_space<vmem>>, vector<1x16xf32>,
      %swap3A_546 = vector.shape_cast %swap3A_545 : vector<1x16xf32> to vector<16xf32>
      %swap3A_547 = vector.shape_cast %mul3A_540 : vector<16xf32> to vector<1x16xf32>
      tpu.vector_store %arg9[%swap3A_543, %swap3A_544], %swap3A_547 {strides = array<i32>} : memref<256x64xf32, #tpu.memory_space<vmem>>, vector<1x16xf32>,
      %add3A_548 = arith.constant 6 : i32
      %add3A_549 = arith.addi %add3A_117, %add3A_548 : i32
      %get3A_550 = arith.index_cast %add3A_549 : i32 to index
      %get3A_551 = arith.constant 48 : index
      %get3A_552 = tpu.vector_load %arg7[%get3A_550, %get3A_551] {strides = array<i32>} : memref<256x64xf32, #tpu.memory_space<vmem>>, vector<1x16xf32>,
      %get3A_553 = vector.shape_cast %get3A_552 : vector<1x16xf32> to vector<16xf32>
      %mul3A_554 = arith.constant 8.000000e+00 : f32
      %mul3A_555 = vector.broadcast %mul3A_554 : f32 to vector<16xf32>
      %mul3A_556 = arith.mulf %get3A_553, %mul3A_555 : vector<16xf32>
      %add3A_557 = arith.constant 6 : i32
      %add3A_558 = arith.addi %add3A_117, %add3A_557 : i32
      %swap3A_559 = arith.index_cast %add3A_558 : i32 to index
      %swap3A_560 = arith.constant 48 : index
      %swap3A_561 = tpu.vector_load %arg9[%swap3A_559, %swap3A_560] {strides = array<i32>} : memref<256x64xf32, #tpu.memory_space<vmem>>, vector<1x16xf32>,
      %swap3A_562 = vector.shape_cast %swap3A_561 : vector<1x16xf32> to vector<16xf32>
      %swap3A_563 = vector.shape_cast %mul3A_556 : vector<16xf32> to vector<1x16xf32>
      tpu.vector_store %arg9[%swap3A_559, %swap3A_560], %swap3A_563 {strides = array<i32>} : memref<256x64xf32, #tpu.memory_space<vmem>>, vector<1x16xf32>,
      %add3A_564 = arith.constant 7 : i32
      %add3A_565 = arith.addi %add3A_117, %add3A_564 : i32
      %get3A_566 = arith.index_cast %add3A_565 : i32 to index
      %get3A_567 = arith.constant 0 : index
      %get3A_568 = tpu.vector_load %arg7[%get3A_566, %get3A_567] {strides = array<i32>} : memref<256x64xf32, #tpu.memory_space<vmem>>, vector<1x16xf32>,
      %get3A_569 = vector.shape_cast %get3A_568 : vector<1x16xf32> to vector<16xf32>
      %mul3A_570 = arith.constant 8.000000e+00 : f32
      %mul3A_571 = vector.broadcast %mul3A_570 : f32 to vector<16xf32>
      %mul3A_572 = arith.mulf %get3A_569, %mul3A_571 : vector<16xf32>
      %add3A_573 = arith.constant 7 : i32
      %add3A_574 = arith.addi %add3A_117, %add3A_573 : i32
      %swap3A_575 = arith.index_cast %add3A_574 : i32 to index
      %swap3A_576 = arith.constant 0 : index
      %swap3A_577 = tpu.vector_load %arg9[%swap3A_575, %swap3A_576] {strides = array<i32>} : memref<256x64xf32, #tpu.memory_space<vmem>>, vector<1x16xf32>,
      %swap3A_578 = vector.shape_cast %swap3A_577 : vector<1x16xf32> to vector<16xf32>
      %swap3A_579 = vector.shape_cast %mul3A_572 : vector<16xf32> to vector<1x16xf32>
      tpu.vector_store %arg9[%swap3A_575, %swap3A_576], %swap3A_579 {strides = array<i32>} : memref<256x64xf32, #tpu.memory_space<vmem>>, vector<1x16xf32>,
      %add3A_580 = arith.constant 7 : i32
      %add3A_581 = arith.addi %add3A_117, %add3A_580 : i32
      %get3A_582 = arith.index_cast %add3A_581 : i32 to index
      %get3A_583 = arith.constant 16 : index
      %get3A_584 = tpu.vector_load %arg7[%get3A_582, %get3A_583] {strides = array<i32>} : memref<256x64xf32, #tpu.memory_space<vmem>>, vector<1x16xf32>,
      %get3A_585 = vector.shape_cast %get3A_584 : vector<1x16xf32> to vector<16xf32>
      %mul3A_586 = arith.constant 8.000000e+00 : f32
      %mul3A_587 = vector.broadcast %mul3A_586 : f32 to vector<16xf32>
      %mul3A_588 = arith.mulf %get3A_585, %mul3A_587 : vector<16xf32>
      %add3A_589 = arith.constant 7 : i32
      %add3A_590 = arith.addi %add3A_117, %add3A_589 : i32
      %swap3A_591 = arith.index_cast %add3A_590 : i32 to index
      %swap3A_592 = arith.constant 16 : index
      %swap3A_593 = tpu.vector_load %arg9[%swap3A_591, %swap3A_592] {strides = array<i32>} : memref<256x64xf32, #tpu.memory_space<vmem>>, vector<1x16xf32>,
      %swap3A_594 = vector.shape_cast %swap3A_593 : vector<1x16xf32> to vector<16xf32>
      %swap3A_595 = vector.shape_cast %mul3A_588 : vector<16xf32> to vector<1x16xf32>
      tpu.vector_store %arg9[%swap3A_591, %swap3A_592], %swap3A_595 {strides = array<i32>} : memref<256x64xf32, #tpu.memory_space<vmem>>, vector<1x16xf32>,
      %add3A_596 = arith.constant 7 : i32
      %add3A_597 = arith.addi %add3A_117, %add3A_596 : i32
      %get3A_598 = arith.index_cast %add3A_597 : i32 to index
      %get3A_599 = arith.constant 32 : index
      %get3A_600 = tpu.vector_load %arg7[%get3A_598, %get3A_599] {strides = array<i32>} : memref<256x64xf32, #tpu.memory_space<vmem>>, vector<1x16xf32>,
      %get3A_601 = vector.shape_cast %get3A_600 : vector<1x16xf32> to vector<16xf32>
      %mul3A_602 = arith.constant 8.000000e+00 : f32
      %mul3A_603 = vector.broadcast %mul3A_602 : f32 to vector<16xf32>
      %mul3A_604 = arith.mulf %get3A_601, %mul3A_603 : vector<16xf32>
      %add3A_605 = arith.constant 7 : i32
      %add3A_606 = arith.addi %add3A_117, %add3A_605 : i32
      %swap3A_607 = arith.index_cast %add3A_606 : i32 to index
      %swap3A_608 = arith.constant 32 : index
      %swap3A_609 = tpu.vector_load %arg9[%swap3A_607, %swap3A_608] {strides = array<i32>} : memref<256x64xf32, #tpu.memory_space<vmem>>, vector<1x16xf32>,
      %swap3A_610 = vector.shape_cast %swap3A_609 : vector<1x16xf32> to vector<16xf32>
      %swap3A_611 = vector.shape_cast %mul3A_604 : vector<16xf32> to vector<1x16xf32>
      tpu.vector_store %arg9[%swap3A_607, %swap3A_608], %swap3A_611 {strides = array<i32>} : memref<256x64xf32, #tpu.memory_space<vmem>>, vector<1x16xf32>,
      %add3A_612 = arith.constant 7 : i32
      %add3A_613 = arith.addi %add3A_117, %add3A_612 : i32
      %get3A_614 = arith.index_cast %add3A_613 : i32 to index
      %get3A_615 = arith.constant 48 : index
      %get3A_616 = tpu.vector_load %arg7[%get3A_614, %get3A_615] {strides = array<i32>} : memref<256x64xf32, #tpu.memory_space<vmem>>, vector<1x16xf32>,
      %get3A_617 = vector.shape_cast %get3A_616 : vector<1x16xf32> to vector<16xf32>
      %mul3A_618 = arith.constant 8.000000e+00 : f32
      %mul3A_619 = vector.broadcast %mul3A_618 : f32 to vector<16xf32>
      %mul3A_620 = arith.mulf %get3A_617, %mul3A_619 : vector<16xf32>
      %add3A_621 = arith.constant 7 : i32
      %add3A_622 = arith.addi %add3A_117, %add3A_621 : i32
      %swap3A_623 = arith.index_cast %add3A_622 : i32 to index
      %swap3A_624 = arith.constant 48 : index
      %swap3A_625 = tpu.vector_load %arg9[%swap3A_623, %swap3A_624] {strides = array<i32>} : memref<256x64xf32, #tpu.memory_space<vmem>>, vector<1x16xf32>,
      %swap3A_626 = vector.shape_cast %swap3A_625 : vector<1x16xf32> to vector<16xf32>
      %swap3A_627 = vector.shape_cast %mul3A_620 : vector<16xf32> to vector<1x16xf32>
      tpu.vector_store %arg9[%swap3A_623, %swap3A_624], %swap3A_627 {strides = array<i32>} : memref<256x64xf32, #tpu.memory_space<vmem>>, vector<1x16xf32>,
    }
    %scan3A_40 = arith.constant 32 : i32
    %add3A_41 = arith.constant 256 : i32
    %add3A_42 = arith.addi %mul3A_2, %add3A_41 : i32
    %dma_start3A_43 = arith.constant 0 : i32
    %dma_start3A_44 = tpu.memref_slice %arg4[%add3A_42, %dma_start3A_43] : memref<819200x64xf32, #tpu.memory_space<hbm>> -> memref<256x64xf32, #tpu.memory_space<hbm>>
    %dma_start3A_45 = arith.constant 0 : i32
    %dma_start3A_46 = tpu.memref_slice %arg4[%add3A_42, %dma_start3A_45] : memref<819200x64xf32, #tpu.memory_space<hbm>> -> memref<256x64xf32, #tpu.memory_space<hbm>>
    tpu.enqueue_dma source(%arg9 : memref<256x64xf32, #tpu.memory_space<vmem>>) target(%dma_start3A_46 : memref<256x64xf32, #tpu.memory_space<hbm>>) target_semaphore(%arg13 : memref<!tpu.dma_semaphore, #tpu.memory_space<semaphore_mem>>)
    %dma_start3A_47 = arith.constant 768 : i32
    %dma_start3A_48 = tpu.memref_slice %arg5[%dma_start3A_47] : memref<25600xi32, #tpu.memory_space<vmem>> -> memref<256xi32, #tpu.memory_space<vmem>>
    %dma_start3A_49 = arith.constant 0 : i32
    %dma_start3A_50 = arith.constant 0 : i32
    %dma_start3A_51 = tpu.memref_slice %arg2[%dma_start3A_49, %dma_start3A_50] : memref<1000000x64xf32, #tpu.memory_space<hbm>> -> memref<1000000x64xf32, #tpu.memory_space<hbm>>
    tpu.enqueue_indirect_dma source(%dma_start3A_51 : memref<1000000x64xf32, #tpu.memory_space<hbm>>) target(%arg7 : memref<256x64xf32, #tpu.memory_space<vmem>>) offsets(%dma_start3A_48 : memref<256xi32, #tpu.memory_space<vmem>>) semaphore(%arg11 : memref<!tpu.dma_semaphore, #tpu.memory_space<semaphore_mem>>)
    %scan3A_52 = arith.constant 0 : i32
    %scan3A_53 = arith.constant 48 : i32
    %scan3A_54 = arith.addi %scan3A_52, %scan3A_53 : i32
    %scan3A_55 = arith.constant 1 : i32
    scf.for %scan3A_113 = %scan3A_52 to %scan3A_54 step %scan3A_55  : i32 {
      %mul3A_114 = arith.constant 2 : i32
      %mul3A_115 = arith.muli %scan3A_113, %mul3A_114 : i32
      %add3A_116 = arith.constant 2 : i32
      %add3A_117 = arith.addi %add3A_116, %mul3A_115 : i32
      %add3A_118 = arith.constant 0 : i32
      %add3A_119 = arith.addi %add3A_117, %add3A_118 : i32
      %mul3A_120 = arith.constant 256 : i32
      %mul3A_121 = arith.muli %add3A_119, %mul3A_120 : i32
      %dma_wait3A_122 = tpu.memref_slice %arg5[%mul3A_121] : memref<25600xi32, #tpu.memory_space<vmem>> -> memref<256xi32, #tpu.memory_space<vmem>>
      %dma_wait3A_123 = arith.constant 0 : i32
      %dma_wait3A_124 = arith.constant 0 : i32
      %dma_wait3A_125 = tpu.memref_slice %arg2[%dma_wait3A_123, %dma_wait3A_124] : memref<1000000x64xf32, #tpu.memory_space<hbm>> -> memref<1000000x64xf32, #tpu.memory_space<hbm>>
      tpu.wait_indirect_dma semaphore(%arg10 : memref<!tpu.dma_semaphore, #tpu.memory_space<semaphore_mem>>) src(%dma_wait3A_125 : memref<1000000x64xf32, #tpu.memory_space<hbm>>) dst(%arg6 : memref<256x64xf32, #tpu.memory_space<vmem>>)
      %add3A_126 = arith.constant 0 : i32
      %add3A_127 = arith.addi %add3A_117, %add3A_126 : i32
      %sub3A = arith.constant 2 : i32
      %sub3A_128 = arith.subi %add3A_127, %sub3A : i32
      %mul3A_129 = arith.constant 256 : i32
      %mul3A_130 = arith.muli %sub3A_128, %mul3A_129 : i32
      %add3A_131 = arith.addi %mul3A_2, %mul3A_130 : i32
      %dma_wait3A_132 = arith.constant 0 : i32
      %dma_wait3A_133 = tpu.memref_slice %arg4[%add3A_131, %dma_wait3A_132] : memref<819200x64xf32, #tpu.memory_space<hbm>> -> memref<256x64xf32, #tpu.memory_space<hbm>>
      %dma_wait3A_134 = arith.constant 0 : i32
      %dma_wait3A_135 = tpu.memref_slice %arg4[%add3A_131, %dma_wait3A_134] : memref<819200x64xf32, #tpu.memory_space<hbm>> -> memref<256x64xf32, #tpu.memory_space<hbm>>
      tpu.wait_dma2 semaphore(%arg12 : memref<!tpu.dma_semaphore, #tpu.memory_space<semaphore_mem>>) src(%arg8 : memref<256x64xf32, #tpu.memory_space<vmem>>) dst(%dma_wait3A_135 : memref<256x64xf32, #tpu.memory_space<hbm>>)
      %scan3A_136 = arith.constant 0 : i32
      %scan3A_137 = arith.constant 32 : i32
      %scan3A_138 = arith.addi %scan3A_136, %scan3A_137 : i32
      %scan3A_139 = arith.constant 1 : i32
      scf.for %scan3A_203 = %scan3A_136 to %scan3A_138 step %scan3A_139  : i32 {
        %mul3A_204 = arith.constant 8 : i32
        %mul3A_205 = arith.muli %scan3A_203, %mul3A_204 : i32
        %add3A_206 = arith.constant 0 : i32
        %add3A_207 = arith.addi %add3A_206, %mul3A_205 : i32
        %add3A_208 = arith.constant 0 : i32
        %add3A_209 = arith.addi %add3A_207, %add3A_208 : i32
        %get3A = arith.index_cast %add3A_209 : i32 to index
        %get3A_210 = arith.constant 0 : index
        %get3A_211 = tpu.vector_load %arg6[%get3A, %get3A_210] {strides = array<i32>} : memref<256x64xf32, #tpu.memory_space<vmem>>, vector<1x16xf32>,
        %get3A_212 = vector.shape_cast %get3A_211 : vector<1x16xf32> to vector<16xf32>
        %mul3A_213 = arith.constant 8.000000e+00 : f32
        %mul3A_214 = vector.broadcast %mul3A_213 : f32 to vector<16xf32>
        %mul3A_215 = arith.mulf %get3A_212, %mul3A_214 : vector<16xf32>
        %add3A_216 = arith.constant 0 : i32
        %add3A_217 = arith.addi %add3A_207, %add3A_216 : i32
        %swap3A = arith.index_cast %add3A_217 : i32 to index
        %swap3A_218 = arith.constant 0 : index
        %swap3A_219 = tpu.vector_load %arg8[%swap3A, %swap3A_218] {strides = array<i32>} : memref<256x64xf32, #tpu.memory_space<vmem>>, vector<1x16xf32>,
        %swap3A_220 = vector.shape_cast %swap3A_219 : vector<1x16xf32> to vector<16xf32>
        %swap3A_221 = vector.shape_cast %mul3A_215 : vector<16xf32> to vector<1x16xf32>
        tpu.vector_store %arg8[%swap3A, %swap3A_218], %swap3A_221 {strides = array<i32>} : memref<256x64xf32, #tpu.memory_space<vmem>>, vector<1x16xf32>,
        %add3A_222 = arith.constant 0 : i32
        %add3A_223 = arith.addi %add3A_207, %add3A_222 : i32
        %get3A_224 = arith.index_cast %add3A_223 : i32 to index
        %get3A_225 = arith.constant 16 : index
        %get3A_226 = tpu.vector_load %arg6[%get3A_224, %get3A_225] {strides = array<i32>} : memref<256x64xf32, #tpu.memory_space<vmem>>, vector<1x16xf32>,
        %get3A_227 = vector.shape_cast %get3A_226 : vector<1x16xf32> to vector<16xf32>
        %mul3A_228 = arith.constant 8.000000e+00 : f32
        %mul3A_229 = vector.broadcast %mul3A_228 : f32 to vector<16xf32>
        %mul3A_230 = arith.mulf %get3A_227, %mul3A_229 : vector<16xf32>
        %add3A_231 = arith.constant 0 : i32
        %add3A_232 = arith.addi %add3A_207, %add3A_231 : i32
        %swap3A_233 = arith.index_cast %add3A_232 : i32 to index
        %swap3A_234 = arith.constant 16 : index
        %swap3A_235 = tpu.vector_load %arg8[%swap3A_233, %swap3A_234] {strides = array<i32>} : memref<256x64xf32, #tpu.memory_space<vmem>>, vector<1x16xf32>,
        %swap3A_236 = vector.shape_cast %swap3A_235 : vector<1x16xf32> to vector<16xf32>
        %swap3A_237 = vector.shape_cast %mul3A_230 : vector<16xf32> to vector<1x16xf32>
        tpu.vector_store %arg8[%swap3A_233, %swap3A_234], %swap3A_237 {strides = array<i32>} : memref<256x64xf32, #tpu.memory_space<vmem>>, vector<1x16xf32>,
        %add3A_238 = arith.constant 0 : i32
        %add3A_239 = arith.addi %add3A_207, %add3A_238 : i32
        %get3A_240 = arith.index_cast %add3A_239 : i32 to index
        %get3A_241 = arith.constant 32 : index
        %get3A_242 = tpu.vector_load %arg6[%get3A_240, %get3A_241] {strides = array<i32>} : memref<256x64xf32, #tpu.memory_space<vmem>>, vector<1x16xf32>,
        %get3A_243 = vector.shape_cast %get3A_242 : vector<1x16xf32> to vector<16xf32>
        %mul3A_244 = arith.constant 8.000000e+00 : f32
        %mul3A_245 = vector.broadcast %mul3A_244 : f32 to vector<16xf32>
        %mul3A_246 = arith.mulf %get3A_243, %mul3A_245 : vector<16xf32>
        %add3A_247 = arith.constant 0 : i32
        %add3A_248 = arith.addi %add3A_207, %add3A_247 : i32
        %swap3A_249 = arith.index_cast %add3A_248 : i32 to index
        %swap3A_250 = arith.constant 32 : index
        %swap3A_251 = tpu.vector_load %arg8[%swap3A_249, %swap3A_250] {strides = array<i32>} : memref<256x64xf32, #tpu.memory_space<vmem>>, vector<1x16xf32>,
        %swap3A_252 = vector.shape_cast %swap3A_251 : vector<1x16xf32> to vector<16xf32>
        %swap3A_253 = vector.shape_cast %mul3A_246 : vector<16xf32> to vector<1x16xf32>
        tpu.vector_store %arg8[%swap3A_249, %swap3A_250], %swap3A_253 {strides = array<i32>} : memref<256x64xf32, #tpu.memory_space<vmem>>, vector<1x16xf32>,
        %add3A_254 = arith.constant 0 : i32
        %add3A_255 = arith.addi %add3A_207, %add3A_254 : i32
        %get3A_256 = arith.index_cast %add3A_255 : i32 to index
        %get3A_257 = arith.constant 48 : index
        %get3A_258 = tpu.vector_load %arg6[%get3A_256, %get3A_257] {strides = array<i32>} : memref<256x64xf32, #tpu.memory_space<vmem>>, vector<1x16xf32>,
        %get3A_259 = vector.shape_cast %get3A_258 : vector<1x16xf32> to vector<16xf32>
        %mul3A_260 = arith.constant 8.000000e+00 : f32
        %mul3A_261 = vector.broadcast %mul3A_260 : f32 to vector<16xf32>
        %mul3A_262 = arith.mulf %get3A_259, %mul3A_261 : vector<16xf32>
        %add3A_263 = arith.constant 0 : i32
        %add3A_264 = arith.addi %add3A_207, %add3A_263 : i32
        %swap3A_265 = arith.index_cast %add3A_264 : i32 to index
        %swap3A_266 = arith.constant 48 : index
        %swap3A_267 = tpu.vector_load %arg8[%swap3A_265, %swap3A_266] {strides = array<i32>} : memref<256x64xf32, #tpu.memory_space<vmem>>, vector<1x16xf32>,
        %swap3A_268 = vector.shape_cast %swap3A_267 : vector<1x16xf32> to vector<16xf32>
        %swap3A_269 = vector.shape_cast %mul3A_262 : vector<16xf32> to vector<1x16xf32>
        tpu.vector_store %arg8[%swap3A_265, %swap3A_266], %swap3A_269 {strides = array<i32>} : memref<256x64xf32, #tpu.memory_space<vmem>>, vector<1x16xf32>,
        %add3A_270 = arith.constant 1 : i32
        %add3A_271 = arith.addi %add3A_207, %add3A_270 : i32
        %get3A_272 = arith.index_cast %add3A_271 : i32 to index
        %get3A_273 = arith.constant 0 : index
        %get3A_274 = tpu.vector_load %arg6[%get3A_272, %get3A_273] {strides = array<i32>} : memref<256x64xf32, #tpu.memory_space<vmem>>, vector<1x16xf32>,
        %get3A_275 = vector.shape_cast %get3A_274 : vector<1x16xf32> to vector<16xf32>
        %mul3A_276 = arith.constant 8.000000e+00 : f32
        %mul3A_277 = vector.broadcast %mul3A_276 : f32 to vector<16xf32>
        %mul3A_278 = arith.mulf %get3A_275, %mul3A_277 : vector<16xf32>
        %add3A_279 = arith.constant 1 : i32
        %add3A_280 = arith.addi %add3A_207, %add3A_279 : i32
        %swap3A_281 = arith.index_cast %add3A_280 : i32 to index
        %swap3A_282 = arith.constant 0 : index
        %swap3A_283 = tpu.vector_load %arg8[%swap3A_281, %swap3A_282] {strides = array<i32>} : memref<256x64xf32, #tpu.memory_space<vmem>>, vector<1x16xf32>,
        %swap3A_284 = vector.shape_cast %swap3A_283 : vector<1x16xf32> to vector<16xf32>
        %swap3A_285 = vector.shape_cast %mul3A_278 : vector<16xf32> to vector<1x16xf32>
        tpu.vector_store %arg8[%swap3A_281, %swap3A_282], %swap3A_285 {strides = array<i32>} : memref<256x64xf32, #tpu.memory_space<vmem>>, vector<1x16xf32>,
        %add3A_286 = arith.constant 1 : i32
        %add3A_287 = arith.addi %add3A_207, %add3A_286 : i32
        %get3A_288 = arith.index_cast %add3A_287 : i32 to index
        %get3A_289 = arith.constant 16 : index
        %get3A_290 = tpu.vector_load %arg6[%get3A_288, %get3A_289] {strides = array<i32>} : memref<256x64xf32, #tpu.memory_space<vmem>>, vector<1x16xf32>,
        %get3A_291 = vector.shape_cast %get3A_290 : vector<1x16xf32> to vector<16xf32>
        %mul3A_292 = arith.constant 8.000000e+00 : f32
        %mul3A_293 = vector.broadcast %mul3A_292 : f32 to vector<16xf32>
        %mul3A_294 = arith.mulf %get3A_291, %mul3A_293 : vector<16xf32>
        %add3A_295 = arith.constant 1 : i32
        %add3A_296 = arith.addi %add3A_207, %add3A_295 : i32
        %swap3A_297 = arith.index_cast %add3A_296 : i32 to index
        %swap3A_298 = arith.constant 16 : index
        %swap3A_299 = tpu.vector_load %arg8[%swap3A_297, %swap3A_298] {strides = array<i32>} : memref<256x64xf32, #tpu.memory_space<vmem>>, vector<1x16xf32>,
        %swap3A_300 = vector.shape_cast %swap3A_299 : vector<1x16xf32> to vector<16xf32>
        %swap3A_301 = vector.shape_cast %mul3A_294 : vector<16xf32> to vector<1x16xf32>
        tpu.vector_store %arg8[%swap3A_297, %swap3A_298], %swap3A_301 {strides = array<i32>} : memref<256x64xf32, #tpu.memory_space<vmem>>, vector<1x16xf32>,
        %add3A_302 = arith.constant 1 : i32
        %add3A_303 = arith.addi %add3A_207, %add3A_302 : i32
        %get3A_304 = arith.index_cast %add3A_303 : i32 to index
        %get3A_305 = arith.constant 32 : index
        %get3A_306 = tpu.vector_load %arg6[%get3A_304, %get3A_305] {strides = array<i32>} : memref<256x64xf32, #tpu.memory_space<vmem>>, vector<1x16xf32>,
        %get3A_307 = vector.shape_cast %get3A_306 : vector<1x16xf32> to vector<16xf32>
        %mul3A_308 = arith.constant 8.000000e+00 : f32
        %mul3A_309 = vector.broadcast %mul3A_308 : f32 to vector<16xf32>
        %mul3A_310 = arith.mulf %get3A_307, %mul3A_309 : vector<16xf32>
        %add3A_311 = arith.constant 1 : i32
        %add3A_312 = arith.addi %add3A_207, %add3A_311 : i32
        %swap3A_313 = arith.index_cast %add3A_312 : i32 to index
        %swap3A_314 = arith.constant 32 : index
        %swap3A_315 = tpu.vector_load %arg8[%swap3A_313, %swap3A_314] {strides = array<i32>} : memref<256x64xf32, #tpu.memory_space<vmem>>, vector<1x16xf32>,
        %swap3A_316 = vector.shape_cast %swap3A_315 : vector<1x16xf32> to vector<16xf32>
        %swap3A_317 = vector.shape_cast %mul3A_310 : vector<16xf32> to vector<1x16xf32>
        tpu.vector_store %arg8[%swap3A_313, %swap3A_314], %swap3A_317 {strides = array<i32>} : memref<256x64xf32, #tpu.memory_space<vmem>>, vector<1x16xf32>,
        %add3A_318 = arith.constant 1 : i32
        %add3A_319 = arith.addi %add3A_207, %add3A_318 : i32
        %get3A_320 = arith.index_cast %add3A_319 : i32 to index
        %get3A_321 = arith.constant 48 : index
        %get3A_322 = tpu.vector_load %arg6[%get3A_320, %get3A_321] {strides = array<i32>} : memref<256x64xf32, #tpu.memory_space<vmem>>, vector<1x16xf32>,
        %get3A_323 = vector.shape_cast %get3A_322 : vector<1x16xf32> to vector<16xf32>
        %mul3A_324 = arith.constant 8.000000e+00 : f32
        %mul3A_325 = vector.broadcast %mul3A_324 : f32 to vector<16xf32>
        %mul3A_326 = arith.mulf %get3A_323, %mul3A_325 : vector<16xf32>
        %add3A_327 = arith.constant 1 : i32
        %add3A_328 = arith.addi %add3A_207, %add3A_327 : i32
        %swap3A_329 = arith.index_cast %add3A_328 : i32 to index
        %swap3A_330 = arith.constant 48 : index
        %swap3A_331 = tpu.vector_load %arg8[%swap3A_329, %swap3A_330] {strides = array<i32>} : memref<256x64xf32, #tpu.memory_space<vmem>>, vector<1x16xf32>,
        %swap3A_332 = vector.shape_cast %swap3A_331 : vector<1x16xf32> to vector<16xf32>
        %swap3A_333 = vector.shape_cast %mul3A_326 : vector<16xf32> to vector<1x16xf32>
        tpu.vector_store %arg8[%swap3A_329, %swap3A_330], %swap3A_333 {strides = array<i32>} : memref<256x64xf32, #tpu.memory_space<vmem>>, vector<1x16xf32>,
        %add3A_334 = arith.constant 2 : i32
        %add3A_335 = arith.addi %add3A_207, %add3A_334 : i32
        %get3A_336 = arith.index_cast %add3A_335 : i32 to index
        %get3A_337 = arith.constant 0 : index
        %get3A_338 = tpu.vector_load %arg6[%get3A_336, %get3A_337] {strides = array<i32>} : memref<256x64xf32, #tpu.memory_space<vmem>>, vector<1x16xf32>,
        %get3A_339 = vector.shape_cast %get3A_338 : vector<1x16xf32> to vector<16xf32>
        %mul3A_340 = arith.constant 8.000000e+00 : f32
        %mul3A_341 = vector.broadcast %mul3A_340 : f32 to vector<16xf32>
        %mul3A_342 = arith.mulf %get3A_339, %mul3A_341 : vector<16xf32>
        %add3A_343 = arith.constant 2 : i32
        %add3A_344 = arith.addi %add3A_207, %add3A_343 : i32
        %swap3A_345 = arith.index_cast %add3A_344 : i32 to index
        %swap3A_346 = arith.constant 0 : index
        %swap3A_347 = tpu.vector_load %arg8[%swap3A_345, %swap3A_346] {strides = array<i32>} : memref<256x64xf32, #tpu.memory_space<vmem>>, vector<1x16xf32>,
        %swap3A_348 = vector.shape_cast %swap3A_347 : vector<1x16xf32> to vector<16xf32>
        %swap3A_349 = vector.shape_cast %mul3A_342 : vector<16xf32> to vector<1x16xf32>
        tpu.vector_store %arg8[%swap3A_345, %swap3A_346], %swap3A_349 {strides = array<i32>} : memref<256x64xf32, #tpu.memory_space<vmem>>, vector<1x16xf32>,
        %add3A_350 = arith.constant 2 : i32
        %add3A_351 = arith.addi %add3A_207, %add3A_350 : i32
        %get3A_352 = arith.index_cast %add3A_351 : i32 to index
        %get3A_353 = arith.constant 16 : index
        %get3A_354 = tpu.vector_load %arg6[%get3A_352, %get3A_353] {strides = array<i32>} : memref<256x64xf32, #tpu.memory_space<vmem>>, vector<1x16xf32>,
        %get3A_355 = vector.shape_cast %get3A_354 : vector<1x16xf32> to vector<16xf32>
        %mul3A_356 = arith.constant 8.000000e+00 : f32
        %mul3A_357 = vector.broadcast %mul3A_356 : f32 to vector<16xf32>
        %mul3A_358 = arith.mulf %get3A_355, %mul3A_357 : vector<16xf32>
        %add3A_359 = arith.constant 2 : i32
        %add3A_360 = arith.addi %add3A_207, %add3A_359 : i32
        %swap3A_361 = arith.index_cast %add3A_360 : i32 to index
        %swap3A_362 = arith.constant 16 : index
        %swap3A_363 = tpu.vector_load %arg8[%swap3A_361, %swap3A_362] {strides = array<i32>} : memref<256x64xf32, #tpu.memory_space<vmem>>, vector<1x16xf32>,
        %swap3A_364 = vector.shape_cast %swap3A_363 : vector<1x16xf32> to vector<16xf32>
        %swap3A_365 = vector.shape_cast %mul3A_358 : vector<16xf32> to vector<1x16xf32>
        tpu.vector_store %arg8[%swap3A_361, %swap3A_362], %swap3A_365 {strides = array<i32>} : memref<256x64xf32, #tpu.memory_space<vmem>>, vector<1x16xf32>,
        %add3A_366 = arith.constant 2 : i32
        %add3A_367 = arith.addi %add3A_207, %add3A_366 : i32
        %get3A_368 = arith.index_cast %add3A_367 : i32 to index
        %get3A_369 = arith.constant 32 : index
        %get3A_370 = tpu.vector_load %arg6[%get3A_368, %get3A_369] {strides = array<i32>} : memref<256x64xf32, #tpu.memory_space<vmem>>, vector<1x16xf32>,
        %get3A_371 = vector.shape_cast %get3A_370 : vector<1x16xf32> to vector<16xf32>
        %mul3A_372 = arith.constant 8.000000e+00 : f32
        %mul3A_373 = vector.broadcast %mul3A_372 : f32 to vector<16xf32>
        %mul3A_374 = arith.mulf %get3A_371, %mul3A_373 : vector<16xf32>
        %add3A_375 = arith.constant 2 : i32
        %add3A_376 = arith.addi %add3A_207, %add3A_375 : i32
        %swap3A_377 = arith.index_cast %add3A_376 : i32 to index
        %swap3A_378 = arith.constant 32 : index
        %swap3A_379 = tpu.vector_load %arg8[%swap3A_377, %swap3A_378] {strides = array<i32>} : memref<256x64xf32, #tpu.memory_space<vmem>>, vector<1x16xf32>,
        %swap3A_380 = vector.shape_cast %swap3A_379 : vector<1x16xf32> to vector<16xf32>
        %swap3A_381 = vector.shape_cast %mul3A_374 : vector<16xf32> to vector<1x16xf32>
        tpu.vector_store %arg8[%swap3A_377, %swap3A_378], %swap3A_381 {strides = array<i32>} : memref<256x64xf32, #tpu.memory_space<vmem>>, vector<1x16xf32>,
        %add3A_382 = arith.constant 2 : i32
        %add3A_383 = arith.addi %add3A_207, %add3A_382 : i32
        %get3A_384 = arith.index_cast %add3A_383 : i32 to index
        %get3A_385 = arith.constant 48 : index
        %get3A_386 = tpu.vector_load %arg6[%get3A_384, %get3A_385] {strides = array<i32>} : memref<256x64xf32, #tpu.memory_space<vmem>>, vector<1x16xf32>,
        %get3A_387 = vector.shape_cast %get3A_386 : vector<1x16xf32> to vector<16xf32>
        %mul3A_388 = arith.constant 8.000000e+00 : f32
        %mul3A_389 = vector.broadcast %mul3A_388 : f32 to vector<16xf32>
        %mul3A_390 = arith.mulf %get3A_387, %mul3A_389 : vector<16xf32>
        %add3A_391 = arith.constant 2 : i32
        %add3A_392 = arith.addi %add3A_207, %add3A_391 : i32
        %swap3A_393 = arith.index_cast %add3A_392 : i32 to index
        %swap3A_394 = arith.constant 48 : index
        %swap3A_395 = tpu.vector_load %arg8[%swap3A_393, %swap3A_394] {strides = array<i32>} : memref<256x64xf32, #tpu.memory_space<vmem>>, vector<1x16xf32>,
        %swap3A_396 = vector.shape_cast %swap3A_395 : vector<1x16xf32> to vector<16xf32>
        %swap3A_397 = vector.shape_cast %mul3A_390 : vector<16xf32> to vector<1x16xf32>
        tpu.vector_store %arg8[%swap3A_393, %swap3A_394], %swap3A_397 {strides = array<i32>} : memref<256x64xf32, #tpu.memory_space<vmem>>, vector<1x16xf32>,
        %add3A_398 = arith.constant 3 : i32
        %add3A_399 = arith.addi %add3A_207, %add3A_398 : i32
        %get3A_400 = arith.index_cast %add3A_399 : i32 to index
        %get3A_401 = arith.constant 0 : index
        %get3A_402 = tpu.vector_load %arg6[%get3A_400, %get3A_401] {strides = array<i32>} : memref<256x64xf32, #tpu.memory_space<vmem>>, vector<1x16xf32>,
        %get3A_403 = vector.shape_cast %get3A_402 : vector<1x16xf32> to vector<16xf32>
        %mul3A_404 = arith.constant 8.000000e+00 : f32
        %mul3A_405 = vector.broadcast %mul3A_404 : f32 to vector<16xf32>
        %mul3A_406 = arith.mulf %get3A_403, %mul3A_405 : vector<16xf32>
        %add3A_407 = arith.constant 3 : i32
        %add3A_408 = arith.addi %add3A_207, %add3A_407 : i32
        %swap3A_409 = arith.index_cast %add3A_408 : i32 to index
        %swap3A_410 = arith.constant 0 : index
        %swap3A_411 = tpu.vector_load %arg8[%swap3A_409, %swap3A_410] {strides = array<i32>} : memref<256x64xf32, #tpu.memory_space<vmem>>, vector<1x16xf32>,
        %swap3A_412 = vector.shape_cast %swap3A_411 : vector<1x16xf32> to vector<16xf32>
        %swap3A_413 = vector.shape_cast %mul3A_406 : vector<16xf32> to vector<1x16xf32>
        tpu.vector_store %arg8[%swap3A_409, %swap3A_410], %swap3A_413 {strides = array<i32>} : memref<256x64xf32, #tpu.memory_space<vmem>>, vector<1x16xf32>,
        %add3A_414 = arith.constant 3 : i32
        %add3A_415 = arith.addi %add3A_207, %add3A_414 : i32
        %get3A_416 = arith.index_cast %add3A_415 : i32 to index
        %get3A_417 = arith.constant 16 : index
        %get3A_418 = tpu.vector_load %arg6[%get3A_416, %get3A_417] {strides = array<i32>} : memref<256x64xf32, #tpu.memory_space<vmem>>, vector<1x16xf32>,
        %get3A_419 = vector.shape_cast %get3A_418 : vector<1x16xf32> to vector<16xf32>
        %mul3A_420 = arith.constant 8.000000e+00 : f32
        %mul3A_421 = vector.broadcast %mul3A_420 : f32 to vector<16xf32>
        %mul3A_422 = arith.mulf %get3A_419, %mul3A_421 : vector<16xf32>
        %add3A_423 = arith.constant 3 : i32
        %add3A_424 = arith.addi %add3A_207, %add3A_423 : i32
        %swap3A_425 = arith.index_cast %add3A_424 : i32 to index
        %swap3A_426 = arith.constant 16 : index
        %swap3A_427 = tpu.vector_load %arg8[%swap3A_425, %swap3A_426] {strides = array<i32>} : memref<256x64xf32, #tpu.memory_space<vmem>>, vector<1x16xf32>,
        %swap3A_428 = vector.shape_cast %swap3A_427 : vector<1x16xf32> to vector<16xf32>
        %swap3A_429 = vector.shape_cast %mul3A_422 : vector<16xf32> to vector<1x16xf32>
        tpu.vector_store %arg8[%swap3A_425, %swap3A_426], %swap3A_429 {strides = array<i32>} : memref<256x64xf32, #tpu.memory_space<vmem>>, vector<1x16xf32>,
        %add3A_430 = arith.constant 3 : i32
        %add3A_431 = arith.addi %add3A_207, %add3A_430 : i32
        %get3A_432 = arith.index_cast %add3A_431 : i32 to index
        %get3A_433 = arith.constant 32 : index
        %get3A_434 = tpu.vector_load %arg6[%get3A_432, %get3A_433] {strides = array<i32>} : memref<256x64xf32, #tpu.memory_space<vmem>>, vector<1x16xf32>,
        %get3A_435 = vector.shape_cast %get3A_434 : vector<1x16xf32> to vector<16xf32>
        %mul3A_436 = arith.constant 8.000000e+00 : f32
        %mul3A_437 = vector.broadcast %mul3A_436 : f32 to vector<16xf32>
        %mul3A_438 = arith.mulf %get3A_435, %mul3A_437 : vector<16xf32>
        %add3A_439 = arith.constant 3 : i32
        %add3A_440 = arith.addi %add3A_207, %add3A_439 : i32
        %swap3A_441 = arith.index_cast %add3A_440 : i32 to index
        %swap3A_442 = arith.constant 32 : index
        %swap3A_443 = tpu.vector_load %arg8[%swap3A_441, %swap3A_442] {strides = array<i32>} : memref<256x64xf32, #tpu.memory_space<vmem>>, vector<1x16xf32>,
        %swap3A_444 = vector.shape_cast %swap3A_443 : vector<1x16xf32> to vector<16xf32>
        %swap3A_445 = vector.shape_cast %mul3A_438 : vector<16xf32> to vector<1x16xf32>
        tpu.vector_store %arg8[%swap3A_441, %swap3A_442], %swap3A_445 {strides = array<i32>} : memref<256x64xf32, #tpu.memory_space<vmem>>, vector<1x16xf32>,
        %add3A_446 = arith.constant 3 : i32
        %add3A_447 = arith.addi %add3A_207, %add3A_446 : i32
        %get3A_448 = arith.index_cast %add3A_447 : i32 to index
        %get3A_449 = arith.constant 48 : index
        %get3A_450 = tpu.vector_load %arg6[%get3A_448, %get3A_449] {strides = array<i32>} : memref<256x64xf32, #tpu.memory_space<vmem>>, vector<1x16xf32>,
        %get3A_451 = vector.shape_cast %get3A_450 : vector<1x16xf32> to vector<16xf32>
        %mul3A_452 = arith.constant 8.000000e+00 : f32
        %mul3A_453 = vector.broadcast %mul3A_452 : f32 to vector<16xf32>
        %mul3A_454 = arith.mulf %get3A_451, %mul3A_453 : vector<16xf32>
        %add3A_455 = arith.constant 3 : i32
        %add3A_456 = arith.addi %add3A_207, %add3A_455 : i32
        %swap3A_457 = arith.index_cast %add3A_456 : i32 to index
        %swap3A_458 = arith.constant 48 : index
        %swap3A_459 = tpu.vector_load %arg8[%swap3A_457, %swap3A_458] {strides = array<i32>} : memref<256x64xf32, #tpu.memory_space<vmem>>, vector<1x16xf32>,
        %swap3A_460 = vector.shape_cast %swap3A_459 : vector<1x16xf32> to vector<16xf32>
        %swap3A_461 = vector.shape_cast %mul3A_454 : vector<16xf32> to vector<1x16xf32>
        tpu.vector_store %arg8[%swap3A_457, %swap3A_458], %swap3A_461 {strides = array<i32>} : memref<256x64xf32, #tpu.memory_space<vmem>>, vector<1x16xf32>,
        %add3A_462 = arith.constant 4 : i32
        %add3A_463 = arith.addi %add3A_207, %add3A_462 : i32
        %get3A_464 = arith.index_cast %add3A_463 : i32 to index
        %get3A_465 = arith.constant 0 : index
        %get3A_466 = tpu.vector_load %arg6[%get3A_464, %get3A_465] {strides = array<i32>} : memref<256x64xf32, #tpu.memory_space<vmem>>, vector<1x16xf32>,
        %get3A_467 = vector.shape_cast %get3A_466 : vector<1x16xf32> to vector<16xf32>
        %mul3A_468 = arith.constant 8.000000e+00 : f32
        %mul3A_469 = vector.broadcast %mul3A_468 : f32 to vector<16xf32>
        %mul3A_470 = arith.mulf %get3A_467, %mul3A_469 : vector<16xf32>
        %add3A_471 = arith.constant 4 : i32
        %add3A_472 = arith.addi %add3A_207, %add3A_471 : i32
        %swap3A_473 = arith.index_cast %add3A_472 : i32 to index
        %swap3A_474 = arith.constant 0 : index
        %swap3A_475 = tpu.vector_load %arg8[%swap3A_473, %swap3A_474] {strides = array<i32>} : memref<256x64xf32, #tpu.memory_space<vmem>>, vector<1x16xf32>,
        %swap3A_476 = vector.shape_cast %swap3A_475 : vector<1x16xf32> to vector<16xf32>
        %swap3A_477 = vector.shape_cast %mul3A_470 : vector<16xf32> to vector<1x16xf32>
        tpu.vector_store %arg8[%swap3A_473, %swap3A_474], %swap3A_477 {strides = array<i32>} : memref<256x64xf32, #tpu.memory_space<vmem>>, vector<1x16xf32>,
        %add3A_478 = arith.constant 4 : i32
        %add3A_479 = arith.addi %add3A_207, %add3A_478 : i32
        %get3A_480 = arith.index_cast %add3A_479 : i32 to index
        %get3A_481 = arith.constant 16 : index
        %get3A_482 = tpu.vector_load %arg6[%get3A_480, %get3A_481] {strides = array<i32>} : memref<256x64xf32, #tpu.memory_space<vmem>>, vector<1x16xf32>,
        %get3A_483 = vector.shape_cast %get3A_482 : vector<1x16xf32> to vector<16xf32>
        %mul3A_484 = arith.constant 8.000000e+00 : f32
        %mul3A_485 = vector.broadcast %mul3A_484 : f32 to vector<16xf32>
        %mul3A_486 = arith.mulf %get3A_483, %mul3A_485 : vector<16xf32>
        %add3A_487 = arith.constant 4 : i32
        %add3A_488 = arith.addi %add3A_207, %add3A_487 : i32
        %swap3A_489 = arith.index_cast %add3A_488 : i32 to index
        %swap3A_490 = arith.constant 16 : index
        %swap3A_491 = tpu.vector_load %arg8[%swap3A_489, %swap3A_490] {strides = array<i32>} : memref<256x64xf32, #tpu.memory_space<vmem>>, vector<1x16xf32>,
        %swap3A_492 = vector.shape_cast %swap3A_491 : vector<1x16xf32> to vector<16xf32>
        %swap3A_493 = vector.shape_cast %mul3A_486 : vector<16xf32> to vector<1x16xf32>
        tpu.vector_store %arg8[%swap3A_489, %swap3A_490], %swap3A_493 {strides = array<i32>} : memref<256x64xf32, #tpu.memory_space<vmem>>, vector<1x16xf32>,
        %add3A_494 = arith.constant 4 : i32
        %add3A_495 = arith.addi %add3A_207, %add3A_494 : i32
        %get3A_496 = arith.index_cast %add3A_495 : i32 to index
        %get3A_497 = arith.constant 32 : index
        %get3A_498 = tpu.vector_load %arg6[%get3A_496, %get3A_497] {strides = array<i32>} : memref<256x64xf32, #tpu.memory_space<vmem>>, vector<1x16xf32>,
        %get3A_499 = vector.shape_cast %get3A_498 : vector<1x16xf32> to vector<16xf32>
        %mul3A_500 = arith.constant 8.000000e+00 : f32
        %mul3A_501 = vector.broadcast %mul3A_500 : f32 to vector<16xf32>
        %mul3A_502 = arith.mulf %get3A_499, %mul3A_501 : vector<16xf32>
        %add3A_503 = arith.constant 4 : i32
        %add3A_504 = arith.addi %add3A_207, %add3A_503 : i32
        %swap3A_505 = arith.index_cast %add3A_504 : i32 to index
        %swap3A_506 = arith.constant 32 : index
        %swap3A_507 = tpu.vector_load %arg8[%swap3A_505, %swap3A_506] {strides = array<i32>} : memref<256x64xf32, #tpu.memory_space<vmem>>, vector<1x16xf32>,
        %swap3A_508 = vector.shape_cast %swap3A_507 : vector<1x16xf32> to vector<16xf32>
        %swap3A_509 = vector.shape_cast %mul3A_502 : vector<16xf32> to vector<1x16xf32>
        tpu.vector_store %arg8[%swap3A_505, %swap3A_506], %swap3A_509 {strides = array<i32>} : memref<256x64xf32, #tpu.memory_space<vmem>>, vector<1x16xf32>,
        %add3A_510 = arith.constant 4 : i32
        %add3A_511 = arith.addi %add3A_207, %add3A_510 : i32
        %get3A_512 = arith.index_cast %add3A_511 : i32 to index
        %get3A_513 = arith.constant 48 : index
        %get3A_514 = tpu.vector_load %arg6[%get3A_512, %get3A_513] {strides = array<i32>} : memref<256x64xf32, #tpu.memory_space<vmem>>, vector<1x16xf32>,
        %get3A_515 = vector.shape_cast %get3A_514 : vector<1x16xf32> to vector<16xf32>
        %mul3A_516 = arith.constant 8.000000e+00 : f32
        %mul3A_517 = vector.broadcast %mul3A_516 : f32 to vector<16xf32>
        %mul3A_518 = arith.mulf %get3A_515, %mul3A_517 : vector<16xf32>
        %add3A_519 = arith.constant 4 : i32
        %add3A_520 = arith.addi %add3A_207, %add3A_519 : i32
        %swap3A_521 = arith.index_cast %add3A_520 : i32 to index
        %swap3A_522 = arith.constant 48 : index
        %swap3A_523 = tpu.vector_load %arg8[%swap3A_521, %swap3A_522] {strides = array<i32>} : memref<256x64xf32, #tpu.memory_space<vmem>>, vector<1x16xf32>,
        %swap3A_524 = vector.shape_cast %swap3A_523 : vector<1x16xf32> to vector<16xf32>
        %swap3A_525 = vector.shape_cast %mul3A_518 : vector<16xf32> to vector<1x16xf32>
        tpu.vector_store %arg8[%swap3A_521, %swap3A_522], %swap3A_525 {strides = array<i32>} : memref<256x64xf32, #tpu.memory_space<vmem>>, vector<1x16xf32>,
        %add3A_526 = arith.constant 5 : i32
        %add3A_527 = arith.addi %add3A_207, %add3A_526 : i32
        %get3A_528 = arith.index_cast %add3A_527 : i32 to index
        %get3A_529 = arith.constant 0 : index
        %get3A_530 = tpu.vector_load %arg6[%get3A_528, %get3A_529] {strides = array<i32>} : memref<256x64xf32, #tpu.memory_space<vmem>>, vector<1x16xf32>,
        %get3A_531 = vector.shape_cast %get3A_530 : vector<1x16xf32> to vector<16xf32>
        %mul3A_532 = arith.constant 8.000000e+00 : f32
        %mul3A_533 = vector.broadcast %mul3A_532 : f32 to vector<16xf32>
        %mul3A_534 = arith.mulf %get3A_531, %mul3A_533 : vector<16xf32>
        %add3A_535 = arith.constant 5 : i32
        %add3A_536 = arith.addi %add3A_207, %add3A_535 : i32
        %swap3A_537 = arith.index_cast %add3A_536 : i32 to index
        %swap3A_538 = arith.constant 0 : index
        %swap3A_539 = tpu.vector_load %arg8[%swap3A_537, %swap3A_538] {strides = array<i32>} : memref<256x64xf32, #tpu.memory_space<vmem>>, vector<1x16xf32>,
        %swap3A_540 = vector.shape_cast %swap3A_539 : vector<1x16xf32> to vector<16xf32>
        %swap3A_541 = vector.shape_cast %mul3A_534 : vector<16xf32> to vector<1x16xf32>
        tpu.vector_store %arg8[%swap3A_537, %swap3A_538], %swap3A_541 {strides = array<i32>} : memref<256x64xf32, #tpu.memory_space<vmem>>, vector<1x16xf32>,
        %add3A_542 = arith.constant 5 : i32
        %add3A_543 = arith.addi %add3A_207, %add3A_542 : i32
        %get3A_544 = arith.index_cast %add3A_543 : i32 to index
        %get3A_545 = arith.constant 16 : index
        %get3A_546 = tpu.vector_load %arg6[%get3A_544, %get3A_545] {strides = array<i32>} : memref<256x64xf32, #tpu.memory_space<vmem>>, vector<1x16xf32>,
        %get3A_547 = vector.shape_cast %get3A_546 : vector<1x16xf32> to vector<16xf32>
        %mul3A_548 = arith.constant 8.000000e+00 : f32
        %mul3A_549 = vector.broadcast %mul3A_548 : f32 to vector<16xf32>
        %mul3A_550 = arith.mulf %get3A_547, %mul3A_549 : vector<16xf32>
        %add3A_551 = arith.constant 5 : i32
        %add3A_552 = arith.addi %add3A_207, %add3A_551 : i32
        %swap3A_553 = arith.index_cast %add3A_552 : i32 to index
        %swap3A_554 = arith.constant 16 : index
        %swap3A_555 = tpu.vector_load %arg8[%swap3A_553, %swap3A_554] {strides = array<i32>} : memref<256x64xf32, #tpu.memory_space<vmem>>, vector<1x16xf32>,
        %swap3A_556 = vector.shape_cast %swap3A_555 : vector<1x16xf32> to vector<16xf32>
        %swap3A_557 = vector.shape_cast %mul3A_550 : vector<16xf32> to vector<1x16xf32>
        tpu.vector_store %arg8[%swap3A_553, %swap3A_554], %swap3A_557 {strides = array<i32>} : memref<256x64xf32, #tpu.memory_space<vmem>>, vector<1x16xf32>,
        %add3A_558 = arith.constant 5 : i32
        %add3A_559 = arith.addi %add3A_207, %add3A_558 : i32
        %get3A_560 = arith.index_cast %add3A_559 : i32 to index
        %get3A_561 = arith.constant 32 : index
        %get3A_562 = tpu.vector_load %arg6[%get3A_560, %get3A_561] {strides = array<i32>} : memref<256x64xf32, #tpu.memory_space<vmem>>, vector<1x16xf32>,
        %get3A_563 = vector.shape_cast %get3A_562 : vector<1x16xf32> to vector<16xf32>
        %mul3A_564 = arith.constant 8.000000e+00 : f32
        %mul3A_565 = vector.broadcast %mul3A_564 : f32 to vector<16xf32>
        %mul3A_566 = arith.mulf %get3A_563, %mul3A_565 : vector<16xf32>
        %add3A_567 = arith.constant 5 : i32
        %add3A_568 = arith.addi %add3A_207, %add3A_567 : i32
        %swap3A_569 = arith.index_cast %add3A_568 : i32 to index
        %swap3A_570 = arith.constant 32 : index
        %swap3A_571 = tpu.vector_load %arg8[%swap3A_569, %swap3A_570] {strides = array<i32>} : memref<256x64xf32, #tpu.memory_space<vmem>>, vector<1x16xf32>,
        %swap3A_572 = vector.shape_cast %swap3A_571 : vector<1x16xf32> to vector<16xf32>
        %swap3A_573 = vector.shape_cast %mul3A_566 : vector<16xf32> to vector<1x16xf32>
        tpu.vector_store %arg8[%swap3A_569, %swap3A_570], %swap3A_573 {strides = array<i32>} : memref<256x64xf32, #tpu.memory_space<vmem>>, vector<1x16xf32>,
        %add3A_574 = arith.constant 5 : i32
        %add3A_575 = arith.addi %add3A_207, %add3A_574 : i32
        %get3A_576 = arith.index_cast %add3A_575 : i32 to index
        %get3A_577 = arith.constant 48 : index
        %get3A_578 = tpu.vector_load %arg6[%get3A_576, %get3A_577] {strides = array<i32>} : memref<256x64xf32, #tpu.memory_space<vmem>>, vector<1x16xf32>,
        %get3A_579 = vector.shape_cast %get3A_578 : vector<1x16xf32> to vector<16xf32>
        %mul3A_580 = arith.constant 8.000000e+00 : f32
        %mul3A_581 = vector.broadcast %mul3A_580 : f32 to vector<16xf32>
        %mul3A_582 = arith.mulf %get3A_579, %mul3A_581 : vector<16xf32>
        %add3A_583 = arith.constant 5 : i32
        %add3A_584 = arith.addi %add3A_207, %add3A_583 : i32
        %swap3A_585 = arith.index_cast %add3A_584 : i32 to index
        %swap3A_586 = arith.constant 48 : index
        %swap3A_587 = tpu.vector_load %arg8[%swap3A_585, %swap3A_586] {strides = array<i32>} : memref<256x64xf32, #tpu.memory_space<vmem>>, vector<1x16xf32>,
        %swap3A_588 = vector.shape_cast %swap3A_587 : vector<1x16xf32> to vector<16xf32>
        %swap3A_589 = vector.shape_cast %mul3A_582 : vector<16xf32> to vector<1x16xf32>
        tpu.vector_store %arg8[%swap3A_585, %swap3A_586], %swap3A_589 {strides = array<i32>} : memref<256x64xf32, #tpu.memory_space<vmem>>, vector<1x16xf32>,
        %add3A_590 = arith.constant 6 : i32
        %add3A_591 = arith.addi %add3A_207, %add3A_590 : i32
        %get3A_592 = arith.index_cast %add3A_591 : i32 to index
        %get3A_593 = arith.constant 0 : index
        %get3A_594 = tpu.vector_load %arg6[%get3A_592, %get3A_593] {strides = array<i32>} : memref<256x64xf32, #tpu.memory_space<vmem>>, vector<1x16xf32>,
        %get3A_595 = vector.shape_cast %get3A_594 : vector<1x16xf32> to vector<16xf32>
        %mul3A_596 = arith.constant 8.000000e+00 : f32
        %mul3A_597 = vector.broadcast %mul3A_596 : f32 to vector<16xf32>
        %mul3A_598 = arith.mulf %get3A_595, %mul3A_597 : vector<16xf32>
        %add3A_599 = arith.constant 6 : i32
        %add3A_600 = arith.addi %add3A_207, %add3A_599 : i32
        %swap3A_601 = arith.index_cast %add3A_600 : i32 to index
        %swap3A_602 = arith.constant 0 : index
        %swap3A_603 = tpu.vector_load %arg8[%swap3A_601, %swap3A_602] {strides = array<i32>} : memref<256x64xf32, #tpu.memory_space<vmem>>, vector<1x16xf32>,
        %swap3A_604 = vector.shape_cast %swap3A_603 : vector<1x16xf32> to vector<16xf32>
        %swap3A_605 = vector.shape_cast %mul3A_598 : vector<16xf32> to vector<1x16xf32>
        tpu.vector_store %arg8[%swap3A_601, %swap3A_602], %swap3A_605 {strides = array<i32>} : memref<256x64xf32, #tpu.memory_space<vmem>>, vector<1x16xf32>,
        %add3A_606 = arith.constant 6 : i32
        %add3A_607 = arith.addi %add3A_207, %add3A_606 : i32
        %get3A_608 = arith.index_cast %add3A_607 : i32 to index
        %get3A_609 = arith.constant 16 : index
        %get3A_610 = tpu.vector_load %arg6[%get3A_608, %get3A_609] {strides = array<i32>} : memref<256x64xf32, #tpu.memory_space<vmem>>, vector<1x16xf32>,
        %get3A_611 = vector.shape_cast %get3A_610 : vector<1x16xf32> to vector<16xf32>
        %mul3A_612 = arith.constant 8.000000e+00 : f32
        %mul3A_613 = vector.broadcast %mul3A_612 : f32 to vector<16xf32>
        %mul3A_614 = arith.mulf %get3A_611, %mul3A_613 : vector<16xf32>
        %add3A_615 = arith.constant 6 : i32
        %add3A_616 = arith.addi %add3A_207, %add3A_615 : i32
        %swap3A_617 = arith.index_cast %add3A_616 : i32 to index
        %swap3A_618 = arith.constant 16 : index
        %swap3A_619 = tpu.vector_load %arg8[%swap3A_617, %swap3A_618] {strides = array<i32>} : memref<256x64xf32, #tpu.memory_space<vmem>>, vector<1x16xf32>,
        %swap3A_620 = vector.shape_cast %swap3A_619 : vector<1x16xf32> to vector<16xf32>
        %swap3A_621 = vector.shape_cast %mul3A_614 : vector<16xf32> to vector<1x16xf32>
        tpu.vector_store %arg8[%swap3A_617, %swap3A_618], %swap3A_621 {strides = array<i32>} : memref<256x64xf32, #tpu.memory_space<vmem>>, vector<1x16xf32>,
        %add3A_622 = arith.constant 6 : i32
        %add3A_623 = arith.addi %add3A_207, %add3A_622 : i32
        %get3A_624 = arith.index_cast %add3A_623 : i32 to index
        %get3A_625 = arith.constant 32 : index
        %get3A_626 = tpu.vector_load %arg6[%get3A_624, %get3A_625] {strides = array<i32>} : memref<256x64xf32, #tpu.memory_space<vmem>>, vector<1x16xf32>,
        %get3A_627 = vector.shape_cast %get3A_626 : vector<1x16xf32> to vector<16xf32>
        %mul3A_628 = arith.constant 8.000000e+00 : f32
        %mul3A_629 = vector.broadcast %mul3A_628 : f32 to vector<16xf32>
        %mul3A_630 = arith.mulf %get3A_627, %mul3A_629 : vector<16xf32>
        %add3A_631 = arith.constant 6 : i32
        %add3A_632 = arith.addi %add3A_207, %add3A_631 : i32
        %swap3A_633 = arith.index_cast %add3A_632 : i32 to index
        %swap3A_634 = arith.constant 32 : index
        %swap3A_635 = tpu.vector_load %arg8[%swap3A_633, %swap3A_634] {strides = array<i32>} : memref<256x64xf32, #tpu.memory_space<vmem>>, vector<1x16xf32>,
        %swap3A_636 = vector.shape_cast %swap3A_635 : vector<1x16xf32> to vector<16xf32>
        %swap3A_637 = vector.shape_cast %mul3A_630 : vector<16xf32> to vector<1x16xf32>
        tpu.vector_store %arg8[%swap3A_633, %swap3A_634], %swap3A_637 {strides = array<i32>} : memref<256x64xf32, #tpu.memory_space<vmem>>, vector<1x16xf32>,
        %add3A_638 = arith.constant 6 : i32
        %add3A_639 = arith.addi %add3A_207, %add3A_638 : i32
        %get3A_640 = arith.index_cast %add3A_639 : i32 to index
        %get3A_641 = arith.constant 48 : index
        %get3A_642 = tpu.vector_load %arg6[%get3A_640, %get3A_641] {strides = array<i32>} : memref<256x64xf32, #tpu.memory_space<vmem>>, vector<1x16xf32>,
        %get3A_643 = vector.shape_cast %get3A_642 : vector<1x16xf32> to vector<16xf32>
        %mul3A_644 = arith.constant 8.000000e+00 : f32
        %mul3A_645 = vector.broadcast %mul3A_644 : f32 to vector<16xf32>
        %mul3A_646 = arith.mulf %get3A_643, %mul3A_645 : vector<16xf32>
        %add3A_647 = arith.constant 6 : i32
        %add3A_648 = arith.addi %add3A_207, %add3A_647 : i32
        %swap3A_649 = arith.index_cast %add3A_648 : i32 to index
        %swap3A_650 = arith.constant 48 : index
        %swap3A_651 = tpu.vector_load %arg8[%swap3A_649, %swap3A_650] {strides = array<i32>} : memref<256x64xf32, #tpu.memory_space<vmem>>, vector<1x16xf32>,
        %swap3A_652 = vector.shape_cast %swap3A_651 : vector<1x16xf32> to vector<16xf32>
        %swap3A_653 = vector.shape_cast %mul3A_646 : vector<16xf32> to vector<1x16xf32>
        tpu.vector_store %arg8[%swap3A_649, %swap3A_650], %swap3A_653 {strides = array<i32>} : memref<256x64xf32, #tpu.memory_space<vmem>>, vector<1x16xf32>,
        %add3A_654 = arith.constant 7 : i32
        %add3A_655 = arith.addi %add3A_207, %add3A_654 : i32
        %get3A_656 = arith.index_cast %add3A_655 : i32 to index
        %get3A_657 = arith.constant 0 : index
        %get3A_658 = tpu.vector_load %arg6[%get3A_656, %get3A_657] {strides = array<i32>} : memref<256x64xf32, #tpu.memory_space<vmem>>, vector<1x16xf32>,
        %get3A_659 = vector.shape_cast %get3A_658 : vector<1x16xf32> to vector<16xf32>
        %mul3A_660 = arith.constant 8.000000e+00 : f32
        %mul3A_661 = vector.broadcast %mul3A_660 : f32 to vector<16xf32>
        %mul3A_662 = arith.mulf %get3A_659, %mul3A_661 : vector<16xf32>
        %add3A_663 = arith.constant 7 : i32
        %add3A_664 = arith.addi %add3A_207, %add3A_663 : i32
        %swap3A_665 = arith.index_cast %add3A_664 : i32 to index
        %swap3A_666 = arith.constant 0 : index
        %swap3A_667 = tpu.vector_load %arg8[%swap3A_665, %swap3A_666] {strides = array<i32>} : memref<256x64xf32, #tpu.memory_space<vmem>>, vector<1x16xf32>,
        %swap3A_668 = vector.shape_cast %swap3A_667 : vector<1x16xf32> to vector<16xf32>
        %swap3A_669 = vector.shape_cast %mul3A_662 : vector<16xf32> to vector<1x16xf32>
        tpu.vector_store %arg8[%swap3A_665, %swap3A_666], %swap3A_669 {strides = array<i32>} : memref<256x64xf32, #tpu.memory_space<vmem>>, vector<1x16xf32>,
        %add3A_670 = arith.constant 7 : i32
        %add3A_671 = arith.addi %add3A_207, %add3A_670 : i32
        %get3A_672 = arith.index_cast %add3A_671 : i32 to index
        %get3A_673 = arith.constant 16 : index
        %get3A_674 = tpu.vector_load %arg6[%get3A_672, %get3A_673] {strides = array<i32>} : memref<256x64xf32, #tpu.memory_space<vmem>>, vector<1x16xf32>,
        %get3A_675 = vector.shape_cast %get3A_674 : vector<1x16xf32> to vector<16xf32>
        %mul3A_676 = arith.constant 8.000000e+00 : f32
        %mul3A_677 = vector.broadcast %mul3A_676 : f32 to vector<16xf32>
        %mul3A_678 = arith.mulf %get3A_675, %mul3A_677 : vector<16xf32>
        %add3A_679 = arith.constant 7 : i32
        %add3A_680 = arith.addi %add3A_207, %add3A_679 : i32
        %swap3A_681 = arith.index_cast %add3A_680 : i32 to index
        %swap3A_682 = arith.constant 16 : index
        %swap3A_683 = tpu.vector_load %arg8[%swap3A_681, %swap3A_682] {strides = array<i32>} : memref<256x64xf32, #tpu.memory_space<vmem>>, vector<1x16xf32>,
        %swap3A_684 = vector.shape_cast %swap3A_683 : vector<1x16xf32> to vector<16xf32>
        %swap3A_685 = vector.shape_cast %mul3A_678 : vector<16xf32> to vector<1x16xf32>
        tpu.vector_store %arg8[%swap3A_681, %swap3A_682], %swap3A_685 {strides = array<i32>} : memref<256x64xf32, #tpu.memory_space<vmem>>, vector<1x16xf32>,
        %add3A_686 = arith.constant 7 : i32
        %add3A_687 = arith.addi %add3A_207, %add3A_686 : i32
        %get3A_688 = arith.index_cast %add3A_687 : i32 to index
        %get3A_689 = arith.constant 32 : index
        %get3A_690 = tpu.vector_load %arg6[%get3A_688, %get3A_689] {strides = array<i32>} : memref<256x64xf32, #tpu.memory_space<vmem>>, vector<1x16xf32>,
        %get3A_691 = vector.shape_cast %get3A_690 : vector<1x16xf32> to vector<16xf32>
        %mul3A_692 = arith.constant 8.000000e+00 : f32
        %mul3A_693 = vector.broadcast %mul3A_692 : f32 to vector<16xf32>
        %mul3A_694 = arith.mulf %get3A_691, %mul3A_693 : vector<16xf32>
        %add3A_695 = arith.constant 7 : i32
        %add3A_696 = arith.addi %add3A_207, %add3A_695 : i32
        %swap3A_697 = arith.index_cast %add3A_696 : i32 to index
        %swap3A_698 = arith.constant 32 : index
        %swap3A_699 = tpu.vector_load %arg8[%swap3A_697, %swap3A_698] {strides = array<i32>} : memref<256x64xf32, #tpu.memory_space<vmem>>, vector<1x16xf32>,
        %swap3A_700 = vector.shape_cast %swap3A_699 : vector<1x16xf32> to vector<16xf32>
        %swap3A_701 = vector.shape_cast %mul3A_694 : vector<16xf32> to vector<1x16xf32>
        tpu.vector_store %arg8[%swap3A_697, %swap3A_698], %swap3A_701 {strides = array<i32>} : memref<256x64xf32, #tpu.memory_space<vmem>>, vector<1x16xf32>,
        %add3A_702 = arith.constant 7 : i32
        %add3A_703 = arith.addi %add3A_207, %add3A_702 : i32
        %get3A_704 = arith.index_cast %add3A_703 : i32 to index
        %get3A_705 = arith.constant 48 : index
        %get3A_706 = tpu.vector_load %arg6[%get3A_704, %get3A_705] {strides = array<i32>} : memref<256x64xf32, #tpu.memory_space<vmem>>, vector<1x16xf32>,
        %get3A_707 = vector.shape_cast %get3A_706 : vector<1x16xf32> to vector<16xf32>
        %mul3A_708 = arith.constant 8.000000e+00 : f32
        %mul3A_709 = vector.broadcast %mul3A_708 : f32 to vector<16xf32>
        %mul3A_710 = arith.mulf %get3A_707, %mul3A_709 : vector<16xf32>
        %add3A_711 = arith.constant 7 : i32
        %add3A_712 = arith.addi %add3A_207, %add3A_711 : i32
        %swap3A_713 = arith.index_cast %add3A_712 : i32 to index
        %swap3A_714 = arith.constant 48 : index
        %swap3A_715 = tpu.vector_load %arg8[%swap3A_713, %swap3A_714] {strides = array<i32>} : memref<256x64xf32, #tpu.memory_space<vmem>>, vector<1x16xf32>,
        %swap3A_716 = vector.shape_cast %swap3A_715 : vector<1x16xf32> to vector<16xf32>
        %swap3A_717 = vector.shape_cast %mul3A_710 : vector<16xf32> to vector<1x16xf32>
        tpu.vector_store %arg8[%swap3A_713, %swap3A_714], %swap3A_717 {strides = array<i32>} : memref<256x64xf32, #tpu.memory_space<vmem>>, vector<1x16xf32>,
      }
      %scan3A_140 = arith.constant 32 : i32
      %add3A_141 = arith.constant 0 : i32
      %add3A_142 = arith.addi %add3A_117, %add3A_141 : i32
      %mul3A_143 = arith.constant 256 : i32
      %mul3A_144 = arith.muli %add3A_142, %mul3A_143 : i32
      %add3A_145 = arith.addi %mul3A_2, %mul3A_144 : i32
      %dma_start3A_146 = arith.constant 0 : i32
      %dma_start3A_147 = tpu.memref_slice %arg4[%add3A_145, %dma_start3A_146] : memref<819200x64xf32, #tpu.memory_space<hbm>> -> memref<256x64xf32, #tpu.memory_space<hbm>>
      %dma_start3A_148 = arith.constant 0 : i32
      %dma_start3A_149 = tpu.memref_slice %arg4[%add3A_145, %dma_start3A_148] : memref<819200x64xf32, #tpu.memory_space<hbm>> -> memref<256x64xf32, #tpu.memory_space<hbm>>
      tpu.enqueue_dma source(%arg8 : memref<256x64xf32, #tpu.memory_space<vmem>>) target(%dma_start3A_149 : memref<256x64xf32, #tpu.memory_space<hbm>>) target_semaphore(%arg12 : memref<!tpu.dma_semaphore, #tpu.memory_space<semaphore_mem>>)
      %add3A_150 = arith.constant 0 : i32
      %add3A_151 = arith.addi %add3A_117, %add3A_150 : i32
      %add3A_152 = arith.constant 2 : i32
      %add3A_153 = arith.addi %add3A_151, %add3A_152 : i32
      %mul3A_154 = arith.constant 256 : i32
      %mul3A_155 = arith.muli %add3A_153, %mul3A_154 : i32
      %dma_start3A_156 = tpu.memref_slice %arg5[%mul3A_155] : memref<25600xi32, #tpu.memory_space<vmem>> -> memref<256xi32, #tpu.memory_space<vmem>>
      %dma_start3A_157 = arith.constant 0 : i32
      %dma_start3A_158 = arith.constant 0 : i32
      %dma_start3A_159 = tpu.memref_slice %arg2[%dma_start3A_157, %dma_start3A_158] : memref<1000000x64xf32, #tpu.memory_space<hbm>> -> memref<1000000x64xf32, #tpu.memory_space<hbm>>
      tpu.enqueue_indirect_dma source(%dma_start3A_159 : memref<1000000x64xf32, #tpu.memory_space<hbm>>) target(%arg6 : memref<256x64xf32, #tpu.memory_space<vmem>>) offsets(%dma_start3A_156 : memref<256xi32, #tpu.memory_space<vmem>>) semaphore(%arg10 : memref<!tpu.dma_semaphore, #tpu.memory_space<semaphore_mem>>)
      %add3A_160 = arith.constant 1 : i32
      %add3A_161 = arith.addi %add3A_117, %add3A_160 : i32
      %mul3A_162 = arith.constant 256 : i32
      %mul3A_163 = arith.muli %add3A_161, %mul3A_162 : i32
      %dma_wait3A_164 = tpu.memref_slice %arg5[%mul3A_163] : memref<25600xi32, #tpu.memory_space<vmem>> -> memref<256xi32, #tpu.memory_space<vmem>>
      %dma_wait3A_165 = arith.constant 0 : i32
      %dma_wait3A_166 = arith.constant 0 : i32
      %dma_wait3A_167 = tpu.memref_slice %arg2[%dma_wait3A_165, %dma_wait3A_166] : memref<1000000x64xf32, #tpu.memory_space<hbm>> -> memref<1000000x64xf32, #tpu.memory_space<hbm>>
      tpu.wait_indirect_dma semaphore(%arg11 : memref<!tpu.dma_semaphore, #tpu.memory_space<semaphore_mem>>) src(%dma_wait3A_167 : memref<1000000x64xf32, #tpu.memory_space<hbm>>) dst(%arg7 : memref<256x64xf32, #tpu.memory_space<vmem>>)
      %add3A_168 = arith.constant 1 : i32
      %add3A_169 = arith.addi %add3A_117, %add3A_168 : i32
      %sub3A_170 = arith.constant 2 : i32
      %sub3A_171 = arith.subi %add3A_169, %sub3A_170 : i32
      %mul3A_172 = arith.constant 256 : i32
      %mul3A_173 = arith.muli %sub3A_171, %mul3A_172 : i32
      %add3A_174 = arith.addi %mul3A_2, %mul3A_173 : i32
      %dma_wait3A_175 = arith.constant 0 : i32
      %dma_wait3A_176 = tpu.memref_slice %arg4[%add3A_174, %dma_wait3A_175] : memref<819200x64xf32, #tpu.memory_space<hbm>> -> memref<256x64xf32, #tpu.memory_space<hbm>>
      %dma_wait3A_177 = arith.constant 0 : i32
      %dma_wait3A_178 = tpu.memref_slice %arg4[%add3A_174, %dma_wait3A_177] : memref<819200x64xf32, #tpu.memory_space<hbm>> -> memref<256x64xf32, #tpu.memory_space<hbm>>
      tpu.wait_dma2 semaphore(%arg13 : memref<!tpu.dma_semaphore, #tpu.memory_space<semaphore_mem>>) src(%arg9 : memref<256x64xf32, #tpu.memory_space<vmem>>) dst(%dma_wait3A_178 : memref<256x64xf32, #tpu.memory_space<hbm>>)
      %scan3A_179 = arith.constant 0 : i32
      %scan3A_180 = arith.constant 32 : i32
      %scan3A_181 = arith.addi %scan3A_179, %scan3A_180 : i32
      %scan3A_182 = arith.constant 1 : i32
      scf.for %scan3A_203 = %scan3A_179 to %scan3A_181 step %scan3A_182  : i32 {
        %mul3A_204 = arith.constant 8 : i32
        %mul3A_205 = arith.muli %scan3A_203, %mul3A_204 : i32
        %add3A_206 = arith.constant 0 : i32
        %add3A_207 = arith.addi %add3A_206, %mul3A_205 : i32
        %add3A_208 = arith.constant 0 : i32
        %add3A_209 = arith.addi %add3A_207, %add3A_208 : i32
        %get3A = arith.index_cast %add3A_209 : i32 to index
        %get3A_210 = arith.constant 0 : index
        %get3A_211 = tpu.vector_load %arg7[%get3A, %get3A_210] {strides = array<i32>} : memref<256x64xf32, #tpu.memory_space<vmem>>, vector<1x16xf32>,
        %get3A_212 = vector.shape_cast %get3A_211 : vector<1x16xf32> to vector<16xf32>
        %mul3A_213 = arith.constant 8.000000e+00 : f32
        %mul3A_214 = vector.broadcast %mul3A_213 : f32 to vector<16xf32>
        %mul3A_215 = arith.mulf %get3A_212, %mul3A_214 : vector<16xf32>
        %add3A_216 = arith.constant 0 : i32
        %add3A_217 = arith.addi %add3A_207, %add3A_216 : i32
        %swap3A = arith.index_cast %add3A_217 : i32 to index
        %swap3A_218 = arith.constant 0 : index
        %swap3A_219 = tpu.vector_load %arg9[%swap3A, %swap3A_218] {strides = array<i32>} : memref<256x64xf32, #tpu.memory_space<vmem>>, vector<1x16xf32>,
        %swap3A_220 = vector.shape_cast %swap3A_219 : vector<1x16xf32> to vector<16xf32>
        %swap3A_221 = vector.shape_cast %mul3A_215 : vector<16xf32> to vector<1x16xf32>
        tpu.vector_store %arg9[%swap3A, %swap3A_218], %swap3A_221 {strides = array<i32>} : memref<256x64xf32, #tpu.memory_space<vmem>>, vector<1x16xf32>,
        %add3A_222 = arith.constant 0 : i32
        %add3A_223 = arith.addi %add3A_207, %add3A_222 : i32
        %get3A_224 = arith.index_cast %add3A_223 : i32 to index
        %get3A_225 = arith.constant 16 : index
        %get3A_226 = tpu.vector_load %arg7[%get3A_224, %get3A_225] {strides = array<i32>} : memref<256x64xf32, #tpu.memory_space<vmem>>, vector<1x16xf32>,
        %get3A_227 = vector.shape_cast %get3A_226 : vector<1x16xf32> to vector<16xf32>
        %mul3A_228 = arith.constant 8.000000e+00 : f32
        %mul3A_229 = vector.broadcast %mul3A_228 : f32 to vector<16xf32>
        %mul3A_230 = arith.mulf %get3A_227, %mul3A_229 : vector<16xf32>
        %add3A_231 = arith.constant 0 : i32
        %add3A_232 = arith.addi %add3A_207, %add3A_231 : i32
        %swap3A_233 = arith.index_cast %add3A_232 : i32 to index
        %swap3A_234 = arith.constant 16 : index
        %swap3A_235 = tpu.vector_load %arg9[%swap3A_233, %swap3A_234] {strides = array<i32>} : memref<256x64xf32, #tpu.memory_space<vmem>>, vector<1x16xf32>,
        %swap3A_236 = vector.shape_cast %swap3A_235 : vector<1x16xf32> to vector<16xf32>
        %swap3A_237 = vector.shape_cast %mul3A_230 : vector<16xf32> to vector<1x16xf32>
        tpu.vector_store %arg9[%swap3A_233, %swap3A_234], %swap3A_237 {strides = array<i32>} : memref<256x64xf32, #tpu.memory_space<vmem>>, vector<1x16xf32>,
        %add3A_238 = arith.constant 0 : i32
        %add3A_239 = arith.addi %add3A_207, %add3A_238 : i32
        %get3A_240 = arith.index_cast %add3A_239 : i32 to index
        %get3A_241 = arith.constant 32 : index
        %get3A_242 = tpu.vector_load %arg7[%get3A_240, %get3A_241] {strides = array<i32>} : memref<256x64xf32, #tpu.memory_space<vmem>>, vector<1x16xf32>,
        %get3A_243 = vector.shape_cast %get3A_242 : vector<1x16xf32> to vector<16xf32>
        %mul3A_244 = arith.constant 8.000000e+00 : f32
        %mul3A_245 = vector.broadcast %mul3A_244 : f32 to vector<16xf32>
        %mul3A_246 = arith.mulf %get3A_243, %mul3A_245 : vector<16xf32>
        %add3A_247 = arith.constant 0 : i32
        %add3A_248 = arith.addi %add3A_207, %add3A_247 : i32
        %swap3A_249 = arith.index_cast %add3A_248 : i32 to index
        %swap3A_250 = arith.constant 32 : index
        %swap3A_251 = tpu.vector_load %arg9[%swap3A_249, %swap3A_250] {strides = array<i32>} : memref<256x64xf32, #tpu.memory_space<vmem>>, vector<1x16xf32>,
        %swap3A_252 = vector.shape_cast %swap3A_251 : vector<1x16xf32> to vector<16xf32>
        %swap3A_253 = vector.shape_cast %mul3A_246 : vector<16xf32> to vector<1x16xf32>
        tpu.vector_store %arg9[%swap3A_249, %swap3A_250], %swap3A_253 {strides = array<i32>} : memref<256x64xf32, #tpu.memory_space<vmem>>, vector<1x16xf32>,
        %add3A_254 = arith.constant 0 : i32
        %add3A_255 = arith.addi %add3A_207, %add3A_254 : i32
        %get3A_256 = arith.index_cast %add3A_255 : i32 to index
        %get3A_257 = arith.constant 48 : index
        %get3A_258 = tpu.vector_load %arg7[%get3A_256, %get3A_257] {strides = array<i32>} : memref<256x64xf32, #tpu.memory_space<vmem>>, vector<1x16xf32>,
        %get3A_259 = vector.shape_cast %get3A_258 : vector<1x16xf32> to vector<16xf32>
        %mul3A_260 = arith.constant 8.000000e+00 : f32
        %mul3A_261 = vector.broadcast %mul3A_260 : f32 to vector<16xf32>
        %mul3A_262 = arith.mulf %get3A_259, %mul3A_261 : vector<16xf32>
        %add3A_263 = arith.constant 0 : i32
        %add3A_264 = arith.addi %add3A_207, %add3A_263 : i32
        %swap3A_265 = arith.index_cast %add3A_264 : i32 to index
        %swap3A_266 = arith.constant 48 : index
        %swap3A_267 = tpu.vector_load %arg9[%swap3A_265, %swap3A_266] {strides = array<i32>} : memref<256x64xf32, #tpu.memory_space<vmem>>, vector<1x16xf32>,
        %swap3A_268 = vector.shape_cast %swap3A_267 : vector<1x16xf32> to vector<16xf32>
        %swap3A_269 = vector.shape_cast %mul3A_262 : vector<16xf32> to vector<1x16xf32>
        tpu.vector_store %arg9[%swap3A_265, %swap3A_266], %swap3A_269 {strides = array<i32>} : memref<256x64xf32, #tpu.memory_space<vmem>>, vector<1x16xf32>,
        %add3A_270 = arith.constant 1 : i32
        %add3A_271 = arith.addi %add3A_207, %add3A_270 : i32
        %get3A_272 = arith.index_cast %add3A_271 : i32 to index
        %get3A_273 = arith.constant 0 : index
        %get3A_274 = tpu.vector_load %arg7[%get3A_272, %get3A_273] {strides = array<i32>} : memref<256x64xf32, #tpu.memory_space<vmem>>, vector<1x16xf32>,
        %get3A_275 = vector.shape_cast %get3A_274 : vector<1x16xf32> to vector<16xf32>
        %mul3A_276 = arith.constant 8.000000e+00 : f32
        %mul3A_277 = vector.broadcast %mul3A_276 : f32 to vector<16xf32>
        %mul3A_278 = arith.mulf %get3A_275, %mul3A_277 : vector<16xf32>
        %add3A_279 = arith.constant 1 : i32
        %add3A_280 = arith.addi %add3A_207, %add3A_279 : i32
        %swap3A_281 = arith.index_cast %add3A_280 : i32 to index
        %swap3A_282 = arith.constant 0 : index
        %swap3A_283 = tpu.vector_load %arg9[%swap3A_281, %swap3A_282] {strides = array<i32>} : memref<256x64xf32, #tpu.memory_space<vmem>>, vector<1x16xf32>,
        %swap3A_284 = vector.shape_cast %swap3A_283 : vector<1x16xf32> to vector<16xf32>
        %swap3A_285 = vector.shape_cast %mul3A_278 : vector<16xf32> to vector<1x16xf32>
        tpu.vector_store %arg9[%swap3A_281, %swap3A_282], %swap3A_285 {strides = array<i32>} : memref<256x64xf32, #tpu.memory_space<vmem>>, vector<1x16xf32>,
        %add3A_286 = arith.constant 1 : i32
        %add3A_287 = arith.addi %add3A_207, %add3A_286 : i32
        %get3A_288 = arith.index_cast %add3A_287 : i32 to index
        %get3A_289 = arith.constant 16 : index
        %get3A_290 = tpu.vector_load %arg7[%get3A_288, %get3A_289] {strides = array<i32>} : memref<256x64xf32, #tpu.memory_space<vmem>>, vector<1x16xf32>,
        %get3A_291 = vector.shape_cast %get3A_290 : vector<1x16xf32> to vector<16xf32>
        %mul3A_292 = arith.constant 8.000000e+00 : f32
        %mul3A_293 = vector.broadcast %mul3A_292 : f32 to vector<16xf32>
        %mul3A_294 = arith.mulf %get3A_291, %mul3A_293 : vector<16xf32>
        %add3A_295 = arith.constant 1 : i32
        %add3A_296 = arith.addi %add3A_207, %add3A_295 : i32
        %swap3A_297 = arith.index_cast %add3A_296 : i32 to index
        %swap3A_298 = arith.constant 16 : index
        %swap3A_299 = tpu.vector_load %arg9[%swap3A_297, %swap3A_298] {strides = array<i32>} : memref<256x64xf32, #tpu.memory_space<vmem>>, vector<1x16xf32>,
        %swap3A_300 = vector.shape_cast %swap3A_299 : vector<1x16xf32> to vector<16xf32>
        %swap3A_301 = vector.shape_cast %mul3A_294 : vector<16xf32> to vector<1x16xf32>
        tpu.vector_store %arg9[%swap3A_297, %swap3A_298], %swap3A_301 {strides = array<i32>} : memref<256x64xf32, #tpu.memory_space<vmem>>, vector<1x16xf32>,
        %add3A_302 = arith.constant 1 : i32
        %add3A_303 = arith.addi %add3A_207, %add3A_302 : i32
        %get3A_304 = arith.index_cast %add3A_303 : i32 to index
        %get3A_305 = arith.constant 32 : index
        %get3A_306 = tpu.vector_load %arg7[%get3A_304, %get3A_305] {strides = array<i32>} : memref<256x64xf32, #tpu.memory_space<vmem>>, vector<1x16xf32>,
        %get3A_307 = vector.shape_cast %get3A_306 : vector<1x16xf32> to vector<16xf32>
        %mul3A_308 = arith.constant 8.000000e+00 : f32
        %mul3A_309 = vector.broadcast %mul3A_308 : f32 to vector<16xf32>
        %mul3A_310 = arith.mulf %get3A_307, %mul3A_309 : vector<16xf32>
        %add3A_311 = arith.constant 1 : i32
        %add3A_312 = arith.addi %add3A_207, %add3A_311 : i32
        %swap3A_313 = arith.index_cast %add3A_312 : i32 to index
        %swap3A_314 = arith.constant 32 : index
        %swap3A_315 = tpu.vector_load %arg9[%swap3A_313, %swap3A_314] {strides = array<i32>} : memref<256x64xf32, #tpu.memory_space<vmem>>, vector<1x16xf32>,
        %swap3A_316 = vector.shape_cast %swap3A_315 : vector<1x16xf32> to vector<16xf32>
        %swap3A_317 = vector.shape_cast %mul3A_310 : vector<16xf32> to vector<1x16xf32>
        tpu.vector_store %arg9[%swap3A_313, %swap3A_314], %swap3A_317 {strides = array<i32>} : memref<256x64xf32, #tpu.memory_space<vmem>>, vector<1x16xf32>,
        %add3A_318 = arith.constant 1 : i32
        %add3A_319 = arith.addi %add3A_207, %add3A_318 : i32
        %get3A_320 = arith.index_cast %add3A_319 : i32 to index
        %get3A_321 = arith.constant 48 : index
        %get3A_322 = tpu.vector_load %arg7[%get3A_320, %get3A_321] {strides = array<i32>} : memref<256x64xf32, #tpu.memory_space<vmem>>, vector<1x16xf32>,
        %get3A_323 = vector.shape_cast %get3A_322 : vector<1x16xf32> to vector<16xf32>
        %mul3A_324 = arith.constant 8.000000e+00 : f32
        %mul3A_325 = vector.broadcast %mul3A_324 : f32 to vector<16xf32>
        %mul3A_326 = arith.mulf %get3A_323, %mul3A_325 : vector<16xf32>
        %add3A_327 = arith.constant 1 : i32
        %add3A_328 = arith.addi %add3A_207, %add3A_327 : i32
        %swap3A_329 = arith.index_cast %add3A_328 : i32 to index
        %swap3A_330 = arith.constant 48 : index
        %swap3A_331 = tpu.vector_load %arg9[%swap3A_329, %swap3A_330] {strides = array<i32>} : memref<256x64xf32, #tpu.memory_space<vmem>>, vector<1x16xf32>,
        %swap3A_332 = vector.shape_cast %swap3A_331 : vector<1x16xf32> to vector<16xf32>
        %swap3A_333 = vector.shape_cast %mul3A_326 : vector<16xf32> to vector<1x16xf32>
        tpu.vector_store %arg9[%swap3A_329, %swap3A_330], %swap3A_333 {strides = array<i32>} : memref<256x64xf32, #tpu.memory_space<vmem>>, vector<1x16xf32>,
        %add3A_334 = arith.constant 2 : i32
        %add3A_335 = arith.addi %add3A_207, %add3A_334 : i32
        %get3A_336 = arith.index_cast %add3A_335 : i32 to index
        %get3A_337 = arith.constant 0 : index
        %get3A_338 = tpu.vector_load %arg7[%get3A_336, %get3A_337] {strides = array<i32>} : memref<256x64xf32, #tpu.memory_space<vmem>>, vector<1x16xf32>,
        %get3A_339 = vector.shape_cast %get3A_338 : vector<1x16xf32> to vector<16xf32>
        %mul3A_340 = arith.constant 8.000000e+00 : f32
        %mul3A_341 = vector.broadcast %mul3A_340 : f32 to vector<16xf32>
        %mul3A_342 = arith.mulf %get3A_339, %mul3A_341 : vector<16xf32>
        %add3A_343 = arith.constant 2 : i32
        %add3A_344 = arith.addi %add3A_207, %add3A_343 : i32
        %swap3A_345 = arith.index_cast %add3A_344 : i32 to index
        %swap3A_346 = arith.constant 0 : index
        %swap3A_347 = tpu.vector_load %arg9[%swap3A_345, %swap3A_346] {strides = array<i32>} : memref<256x64xf32, #tpu.memory_space<vmem>>, vector<1x16xf32>,
        %swap3A_348 = vector.shape_cast %swap3A_347 : vector<1x16xf32> to vector<16xf32>
        %swap3A_349 = vector.shape_cast %mul3A_342 : vector<16xf32> to vector<1x16xf32>
        tpu.vector_store %arg9[%swap3A_345, %swap3A_346], %swap3A_349 {strides = array<i32>} : memref<256x64xf32, #tpu.memory_space<vmem>>, vector<1x16xf32>,
        %add3A_350 = arith.constant 2 : i32
        %add3A_351 = arith.addi %add3A_207, %add3A_350 : i32
        %get3A_352 = arith.index_cast %add3A_351 : i32 to index
        %get3A_353 = arith.constant 16 : index
        %get3A_354 = tpu.vector_load %arg7[%get3A_352, %get3A_353] {strides = array<i32>} : memref<256x64xf32, #tpu.memory_space<vmem>>, vector<1x16xf32>,
        %get3A_355 = vector.shape_cast %get3A_354 : vector<1x16xf32> to vector<16xf32>
        %mul3A_356 = arith.constant 8.000000e+00 : f32
        %mul3A_357 = vector.broadcast %mul3A_356 : f32 to vector<16xf32>
        %mul3A_358 = arith.mulf %get3A_355, %mul3A_357 : vector<16xf32>
        %add3A_359 = arith.constant 2 : i32
        %add3A_360 = arith.addi %add3A_207, %add3A_359 : i32
        %swap3A_361 = arith.index_cast %add3A_360 : i32 to index
        %swap3A_362 = arith.constant 16 : index
        %swap3A_363 = tpu.vector_load %arg9[%swap3A_361, %swap3A_362] {strides = array<i32>} : memref<256x64xf32, #tpu.memory_space<vmem>>, vector<1x16xf32>,
        %swap3A_364 = vector.shape_cast %swap3A_363 : vector<1x16xf32> to vector<16xf32>
        %swap3A_365 = vector.shape_cast %mul3A_358 : vector<16xf32> to vector<1x16xf32>
        tpu.vector_store %arg9[%swap3A_361, %swap3A_362], %swap3A_365 {strides = array<i32>} : memref<256x64xf32, #tpu.memory_space<vmem>>, vector<1x16xf32>,
        %add3A_366 = arith.constant 2 : i32
        %add3A_367 = arith.addi %add3A_207, %add3A_366 : i32
        %get3A_368 = arith.index_cast %add3A_367 : i32 to index
        %get3A_369 = arith.constant 32 : index
        %get3A_370 = tpu.vector_load %arg7[%get3A_368, %get3A_369] {strides = array<i32>} : memref<256x64xf32, #tpu.memory_space<vmem>>, vector<1x16xf32>,
        %get3A_371 = vector.shape_cast %get3A_370 : vector<1x16xf32> to vector<16xf32>
        %mul3A_372 = arith.constant 8.000000e+00 : f32
        %mul3A_373 = vector.broadcast %mul3A_372 : f32 to vector<16xf32>
        %mul3A_374 = arith.mulf %get3A_371, %mul3A_373 : vector<16xf32>
        %add3A_375 = arith.constant 2 : i32
        %add3A_376 = arith.addi %add3A_207, %add3A_375 : i32
        %swap3A_377 = arith.index_cast %add3A_376 : i32 to index
        %swap3A_378 = arith.constant 32 : index
        %swap3A_379 = tpu.vector_load %arg9[%swap3A_377, %swap3A_378] {strides = array<i32>} : memref<256x64xf32, #tpu.memory_space<vmem>>, vector<1x16xf32>,
        %swap3A_380 = vector.shape_cast %swap3A_379 : vector<1x16xf32> to vector<16xf32>
        %swap3A_381 = vector.shape_cast %mul3A_374 : vector<16xf32> to vector<1x16xf32>
        tpu.vector_store %arg9[%swap3A_377, %swap3A_378], %swap3A_381 {strides = array<i32>} : memref<256x64xf32, #tpu.memory_space<vmem>>, vector<1x16xf32>,
        %add3A_382 = arith.constant 2 : i32
        %add3A_383 = arith.addi %add3A_207, %add3A_382 : i32
        %get3A_384 = arith.index_cast %add3A_383 : i32 to index
        %get3A_385 = arith.constant 48 : index
        %get3A_386 = tpu.vector_load %arg7[%get3A_384, %get3A_385] {strides = array<i32>} : memref<256x64xf32, #tpu.memory_space<vmem>>, vector<1x16xf32>,
        %get3A_387 = vector.shape_cast %get3A_386 : vector<1x16xf32> to vector<16xf32>
        %mul3A_388 = arith.constant 8.000000e+00 : f32
        %mul3A_389 = vector.broadcast %mul3A_388 : f32 to vector<16xf32>
        %mul3A_390 = arith.mulf %get3A_387, %mul3A_389 : vector<16xf32>
        %add3A_391 = arith.constant 2 : i32
        %add3A_392 = arith.addi %add3A_207, %add3A_391 : i32
        %swap3A_393 = arith.index_cast %add3A_392 : i32 to index
        %swap3A_394 = arith.constant 48 : index
        %swap3A_395 = tpu.vector_load %arg9[%swap3A_393, %swap3A_394] {strides = array<i32>} : memref<256x64xf32, #tpu.memory_space<vmem>>, vector<1x16xf32>,
        %swap3A_396 = vector.shape_cast %swap3A_395 : vector<1x16xf32> to vector<16xf32>
        %swap3A_397 = vector.shape_cast %mul3A_390 : vector<16xf32> to vector<1x16xf32>
        tpu.vector_store %arg9[%swap3A_393, %swap3A_394], %swap3A_397 {strides = array<i32>} : memref<256x64xf32, #tpu.memory_space<vmem>>, vector<1x16xf32>,
        %add3A_398 = arith.constant 3 : i32
        %add3A_399 = arith.addi %add3A_207, %add3A_398 : i32
        %get3A_400 = arith.index_cast %add3A_399 : i32 to index
        %get3A_401 = arith.constant 0 : index
        %get3A_402 = tpu.vector_load %arg7[%get3A_400, %get3A_401] {strides = array<i32>} : memref<256x64xf32, #tpu.memory_space<vmem>>, vector<1x16xf32>,
        %get3A_403 = vector.shape_cast %get3A_402 : vector<1x16xf32> to vector<16xf32>
        %mul3A_404 = arith.constant 8.000000e+00 : f32
        %mul3A_405 = vector.broadcast %mul3A_404 : f32 to vector<16xf32>
        %mul3A_406 = arith.mulf %get3A_403, %mul3A_405 : vector<16xf32>
        %add3A_407 = arith.constant 3 : i32
        %add3A_408 = arith.addi %add3A_207, %add3A_407 : i32
        %swap3A_409 = arith.index_cast %add3A_408 : i32 to index
        %swap3A_410 = arith.constant 0 : index
        %swap3A_411 = tpu.vector_load %arg9[%swap3A_409, %swap3A_410] {strides = array<i32>} : memref<256x64xf32, #tpu.memory_space<vmem>>, vector<1x16xf32>,
        %swap3A_412 = vector.shape_cast %swap3A_411 : vector<1x16xf32> to vector<16xf32>
        %swap3A_413 = vector.shape_cast %mul3A_406 : vector<16xf32> to vector<1x16xf32>
        tpu.vector_store %arg9[%swap3A_409, %swap3A_410], %swap3A_413 {strides = array<i32>} : memref<256x64xf32, #tpu.memory_space<vmem>>, vector<1x16xf32>,
        %add3A_414 = arith.constant 3 : i32
        %add3A_415 = arith.addi %add3A_207, %add3A_414 : i32
        %get3A_416 = arith.index_cast %add3A_415 : i32 to index
        %get3A_417 = arith.constant 16 : index
        %get3A_418 = tpu.vector_load %arg7[%get3A_416, %get3A_417] {strides = array<i32>} : memref<256x64xf32, #tpu.memory_space<vmem>>, vector<1x16xf32>,
        %get3A_419 = vector.shape_cast %get3A_418 : vector<1x16xf32> to vector<16xf32>
        %mul3A_420 = arith.constant 8.000000e+00 : f32
        %mul3A_421 = vector.broadcast %mul3A_420 : f32 to vector<16xf32>
        %mul3A_422 = arith.mulf %get3A_419, %mul3A_421 : vector<16xf32>
        %add3A_423 = arith.constant 3 : i32
        %add3A_424 = arith.addi %add3A_207, %add3A_423 : i32
        %swap3A_425 = arith.index_cast %add3A_424 : i32 to index
        %swap3A_426 = arith.constant 16 : index
        %swap3A_427 = tpu.vector_load %arg9[%swap3A_425, %swap3A_426] {strides = array<i32>} : memref<256x64xf32, #tpu.memory_space<vmem>>, vector<1x16xf32>,
        %swap3A_428 = vector.shape_cast %swap3A_427 : vector<1x16xf32> to vector<16xf32>
        %swap3A_429 = vector.shape_cast %mul3A_422 : vector<16xf32> to vector<1x16xf32>
        tpu.vector_store %arg9[%swap3A_425, %swap3A_426], %swap3A_429 {strides = array<i32>} : memref<256x64xf32, #tpu.memory_space<vmem>>, vector<1x16xf32>,
        %add3A_430 = arith.constant 3 : i32
        %add3A_431 = arith.addi %add3A_207, %add3A_430 : i32
        %get3A_432 = arith.index_cast %add3A_431 : i32 to index
        %get3A_433 = arith.constant 32 : index
        %get3A_434 = tpu.vector_load %arg7[%get3A_432, %get3A_433] {strides = array<i32>} : memref<256x64xf32, #tpu.memory_space<vmem>>, vector<1x16xf32>,
        %get3A_435 = vector.shape_cast %get3A_434 : vector<1x16xf32> to vector<16xf32>
        %mul3A_436 = arith.constant 8.000000e+00 : f32
        %mul3A_437 = vector.broadcast %mul3A_436 : f32 to vector<16xf32>
        %mul3A_438 = arith.mulf %get3A_435, %mul3A_437 : vector<16xf32>
        %add3A_439 = arith.constant 3 : i32
        %add3A_440 = arith.addi %add3A_207, %add3A_439 : i32
        %swap3A_441 = arith.index_cast %add3A_440 : i32 to index
        %swap3A_442 = arith.constant 32 : index
        %swap3A_443 = tpu.vector_load %arg9[%swap3A_441, %swap3A_442] {strides = array<i32>} : memref<256x64xf32, #tpu.memory_space<vmem>>, vector<1x16xf32>,
        %swap3A_444 = vector.shape_cast %swap3A_443 : vector<1x16xf32> to vector<16xf32>
        %swap3A_445 = vector.shape_cast %mul3A_438 : vector<16xf32> to vector<1x16xf32>
        tpu.vector_store %arg9[%swap3A_441, %swap3A_442], %swap3A_445 {strides = array<i32>} : memref<256x64xf32, #tpu.memory_space<vmem>>, vector<1x16xf32>,
        %add3A_446 = arith.constant 3 : i32
        %add3A_447 = arith.addi %add3A_207, %add3A_446 : i32
        %get3A_448 = arith.index_cast %add3A_447 : i32 to index
        %get3A_449 = arith.constant 48 : index
        %get3A_450 = tpu.vector_load %arg7[%get3A_448, %get3A_449] {strides = array<i32>} : memref<256x64xf32, #tpu.memory_space<vmem>>, vector<1x16xf32>,
        %get3A_451 = vector.shape_cast %get3A_450 : vector<1x16xf32> to vector<16xf32>
        %mul3A_452 = arith.constant 8.000000e+00 : f32
        %mul3A_453 = vector.broadcast %mul3A_452 : f32 to vector<16xf32>
        %mul3A_454 = arith.mulf %get3A_451, %mul3A_453 : vector<16xf32>
        %add3A_455 = arith.constant 3 : i32
        %add3A_456 = arith.addi %add3A_207, %add3A_455 : i32
        %swap3A_457 = arith.index_cast %add3A_456 : i32 to index
        %swap3A_458 = arith.constant 48 : index
        %swap3A_459 = tpu.vector_load %arg9[%swap3A_457, %swap3A_458] {strides = array<i32>} : memref<256x64xf32, #tpu.memory_space<vmem>>, vector<1x16xf32>,
        %swap3A_460 = vector.shape_cast %swap3A_459 : vector<1x16xf32> to vector<16xf32>
        %swap3A_461 = vector.shape_cast %mul3A_454 : vector<16xf32> to vector<1x16xf32>
        tpu.vector_store %arg9[%swap3A_457, %swap3A_458], %swap3A_461 {strides = array<i32>} : memref<256x64xf32, #tpu.memory_space<vmem>>, vector<1x16xf32>,
        %add3A_462 = arith.constant 4 : i32
        %add3A_463 = arith.addi %add3A_207, %add3A_462 : i32
        %get3A_464 = arith.index_cast %add3A_463 : i32 to index
        %get3A_465 = arith.constant 0 : index
        %get3A_466 = tpu.vector_load %arg7[%get3A_464, %get3A_465] {strides = array<i32>} : memref<256x64xf32, #tpu.memory_space<vmem>>, vector<1x16xf32>,
        %get3A_467 = vector.shape_cast %get3A_466 : vector<1x16xf32> to vector<16xf32>
        %mul3A_468 = arith.constant 8.000000e+00 : f32
        %mul3A_469 = vector.broadcast %mul3A_468 : f32 to vector<16xf32>
        %mul3A_470 = arith.mulf %get3A_467, %mul3A_469 : vector<16xf32>
        %add3A_471 = arith.constant 4 : i32
        %add3A_472 = arith.addi %add3A_207, %add3A_471 : i32
        %swap3A_473 = arith.index_cast %add3A_472 : i32 to index
        %swap3A_474 = arith.constant 0 : index
        %swap3A_475 = tpu.vector_load %arg9[%swap3A_473, %swap3A_474] {strides = array<i32>} : memref<256x64xf32, #tpu.memory_space<vmem>>, vector<1x16xf32>,
        %swap3A_476 = vector.shape_cast %swap3A_475 : vector<1x16xf32> to vector<16xf32>
        %swap3A_477 = vector.shape_cast %mul3A_470 : vector<16xf32> to vector<1x16xf32>
        tpu.vector_store %arg9[%swap3A_473, %swap3A_474], %swap3A_477 {strides = array<i32>} : memref<256x64xf32, #tpu.memory_space<vmem>>, vector<1x16xf32>,
        %add3A_478 = arith.constant 4 : i32
        %add3A_479 = arith.addi %add3A_207, %add3A_478 : i32
        %get3A_480 = arith.index_cast %add3A_479 : i32 to index
        %get3A_481 = arith.constant 16 : index
        %get3A_482 = tpu.vector_load %arg7[%get3A_480, %get3A_481] {strides = array<i32>} : memref<256x64xf32, #tpu.memory_space<vmem>>, vector<1x16xf32>,
        %get3A_483 = vector.shape_cast %get3A_482 : vector<1x16xf32> to vector<16xf32>
        %mul3A_484 = arith.constant 8.000000e+00 : f32
        %mul3A_485 = vector.broadcast %mul3A_484 : f32 to vector<16xf32>
        %mul3A_486 = arith.mulf %get3A_483, %mul3A_485 : vector<16xf32>
        %add3A_487 = arith.constant 4 : i32
        %add3A_488 = arith.addi %add3A_207, %add3A_487 : i32
        %swap3A_489 = arith.index_cast %add3A_488 : i32 to index
        %swap3A_490 = arith.constant 16 : index
        %swap3A_491 = tpu.vector_load %arg9[%swap3A_489, %swap3A_490] {strides = array<i32>} : memref<256x64xf32, #tpu.memory_space<vmem>>, vector<1x16xf32>,
        %swap3A_492 = vector.shape_cast %swap3A_491 : vector<1x16xf32> to vector<16xf32>
        %swap3A_493 = vector.shape_cast %mul3A_486 : vector<16xf32> to vector<1x16xf32>
        tpu.vector_store %arg9[%swap3A_489, %swap3A_490], %swap3A_493 {strides = array<i32>} : memref<256x64xf32, #tpu.memory_space<vmem>>, vector<1x16xf32>,
        %add3A_494 = arith.constant 4 : i32
        %add3A_495 = arith.addi %add3A_207, %add3A_494 : i32
        %get3A_496 = arith.index_cast %add3A_495 : i32 to index
        %get3A_497 = arith.constant 32 : index
        %get3A_498 = tpu.vector_load %arg7[%get3A_496, %get3A_497] {strides = array<i32>} : memref<256x64xf32, #tpu.memory_space<vmem>>, vector<1x16xf32>,
        %get3A_499 = vector.shape_cast %get3A_498 : vector<1x16xf32> to vector<16xf32>
        %mul3A_500 = arith.constant 8.000000e+00 : f32
        %mul3A_501 = vector.broadcast %mul3A_500 : f32 to vector<16xf32>
        %mul3A_502 = arith.mulf %get3A_499, %mul3A_501 : vector<16xf32>
        %add3A_503 = arith.constant 4 : i32
        %add3A_504 = arith.addi %add3A_207, %add3A_503 : i32
        %swap3A_505 = arith.index_cast %add3A_504 : i32 to index
        %swap3A_506 = arith.constant 32 : index
        %swap3A_507 = tpu.vector_load %arg9[%swap3A_505, %swap3A_506] {strides = array<i32>} : memref<256x64xf32, #tpu.memory_space<vmem>>, vector<1x16xf32>,
        %swap3A_508 = vector.shape_cast %swap3A_507 : vector<1x16xf32> to vector<16xf32>
        %swap3A_509 = vector.shape_cast %mul3A_502 : vector<16xf32> to vector<1x16xf32>
        tpu.vector_store %arg9[%swap3A_505, %swap3A_506], %swap3A_509 {strides = array<i32>} : memref<256x64xf32, #tpu.memory_space<vmem>>, vector<1x16xf32>,
        %add3A_510 = arith.constant 4 : i32
        %add3A_511 = arith.addi %add3A_207, %add3A_510 : i32
        %get3A_512 = arith.index_cast %add3A_511 : i32 to index
        %get3A_513 = arith.constant 48 : index
        %get3A_514 = tpu.vector_load %arg7[%get3A_512, %get3A_513] {strides = array<i32>} : memref<256x64xf32, #tpu.memory_space<vmem>>, vector<1x16xf32>,
        %get3A_515 = vector.shape_cast %get3A_514 : vector<1x16xf32> to vector<16xf32>
        %mul3A_516 = arith.constant 8.000000e+00 : f32
        %mul3A_517 = vector.broadcast %mul3A_516 : f32 to vector<16xf32>
        %mul3A_518 = arith.mulf %get3A_515, %mul3A_517 : vector<16xf32>
        %add3A_519 = arith.constant 4 : i32
        %add3A_520 = arith.addi %add3A_207, %add3A_519 : i32
        %swap3A_521 = arith.index_cast %add3A_520 : i32 to index
        %swap3A_522 = arith.constant 48 : index
        %swap3A_523 = tpu.vector_load %arg9[%swap3A_521, %swap3A_522] {strides = array<i32>} : memref<256x64xf32, #tpu.memory_space<vmem>>, vector<1x16xf32>,
        %swap3A_524 = vector.shape_cast %swap3A_523 : vector<1x16xf32> to vector<16xf32>
        %swap3A_525 = vector.shape_cast %mul3A_518 : vector<16xf32> to vector<1x16xf32>
        tpu.vector_store %arg9[%swap3A_521, %swap3A_522], %swap3A_525 {strides = array<i32>} : memref<256x64xf32, #tpu.memory_space<vmem>>, vector<1x16xf32>,
        %add3A_526 = arith.constant 5 : i32
        %add3A_527 = arith.addi %add3A_207, %add3A_526 : i32
        %get3A_528 = arith.index_cast %add3A_527 : i32 to index
        %get3A_529 = arith.constant 0 : index
        %get3A_530 = tpu.vector_load %arg7[%get3A_528, %get3A_529] {strides = array<i32>} : memref<256x64xf32, #tpu.memory_space<vmem>>, vector<1x16xf32>,
        %get3A_531 = vector.shape_cast %get3A_530 : vector<1x16xf32> to vector<16xf32>
        %mul3A_532 = arith.constant 8.000000e+00 : f32
        %mul3A_533 = vector.broadcast %mul3A_532 : f32 to vector<16xf32>
        %mul3A_534 = arith.mulf %get3A_531, %mul3A_533 : vector<16xf32>
        %add3A_535 = arith.constant 5 : i32
        %add3A_536 = arith.addi %add3A_207, %add3A_535 : i32
        %swap3A_537 = arith.index_cast %add3A_536 : i32 to index
        %swap3A_538 = arith.constant 0 : index
        %swap3A_539 = tpu.vector_load %arg9[%swap3A_537, %swap3A_538] {strides = array<i32>} : memref<256x64xf32, #tpu.memory_space<vmem>>, vector<1x16xf32>,
        %swap3A_540 = vector.shape_cast %swap3A_539 : vector<1x16xf32> to vector<16xf32>
        %swap3A_541 = vector.shape_cast %mul3A_534 : vector<16xf32> to vector<1x16xf32>
        tpu.vector_store %arg9[%swap3A_537, %swap3A_538], %swap3A_541 {strides = array<i32>} : memref<256x64xf32, #tpu.memory_space<vmem>>, vector<1x16xf32>,
        %add3A_542 = arith.constant 5 : i32
        %add3A_543 = arith.addi %add3A_207, %add3A_542 : i32
        %get3A_544 = arith.index_cast %add3A_543 : i32 to index
        %get3A_545 = arith.constant 16 : index
        %get3A_546 = tpu.vector_load %arg7[%get3A_544, %get3A_545] {strides = array<i32>} : memref<256x64xf32, #tpu.memory_space<vmem>>, vector<1x16xf32>,
        %get3A_547 = vector.shape_cast %get3A_546 : vector<1x16xf32> to vector<16xf32>
        %mul3A_548 = arith.constant 8.000000e+00 : f32
        %mul3A_549 = vector.broadcast %mul3A_548 : f32 to vector<16xf32>
        %mul3A_550 = arith.mulf %get3A_547, %mul3A_549 : vector<16xf32>
        %add3A_551 = arith.constant 5 : i32
        %add3A_552 = arith.addi %add3A_207, %add3A_551 : i32
        %swap3A_553 = arith.index_cast %add3A_552 : i32 to index
        %swap3A_554 = arith.constant 16 : index
        %swap3A_555 = tpu.vector_load %arg9[%swap3A_553, %swap3A_554] {strides = array<i32>} : memref<256x64xf32, #tpu.memory_space<vmem>>, vector<1x16xf32>,
        %swap3A_556 = vector.shape_cast %swap3A_555 : vector<1x16xf32> to vector<16xf32>
        %swap3A_557 = vector.shape_cast %mul3A_550 : vector<16xf32> to vector<1x16xf32>
        tpu.vector_store %arg9[%swap3A_553, %swap3A_554], %swap3A_557 {strides = array<i32>} : memref<256x64xf32, #tpu.memory_space<vmem>>, vector<1x16xf32>,
        %add3A_558 = arith.constant 5 : i32
        %add3A_559 = arith.addi %add3A_207, %add3A_558 : i32
        %get3A_560 = arith.index_cast %add3A_559 : i32 to index
        %get3A_561 = arith.constant 32 : index
        %get3A_562 = tpu.vector_load %arg7[%get3A_560, %get3A_561] {strides = array<i32>} : memref<256x64xf32, #tpu.memory_space<vmem>>, vector<1x16xf32>,
        %get3A_563 = vector.shape_cast %get3A_562 : vector<1x16xf32> to vector<16xf32>
        %mul3A_564 = arith.constant 8.000000e+00 : f32
        %mul3A_565 = vector.broadcast %mul3A_564 : f32 to vector<16xf32>
        %mul3A_566 = arith.mulf %get3A_563, %mul3A_565 : vector<16xf32>
        %add3A_567 = arith.constant 5 : i32
        %add3A_568 = arith.addi %add3A_207, %add3A_567 : i32
        %swap3A_569 = arith.index_cast %add3A_568 : i32 to index
        %swap3A_570 = arith.constant 32 : index
        %swap3A_571 = tpu.vector_load %arg9[%swap3A_569, %swap3A_570] {strides = array<i32>} : memref<256x64xf32, #tpu.memory_space<vmem>>, vector<1x16xf32>,
        %swap3A_572 = vector.shape_cast %swap3A_571 : vector<1x16xf32> to vector<16xf32>
        %swap3A_573 = vector.shape_cast %mul3A_566 : vector<16xf32> to vector<1x16xf32>
        tpu.vector_store %arg9[%swap3A_569, %swap3A_570], %swap3A_573 {strides = array<i32>} : memref<256x64xf32, #tpu.memory_space<vmem>>, vector<1x16xf32>,
        %add3A_574 = arith.constant 5 : i32
        %add3A_575 = arith.addi %add3A_207, %add3A_574 : i32
        %get3A_576 = arith.index_cast %add3A_575 : i32 to index
        %get3A_577 = arith.constant 48 : index
        %get3A_578 = tpu.vector_load %arg7[%get3A_576, %get3A_577] {strides = array<i32>} : memref<256x64xf32, #tpu.memory_space<vmem>>, vector<1x16xf32>,
        %get3A_579 = vector.shape_cast %get3A_578 : vector<1x16xf32> to vector<16xf32>
        %mul3A_580 = arith.constant 8.000000e+00 : f32
        %mul3A_581 = vector.broadcast %mul3A_580 : f32 to vector<16xf32>
        %mul3A_582 = arith.mulf %get3A_579, %mul3A_581 : vector<16xf32>
        %add3A_583 = arith.constant 5 : i32
        %add3A_584 = arith.addi %add3A_207, %add3A_583 : i32
        %swap3A_585 = arith.index_cast %add3A_584 : i32 to index
        %swap3A_586 = arith.constant 48 : index
        %swap3A_587 = tpu.vector_load %arg9[%swap3A_585, %swap3A_586] {strides = array<i32>} : memref<256x64xf32, #tpu.memory_space<vmem>>, vector<1x16xf32>,
        %swap3A_588 = vector.shape_cast %swap3A_587 : vector<1x16xf32> to vector<16xf32>
        %swap3A_589 = vector.shape_cast %mul3A_582 : vector<16xf32> to vector<1x16xf32>
        tpu.vector_store %arg9[%swap3A_585, %swap3A_586], %swap3A_589 {strides = array<i32>} : memref<256x64xf32, #tpu.memory_space<vmem>>, vector<1x16xf32>,
        %add3A_590 = arith.constant 6 : i32
        %add3A_591 = arith.addi %add3A_207, %add3A_590 : i32
        %get3A_592 = arith.index_cast %add3A_591 : i32 to index
        %get3A_593 = arith.constant 0 : index
        %get3A_594 = tpu.vector_load %arg7[%get3A_592, %get3A_593] {strides = array<i32>} : memref<256x64xf32, #tpu.memory_space<vmem>>, vector<1x16xf32>,
        %get3A_595 = vector.shape_cast %get3A_594 : vector<1x16xf32> to vector<16xf32>
        %mul3A_596 = arith.constant 8.000000e+00 : f32
        %mul3A_597 = vector.broadcast %mul3A_596 : f32 to vector<16xf32>
        %mul3A_598 = arith.mulf %get3A_595, %mul3A_597 : vector<16xf32>
        %add3A_599 = arith.constant 6 : i32
        %add3A_600 = arith.addi %add3A_207, %add3A_599 : i32
        %swap3A_601 = arith.index_cast %add3A_600 : i32 to index
        %swap3A_602 = arith.constant 0 : index
        %swap3A_603 = tpu.vector_load %arg9[%swap3A_601, %swap3A_602] {strides = array<i32>} : memref<256x64xf32, #tpu.memory_space<vmem>>, vector<1x16xf32>,
        %swap3A_604 = vector.shape_cast %swap3A_603 : vector<1x16xf32> to vector<16xf32>
        %swap3A_605 = vector.shape_cast %mul3A_598 : vector<16xf32> to vector<1x16xf32>
        tpu.vector_store %arg9[%swap3A_601, %swap3A_602], %swap3A_605 {strides = array<i32>} : memref<256x64xf32, #tpu.memory_space<vmem>>, vector<1x16xf32>,
        %add3A_606 = arith.constant 6 : i32
        %add3A_607 = arith.addi %add3A_207, %add3A_606 : i32
        %get3A_608 = arith.index_cast %add3A_607 : i32 to index
        %get3A_609 = arith.constant 16 : index
        %get3A_610 = tpu.vector_load %arg7[%get3A_608, %get3A_609] {strides = array<i32>} : memref<256x64xf32, #tpu.memory_space<vmem>>, vector<1x16xf32>,
        %get3A_611 = vector.shape_cast %get3A_610 : vector<1x16xf32> to vector<16xf32>
        %mul3A_612 = arith.constant 8.000000e+00 : f32
        %mul3A_613 = vector.broadcast %mul3A_612 : f32 to vector<16xf32>
        %mul3A_614 = arith.mulf %get3A_611, %mul3A_613 : vector<16xf32>
        %add3A_615 = arith.constant 6 : i32
        %add3A_616 = arith.addi %add3A_207, %add3A_615 : i32
        %swap3A_617 = arith.index_cast %add3A_616 : i32 to index
        %swap3A_618 = arith.constant 16 : index
        %swap3A_619 = tpu.vector_load %arg9[%swap3A_617, %swap3A_618] {strides = array<i32>} : memref<256x64xf32, #tpu.memory_space<vmem>>, vector<1x16xf32>,
        %swap3A_620 = vector.shape_cast %swap3A_619 : vector<1x16xf32> to vector<16xf32>
        %swap3A_621 = vector.shape_cast %mul3A_614 : vector<16xf32> to vector<1x16xf32>
        tpu.vector_store %arg9[%swap3A_617, %swap3A_618], %swap3A_621 {strides = array<i32>} : memref<256x64xf32, #tpu.memory_space<vmem>>, vector<1x16xf32>,
        %add3A_622 = arith.constant 6 : i32
        %add3A_623 = arith.addi %add3A_207, %add3A_622 : i32
        %get3A_624 = arith.index_cast %add3A_623 : i32 to index
        %get3A_625 = arith.constant 32 : index
        %get3A_626 = tpu.vector_load %arg7[%get3A_624, %get3A_625] {strides = array<i32>} : memref<256x64xf32, #tpu.memory_space<vmem>>, vector<1x16xf32>,
        %get3A_627 = vector.shape_cast %get3A_626 : vector<1x16xf32> to vector<16xf32>
        %mul3A_628 = arith.constant 8.000000e+00 : f32
        %mul3A_629 = vector.broadcast %mul3A_628 : f32 to vector<16xf32>
        %mul3A_630 = arith.mulf %get3A_627, %mul3A_629 : vector<16xf32>
        %add3A_631 = arith.constant 6 : i32
        %add3A_632 = arith.addi %add3A_207, %add3A_631 : i32
        %swap3A_633 = arith.index_cast %add3A_632 : i32 to index
        %swap3A_634 = arith.constant 32 : index
        %swap3A_635 = tpu.vector_load %arg9[%swap3A_633, %swap3A_634] {strides = array<i32>} : memref<256x64xf32, #tpu.memory_space<vmem>>, vector<1x16xf32>,
        %swap3A_636 = vector.shape_cast %swap3A_635 : vector<1x16xf32> to vector<16xf32>
        %swap3A_637 = vector.shape_cast %mul3A_630 : vector<16xf32> to vector<1x16xf32>
        tpu.vector_store %arg9[%swap3A_633, %swap3A_634], %swap3A_637 {strides = array<i32>} : memref<256x64xf32, #tpu.memory_space<vmem>>, vector<1x16xf32>,
        %add3A_638 = arith.constant 6 : i32
        %add3A_639 = arith.addi %add3A_207, %add3A_638 : i32
        %get3A_640 = arith.index_cast %add3A_639 : i32 to index
        %get3A_641 = arith.constant 48 : index
        %get3A_642 = tpu.vector_load %arg7[%get3A_640, %get3A_641] {strides = array<i32>} : memref<256x64xf32, #tpu.memory_space<vmem>>, vector<1x16xf32>,
        %get3A_643 = vector.shape_cast %get3A_642 : vector<1x16xf32> to vector<16xf32>
        %mul3A_644 = arith.constant 8.000000e+00 : f32
        %mul3A_645 = vector.broadcast %mul3A_644 : f32 to vector<16xf32>
        %mul3A_646 = arith.mulf %get3A_643, %mul3A_645 : vector<16xf32>
        %add3A_647 = arith.constant 6 : i32
        %add3A_648 = arith.addi %add3A_207, %add3A_647 : i32
        %swap3A_649 = arith.index_cast %add3A_648 : i32 to index
        %swap3A_650 = arith.constant 48 : index
        %swap3A_651 = tpu.vector_load %arg9[%swap3A_649, %swap3A_650] {strides = array<i32>} : memref<256x64xf32, #tpu.memory_space<vmem>>, vector<1x16xf32>,
        %swap3A_652 = vector.shape_cast %swap3A_651 : vector<1x16xf32> to vector<16xf32>
        %swap3A_653 = vector.shape_cast %mul3A_646 : vector<16xf32> to vector<1x16xf32>
        tpu.vector_store %arg9[%swap3A_649, %swap3A_650], %swap3A_653 {strides = array<i32>} : memref<256x64xf32, #tpu.memory_space<vmem>>, vector<1x16xf32>,
        %add3A_654 = arith.constant 7 : i32
        %add3A_655 = arith.addi %add3A_207, %add3A_654 : i32
        %get3A_656 = arith.index_cast %add3A_655 : i32 to index
        %get3A_657 = arith.constant 0 : index
        %get3A_658 = tpu.vector_load %arg7[%get3A_656, %get3A_657] {strides = array<i32>} : memref<256x64xf32, #tpu.memory_space<vmem>>, vector<1x16xf32>,
        %get3A_659 = vector.shape_cast %get3A_658 : vector<1x16xf32> to vector<16xf32>
        %mul3A_660 = arith.constant 8.000000e+00 : f32
        %mul3A_661 = vector.broadcast %mul3A_660 : f32 to vector<16xf32>
        %mul3A_662 = arith.mulf %get3A_659, %mul3A_661 : vector<16xf32>
        %add3A_663 = arith.constant 7 : i32
        %add3A_664 = arith.addi %add3A_207, %add3A_663 : i32
        %swap3A_665 = arith.index_cast %add3A_664 : i32 to index
        %swap3A_666 = arith.constant 0 : index
        %swap3A_667 = tpu.vector_load %arg9[%swap3A_665, %swap3A_666] {strides = array<i32>} : memref<256x64xf32, #tpu.memory_space<vmem>>, vector<1x16xf32>,
        %swap3A_668 = vector.shape_cast %swap3A_667 : vector<1x16xf32> to vector<16xf32>
        %swap3A_669 = vector.shape_cast %mul3A_662 : vector<16xf32> to vector<1x16xf32>
        tpu.vector_store %arg9[%swap3A_665, %swap3A_666], %swap3A_669 {strides = array<i32>} : memref<256x64xf32, #tpu.memory_space<vmem>>, vector<1x16xf32>,
        %add3A_670 = arith.constant 7 : i32
        %add3A_671 = arith.addi %add3A_207, %add3A_670 : i32
        %get3A_672 = arith.index_cast %add3A_671 : i32 to index
        %get3A_673 = arith.constant 16 : index
        %get3A_674 = tpu.vector_load %arg7[%get3A_672, %get3A_673] {strides = array<i32>} : memref<256x64xf32, #tpu.memory_space<vmem>>, vector<1x16xf32>,
        %get3A_675 = vector.shape_cast %get3A_674 : vector<1x16xf32> to vector<16xf32>
        %mul3A_676 = arith.constant 8.000000e+00 : f32
        %mul3A_677 = vector.broadcast %mul3A_676 : f32 to vector<16xf32>
        %mul3A_678 = arith.mulf %get3A_675, %mul3A_677 : vector<16xf32>
        %add3A_679 = arith.constant 7 : i32
        %add3A_680 = arith.addi %add3A_207, %add3A_679 : i32
        %swap3A_681 = arith.index_cast %add3A_680 : i32 to index
        %swap3A_682 = arith.constant 16 : index
        %swap3A_683 = tpu.vector_load %arg9[%swap3A_681, %swap3A_682] {strides = array<i32>} : memref<256x64xf32, #tpu.memory_space<vmem>>, vector<1x16xf32>,
        %swap3A_684 = vector.shape_cast %swap3A_683 : vector<1x16xf32> to vector<16xf32>
        %swap3A_685 = vector.shape_cast %mul3A_678 : vector<16xf32> to vector<1x16xf32>
        tpu.vector_store %arg9[%swap3A_681, %swap3A_682], %swap3A_685 {strides = array<i32>} : memref<256x64xf32, #tpu.memory_space<vmem>>, vector<1x16xf32>,
        %add3A_686 = arith.constant 7 : i32
        %add3A_687 = arith.addi %add3A_207, %add3A_686 : i32
        %get3A_688 = arith.index_cast %add3A_687 : i32 to index
        %get3A_689 = arith.constant 32 : index
        %get3A_690 = tpu.vector_load %arg7[%get3A_688, %get3A_689] {strides = array<i32>} : memref<256x64xf32, #tpu.memory_space<vmem>>, vector<1x16xf32>,
        %get3A_691 = vector.shape_cast %get3A_690 : vector<1x16xf32> to vector<16xf32>
        %mul3A_692 = arith.constant 8.000000e+00 : f32
        %mul3A_693 = vector.broadcast %mul3A_692 : f32 to vector<16xf32>
        %mul3A_694 = arith.mulf %get3A_691, %mul3A_693 : vector<16xf32>
        %add3A_695 = arith.constant 7 : i32
        %add3A_696 = arith.addi %add3A_207, %add3A_695 : i32
        %swap3A_697 = arith.index_cast %add3A_696 : i32 to index
        %swap3A_698 = arith.constant 32 : index
        %swap3A_699 = tpu.vector_load %arg9[%swap3A_697, %swap3A_698] {strides = array<i32>} : memref<256x64xf32, #tpu.memory_space<vmem>>, vector<1x16xf32>,
        %swap3A_700 = vector.shape_cast %swap3A_699 : vector<1x16xf32> to vector<16xf32>
        %swap3A_701 = vector.shape_cast %mul3A_694 : vector<16xf32> to vector<1x16xf32>
        tpu.vector_store %arg9[%swap3A_697, %swap3A_698], %swap3A_701 {strides = array<i32>} : memref<256x64xf32, #tpu.memory_space<vmem>>, vector<1x16xf32>,
        %add3A_702 = arith.constant 7 : i32
        %add3A_703 = arith.addi %add3A_207, %add3A_702 : i32
        %get3A_704 = arith.index_cast %add3A_703 : i32 to index
        %get3A_705 = arith.constant 48 : index
        %get3A_706 = tpu.vector_load %arg7[%get3A_704, %get3A_705] {strides = array<i32>} : memref<256x64xf32, #tpu.memory_space<vmem>>, vector<1x16xf32>,
        %get3A_707 = vector.shape_cast %get3A_706 : vector<1x16xf32> to vector<16xf32>
        %mul3A_708 = arith.constant 8.000000e+00 : f32
        %mul3A_709 = vector.broadcast %mul3A_708 : f32 to vector<16xf32>
        %mul3A_710 = arith.mulf %get3A_707, %mul3A_709 : vector<16xf32>
        %add3A_711 = arith.constant 7 : i32
        %add3A_712 = arith.addi %add3A_207, %add3A_711 : i32
        %swap3A_713 = arith.index_cast %add3A_712 : i32 to index
        %swap3A_714 = arith.constant 48 : index
        %swap3A_715 = tpu.vector_load %arg9[%swap3A_713, %swap3A_714] {strides = array<i32>} : memref<256x64xf32, #tpu.memory_space<vmem>>, vector<1x16xf32>,
        %swap3A_716 = vector.shape_cast %swap3A_715 : vector<1x16xf32> to vector<16xf32>
        %swap3A_717 = vector.shape_cast %mul3A_710 : vector<16xf32> to vector<1x16xf32>
        tpu.vector_store %arg9[%swap3A_713, %swap3A_714], %swap3A_717 {strides = array<i32>} : memref<256x64xf32, #tpu.memory_space<vmem>>, vector<1x16xf32>,
      }
      %scan3A_183 = arith.constant 32 : i32
      %add3A_184 = arith.constant 1 : i32
      %add3A_185 = arith.addi %add3A_117, %add3A_184 : i32
      %mul3A_186 = arith.constant 256 : i32
      %mul3A_187 = arith.muli %add3A_185, %mul3A_186 : i32
      %add3A_188 = arith.addi %mul3A_2, %mul3A_187 : i32
      %dma_start3A_189 = arith.constant 0 : i32
      %dma_start3A_190 = tpu.memref_slice %arg4[%add3A_188, %dma_start3A_189] : memref<819200x64xf32, #tpu.memory_space<hbm>> -> memref<256x64xf32, #tpu.memory_space<hbm>>
      %dma_start3A_191 = arith.constant 0 : i32
      %dma_start3A_192 = tpu.memref_slice %arg4[%add3A_188, %dma_start3A_191] : memref<819200x64xf32, #tpu.memory_space<hbm>> -> memref<256x64xf32, #tpu.memory_space<hbm>>
      tpu.enqueue_dma source(%arg9 : memref<256x64xf32, #tpu.memory_space<vmem>>) target(%dma_start3A_192 : memref<256x64xf32, #tpu.memory_space<hbm>>) target_semaphore(%arg13 : memref<!tpu.dma_semaphore, #tpu.memory_space<semaphore_mem>>)
      %add3A_193 = arith.constant 1 : i32
      %add3A_194 = arith.addi %add3A_117, %add3A_193 : i32
      %add3A_195 = arith.constant 2 : i32
      %add3A_196 = arith.addi %add3A_194, %add3A_195 : i32
      %mul3A_197 = arith.constant 256 : i32
      %mul3A_198 = arith.muli %add3A_196, %mul3A_197 : i32
      %dma_start3A_199 = tpu.memref_slice %arg5[%mul3A_198] : memref<25600xi32, #tpu.memory_space<vmem>> -> memref<256xi32, #tpu.memory_space<vmem>>
      %dma_start3A_200 = arith.constant 0 : i32
      %dma_start3A_201 = arith.constant 0 : i32
      %dma_start3A_202 = tpu.memref_slice %arg2[%dma_start3A_200, %dma_start3A_201] : memref<1000000x64xf32, #tpu.memory_space<hbm>> -> memref<1000000x64xf32, #tpu.memory_space<hbm>>
      tpu.enqueue_indirect_dma source(%dma_start3A_202 : memref<1000000x64xf32, #tpu.memory_space<hbm>>) target(%arg7 : memref<256x64xf32, #tpu.memory_space<vmem>>) offsets(%dma_start3A_199 : memref<256xi32, #tpu.memory_space<vmem>>) semaphore(%arg11 : memref<!tpu.dma_semaphore, #tpu.memory_space<semaphore_mem>>)
    }
    %scan3A_56 = arith.constant 48 : i32
    %dma_wait3A_57 = arith.constant 25088 : i32
    %dma_wait3A_58 = tpu.memref_slice %arg5[%dma_wait3A_57] : memref<25600xi32, #tpu.memory_space<vmem>> -> memref<256xi32, #tpu.memory_space<vmem>>
    %dma_wait3A_59 = arith.constant 0 : i32
    %dma_wait3A_60 = arith.constant 0 : i32
    %dma_wait3A_61 = tpu.memref_slice %arg2[%dma_wait3A_59, %dma_wait3A_60] : memref<1000000x64xf32, #tpu.memory_space<hbm>> -> memref<1000000x64xf32, #tpu.memory_space<hbm>>
    tpu.wait_indirect_dma semaphore(%arg10 : memref<!tpu.dma_semaphore, #tpu.memory_space<semaphore_mem>>) src(%dma_wait3A_61 : memref<1000000x64xf32, #tpu.memory_space<hbm>>) dst(%arg6 : memref<256x64xf32, #tpu.memory_space<vmem>>)
    %add3A_62 = arith.constant 24576 : i32
    %add3A_63 = arith.addi %mul3A_2, %add3A_62 : i32
    %dma_wait3A_64 = arith.constant 0 : i32
    %dma_wait3A_65 = tpu.memref_slice %arg4[%add3A_63, %dma_wait3A_64] : memref<819200x64xf32, #tpu.memory_space<hbm>> -> memref<256x64xf32, #tpu.memory_space<hbm>>
    %dma_wait3A_66 = arith.constant 0 : i32
    %dma_wait3A_67 = tpu.memref_slice %arg4[%add3A_63, %dma_wait3A_66] : memref<819200x64xf32, #tpu.memory_space<hbm>> -> memref<256x64xf32, #tpu.memory_space<hbm>>
    tpu.wait_dma2 semaphore(%arg12 : memref<!tpu.dma_semaphore, #tpu.memory_space<semaphore_mem>>) src(%arg8 : memref<256x64xf32, #tpu.memory_space<vmem>>) dst(%dma_wait3A_67 : memref<256x64xf32, #tpu.memory_space<hbm>>)
    %scan3A_68 = arith.constant 0 : i32
    %scan3A_69 = arith.constant 32 : i32
    %scan3A_70 = arith.addi %scan3A_68, %scan3A_69 : i32
    %scan3A_71 = arith.constant 1 : i32
    scf.for %scan3A_113 = %scan3A_68 to %scan3A_70 step %scan3A_71  : i32 {
      %mul3A_114 = arith.constant 8 : i32
      %mul3A_115 = arith.muli %scan3A_113, %mul3A_114 : i32
      %add3A_116 = arith.constant 0 : i32
      %add3A_117 = arith.addi %add3A_116, %mul3A_115 : i32
      %add3A_118 = arith.constant 0 : i32
      %add3A_119 = arith.addi %add3A_117, %add3A_118 : i32
      %get3A = arith.index_cast %add3A_119 : i32 to index
      %get3A_120 = arith.constant 0 : index
      %get3A_121 = tpu.vector_load %arg6[%get3A, %get3A_120] {strides = array<i32>} : memref<256x64xf32, #tpu.memory_space<vmem>>, vector<1x16xf32>,
      %get3A_122 = vector.shape_cast %get3A_121 : vector<1x16xf32> to vector<16xf32>
      %mul3A_123 = arith.constant 8.000000e+00 : f32
      %mul3A_124 = vector.broadcast %mul3A_123 : f32 to vector<16xf32>
      %mul3A_125 = arith.mulf %get3A_122, %mul3A_124 : vector<16xf32>
      %add3A_126 = arith.constant 0 : i32
      %add3A_127 = arith.addi %add3A_117, %add3A_126 : i32
      %swap3A = arith.index_cast %add3A_127 : i32 to index
      %swap3A_128 = arith.constant 0 : index
      %swap3A_129 = tpu.vector_load %arg8[%swap3A, %swap3A_128] {strides = array<i32>} : memref<256x64xf32, #tpu.memory_space<vmem>>, vector<1x16xf32>,
      %swap3A_130 = vector.shape_cast %swap3A_129 : vector<1x16xf32> to vector<16xf32>
      %swap3A_131 = vector.shape_cast %mul3A_125 : vector<16xf32> to vector<1x16xf32>
      tpu.vector_store %arg8[%swap3A, %swap3A_128], %swap3A_131 {strides = array<i32>} : memref<256x64xf32, #tpu.memory_space<vmem>>, vector<1x16xf32>,
      %add3A_132 = arith.constant 0 : i32
      %add3A_133 = arith.addi %add3A_117, %add3A_132 : i32
      %get3A_134 = arith.index_cast %add3A_133 : i32 to index
      %get3A_135 = arith.constant 16 : index
      %get3A_136 = tpu.vector_load %arg6[%get3A_134, %get3A_135] {strides = array<i32>} : memref<256x64xf32, #tpu.memory_space<vmem>>, vector<1x16xf32>,
      %get3A_137 = vector.shape_cast %get3A_136 : vector<1x16xf32> to vector<16xf32>
      %mul3A_138 = arith.constant 8.000000e+00 : f32
      %mul3A_139 = vector.broadcast %mul3A_138 : f32 to vector<16xf32>
      %mul3A_140 = arith.mulf %get3A_137, %mul3A_139 : vector<16xf32>
      %add3A_141 = arith.constant 0 : i32
      %add3A_142 = arith.addi %add3A_117, %add3A_141 : i32
      %swap3A_143 = arith.index_cast %add3A_142 : i32 to index
      %swap3A_144 = arith.constant 16 : index
      %swap3A_145 = tpu.vector_load %arg8[%swap3A_143, %swap3A_144] {strides = array<i32>} : memref<256x64xf32, #tpu.memory_space<vmem>>, vector<1x16xf32>,
      %swap3A_146 = vector.shape_cast %swap3A_145 : vector<1x16xf32> to vector<16xf32>
      %swap3A_147 = vector.shape_cast %mul3A_140 : vector<16xf32> to vector<1x16xf32>
      tpu.vector_store %arg8[%swap3A_143, %swap3A_144], %swap3A_147 {strides = array<i32>} : memref<256x64xf32, #tpu.memory_space<vmem>>, vector<1x16xf32>,
      %add3A_148 = arith.constant 0 : i32
      %add3A_149 = arith.addi %add3A_117, %add3A_148 : i32
      %get3A_150 = arith.index_cast %add3A_149 : i32 to index
      %get3A_151 = arith.constant 32 : index
      %get3A_152 = tpu.vector_load %arg6[%get3A_150, %get3A_151] {strides = array<i32>} : memref<256x64xf32, #tpu.memory_space<vmem>>, vector<1x16xf32>,
      %get3A_153 = vector.shape_cast %get3A_152 : vector<1x16xf32> to vector<16xf32>
      %mul3A_154 = arith.constant 8.000000e+00 : f32
      %mul3A_155 = vector.broadcast %mul3A_154 : f32 to vector<16xf32>
      %mul3A_156 = arith.mulf %get3A_153, %mul3A_155 : vector<16xf32>
      %add3A_157 = arith.constant 0 : i32
      %add3A_158 = arith.addi %add3A_117, %add3A_157 : i32
      %swap3A_159 = arith.index_cast %add3A_158 : i32 to index
      %swap3A_160 = arith.constant 32 : index
      %swap3A_161 = tpu.vector_load %arg8[%swap3A_159, %swap3A_160] {strides = array<i32>} : memref<256x64xf32, #tpu.memory_space<vmem>>, vector<1x16xf32>,
      %swap3A_162 = vector.shape_cast %swap3A_161 : vector<1x16xf32> to vector<16xf32>
      %swap3A_163 = vector.shape_cast %mul3A_156 : vector<16xf32> to vector<1x16xf32>
      tpu.vector_store %arg8[%swap3A_159, %swap3A_160], %swap3A_163 {strides = array<i32>} : memref<256x64xf32, #tpu.memory_space<vmem>>, vector<1x16xf32>,
      %add3A_164 = arith.constant 0 : i32
      %add3A_165 = arith.addi %add3A_117, %add3A_164 : i32
      %get3A_166 = arith.index_cast %add3A_165 : i32 to index
      %get3A_167 = arith.constant 48 : index
      %get3A_168 = tpu.vector_load %arg6[%get3A_166, %get3A_167] {strides = array<i32>} : memref<256x64xf32, #tpu.memory_space<vmem>>, vector<1x16xf32>,
      %get3A_169 = vector.shape_cast %get3A_168 : vector<1x16xf32> to vector<16xf32>
      %mul3A_170 = arith.constant 8.000000e+00 : f32
      %mul3A_171 = vector.broadcast %mul3A_170 : f32 to vector<16xf32>
      %mul3A_172 = arith.mulf %get3A_169, %mul3A_171 : vector<16xf32>
      %add3A_173 = arith.constant 0 : i32
      %add3A_174 = arith.addi %add3A_117, %add3A_173 : i32
      %swap3A_175 = arith.index_cast %add3A_174 : i32 to index
      %swap3A_176 = arith.constant 48 : index
      %swap3A_177 = tpu.vector_load %arg8[%swap3A_175, %swap3A_176] {strides = array<i32>} : memref<256x64xf32, #tpu.memory_space<vmem>>, vector<1x16xf32>,
      %swap3A_178 = vector.shape_cast %swap3A_177 : vector<1x16xf32> to vector<16xf32>
      %swap3A_179 = vector.shape_cast %mul3A_172 : vector<16xf32> to vector<1x16xf32>
      tpu.vector_store %arg8[%swap3A_175, %swap3A_176], %swap3A_179 {strides = array<i32>} : memref<256x64xf32, #tpu.memory_space<vmem>>, vector<1x16xf32>,
      %add3A_180 = arith.constant 1 : i32
      %add3A_181 = arith.addi %add3A_117, %add3A_180 : i32
      %get3A_182 = arith.index_cast %add3A_181 : i32 to index
      %get3A_183 = arith.constant 0 : index
      %get3A_184 = tpu.vector_load %arg6[%get3A_182, %get3A_183] {strides = array<i32>} : memref<256x64xf32, #tpu.memory_space<vmem>>, vector<1x16xf32>,
      %get3A_185 = vector.shape_cast %get3A_184 : vector<1x16xf32> to vector<16xf32>
      %mul3A_186 = arith.constant 8.000000e+00 : f32
      %mul3A_187 = vector.broadcast %mul3A_186 : f32 to vector<16xf32>
      %mul3A_188 = arith.mulf %get3A_185, %mul3A_187 : vector<16xf32>
      %add3A_189 = arith.constant 1 : i32
      %add3A_190 = arith.addi %add3A_117, %add3A_189 : i32
      %swap3A_191 = arith.index_cast %add3A_190 : i32 to index
      %swap3A_192 = arith.constant 0 : index
      %swap3A_193 = tpu.vector_load %arg8[%swap3A_191, %swap3A_192] {strides = array<i32>} : memref<256x64xf32, #tpu.memory_space<vmem>>, vector<1x16xf32>,
      %swap3A_194 = vector.shape_cast %swap3A_193 : vector<1x16xf32> to vector<16xf32>
      %swap3A_195 = vector.shape_cast %mul3A_188 : vector<16xf32> to vector<1x16xf32>
      tpu.vector_store %arg8[%swap3A_191, %swap3A_192], %swap3A_195 {strides = array<i32>} : memref<256x64xf32, #tpu.memory_space<vmem>>, vector<1x16xf32>,
      %add3A_196 = arith.constant 1 : i32
      %add3A_197 = arith.addi %add3A_117, %add3A_196 : i32
      %get3A_198 = arith.index_cast %add3A_197 : i32 to index
      %get3A_199 = arith.constant 16 : index
      %get3A_200 = tpu.vector_load %arg6[%get3A_198, %get3A_199] {strides = array<i32>} : memref<256x64xf32, #tpu.memory_space<vmem>>, vector<1x16xf32>,
      %get3A_201 = vector.shape_cast %get3A_200 : vector<1x16xf32> to vector<16xf32>
      %mul3A_202 = arith.constant 8.000000e+00 : f32
      %mul3A_203 = vector.broadcast %mul3A_202 : f32 to vector<16xf32>
      %mul3A_204 = arith.mulf %get3A_201, %mul3A_203 : vector<16xf32>
      %add3A_205 = arith.constant 1 : i32
      %add3A_206 = arith.addi %add3A_117, %add3A_205 : i32
      %swap3A_207 = arith.index_cast %add3A_206 : i32 to index
      %swap3A_208 = arith.constant 16 : index
      %swap3A_209 = tpu.vector_load %arg8[%swap3A_207, %swap3A_208] {strides = array<i32>} : memref<256x64xf32, #tpu.memory_space<vmem>>, vector<1x16xf32>,
      %swap3A_210 = vector.shape_cast %swap3A_209 : vector<1x16xf32> to vector<16xf32>
      %swap3A_211 = vector.shape_cast %mul3A_204 : vector<16xf32> to vector<1x16xf32>
      tpu.vector_store %arg8[%swap3A_207, %swap3A_208], %swap3A_211 {strides = array<i32>} : memref<256x64xf32, #tpu.memory_space<vmem>>, vector<1x16xf32>,
      %add3A_212 = arith.constant 1 : i32
      %add3A_213 = arith.addi %add3A_117, %add3A_212 : i32
      %get3A_214 = arith.index_cast %add3A_213 : i32 to index
      %get3A_215 = arith.constant 32 : index
      %get3A_216 = tpu.vector_load %arg6[%get3A_214, %get3A_215] {strides = array<i32>} : memref<256x64xf32, #tpu.memory_space<vmem>>, vector<1x16xf32>,
      %get3A_217 = vector.shape_cast %get3A_216 : vector<1x16xf32> to vector<16xf32>
      %mul3A_218 = arith.constant 8.000000e+00 : f32
      %mul3A_219 = vector.broadcast %mul3A_218 : f32 to vector<16xf32>
      %mul3A_220 = arith.mulf %get3A_217, %mul3A_219 : vector<16xf32>
      %add3A_221 = arith.constant 1 : i32
      %add3A_222 = arith.addi %add3A_117, %add3A_221 : i32
      %swap3A_223 = arith.index_cast %add3A_222 : i32 to index
      %swap3A_224 = arith.constant 32 : index
      %swap3A_225 = tpu.vector_load %arg8[%swap3A_223, %swap3A_224] {strides = array<i32>} : memref<256x64xf32, #tpu.memory_space<vmem>>, vector<1x16xf32>,
      %swap3A_226 = vector.shape_cast %swap3A_225 : vector<1x16xf32> to vector<16xf32>
      %swap3A_227 = vector.shape_cast %mul3A_220 : vector<16xf32> to vector<1x16xf32>
      tpu.vector_store %arg8[%swap3A_223, %swap3A_224], %swap3A_227 {strides = array<i32>} : memref<256x64xf32, #tpu.memory_space<vmem>>, vector<1x16xf32>,
      %add3A_228 = arith.constant 1 : i32
      %add3A_229 = arith.addi %add3A_117, %add3A_228 : i32
      %get3A_230 = arith.index_cast %add3A_229 : i32 to index
      %get3A_231 = arith.constant 48 : index
      %get3A_232 = tpu.vector_load %arg6[%get3A_230, %get3A_231] {strides = array<i32>} : memref<256x64xf32, #tpu.memory_space<vmem>>, vector<1x16xf32>,
      %get3A_233 = vector.shape_cast %get3A_232 : vector<1x16xf32> to vector<16xf32>
      %mul3A_234 = arith.constant 8.000000e+00 : f32
      %mul3A_235 = vector.broadcast %mul3A_234 : f32 to vector<16xf32>
      %mul3A_236 = arith.mulf %get3A_233, %mul3A_235 : vector<16xf32>
      %add3A_237 = arith.constant 1 : i32
      %add3A_238 = arith.addi %add3A_117, %add3A_237 : i32
      %swap3A_239 = arith.index_cast %add3A_238 : i32 to index
      %swap3A_240 = arith.constant 48 : index
      %swap3A_241 = tpu.vector_load %arg8[%swap3A_239, %swap3A_240] {strides = array<i32>} : memref<256x64xf32, #tpu.memory_space<vmem>>, vector<1x16xf32>,
      %swap3A_242 = vector.shape_cast %swap3A_241 : vector<1x16xf32> to vector<16xf32>
      %swap3A_243 = vector.shape_cast %mul3A_236 : vector<16xf32> to vector<1x16xf32>
      tpu.vector_store %arg8[%swap3A_239, %swap3A_240], %swap3A_243 {strides = array<i32>} : memref<256x64xf32, #tpu.memory_space<vmem>>, vector<1x16xf32>,
      %add3A_244 = arith.constant 2 : i32
      %add3A_245 = arith.addi %add3A_117, %add3A_244 : i32
      %get3A_246 = arith.index_cast %add3A_245 : i32 to index
      %get3A_247 = arith.constant 0 : index
      %get3A_248 = tpu.vector_load %arg6[%get3A_246, %get3A_247] {strides = array<i32>} : memref<256x64xf32, #tpu.memory_space<vmem>>, vector<1x16xf32>,
      %get3A_249 = vector.shape_cast %get3A_248 : vector<1x16xf32> to vector<16xf32>
      %mul3A_250 = arith.constant 8.000000e+00 : f32
      %mul3A_251 = vector.broadcast %mul3A_250 : f32 to vector<16xf32>
      %mul3A_252 = arith.mulf %get3A_249, %mul3A_251 : vector<16xf32>
      %add3A_253 = arith.constant 2 : i32
      %add3A_254 = arith.addi %add3A_117, %add3A_253 : i32
      %swap3A_255 = arith.index_cast %add3A_254 : i32 to index
      %swap3A_256 = arith.constant 0 : index
      %swap3A_257 = tpu.vector_load %arg8[%swap3A_255, %swap3A_256] {strides = array<i32>} : memref<256x64xf32, #tpu.memory_space<vmem>>, vector<1x16xf32>,
      %swap3A_258 = vector.shape_cast %swap3A_257 : vector<1x16xf32> to vector<16xf32>
      %swap3A_259 = vector.shape_cast %mul3A_252 : vector<16xf32> to vector<1x16xf32>
      tpu.vector_store %arg8[%swap3A_255, %swap3A_256], %swap3A_259 {strides = array<i32>} : memref<256x64xf32, #tpu.memory_space<vmem>>, vector<1x16xf32>,
      %add3A_260 = arith.constant 2 : i32
      %add3A_261 = arith.addi %add3A_117, %add3A_260 : i32
      %get3A_262 = arith.index_cast %add3A_261 : i32 to index
      %get3A_263 = arith.constant 16 : index
      %get3A_264 = tpu.vector_load %arg6[%get3A_262, %get3A_263] {strides = array<i32>} : memref<256x64xf32, #tpu.memory_space<vmem>>, vector<1x16xf32>,
      %get3A_265 = vector.shape_cast %get3A_264 : vector<1x16xf32> to vector<16xf32>
      %mul3A_266 = arith.constant 8.000000e+00 : f32
      %mul3A_267 = vector.broadcast %mul3A_266 : f32 to vector<16xf32>
      %mul3A_268 = arith.mulf %get3A_265, %mul3A_267 : vector<16xf32>
      %add3A_269 = arith.constant 2 : i32
      %add3A_270 = arith.addi %add3A_117, %add3A_269 : i32
      %swap3A_271 = arith.index_cast %add3A_270 : i32 to index
      %swap3A_272 = arith.constant 16 : index
      %swap3A_273 = tpu.vector_load %arg8[%swap3A_271, %swap3A_272] {strides = array<i32>} : memref<256x64xf32, #tpu.memory_space<vmem>>, vector<1x16xf32>,
      %swap3A_274 = vector.shape_cast %swap3A_273 : vector<1x16xf32> to vector<16xf32>
      %swap3A_275 = vector.shape_cast %mul3A_268 : vector<16xf32> to vector<1x16xf32>
      tpu.vector_store %arg8[%swap3A_271, %swap3A_272], %swap3A_275 {strides = array<i32>} : memref<256x64xf32, #tpu.memory_space<vmem>>, vector<1x16xf32>,
      %add3A_276 = arith.constant 2 : i32
      %add3A_277 = arith.addi %add3A_117, %add3A_276 : i32
      %get3A_278 = arith.index_cast %add3A_277 : i32 to index
      %get3A_279 = arith.constant 32 : index
      %get3A_280 = tpu.vector_load %arg6[%get3A_278, %get3A_279] {strides = array<i32>} : memref<256x64xf32, #tpu.memory_space<vmem>>, vector<1x16xf32>,
      %get3A_281 = vector.shape_cast %get3A_280 : vector<1x16xf32> to vector<16xf32>
      %mul3A_282 = arith.constant 8.000000e+00 : f32
      %mul3A_283 = vector.broadcast %mul3A_282 : f32 to vector<16xf32>
      %mul3A_284 = arith.mulf %get3A_281, %mul3A_283 : vector<16xf32>
      %add3A_285 = arith.constant 2 : i32
      %add3A_286 = arith.addi %add3A_117, %add3A_285 : i32
      %swap3A_287 = arith.index_cast %add3A_286 : i32 to index
      %swap3A_288 = arith.constant 32 : index
      %swap3A_289 = tpu.vector_load %arg8[%swap3A_287, %swap3A_288] {strides = array<i32>} : memref<256x64xf32, #tpu.memory_space<vmem>>, vector<1x16xf32>,
      %swap3A_290 = vector.shape_cast %swap3A_289 : vector<1x16xf32> to vector<16xf32>
      %swap3A_291 = vector.shape_cast %mul3A_284 : vector<16xf32> to vector<1x16xf32>
      tpu.vector_store %arg8[%swap3A_287, %swap3A_288], %swap3A_291 {strides = array<i32>} : memref<256x64xf32, #tpu.memory_space<vmem>>, vector<1x16xf32>,
      %add3A_292 = arith.constant 2 : i32
      %add3A_293 = arith.addi %add3A_117, %add3A_292 : i32
      %get3A_294 = arith.index_cast %add3A_293 : i32 to index
      %get3A_295 = arith.constant 48 : index
      %get3A_296 = tpu.vector_load %arg6[%get3A_294, %get3A_295] {strides = array<i32>} : memref<256x64xf32, #tpu.memory_space<vmem>>, vector<1x16xf32>,
      %get3A_297 = vector.shape_cast %get3A_296 : vector<1x16xf32> to vector<16xf32>
      %mul3A_298 = arith.constant 8.000000e+00 : f32
      %mul3A_299 = vector.broadcast %mul3A_298 : f32 to vector<16xf32>
      %mul3A_300 = arith.mulf %get3A_297, %mul3A_299 : vector<16xf32>
      %add3A_301 = arith.constant 2 : i32
      %add3A_302 = arith.addi %add3A_117, %add3A_301 : i32
      %swap3A_303 = arith.index_cast %add3A_302 : i32 to index
      %swap3A_304 = arith.constant 48 : index
      %swap3A_305 = tpu.vector_load %arg8[%swap3A_303, %swap3A_304] {strides = array<i32>} : memref<256x64xf32, #tpu.memory_space<vmem>>, vector<1x16xf32>,
      %swap3A_306 = vector.shape_cast %swap3A_305 : vector<1x16xf32> to vector<16xf32>
      %swap3A_307 = vector.shape_cast %mul3A_300 : vector<16xf32> to vector<1x16xf32>
      tpu.vector_store %arg8[%swap3A_303, %swap3A_304], %swap3A_307 {strides = array<i32>} : memref<256x64xf32, #tpu.memory_space<vmem>>, vector<1x16xf32>,
      %add3A_308 = arith.constant 3 : i32
      %add3A_309 = arith.addi %add3A_117, %add3A_308 : i32
      %get3A_310 = arith.index_cast %add3A_309 : i32 to index
      %get3A_311 = arith.constant 0 : index
      %get3A_312 = tpu.vector_load %arg6[%get3A_310, %get3A_311] {strides = array<i32>} : memref<256x64xf32, #tpu.memory_space<vmem>>, vector<1x16xf32>,
      %get3A_313 = vector.shape_cast %get3A_312 : vector<1x16xf32> to vector<16xf32>
      %mul3A_314 = arith.constant 8.000000e+00 : f32
      %mul3A_315 = vector.broadcast %mul3A_314 : f32 to vector<16xf32>
      %mul3A_316 = arith.mulf %get3A_313, %mul3A_315 : vector<16xf32>
      %add3A_317 = arith.constant 3 : i32
      %add3A_318 = arith.addi %add3A_117, %add3A_317 : i32
      %swap3A_319 = arith.index_cast %add3A_318 : i32 to index
      %swap3A_320 = arith.constant 0 : index
      %swap3A_321 = tpu.vector_load %arg8[%swap3A_319, %swap3A_320] {strides = array<i32>} : memref<256x64xf32, #tpu.memory_space<vmem>>, vector<1x16xf32>,
      %swap3A_322 = vector.shape_cast %swap3A_321 : vector<1x16xf32> to vector<16xf32>
      %swap3A_323 = vector.shape_cast %mul3A_316 : vector<16xf32> to vector<1x16xf32>
      tpu.vector_store %arg8[%swap3A_319, %swap3A_320], %swap3A_323 {strides = array<i32>} : memref<256x64xf32, #tpu.memory_space<vmem>>, vector<1x16xf32>,
      %add3A_324 = arith.constant 3 : i32
      %add3A_325 = arith.addi %add3A_117, %add3A_324 : i32
      %get3A_326 = arith.index_cast %add3A_325 : i32 to index
      %get3A_327 = arith.constant 16 : index
      %get3A_328 = tpu.vector_load %arg6[%get3A_326, %get3A_327] {strides = array<i32>} : memref<256x64xf32, #tpu.memory_space<vmem>>, vector<1x16xf32>,
      %get3A_329 = vector.shape_cast %get3A_328 : vector<1x16xf32> to vector<16xf32>
      %mul3A_330 = arith.constant 8.000000e+00 : f32
      %mul3A_331 = vector.broadcast %mul3A_330 : f32 to vector<16xf32>
      %mul3A_332 = arith.mulf %get3A_329, %mul3A_331 : vector<16xf32>
      %add3A_333 = arith.constant 3 : i32
      %add3A_334 = arith.addi %add3A_117, %add3A_333 : i32
      %swap3A_335 = arith.index_cast %add3A_334 : i32 to index
      %swap3A_336 = arith.constant 16 : index
      %swap3A_337 = tpu.vector_load %arg8[%swap3A_335, %swap3A_336] {strides = array<i32>} : memref<256x64xf32, #tpu.memory_space<vmem>>, vector<1x16xf32>,
      %swap3A_338 = vector.shape_cast %swap3A_337 : vector<1x16xf32> to vector<16xf32>
      %swap3A_339 = vector.shape_cast %mul3A_332 : vector<16xf32> to vector<1x16xf32>
      tpu.vector_store %arg8[%swap3A_335, %swap3A_336], %swap3A_339 {strides = array<i32>} : memref<256x64xf32, #tpu.memory_space<vmem>>, vector<1x16xf32>,
      %add3A_340 = arith.constant 3 : i32
      %add3A_341 = arith.addi %add3A_117, %add3A_340 : i32
      %get3A_342 = arith.index_cast %add3A_341 : i32 to index
      %get3A_343 = arith.constant 32 : index
      %get3A_344 = tpu.vector_load %arg6[%get3A_342, %get3A_343] {strides = array<i32>} : memref<256x64xf32, #tpu.memory_space<vmem>>, vector<1x16xf32>,
      %get3A_345 = vector.shape_cast %get3A_344 : vector<1x16xf32> to vector<16xf32>
      %mul3A_346 = arith.constant 8.000000e+00 : f32
      %mul3A_347 = vector.broadcast %mul3A_346 : f32 to vector<16xf32>
      %mul3A_348 = arith.mulf %get3A_345, %mul3A_347 : vector<16xf32>
      %add3A_349 = arith.constant 3 : i32
      %add3A_350 = arith.addi %add3A_117, %add3A_349 : i32
      %swap3A_351 = arith.index_cast %add3A_350 : i32 to index
      %swap3A_352 = arith.constant 32 : index
      %swap3A_353 = tpu.vector_load %arg8[%swap3A_351, %swap3A_352] {strides = array<i32>} : memref<256x64xf32, #tpu.memory_space<vmem>>, vector<1x16xf32>,
      %swap3A_354 = vector.shape_cast %swap3A_353 : vector<1x16xf32> to vector<16xf32>
      %swap3A_355 = vector.shape_cast %mul3A_348 : vector<16xf32> to vector<1x16xf32>
      tpu.vector_store %arg8[%swap3A_351, %swap3A_352], %swap3A_355 {strides = array<i32>} : memref<256x64xf32, #tpu.memory_space<vmem>>, vector<1x16xf32>,
      %add3A_356 = arith.constant 3 : i32
      %add3A_357 = arith.addi %add3A_117, %add3A_356 : i32
      %get3A_358 = arith.index_cast %add3A_357 : i32 to index
      %get3A_359 = arith.constant 48 : index
      %get3A_360 = tpu.vector_load %arg6[%get3A_358, %get3A_359] {strides = array<i32>} : memref<256x64xf32, #tpu.memory_space<vmem>>, vector<1x16xf32>,
      %get3A_361 = vector.shape_cast %get3A_360 : vector<1x16xf32> to vector<16xf32>
      %mul3A_362 = arith.constant 8.000000e+00 : f32
      %mul3A_363 = vector.broadcast %mul3A_362 : f32 to vector<16xf32>
      %mul3A_364 = arith.mulf %get3A_361, %mul3A_363 : vector<16xf32>
      %add3A_365 = arith.constant 3 : i32
      %add3A_366 = arith.addi %add3A_117, %add3A_365 : i32
      %swap3A_367 = arith.index_cast %add3A_366 : i32 to index
      %swap3A_368 = arith.constant 48 : index
      %swap3A_369 = tpu.vector_load %arg8[%swap3A_367, %swap3A_368] {strides = array<i32>} : memref<256x64xf32, #tpu.memory_space<vmem>>, vector<1x16xf32>,
      %swap3A_370 = vector.shape_cast %swap3A_369 : vector<1x16xf32> to vector<16xf32>
      %swap3A_371 = vector.shape_cast %mul3A_364 : vector<16xf32> to vector<1x16xf32>
      tpu.vector_store %arg8[%swap3A_367, %swap3A_368], %swap3A_371 {strides = array<i32>} : memref<256x64xf32, #tpu.memory_space<vmem>>, vector<1x16xf32>,
      %add3A_372 = arith.constant 4 : i32
      %add3A_373 = arith.addi %add3A_117, %add3A_372 : i32
      %get3A_374 = arith.index_cast %add3A_373 : i32 to index
      %get3A_375 = arith.constant 0 : index
      %get3A_376 = tpu.vector_load %arg6[%get3A_374, %get3A_375] {strides = array<i32>} : memref<256x64xf32, #tpu.memory_space<vmem>>, vector<1x16xf32>,
      %get3A_377 = vector.shape_cast %get3A_376 : vector<1x16xf32> to vector<16xf32>
      %mul3A_378 = arith.constant 8.000000e+00 : f32
      %mul3A_379 = vector.broadcast %mul3A_378 : f32 to vector<16xf32>
      %mul3A_380 = arith.mulf %get3A_377, %mul3A_379 : vector<16xf32>
      %add3A_381 = arith.constant 4 : i32
      %add3A_382 = arith.addi %add3A_117, %add3A_381 : i32
      %swap3A_383 = arith.index_cast %add3A_382 : i32 to index
      %swap3A_384 = arith.constant 0 : index
      %swap3A_385 = tpu.vector_load %arg8[%swap3A_383, %swap3A_384] {strides = array<i32>} : memref<256x64xf32, #tpu.memory_space<vmem>>, vector<1x16xf32>,
      %swap3A_386 = vector.shape_cast %swap3A_385 : vector<1x16xf32> to vector<16xf32>
      %swap3A_387 = vector.shape_cast %mul3A_380 : vector<16xf32> to vector<1x16xf32>
      tpu.vector_store %arg8[%swap3A_383, %swap3A_384], %swap3A_387 {strides = array<i32>} : memref<256x64xf32, #tpu.memory_space<vmem>>, vector<1x16xf32>,
      %add3A_388 = arith.constant 4 : i32
      %add3A_389 = arith.addi %add3A_117, %add3A_388 : i32
      %get3A_390 = arith.index_cast %add3A_389 : i32 to index
      %get3A_391 = arith.constant 16 : index
      %get3A_392 = tpu.vector_load %arg6[%get3A_390, %get3A_391] {strides = array<i32>} : memref<256x64xf32, #tpu.memory_space<vmem>>, vector<1x16xf32>,
      %get3A_393 = vector.shape_cast %get3A_392 : vector<1x16xf32> to vector<16xf32>
      %mul3A_394 = arith.constant 8.000000e+00 : f32
      %mul3A_395 = vector.broadcast %mul3A_394 : f32 to vector<16xf32>
      %mul3A_396 = arith.mulf %get3A_393, %mul3A_395 : vector<16xf32>
      %add3A_397 = arith.constant 4 : i32
      %add3A_398 = arith.addi %add3A_117, %add3A_397 : i32
      %swap3A_399 = arith.index_cast %add3A_398 : i32 to index
      %swap3A_400 = arith.constant 16 : index
      %swap3A_401 = tpu.vector_load %arg8[%swap3A_399, %swap3A_400] {strides = array<i32>} : memref<256x64xf32, #tpu.memory_space<vmem>>, vector<1x16xf32>,
      %swap3A_402 = vector.shape_cast %swap3A_401 : vector<1x16xf32> to vector<16xf32>
      %swap3A_403 = vector.shape_cast %mul3A_396 : vector<16xf32> to vector<1x16xf32>
      tpu.vector_store %arg8[%swap3A_399, %swap3A_400], %swap3A_403 {strides = array<i32>} : memref<256x64xf32, #tpu.memory_space<vmem>>, vector<1x16xf32>,
      %add3A_404 = arith.constant 4 : i32
      %add3A_405 = arith.addi %add3A_117, %add3A_404 : i32
      %get3A_406 = arith.index_cast %add3A_405 : i32 to index
      %get3A_407 = arith.constant 32 : index
      %get3A_408 = tpu.vector_load %arg6[%get3A_406, %get3A_407] {strides = array<i32>} : memref<256x64xf32, #tpu.memory_space<vmem>>, vector<1x16xf32>,
      %get3A_409 = vector.shape_cast %get3A_408 : vector<1x16xf32> to vector<16xf32>
      %mul3A_410 = arith.constant 8.000000e+00 : f32
      %mul3A_411 = vector.broadcast %mul3A_410 : f32 to vector<16xf32>
      %mul3A_412 = arith.mulf %get3A_409, %mul3A_411 : vector<16xf32>
      %add3A_413 = arith.constant 4 : i32
      %add3A_414 = arith.addi %add3A_117, %add3A_413 : i32
      %swap3A_415 = arith.index_cast %add3A_414 : i32 to index
      %swap3A_416 = arith.constant 32 : index
      %swap3A_417 = tpu.vector_load %arg8[%swap3A_415, %swap3A_416] {strides = array<i32>} : memref<256x64xf32, #tpu.memory_space<vmem>>, vector<1x16xf32>,
      %swap3A_418 = vector.shape_cast %swap3A_417 : vector<1x16xf32> to vector<16xf32>
      %swap3A_419 = vector.shape_cast %mul3A_412 : vector<16xf32> to vector<1x16xf32>
      tpu.vector_store %arg8[%swap3A_415, %swap3A_416], %swap3A_419 {strides = array<i32>} : memref<256x64xf32, #tpu.memory_space<vmem>>, vector<1x16xf32>,
      %add3A_420 = arith.constant 4 : i32
      %add3A_421 = arith.addi %add3A_117, %add3A_420 : i32
      %get3A_422 = arith.index_cast %add3A_421 : i32 to index
      %get3A_423 = arith.constant 48 : index
      %get3A_424 = tpu.vector_load %arg6[%get3A_422, %get3A_423] {strides = array<i32>} : memref<256x64xf32, #tpu.memory_space<vmem>>, vector<1x16xf32>,
      %get3A_425 = vector.shape_cast %get3A_424 : vector<1x16xf32> to vector<16xf32>
      %mul3A_426 = arith.constant 8.000000e+00 : f32
      %mul3A_427 = vector.broadcast %mul3A_426 : f32 to vector<16xf32>
      %mul3A_428 = arith.mulf %get3A_425, %mul3A_427 : vector<16xf32>
      %add3A_429 = arith.constant 4 : i32
      %add3A_430 = arith.addi %add3A_117, %add3A_429 : i32
      %swap3A_431 = arith.index_cast %add3A_430 : i32 to index
      %swap3A_432 = arith.constant 48 : index
      %swap3A_433 = tpu.vector_load %arg8[%swap3A_431, %swap3A_432] {strides = array<i32>} : memref<256x64xf32, #tpu.memory_space<vmem>>, vector<1x16xf32>,
      %swap3A_434 = vector.shape_cast %swap3A_433 : vector<1x16xf32> to vector<16xf32>
      %swap3A_435 = vector.shape_cast %mul3A_428 : vector<16xf32> to vector<1x16xf32>
      tpu.vector_store %arg8[%swap3A_431, %swap3A_432], %swap3A_435 {strides = array<i32>} : memref<256x64xf32, #tpu.memory_space<vmem>>, vector<1x16xf32>,
      %add3A_436 = arith.constant 5 : i32
      %add3A_437 = arith.addi %add3A_117, %add3A_436 : i32
      %get3A_438 = arith.index_cast %add3A_437 : i32 to index
      %get3A_439 = arith.constant 0 : index
      %get3A_440 = tpu.vector_load %arg6[%get3A_438, %get3A_439] {strides = array<i32>} : memref<256x64xf32, #tpu.memory_space<vmem>>, vector<1x16xf32>,
      %get3A_441 = vector.shape_cast %get3A_440 : vector<1x16xf32> to vector<16xf32>
      %mul3A_442 = arith.constant 8.000000e+00 : f32
      %mul3A_443 = vector.broadcast %mul3A_442 : f32 to vector<16xf32>
      %mul3A_444 = arith.mulf %get3A_441, %mul3A_443 : vector<16xf32>
      %add3A_445 = arith.constant 5 : i32
      %add3A_446 = arith.addi %add3A_117, %add3A_445 : i32
      %swap3A_447 = arith.index_cast %add3A_446 : i32 to index
      %swap3A_448 = arith.constant 0 : index
      %swap3A_449 = tpu.vector_load %arg8[%swap3A_447, %swap3A_448] {strides = array<i32>} : memref<256x64xf32, #tpu.memory_space<vmem>>, vector<1x16xf32>,
      %swap3A_450 = vector.shape_cast %swap3A_449 : vector<1x16xf32> to vector<16xf32>
      %swap3A_451 = vector.shape_cast %mul3A_444 : vector<16xf32> to vector<1x16xf32>
      tpu.vector_store %arg8[%swap3A_447, %swap3A_448], %swap3A_451 {strides = array<i32>} : memref<256x64xf32, #tpu.memory_space<vmem>>, vector<1x16xf32>,
      %add3A_452 = arith.constant 5 : i32
      %add3A_453 = arith.addi %add3A_117, %add3A_452 : i32
      %get3A_454 = arith.index_cast %add3A_453 : i32 to index
      %get3A_455 = arith.constant 16 : index
      %get3A_456 = tpu.vector_load %arg6[%get3A_454, %get3A_455] {strides = array<i32>} : memref<256x64xf32, #tpu.memory_space<vmem>>, vector<1x16xf32>,
      %get3A_457 = vector.shape_cast %get3A_456 : vector<1x16xf32> to vector<16xf32>
      %mul3A_458 = arith.constant 8.000000e+00 : f32
      %mul3A_459 = vector.broadcast %mul3A_458 : f32 to vector<16xf32>
      %mul3A_460 = arith.mulf %get3A_457, %mul3A_459 : vector<16xf32>
      %add3A_461 = arith.constant 5 : i32
      %add3A_462 = arith.addi %add3A_117, %add3A_461 : i32
      %swap3A_463 = arith.index_cast %add3A_462 : i32 to index
      %swap3A_464 = arith.constant 16 : index
      %swap3A_465 = tpu.vector_load %arg8[%swap3A_463, %swap3A_464] {strides = array<i32>} : memref<256x64xf32, #tpu.memory_space<vmem>>, vector<1x16xf32>,
      %swap3A_466 = vector.shape_cast %swap3A_465 : vector<1x16xf32> to vector<16xf32>
      %swap3A_467 = vector.shape_cast %mul3A_460 : vector<16xf32> to vector<1x16xf32>
      tpu.vector_store %arg8[%swap3A_463, %swap3A_464], %swap3A_467 {strides = array<i32>} : memref<256x64xf32, #tpu.memory_space<vmem>>, vector<1x16xf32>,
      %add3A_468 = arith.constant 5 : i32
      %add3A_469 = arith.addi %add3A_117, %add3A_468 : i32
      %get3A_470 = arith.index_cast %add3A_469 : i32 to index
      %get3A_471 = arith.constant 32 : index
      %get3A_472 = tpu.vector_load %arg6[%get3A_470, %get3A_471] {strides = array<i32>} : memref<256x64xf32, #tpu.memory_space<vmem>>, vector<1x16xf32>,
      %get3A_473 = vector.shape_cast %get3A_472 : vector<1x16xf32> to vector<16xf32>
      %mul3A_474 = arith.constant 8.000000e+00 : f32
      %mul3A_475 = vector.broadcast %mul3A_474 : f32 to vector<16xf32>
      %mul3A_476 = arith.mulf %get3A_473, %mul3A_475 : vector<16xf32>
      %add3A_477 = arith.constant 5 : i32
      %add3A_478 = arith.addi %add3A_117, %add3A_477 : i32
      %swap3A_479 = arith.index_cast %add3A_478 : i32 to index
      %swap3A_480 = arith.constant 32 : index
      %swap3A_481 = tpu.vector_load %arg8[%swap3A_479, %swap3A_480] {strides = array<i32>} : memref<256x64xf32, #tpu.memory_space<vmem>>, vector<1x16xf32>,
      %swap3A_482 = vector.shape_cast %swap3A_481 : vector<1x16xf32> to vector<16xf32>
      %swap3A_483 = vector.shape_cast %mul3A_476 : vector<16xf32> to vector<1x16xf32>
      tpu.vector_store %arg8[%swap3A_479, %swap3A_480], %swap3A_483 {strides = array<i32>} : memref<256x64xf32, #tpu.memory_space<vmem>>, vector<1x16xf32>,
      %add3A_484 = arith.constant 5 : i32
      %add3A_485 = arith.addi %add3A_117, %add3A_484 : i32
      %get3A_486 = arith.index_cast %add3A_485 : i32 to index
      %get3A_487 = arith.constant 48 : index
      %get3A_488 = tpu.vector_load %arg6[%get3A_486, %get3A_487] {strides = array<i32>} : memref<256x64xf32, #tpu.memory_space<vmem>>, vector<1x16xf32>,
      %get3A_489 = vector.shape_cast %get3A_488 : vector<1x16xf32> to vector<16xf32>
      %mul3A_490 = arith.constant 8.000000e+00 : f32
      %mul3A_491 = vector.broadcast %mul3A_490 : f32 to vector<16xf32>
      %mul3A_492 = arith.mulf %get3A_489, %mul3A_491 : vector<16xf32>
      %add3A_493 = arith.constant 5 : i32
      %add3A_494 = arith.addi %add3A_117, %add3A_493 : i32
      %swap3A_495 = arith.index_cast %add3A_494 : i32 to index
      %swap3A_496 = arith.constant 48 : index
      %swap3A_497 = tpu.vector_load %arg8[%swap3A_495, %swap3A_496] {strides = array<i32>} : memref<256x64xf32, #tpu.memory_space<vmem>>, vector<1x16xf32>,
      %swap3A_498 = vector.shape_cast %swap3A_497 : vector<1x16xf32> to vector<16xf32>
      %swap3A_499 = vector.shape_cast %mul3A_492 : vector<16xf32> to vector<1x16xf32>
      tpu.vector_store %arg8[%swap3A_495, %swap3A_496], %swap3A_499 {strides = array<i32>} : memref<256x64xf32, #tpu.memory_space<vmem>>, vector<1x16xf32>,
      %add3A_500 = arith.constant 6 : i32
      %add3A_501 = arith.addi %add3A_117, %add3A_500 : i32
      %get3A_502 = arith.index_cast %add3A_501 : i32 to index
      %get3A_503 = arith.constant 0 : index
      %get3A_504 = tpu.vector_load %arg6[%get3A_502, %get3A_503] {strides = array<i32>} : memref<256x64xf32, #tpu.memory_space<vmem>>, vector<1x16xf32>,
      %get3A_505 = vector.shape_cast %get3A_504 : vector<1x16xf32> to vector<16xf32>
      %mul3A_506 = arith.constant 8.000000e+00 : f32
      %mul3A_507 = vector.broadcast %mul3A_506 : f32 to vector<16xf32>
      %mul3A_508 = arith.mulf %get3A_505, %mul3A_507 : vector<16xf32>
      %add3A_509 = arith.constant 6 : i32
      %add3A_510 = arith.addi %add3A_117, %add3A_509 : i32
      %swap3A_511 = arith.index_cast %add3A_510 : i32 to index
      %swap3A_512 = arith.constant 0 : index
      %swap3A_513 = tpu.vector_load %arg8[%swap3A_511, %swap3A_512] {strides = array<i32>} : memref<256x64xf32, #tpu.memory_space<vmem>>, vector<1x16xf32>,
      %swap3A_514 = vector.shape_cast %swap3A_513 : vector<1x16xf32> to vector<16xf32>
      %swap3A_515 = vector.shape_cast %mul3A_508 : vector<16xf32> to vector<1x16xf32>
      tpu.vector_store %arg8[%swap3A_511, %swap3A_512], %swap3A_515 {strides = array<i32>} : memref<256x64xf32, #tpu.memory_space<vmem>>, vector<1x16xf32>,
      %add3A_516 = arith.constant 6 : i32
      %add3A_517 = arith.addi %add3A_117, %add3A_516 : i32
      %get3A_518 = arith.index_cast %add3A_517 : i32 to index
      %get3A_519 = arith.constant 16 : index
      %get3A_520 = tpu.vector_load %arg6[%get3A_518, %get3A_519] {strides = array<i32>} : memref<256x64xf32, #tpu.memory_space<vmem>>, vector<1x16xf32>,
      %get3A_521 = vector.shape_cast %get3A_520 : vector<1x16xf32> to vector<16xf32>
      %mul3A_522 = arith.constant 8.000000e+00 : f32
      %mul3A_523 = vector.broadcast %mul3A_522 : f32 to vector<16xf32>
      %mul3A_524 = arith.mulf %get3A_521, %mul3A_523 : vector<16xf32>
      %add3A_525 = arith.constant 6 : i32
      %add3A_526 = arith.addi %add3A_117, %add3A_525 : i32
      %swap3A_527 = arith.index_cast %add3A_526 : i32 to index
      %swap3A_528 = arith.constant 16 : index
      %swap3A_529 = tpu.vector_load %arg8[%swap3A_527, %swap3A_528] {strides = array<i32>} : memref<256x64xf32, #tpu.memory_space<vmem>>, vector<1x16xf32>,
      %swap3A_530 = vector.shape_cast %swap3A_529 : vector<1x16xf32> to vector<16xf32>
      %swap3A_531 = vector.shape_cast %mul3A_524 : vector<16xf32> to vector<1x16xf32>
      tpu.vector_store %arg8[%swap3A_527, %swap3A_528], %swap3A_531 {strides = array<i32>} : memref<256x64xf32, #tpu.memory_space<vmem>>, vector<1x16xf32>,
      %add3A_532 = arith.constant 6 : i32
      %add3A_533 = arith.addi %add3A_117, %add3A_532 : i32
      %get3A_534 = arith.index_cast %add3A_533 : i32 to index
      %get3A_535 = arith.constant 32 : index
      %get3A_536 = tpu.vector_load %arg6[%get3A_534, %get3A_535] {strides = array<i32>} : memref<256x64xf32, #tpu.memory_space<vmem>>, vector<1x16xf32>,
      %get3A_537 = vector.shape_cast %get3A_536 : vector<1x16xf32> to vector<16xf32>
      %mul3A_538 = arith.constant 8.000000e+00 : f32
      %mul3A_539 = vector.broadcast %mul3A_538 : f32 to vector<16xf32>
      %mul3A_540 = arith.mulf %get3A_537, %mul3A_539 : vector<16xf32>
      %add3A_541 = arith.constant 6 : i32
      %add3A_542 = arith.addi %add3A_117, %add3A_541 : i32
      %swap3A_543 = arith.index_cast %add3A_542 : i32 to index
      %swap3A_544 = arith.constant 32 : index
      %swap3A_545 = tpu.vector_load %arg8[%swap3A_543, %swap3A_544] {strides = array<i32>} : memref<256x64xf32, #tpu.memory_space<vmem>>, vector<1x16xf32>,
      %swap3A_546 = vector.shape_cast %swap3A_545 : vector<1x16xf32> to vector<16xf32>
      %swap3A_547 = vector.shape_cast %mul3A_540 : vector<16xf32> to vector<1x16xf32>
      tpu.vector_store %arg8[%swap3A_543, %swap3A_544], %swap3A_547 {strides = array<i32>} : memref<256x64xf32, #tpu.memory_space<vmem>>, vector<1x16xf32>,
      %add3A_548 = arith.constant 6 : i32
      %add3A_549 = arith.addi %add3A_117, %add3A_548 : i32
      %get3A_550 = arith.index_cast %add3A_549 : i32 to index
      %get3A_551 = arith.constant 48 : index
      %get3A_552 = tpu.vector_load %arg6[%get3A_550, %get3A_551] {strides = array<i32>} : memref<256x64xf32, #tpu.memory_space<vmem>>, vector<1x16xf32>,
      %get3A_553 = vector.shape_cast %get3A_552 : vector<1x16xf32> to vector<16xf32>
      %mul3A_554 = arith.constant 8.000000e+00 : f32
      %mul3A_555 = vector.broadcast %mul3A_554 : f32 to vector<16xf32>
      %mul3A_556 = arith.mulf %get3A_553, %mul3A_555 : vector<16xf32>
      %add3A_557 = arith.constant 6 : i32
      %add3A_558 = arith.addi %add3A_117, %add3A_557 : i32
      %swap3A_559 = arith.index_cast %add3A_558 : i32 to index
      %swap3A_560 = arith.constant 48 : index
      %swap3A_561 = tpu.vector_load %arg8[%swap3A_559, %swap3A_560] {strides = array<i32>} : memref<256x64xf32, #tpu.memory_space<vmem>>, vector<1x16xf32>,
      %swap3A_562 = vector.shape_cast %swap3A_561 : vector<1x16xf32> to vector<16xf32>
      %swap3A_563 = vector.shape_cast %mul3A_556 : vector<16xf32> to vector<1x16xf32>
      tpu.vector_store %arg8[%swap3A_559, %swap3A_560], %swap3A_563 {strides = array<i32>} : memref<256x64xf32, #tpu.memory_space<vmem>>, vector<1x16xf32>,
      %add3A_564 = arith.constant 7 : i32
      %add3A_565 = arith.addi %add3A_117, %add3A_564 : i32
      %get3A_566 = arith.index_cast %add3A_565 : i32 to index
      %get3A_567 = arith.constant 0 : index
      %get3A_568 = tpu.vector_load %arg6[%get3A_566, %get3A_567] {strides = array<i32>} : memref<256x64xf32, #tpu.memory_space<vmem>>, vector<1x16xf32>,
      %get3A_569 = vector.shape_cast %get3A_568 : vector<1x16xf32> to vector<16xf32>
      %mul3A_570 = arith.constant 8.000000e+00 : f32
      %mul3A_571 = vector.broadcast %mul3A_570 : f32 to vector<16xf32>
      %mul3A_572 = arith.mulf %get3A_569, %mul3A_571 : vector<16xf32>
      %add3A_573 = arith.constant 7 : i32
      %add3A_574 = arith.addi %add3A_117, %add3A_573 : i32
      %swap3A_575 = arith.index_cast %add3A_574 : i32 to index
      %swap3A_576 = arith.constant 0 : index
      %swap3A_577 = tpu.vector_load %arg8[%swap3A_575, %swap3A_576] {strides = array<i32>} : memref<256x64xf32, #tpu.memory_space<vmem>>, vector<1x16xf32>,
      %swap3A_578 = vector.shape_cast %swap3A_577 : vector<1x16xf32> to vector<16xf32>
      %swap3A_579 = vector.shape_cast %mul3A_572 : vector<16xf32> to vector<1x16xf32>
      tpu.vector_store %arg8[%swap3A_575, %swap3A_576], %swap3A_579 {strides = array<i32>} : memref<256x64xf32, #tpu.memory_space<vmem>>, vector<1x16xf32>,
      %add3A_580 = arith.constant 7 : i32
      %add3A_581 = arith.addi %add3A_117, %add3A_580 : i32
      %get3A_582 = arith.index_cast %add3A_581 : i32 to index
      %get3A_583 = arith.constant 16 : index
      %get3A_584 = tpu.vector_load %arg6[%get3A_582, %get3A_583] {strides = array<i32>} : memref<256x64xf32, #tpu.memory_space<vmem>>, vector<1x16xf32>,
      %get3A_585 = vector.shape_cast %get3A_584 : vector<1x16xf32> to vector<16xf32>
      %mul3A_586 = arith.constant 8.000000e+00 : f32
      %mul3A_587 = vector.broadcast %mul3A_586 : f32 to vector<16xf32>
      %mul3A_588 = arith.mulf %get3A_585, %mul3A_587 : vector<16xf32>
      %add3A_589 = arith.constant 7 : i32
      %add3A_590 = arith.addi %add3A_117, %add3A_589 : i32
      %swap3A_591 = arith.index_cast %add3A_590 : i32 to index
      %swap3A_592 = arith.constant 16 : index
      %swap3A_593 = tpu.vector_load %arg8[%swap3A_591, %swap3A_592] {strides = array<i32>} : memref<256x64xf32, #tpu.memory_space<vmem>>, vector<1x16xf32>,
      %swap3A_594 = vector.shape_cast %swap3A_593 : vector<1x16xf32> to vector<16xf32>
      %swap3A_595 = vector.shape_cast %mul3A_588 : vector<16xf32> to vector<1x16xf32>
      tpu.vector_store %arg8[%swap3A_591, %swap3A_592], %swap3A_595 {strides = array<i32>} : memref<256x64xf32, #tpu.memory_space<vmem>>, vector<1x16xf32>,
      %add3A_596 = arith.constant 7 : i32
      %add3A_597 = arith.addi %add3A_117, %add3A_596 : i32
      %get3A_598 = arith.index_cast %add3A_597 : i32 to index
      %get3A_599 = arith.constant 32 : index
      %get3A_600 = tpu.vector_load %arg6[%get3A_598, %get3A_599] {strides = array<i32>} : memref<256x64xf32, #tpu.memory_space<vmem>>, vector<1x16xf32>,
      %get3A_601 = vector.shape_cast %get3A_600 : vector<1x16xf32> to vector<16xf32>
      %mul3A_602 = arith.constant 8.000000e+00 : f32
      %mul3A_603 = vector.broadcast %mul3A_602 : f32 to vector<16xf32>
      %mul3A_604 = arith.mulf %get3A_601, %mul3A_603 : vector<16xf32>
      %add3A_605 = arith.constant 7 : i32
      %add3A_606 = arith.addi %add3A_117, %add3A_605 : i32
      %swap3A_607 = arith.index_cast %add3A_606 : i32 to index
      %swap3A_608 = arith.constant 32 : index
      %swap3A_609 = tpu.vector_load %arg8[%swap3A_607, %swap3A_608] {strides = array<i32>} : memref<256x64xf32, #tpu.memory_space<vmem>>, vector<1x16xf32>,
      %swap3A_610 = vector.shape_cast %swap3A_609 : vector<1x16xf32> to vector<16xf32>
      %swap3A_611 = vector.shape_cast %mul3A_604 : vector<16xf32> to vector<1x16xf32>
      tpu.vector_store %arg8[%swap3A_607, %swap3A_608], %swap3A_611 {strides = array<i32>} : memref<256x64xf32, #tpu.memory_space<vmem>>, vector<1x16xf32>,
      %add3A_612 = arith.constant 7 : i32
      %add3A_613 = arith.addi %add3A_117, %add3A_612 : i32
      %get3A_614 = arith.index_cast %add3A_613 : i32 to index
      %get3A_615 = arith.constant 48 : index
      %get3A_616 = tpu.vector_load %arg6[%get3A_614, %get3A_615] {strides = array<i32>} : memref<256x64xf32, #tpu.memory_space<vmem>>, vector<1x16xf32>,
      %get3A_617 = vector.shape_cast %get3A_616 : vector<1x16xf32> to vector<16xf32>
      %mul3A_618 = arith.constant 8.000000e+00 : f32
      %mul3A_619 = vector.broadcast %mul3A_618 : f32 to vector<16xf32>
      %mul3A_620 = arith.mulf %get3A_617, %mul3A_619 : vector<16xf32>
      %add3A_621 = arith.constant 7 : i32
      %add3A_622 = arith.addi %add3A_117, %add3A_621 : i32
      %swap3A_623 = arith.index_cast %add3A_622 : i32 to index
      %swap3A_624 = arith.constant 48 : index
      %swap3A_625 = tpu.vector_load %arg8[%swap3A_623, %swap3A_624] {strides = array<i32>} : memref<256x64xf32, #tpu.memory_space<vmem>>, vector<1x16xf32>,
      %swap3A_626 = vector.shape_cast %swap3A_625 : vector<1x16xf32> to vector<16xf32>
      %swap3A_627 = vector.shape_cast %mul3A_620 : vector<16xf32> to vector<1x16xf32>
      tpu.vector_store %arg8[%swap3A_623, %swap3A_624], %swap3A_627 {strides = array<i32>} : memref<256x64xf32, #tpu.memory_space<vmem>>, vector<1x16xf32>,
    }
    %scan3A_72 = arith.constant 32 : i32
    %add3A_73 = arith.constant 25088 : i32
    %add3A_74 = arith.addi %mul3A_2, %add3A_73 : i32
    %dma_start3A_75 = arith.constant 0 : i32
    %dma_start3A_76 = tpu.memref_slice %arg4[%add3A_74, %dma_start3A_75] : memref<819200x64xf32, #tpu.memory_space<hbm>> -> memref<256x64xf32, #tpu.memory_space<hbm>>
    %dma_start3A_77 = arith.constant 0 : i32
    %dma_start3A_78 = tpu.memref_slice %arg4[%add3A_74, %dma_start3A_77] : memref<819200x64xf32, #tpu.memory_space<hbm>> -> memref<256x64xf32, #tpu.memory_space<hbm>>
    tpu.enqueue_dma source(%arg8 : memref<256x64xf32, #tpu.memory_space<vmem>>) target(%dma_start3A_78 : memref<256x64xf32, #tpu.memory_space<hbm>>) target_semaphore(%arg12 : memref<!tpu.dma_semaphore, #tpu.memory_space<semaphore_mem>>)
    %dma_wait3A_79 = arith.constant 25344 : i32
    %dma_wait3A_80 = tpu.memref_slice %arg5[%dma_wait3A_79] : memref<25600xi32, #tpu.memory_space<vmem>> -> memref<256xi32, #tpu.memory_space<vmem>>
    %dma_wait3A_81 = arith.constant 0 : i32
    %dma_wait3A_82 = arith.constant 0 : i32
    %dma_wait3A_83 = tpu.memref_slice %arg2[%dma_wait3A_81, %dma_wait3A_82] : memref<1000000x64xf32, #tpu.memory_space<hbm>> -> memref<1000000x64xf32, #tpu.memory_space<hbm>>
    tpu.wait_indirect_dma semaphore(%arg11 : memref<!tpu.dma_semaphore, #tpu.memory_space<semaphore_mem>>) src(%dma_wait3A_83 : memref<1000000x64xf32, #tpu.memory_space<hbm>>) dst(%arg7 : memref<256x64xf32, #tpu.memory_space<vmem>>)
    %add3A_84 = arith.constant 24832 : i32
    %add3A_85 = arith.addi %mul3A_2, %add3A_84 : i32
    %dma_wait3A_86 = arith.constant 0 : i32
    %dma_wait3A_87 = tpu.memref_slice %arg4[%add3A_85, %dma_wait3A_86] : memref<819200x64xf32, #tpu.memory_space<hbm>> -> memref<256x64xf32, #tpu.memory_space<hbm>>
    %dma_wait3A_88 = arith.constant 0 : i32
    %dma_wait3A_89 = tpu.memref_slice %arg4[%add3A_85, %dma_wait3A_88] : memref<819200x64xf32, #tpu.memory_space<hbm>> -> memref<256x64xf32, #tpu.memory_space<hbm>>
    tpu.wait_dma2 semaphore(%arg13 : memref<!tpu.dma_semaphore, #tpu.memory_space<semaphore_mem>>) src(%arg9 : memref<256x64xf32, #tpu.memory_space<vmem>>) dst(%dma_wait3A_89 : memref<256x64xf32, #tpu.memory_space<hbm>>)
    %scan3A_90 = arith.constant 0 : i32
    %scan3A_91 = arith.constant 32 : i32
    %scan3A_92 = arith.addi %scan3A_90, %scan3A_91 : i32
    %scan3A_93 = arith.constant 1 : i32
    scf.for %scan3A_113 = %scan3A_90 to %scan3A_92 step %scan3A_93  : i32 {
      %mul3A_114 = arith.constant 8 : i32
      %mul3A_115 = arith.muli %scan3A_113, %mul3A_114 : i32
      %add3A_116 = arith.constant 0 : i32
      %add3A_117 = arith.addi %add3A_116, %mul3A_115 : i32
      %add3A_118 = arith.constant 0 : i32
      %add3A_119 = arith.addi %add3A_117, %add3A_118 : i32
      %get3A = arith.index_cast %add3A_119 : i32 to index
      %get3A_120 = arith.constant 0 : index
      %get3A_121 = tpu.vector_load %arg7[%get3A, %get3A_120] {strides = array<i32>} : memref<256x64xf32, #tpu.memory_space<vmem>>, vector<1x16xf32>,
      %get3A_122 = vector.shape_cast %get3A_121 : vector<1x16xf32> to vector<16xf32>
      %mul3A_123 = arith.constant 8.000000e+00 : f32
      %mul3A_124 = vector.broadcast %mul3A_123 : f32 to vector<16xf32>
      %mul3A_125 = arith.mulf %get3A_122, %mul3A_124 : vector<16xf32>
      %add3A_126 = arith.constant 0 : i32
      %add3A_127 = arith.addi %add3A_117, %add3A_126 : i32
      %swap3A = arith.index_cast %add3A_127 : i32 to index
      %swap3A_128 = arith.constant 0 : index
      %swap3A_129 = tpu.vector_load %arg9[%swap3A, %swap3A_128] {strides = array<i32>} : memref<256x64xf32, #tpu.memory_space<vmem>>, vector<1x16xf32>,
      %swap3A_130 = vector.shape_cast %swap3A_129 : vector<1x16xf32> to vector<16xf32>
      %swap3A_131 = vector.shape_cast %mul3A_125 : vector<16xf32> to vector<1x16xf32>
      tpu.vector_store %arg9[%swap3A, %swap3A_128], %swap3A_131 {strides = array<i32>} : memref<256x64xf32, #tpu.memory_space<vmem>>, vector<1x16xf32>,
      %add3A_132 = arith.constant 0 : i32
      %add3A_133 = arith.addi %add3A_117, %add3A_132 : i32
      %get3A_134 = arith.index_cast %add3A_133 : i32 to index
      %get3A_135 = arith.constant 16 : index
      %get3A_136 = tpu.vector_load %arg7[%get3A_134, %get3A_135] {strides = array<i32>} : memref<256x64xf32, #tpu.memory_space<vmem>>, vector<1x16xf32>,
      %get3A_137 = vector.shape_cast %get3A_136 : vector<1x16xf32> to vector<16xf32>
      %mul3A_138 = arith.constant 8.000000e+00 : f32
      %mul3A_139 = vector.broadcast %mul3A_138 : f32 to vector<16xf32>
      %mul3A_140 = arith.mulf %get3A_137, %mul3A_139 : vector<16xf32>
      %add3A_141 = arith.constant 0 : i32
      %add3A_142 = arith.addi %add3A_117, %add3A_141 : i32
      %swap3A_143 = arith.index_cast %add3A_142 : i32 to index
      %swap3A_144 = arith.constant 16 : index
      %swap3A_145 = tpu.vector_load %arg9[%swap3A_143, %swap3A_144] {strides = array<i32>} : memref<256x64xf32, #tpu.memory_space<vmem>>, vector<1x16xf32>,
      %swap3A_146 = vector.shape_cast %swap3A_145 : vector<1x16xf32> to vector<16xf32>
      %swap3A_147 = vector.shape_cast %mul3A_140 : vector<16xf32> to vector<1x16xf32>
      tpu.vector_store %arg9[%swap3A_143, %swap3A_144], %swap3A_147 {strides = array<i32>} : memref<256x64xf32, #tpu.memory_space<vmem>>, vector<1x16xf32>,
      %add3A_148 = arith.constant 0 : i32
      %add3A_149 = arith.addi %add3A_117, %add3A_148 : i32
      %get3A_150 = arith.index_cast %add3A_149 : i32 to index
      %get3A_151 = arith.constant 32 : index
      %get3A_152 = tpu.vector_load %arg7[%get3A_150, %get3A_151] {strides = array<i32>} : memref<256x64xf32, #tpu.memory_space<vmem>>, vector<1x16xf32>,
      %get3A_153 = vector.shape_cast %get3A_152 : vector<1x16xf32> to vector<16xf32>
      %mul3A_154 = arith.constant 8.000000e+00 : f32
      %mul3A_155 = vector.broadcast %mul3A_154 : f32 to vector<16xf32>
      %mul3A_156 = arith.mulf %get3A_153, %mul3A_155 : vector<16xf32>
      %add3A_157 = arith.constant 0 : i32
      %add3A_158 = arith.addi %add3A_117, %add3A_157 : i32
      %swap3A_159 = arith.index_cast %add3A_158 : i32 to index
      %swap3A_160 = arith.constant 32 : index
      %swap3A_161 = tpu.vector_load %arg9[%swap3A_159, %swap3A_160] {strides = array<i32>} : memref<256x64xf32, #tpu.memory_space<vmem>>, vector<1x16xf32>,
      %swap3A_162 = vector.shape_cast %swap3A_161 : vector<1x16xf32> to vector<16xf32>
      %swap3A_163 = vector.shape_cast %mul3A_156 : vector<16xf32> to vector<1x16xf32>
      tpu.vector_store %arg9[%swap3A_159, %swap3A_160], %swap3A_163 {strides = array<i32>} : memref<256x64xf32, #tpu.memory_space<vmem>>, vector<1x16xf32>,
      %add3A_164 = arith.constant 0 : i32
      %add3A_165 = arith.addi %add3A_117, %add3A_164 : i32
      %get3A_166 = arith.index_cast %add3A_165 : i32 to index
      %get3A_167 = arith.constant 48 : index
      %get3A_168 = tpu.vector_load %arg7[%get3A_166, %get3A_167] {strides = array<i32>} : memref<256x64xf32, #tpu.memory_space<vmem>>, vector<1x16xf32>,
      %get3A_169 = vector.shape_cast %get3A_168 : vector<1x16xf32> to vector<16xf32>
      %mul3A_170 = arith.constant 8.000000e+00 : f32
      %mul3A_171 = vector.broadcast %mul3A_170 : f32 to vector<16xf32>
      %mul3A_172 = arith.mulf %get3A_169, %mul3A_171 : vector<16xf32>
      %add3A_173 = arith.constant 0 : i32
      %add3A_174 = arith.addi %add3A_117, %add3A_173 : i32
      %swap3A_175 = arith.index_cast %add3A_174 : i32 to index
      %swap3A_176 = arith.constant 48 : index
      %swap3A_177 = tpu.vector_load %arg9[%swap3A_175, %swap3A_176] {strides = array<i32>} : memref<256x64xf32, #tpu.memory_space<vmem>>, vector<1x16xf32>,
      %swap3A_178 = vector.shape_cast %swap3A_177 : vector<1x16xf32> to vector<16xf32>
      %swap3A_179 = vector.shape_cast %mul3A_172 : vector<16xf32> to vector<1x16xf32>
      tpu.vector_store %arg9[%swap3A_175, %swap3A_176], %swap3A_179 {strides = array<i32>} : memref<256x64xf32, #tpu.memory_space<vmem>>, vector<1x16xf32>,
      %add3A_180 = arith.constant 1 : i32
      %add3A_181 = arith.addi %add3A_117, %add3A_180 : i32
      %get3A_182 = arith.index_cast %add3A_181 : i32 to index
      %get3A_183 = arith.constant 0 : index
      %get3A_184 = tpu.vector_load %arg7[%get3A_182, %get3A_183] {strides = array<i32>} : memref<256x64xf32, #tpu.memory_space<vmem>>, vector<1x16xf32>,
      %get3A_185 = vector.shape_cast %get3A_184 : vector<1x16xf32> to vector<16xf32>
      %mul3A_186 = arith.constant 8.000000e+00 : f32
      %mul3A_187 = vector.broadcast %mul3A_186 : f32 to vector<16xf32>
      %mul3A_188 = arith.mulf %get3A_185, %mul3A_187 : vector<16xf32>
      %add3A_189 = arith.constant 1 : i32
      %add3A_190 = arith.addi %add3A_117, %add3A_189 : i32
      %swap3A_191 = arith.index_cast %add3A_190 : i32 to index
      %swap3A_192 = arith.constant 0 : index
      %swap3A_193 = tpu.vector_load %arg9[%swap3A_191, %swap3A_192] {strides = array<i32>} : memref<256x64xf32, #tpu.memory_space<vmem>>, vector<1x16xf32>,
      %swap3A_194 = vector.shape_cast %swap3A_193 : vector<1x16xf32> to vector<16xf32>
      %swap3A_195 = vector.shape_cast %mul3A_188 : vector<16xf32> to vector<1x16xf32>
      tpu.vector_store %arg9[%swap3A_191, %swap3A_192], %swap3A_195 {strides = array<i32>} : memref<256x64xf32, #tpu.memory_space<vmem>>, vector<1x16xf32>,
      %add3A_196 = arith.constant 1 : i32
      %add3A_197 = arith.addi %add3A_117, %add3A_196 : i32
      %get3A_198 = arith.index_cast %add3A_197 : i32 to index
      %get3A_199 = arith.constant 16 : index
      %get3A_200 = tpu.vector_load %arg7[%get3A_198, %get3A_199] {strides = array<i32>} : memref<256x64xf32, #tpu.memory_space<vmem>>, vector<1x16xf32>,
      %get3A_201 = vector.shape_cast %get3A_200 : vector<1x16xf32> to vector<16xf32>
      %mul3A_202 = arith.constant 8.000000e+00 : f32
      %mul3A_203 = vector.broadcast %mul3A_202 : f32 to vector<16xf32>
      %mul3A_204 = arith.mulf %get3A_201, %mul3A_203 : vector<16xf32>
      %add3A_205 = arith.constant 1 : i32
      %add3A_206 = arith.addi %add3A_117, %add3A_205 : i32
      %swap3A_207 = arith.index_cast %add3A_206 : i32 to index
      %swap3A_208 = arith.constant 16 : index
      %swap3A_209 = tpu.vector_load %arg9[%swap3A_207, %swap3A_208] {strides = array<i32>} : memref<256x64xf32, #tpu.memory_space<vmem>>, vector<1x16xf32>,
      %swap3A_210 = vector.shape_cast %swap3A_209 : vector<1x16xf32> to vector<16xf32>
      %swap3A_211 = vector.shape_cast %mul3A_204 : vector<16xf32> to vector<1x16xf32>
      tpu.vector_store %arg9[%swap3A_207, %swap3A_208], %swap3A_211 {strides = array<i32>} : memref<256x64xf32, #tpu.memory_space<vmem>>, vector<1x16xf32>,
      %add3A_212 = arith.constant 1 : i32
      %add3A_213 = arith.addi %add3A_117, %add3A_212 : i32
      %get3A_214 = arith.index_cast %add3A_213 : i32 to index
      %get3A_215 = arith.constant 32 : index
      %get3A_216 = tpu.vector_load %arg7[%get3A_214, %get3A_215] {strides = array<i32>} : memref<256x64xf32, #tpu.memory_space<vmem>>, vector<1x16xf32>,
      %get3A_217 = vector.shape_cast %get3A_216 : vector<1x16xf32> to vector<16xf32>
      %mul3A_218 = arith.constant 8.000000e+00 : f32
      %mul3A_219 = vector.broadcast %mul3A_218 : f32 to vector<16xf32>
      %mul3A_220 = arith.mulf %get3A_217, %mul3A_219 : vector<16xf32>
      %add3A_221 = arith.constant 1 : i32
      %add3A_222 = arith.addi %add3A_117, %add3A_221 : i32
      %swap3A_223 = arith.index_cast %add3A_222 : i32 to index
      %swap3A_224 = arith.constant 32 : index
      %swap3A_225 = tpu.vector_load %arg9[%swap3A_223, %swap3A_224] {strides = array<i32>} : memref<256x64xf32, #tpu.memory_space<vmem>>, vector<1x16xf32>,
      %swap3A_226 = vector.shape_cast %swap3A_225 : vector<1x16xf32> to vector<16xf32>
      %swap3A_227 = vector.shape_cast %mul3A_220 : vector<16xf32> to vector<1x16xf32>
      tpu.vector_store %arg9[%swap3A_223, %swap3A_224], %swap3A_227 {strides = array<i32>} : memref<256x64xf32, #tpu.memory_space<vmem>>, vector<1x16xf32>,
      %add3A_228 = arith.constant 1 : i32
      %add3A_229 = arith.addi %add3A_117, %add3A_228 : i32
      %get3A_230 = arith.index_cast %add3A_229 : i32 to index
      %get3A_231 = arith.constant 48 : index
      %get3A_232 = tpu.vector_load %arg7[%get3A_230, %get3A_231] {strides = array<i32>} : memref<256x64xf32, #tpu.memory_space<vmem>>, vector<1x16xf32>,
      %get3A_233 = vector.shape_cast %get3A_232 : vector<1x16xf32> to vector<16xf32>
      %mul3A_234 = arith.constant 8.000000e+00 : f32
      %mul3A_235 = vector.broadcast %mul3A_234 : f32 to vector<16xf32>
      %mul3A_236 = arith.mulf %get3A_233, %mul3A_235 : vector<16xf32>
      %add3A_237 = arith.constant 1 : i32
      %add3A_238 = arith.addi %add3A_117, %add3A_237 : i32
      %swap3A_239 = arith.index_cast %add3A_238 : i32 to index
      %swap3A_240 = arith.constant 48 : index
      %swap3A_241 = tpu.vector_load %arg9[%swap3A_239, %swap3A_240] {strides = array<i32>} : memref<256x64xf32, #tpu.memory_space<vmem>>, vector<1x16xf32>,
      %swap3A_242 = vector.shape_cast %swap3A_241 : vector<1x16xf32> to vector<16xf32>
      %swap3A_243 = vector.shape_cast %mul3A_236 : vector<16xf32> to vector<1x16xf32>
      tpu.vector_store %arg9[%swap3A_239, %swap3A_240], %swap3A_243 {strides = array<i32>} : memref<256x64xf32, #tpu.memory_space<vmem>>, vector<1x16xf32>,
      %add3A_244 = arith.constant 2 : i32
      %add3A_245 = arith.addi %add3A_117, %add3A_244 : i32
      %get3A_246 = arith.index_cast %add3A_245 : i32 to index
      %get3A_247 = arith.constant 0 : index
      %get3A_248 = tpu.vector_load %arg7[%get3A_246, %get3A_247] {strides = array<i32>} : memref<256x64xf32, #tpu.memory_space<vmem>>, vector<1x16xf32>,
      %get3A_249 = vector.shape_cast %get3A_248 : vector<1x16xf32> to vector<16xf32>
      %mul3A_250 = arith.constant 8.000000e+00 : f32
      %mul3A_251 = vector.broadcast %mul3A_250 : f32 to vector<16xf32>
      %mul3A_252 = arith.mulf %get3A_249, %mul3A_251 : vector<16xf32>
      %add3A_253 = arith.constant 2 : i32
      %add3A_254 = arith.addi %add3A_117, %add3A_253 : i32
      %swap3A_255 = arith.index_cast %add3A_254 : i32 to index
      %swap3A_256 = arith.constant 0 : index
      %swap3A_257 = tpu.vector_load %arg9[%swap3A_255, %swap3A_256] {strides = array<i32>} : memref<256x64xf32, #tpu.memory_space<vmem>>, vector<1x16xf32>,
      %swap3A_258 = vector.shape_cast %swap3A_257 : vector<1x16xf32> to vector<16xf32>
      %swap3A_259 = vector.shape_cast %mul3A_252 : vector<16xf32> to vector<1x16xf32>
      tpu.vector_store %arg9[%swap3A_255, %swap3A_256], %swap3A_259 {strides = array<i32>} : memref<256x64xf32, #tpu.memory_space<vmem>>, vector<1x16xf32>,
      %add3A_260 = arith.constant 2 : i32
      %add3A_261 = arith.addi %add3A_117, %add3A_260 : i32
      %get3A_262 = arith.index_cast %add3A_261 : i32 to index
      %get3A_263 = arith.constant 16 : index
      %get3A_264 = tpu.vector_load %arg7[%get3A_262, %get3A_263] {strides = array<i32>} : memref<256x64xf32, #tpu.memory_space<vmem>>, vector<1x16xf32>,
      %get3A_265 = vector.shape_cast %get3A_264 : vector<1x16xf32> to vector<16xf32>
      %mul3A_266 = arith.constant 8.000000e+00 : f32
      %mul3A_267 = vector.broadcast %mul3A_266 : f32 to vector<16xf32>
      %mul3A_268 = arith.mulf %get3A_265, %mul3A_267 : vector<16xf32>
      %add3A_269 = arith.constant 2 : i32
      %add3A_270 = arith.addi %add3A_117, %add3A_269 : i32
      %swap3A_271 = arith.index_cast %add3A_270 : i32 to index
      %swap3A_272 = arith.constant 16 : index
      %swap3A_273 = tpu.vector_load %arg9[%swap3A_271, %swap3A_272] {strides = array<i32>} : memref<256x64xf32, #tpu.memory_space<vmem>>, vector<1x16xf32>,
      %swap3A_274 = vector.shape_cast %swap3A_273 : vector<1x16xf32> to vector<16xf32>
      %swap3A_275 = vector.shape_cast %mul3A_268 : vector<16xf32> to vector<1x16xf32>
      tpu.vector_store %arg9[%swap3A_271, %swap3A_272], %swap3A_275 {strides = array<i32>} : memref<256x64xf32, #tpu.memory_space<vmem>>, vector<1x16xf32>,
      %add3A_276 = arith.constant 2 : i32
      %add3A_277 = arith.addi %add3A_117, %add3A_276 : i32
      %get3A_278 = arith.index_cast %add3A_277 : i32 to index
      %get3A_279 = arith.constant 32 : index
      %get3A_280 = tpu.vector_load %arg7[%get3A_278, %get3A_279] {strides = array<i32>} : memref<256x64xf32, #tpu.memory_space<vmem>>, vector<1x16xf32>,
      %get3A_281 = vector.shape_cast %get3A_280 : vector<1x16xf32> to vector<16xf32>
      %mul3A_282 = arith.constant 8.000000e+00 : f32
      %mul3A_283 = vector.broadcast %mul3A_282 : f32 to vector<16xf32>
      %mul3A_284 = arith.mulf %get3A_281, %mul3A_283 : vector<16xf32>
      %add3A_285 = arith.constant 2 : i32
      %add3A_286 = arith.addi %add3A_117, %add3A_285 : i32
      %swap3A_287 = arith.index_cast %add3A_286 : i32 to index
      %swap3A_288 = arith.constant 32 : index
      %swap3A_289 = tpu.vector_load %arg9[%swap3A_287, %swap3A_288] {strides = array<i32>} : memref<256x64xf32, #tpu.memory_space<vmem>>, vector<1x16xf32>,
      %swap3A_290 = vector.shape_cast %swap3A_289 : vector<1x16xf32> to vector<16xf32>
      %swap3A_291 = vector.shape_cast %mul3A_284 : vector<16xf32> to vector<1x16xf32>
      tpu.vector_store %arg9[%swap3A_287, %swap3A_288], %swap3A_291 {strides = array<i32>} : memref<256x64xf32, #tpu.memory_space<vmem>>, vector<1x16xf32>,
      %add3A_292 = arith.constant 2 : i32
      %add3A_293 = arith.addi %add3A_117, %add3A_292 : i32
      %get3A_294 = arith.index_cast %add3A_293 : i32 to index
      %get3A_295 = arith.constant 48 : index
      %get3A_296 = tpu.vector_load %arg7[%get3A_294, %get3A_295] {strides = array<i32>} : memref<256x64xf32, #tpu.memory_space<vmem>>, vector<1x16xf32>,
      %get3A_297 = vector.shape_cast %get3A_296 : vector<1x16xf32> to vector<16xf32>
      %mul3A_298 = arith.constant 8.000000e+00 : f32
      %mul3A_299 = vector.broadcast %mul3A_298 : f32 to vector<16xf32>
      %mul3A_300 = arith.mulf %get3A_297, %mul3A_299 : vector<16xf32>
      %add3A_301 = arith.constant 2 : i32
      %add3A_302 = arith.addi %add3A_117, %add3A_301 : i32
      %swap3A_303 = arith.index_cast %add3A_302 : i32 to index
      %swap3A_304 = arith.constant 48 : index
      %swap3A_305 = tpu.vector_load %arg9[%swap3A_303, %swap3A_304] {strides = array<i32>} : memref<256x64xf32, #tpu.memory_space<vmem>>, vector<1x16xf32>,
      %swap3A_306 = vector.shape_cast %swap3A_305 : vector<1x16xf32> to vector<16xf32>
      %swap3A_307 = vector.shape_cast %mul3A_300 : vector<16xf32> to vector<1x16xf32>
      tpu.vector_store %arg9[%swap3A_303, %swap3A_304], %swap3A_307 {strides = array<i32>} : memref<256x64xf32, #tpu.memory_space<vmem>>, vector<1x16xf32>,
      %add3A_308 = arith.constant 3 : i32
      %add3A_309 = arith.addi %add3A_117, %add3A_308 : i32
      %get3A_310 = arith.index_cast %add3A_309 : i32 to index
      %get3A_311 = arith.constant 0 : index
      %get3A_312 = tpu.vector_load %arg7[%get3A_310, %get3A_311] {strides = array<i32>} : memref<256x64xf32, #tpu.memory_space<vmem>>, vector<1x16xf32>,
      %get3A_313 = vector.shape_cast %get3A_312 : vector<1x16xf32> to vector<16xf32>
      %mul3A_314 = arith.constant 8.000000e+00 : f32
      %mul3A_315 = vector.broadcast %mul3A_314 : f32 to vector<16xf32>
      %mul3A_316 = arith.mulf %get3A_313, %mul3A_315 : vector<16xf32>
      %add3A_317 = arith.constant 3 : i32
      %add3A_318 = arith.addi %add3A_117, %add3A_317 : i32
      %swap3A_319 = arith.index_cast %add3A_318 : i32 to index
      %swap3A_320 = arith.constant 0 : index
      %swap3A_321 = tpu.vector_load %arg9[%swap3A_319, %swap3A_320] {strides = array<i32>} : memref<256x64xf32, #tpu.memory_space<vmem>>, vector<1x16xf32>,
      %swap3A_322 = vector.shape_cast %swap3A_321 : vector<1x16xf32> to vector<16xf32>
      %swap3A_323 = vector.shape_cast %mul3A_316 : vector<16xf32> to vector<1x16xf32>
      tpu.vector_store %arg9[%swap3A_319, %swap3A_320], %swap3A_323 {strides = array<i32>} : memref<256x64xf32, #tpu.memory_space<vmem>>, vector<1x16xf32>,
      %add3A_324 = arith.constant 3 : i32
      %add3A_325 = arith.addi %add3A_117, %add3A_324 : i32
      %get3A_326 = arith.index_cast %add3A_325 : i32 to index
      %get3A_327 = arith.constant 16 : index
      %get3A_328 = tpu.vector_load %arg7[%get3A_326, %get3A_327] {strides = array<i32>} : memref<256x64xf32, #tpu.memory_space<vmem>>, vector<1x16xf32>,
      %get3A_329 = vector.shape_cast %get3A_328 : vector<1x16xf32> to vector<16xf32>
      %mul3A_330 = arith.constant 8.000000e+00 : f32
      %mul3A_331 = vector.broadcast %mul3A_330 : f32 to vector<16xf32>
      %mul3A_332 = arith.mulf %get3A_329, %mul3A_331 : vector<16xf32>
      %add3A_333 = arith.constant 3 : i32
      %add3A_334 = arith.addi %add3A_117, %add3A_333 : i32
      %swap3A_335 = arith.index_cast %add3A_334 : i32 to index
      %swap3A_336 = arith.constant 16 : index
      %swap3A_337 = tpu.vector_load %arg9[%swap3A_335, %swap3A_336] {strides = array<i32>} : memref<256x64xf32, #tpu.memory_space<vmem>>, vector<1x16xf32>,
      %swap3A_338 = vector.shape_cast %swap3A_337 : vector<1x16xf32> to vector<16xf32>
      %swap3A_339 = vector.shape_cast %mul3A_332 : vector<16xf32> to vector<1x16xf32>
      tpu.vector_store %arg9[%swap3A_335, %swap3A_336], %swap3A_339 {strides = array<i32>} : memref<256x64xf32, #tpu.memory_space<vmem>>, vector<1x16xf32>,
      %add3A_340 = arith.constant 3 : i32
      %add3A_341 = arith.addi %add3A_117, %add3A_340 : i32
      %get3A_342 = arith.index_cast %add3A_341 : i32 to index
      %get3A_343 = arith.constant 32 : index
      %get3A_344 = tpu.vector_load %arg7[%get3A_342, %get3A_343] {strides = array<i32>} : memref<256x64xf32, #tpu.memory_space<vmem>>, vector<1x16xf32>,
      %get3A_345 = vector.shape_cast %get3A_344 : vector<1x16xf32> to vector<16xf32>
      %mul3A_346 = arith.constant 8.000000e+00 : f32
      %mul3A_347 = vector.broadcast %mul3A_346 : f32 to vector<16xf32>
      %mul3A_348 = arith.mulf %get3A_345, %mul3A_347 : vector<16xf32>
      %add3A_349 = arith.constant 3 : i32
      %add3A_350 = arith.addi %add3A_117, %add3A_349 : i32
      %swap3A_351 = arith.index_cast %add3A_350 : i32 to index
      %swap3A_352 = arith.constant 32 : index
      %swap3A_353 = tpu.vector_load %arg9[%swap3A_351, %swap3A_352] {strides = array<i32>} : memref<256x64xf32, #tpu.memory_space<vmem>>, vector<1x16xf32>,
      %swap3A_354 = vector.shape_cast %swap3A_353 : vector<1x16xf32> to vector<16xf32>
      %swap3A_355 = vector.shape_cast %mul3A_348 : vector<16xf32> to vector<1x16xf32>
      tpu.vector_store %arg9[%swap3A_351, %swap3A_352], %swap3A_355 {strides = array<i32>} : memref<256x64xf32, #tpu.memory_space<vmem>>, vector<1x16xf32>,
      %add3A_356 = arith.constant 3 : i32
      %add3A_357 = arith.addi %add3A_117, %add3A_356 : i32
      %get3A_358 = arith.index_cast %add3A_357 : i32 to index
      %get3A_359 = arith.constant 48 : index
      %get3A_360 = tpu.vector_load %arg7[%get3A_358, %get3A_359] {strides = array<i32>} : memref<256x64xf32, #tpu.memory_space<vmem>>, vector<1x16xf32>,
      %get3A_361 = vector.shape_cast %get3A_360 : vector<1x16xf32> to vector<16xf32>
      %mul3A_362 = arith.constant 8.000000e+00 : f32
      %mul3A_363 = vector.broadcast %mul3A_362 : f32 to vector<16xf32>
      %mul3A_364 = arith.mulf %get3A_361, %mul3A_363 : vector<16xf32>
      %add3A_365 = arith.constant 3 : i32
      %add3A_366 = arith.addi %add3A_117, %add3A_365 : i32
      %swap3A_367 = arith.index_cast %add3A_366 : i32 to index
      %swap3A_368 = arith.constant 48 : index
      %swap3A_369 = tpu.vector_load %arg9[%swap3A_367, %swap3A_368] {strides = array<i32>} : memref<256x64xf32, #tpu.memory_space<vmem>>, vector<1x16xf32>,
      %swap3A_370 = vector.shape_cast %swap3A_369 : vector<1x16xf32> to vector<16xf32>
      %swap3A_371 = vector.shape_cast %mul3A_364 : vector<16xf32> to vector<1x16xf32>
      tpu.vector_store %arg9[%swap3A_367, %swap3A_368], %swap3A_371 {strides = array<i32>} : memref<256x64xf32, #tpu.memory_space<vmem>>, vector<1x16xf32>,
      %add3A_372 = arith.constant 4 : i32
      %add3A_373 = arith.addi %add3A_117, %add3A_372 : i32
      %get3A_374 = arith.index_cast %add3A_373 : i32 to index
      %get3A_375 = arith.constant 0 : index
      %get3A_376 = tpu.vector_load %arg7[%get3A_374, %get3A_375] {strides = array<i32>} : memref<256x64xf32, #tpu.memory_space<vmem>>, vector<1x16xf32>,
      %get3A_377 = vector.shape_cast %get3A_376 : vector<1x16xf32> to vector<16xf32>
      %mul3A_378 = arith.constant 8.000000e+00 : f32
      %mul3A_379 = vector.broadcast %mul3A_378 : f32 to vector<16xf32>
      %mul3A_380 = arith.mulf %get3A_377, %mul3A_379 : vector<16xf32>
      %add3A_381 = arith.constant 4 : i32
      %add3A_382 = arith.addi %add3A_117, %add3A_381 : i32
      %swap3A_383 = arith.index_cast %add3A_382 : i32 to index
      %swap3A_384 = arith.constant 0 : index
      %swap3A_385 = tpu.vector_load %arg9[%swap3A_383, %swap3A_384] {strides = array<i32>} : memref<256x64xf32, #tpu.memory_space<vmem>>, vector<1x16xf32>,
      %swap3A_386 = vector.shape_cast %swap3A_385 : vector<1x16xf32> to vector<16xf32>
      %swap3A_387 = vector.shape_cast %mul3A_380 : vector<16xf32> to vector<1x16xf32>
      tpu.vector_store %arg9[%swap3A_383, %swap3A_384], %swap3A_387 {strides = array<i32>} : memref<256x64xf32, #tpu.memory_space<vmem>>, vector<1x16xf32>,
      %add3A_388 = arith.constant 4 : i32
      %add3A_389 = arith.addi %add3A_117, %add3A_388 : i32
      %get3A_390 = arith.index_cast %add3A_389 : i32 to index
      %get3A_391 = arith.constant 16 : index
      %get3A_392 = tpu.vector_load %arg7[%get3A_390, %get3A_391] {strides = array<i32>} : memref<256x64xf32, #tpu.memory_space<vmem>>, vector<1x16xf32>,
      %get3A_393 = vector.shape_cast %get3A_392 : vector<1x16xf32> to vector<16xf32>
      %mul3A_394 = arith.constant 8.000000e+00 : f32
      %mul3A_395 = vector.broadcast %mul3A_394 : f32 to vector<16xf32>
      %mul3A_396 = arith.mulf %get3A_393, %mul3A_395 : vector<16xf32>
      %add3A_397 = arith.constant 4 : i32
      %add3A_398 = arith.addi %add3A_117, %add3A_397 : i32
      %swap3A_399 = arith.index_cast %add3A_398 : i32 to index
      %swap3A_400 = arith.constant 16 : index
      %swap3A_401 = tpu.vector_load %arg9[%swap3A_399, %swap3A_400] {strides = array<i32>} : memref<256x64xf32, #tpu.memory_space<vmem>>, vector<1x16xf32>,
      %swap3A_402 = vector.shape_cast %swap3A_401 : vector<1x16xf32> to vector<16xf32>
      %swap3A_403 = vector.shape_cast %mul3A_396 : vector<16xf32> to vector<1x16xf32>
      tpu.vector_store %arg9[%swap3A_399, %swap3A_400], %swap3A_403 {strides = array<i32>} : memref<256x64xf32, #tpu.memory_space<vmem>>, vector<1x16xf32>,
      %add3A_404 = arith.constant 4 : i32
      %add3A_405 = arith.addi %add3A_117, %add3A_404 : i32
      %get3A_406 = arith.index_cast %add3A_405 : i32 to index
      %get3A_407 = arith.constant 32 : index
      %get3A_408 = tpu.vector_load %arg7[%get3A_406, %get3A_407] {strides = array<i32>} : memref<256x64xf32, #tpu.memory_space<vmem>>, vector<1x16xf32>,
      %get3A_409 = vector.shape_cast %get3A_408 : vector<1x16xf32> to vector<16xf32>
      %mul3A_410 = arith.constant 8.000000e+00 : f32
      %mul3A_411 = vector.broadcast %mul3A_410 : f32 to vector<16xf32>
      %mul3A_412 = arith.mulf %get3A_409, %mul3A_411 : vector<16xf32>
      %add3A_413 = arith.constant 4 : i32
      %add3A_414 = arith.addi %add3A_117, %add3A_413 : i32
      %swap3A_415 = arith.index_cast %add3A_414 : i32 to index
      %swap3A_416 = arith.constant 32 : index
      %swap3A_417 = tpu.vector_load %arg9[%swap3A_415, %swap3A_416] {strides = array<i32>} : memref<256x64xf32, #tpu.memory_space<vmem>>, vector<1x16xf32>,
      %swap3A_418 = vector.shape_cast %swap3A_417 : vector<1x16xf32> to vector<16xf32>
      %swap3A_419 = vector.shape_cast %mul3A_412 : vector<16xf32> to vector<1x16xf32>
      tpu.vector_store %arg9[%swap3A_415, %swap3A_416], %swap3A_419 {strides = array<i32>} : memref<256x64xf32, #tpu.memory_space<vmem>>, vector<1x16xf32>,
      %add3A_420 = arith.constant 4 : i32
      %add3A_421 = arith.addi %add3A_117, %add3A_420 : i32
      %get3A_422 = arith.index_cast %add3A_421 : i32 to index
      %get3A_423 = arith.constant 48 : index
      %get3A_424 = tpu.vector_load %arg7[%get3A_422, %get3A_423] {strides = array<i32>} : memref<256x64xf32, #tpu.memory_space<vmem>>, vector<1x16xf32>,
      %get3A_425 = vector.shape_cast %get3A_424 : vector<1x16xf32> to vector<16xf32>
      %mul3A_426 = arith.constant 8.000000e+00 : f32
      %mul3A_427 = vector.broadcast %mul3A_426 : f32 to vector<16xf32>
      %mul3A_428 = arith.mulf %get3A_425, %mul3A_427 : vector<16xf32>
      %add3A_429 = arith.constant 4 : i32
      %add3A_430 = arith.addi %add3A_117, %add3A_429 : i32
      %swap3A_431 = arith.index_cast %add3A_430 : i32 to index
      %swap3A_432 = arith.constant 48 : index
      %swap3A_433 = tpu.vector_load %arg9[%swap3A_431, %swap3A_432] {strides = array<i32>} : memref<256x64xf32, #tpu.memory_space<vmem>>, vector<1x16xf32>,
      %swap3A_434 = vector.shape_cast %swap3A_433 : vector<1x16xf32> to vector<16xf32>
      %swap3A_435 = vector.shape_cast %mul3A_428 : vector<16xf32> to vector<1x16xf32>
      tpu.vector_store %arg9[%swap3A_431, %swap3A_432], %swap3A_435 {strides = array<i32>} : memref<256x64xf32, #tpu.memory_space<vmem>>, vector<1x16xf32>,
      %add3A_436 = arith.constant 5 : i32
      %add3A_437 = arith.addi %add3A_117, %add3A_436 : i32
      %get3A_438 = arith.index_cast %add3A_437 : i32 to index
      %get3A_439 = arith.constant 0 : index
      %get3A_440 = tpu.vector_load %arg7[%get3A_438, %get3A_439] {strides = array<i32>} : memref<256x64xf32, #tpu.memory_space<vmem>>, vector<1x16xf32>,
      %get3A_441 = vector.shape_cast %get3A_440 : vector<1x16xf32> to vector<16xf32>
      %mul3A_442 = arith.constant 8.000000e+00 : f32
      %mul3A_443 = vector.broadcast %mul3A_442 : f32 to vector<16xf32>
      %mul3A_444 = arith.mulf %get3A_441, %mul3A_443 : vector<16xf32>
      %add3A_445 = arith.constant 5 : i32
      %add3A_446 = arith.addi %add3A_117, %add3A_445 : i32
      %swap3A_447 = arith.index_cast %add3A_446 : i32 to index
      %swap3A_448 = arith.constant 0 : index
      %swap3A_449 = tpu.vector_load %arg9[%swap3A_447, %swap3A_448] {strides = array<i32>} : memref<256x64xf32, #tpu.memory_space<vmem>>, vector<1x16xf32>,
      %swap3A_450 = vector.shape_cast %swap3A_449 : vector<1x16xf32> to vector<16xf32>
      %swap3A_451 = vector.shape_cast %mul3A_444 : vector<16xf32> to vector<1x16xf32>
      tpu.vector_store %arg9[%swap3A_447, %swap3A_448], %swap3A_451 {strides = array<i32>} : memref<256x64xf32, #tpu.memory_space<vmem>>, vector<1x16xf32>,
      %add3A_452 = arith.constant 5 : i32
      %add3A_453 = arith.addi %add3A_117, %add3A_452 : i32
      %get3A_454 = arith.index_cast %add3A_453 : i32 to index
      %get3A_455 = arith.constant 16 : index
      %get3A_456 = tpu.vector_load %arg7[%get3A_454, %get3A_455] {strides = array<i32>} : memref<256x64xf32, #tpu.memory_space<vmem>>, vector<1x16xf32>,
      %get3A_457 = vector.shape_cast %get3A_456 : vector<1x16xf32> to vector<16xf32>
      %mul3A_458 = arith.constant 8.000000e+00 : f32
      %mul3A_459 = vector.broadcast %mul3A_458 : f32 to vector<16xf32>
      %mul3A_460 = arith.mulf %get3A_457, %mul3A_459 : vector<16xf32>
      %add3A_461 = arith.constant 5 : i32
      %add3A_462 = arith.addi %add3A_117, %add3A_461 : i32
      %swap3A_463 = arith.index_cast %add3A_462 : i32 to index
      %swap3A_464 = arith.constant 16 : index
      %swap3A_465 = tpu.vector_load %arg9[%swap3A_463, %swap3A_464] {strides = array<i32>} : memref<256x64xf32, #tpu.memory_space<vmem>>, vector<1x16xf32>,
      %swap3A_466 = vector.shape_cast %swap3A_465 : vector<1x16xf32> to vector<16xf32>
      %swap3A_467 = vector.shape_cast %mul3A_460 : vector<16xf32> to vector<1x16xf32>
      tpu.vector_store %arg9[%swap3A_463, %swap3A_464], %swap3A_467 {strides = array<i32>} : memref<256x64xf32, #tpu.memory_space<vmem>>, vector<1x16xf32>,
      %add3A_468 = arith.constant 5 : i32
      %add3A_469 = arith.addi %add3A_117, %add3A_468 : i32
      %get3A_470 = arith.index_cast %add3A_469 : i32 to index
      %get3A_471 = arith.constant 32 : index
      %get3A_472 = tpu.vector_load %arg7[%get3A_470, %get3A_471] {strides = array<i32>} : memref<256x64xf32, #tpu.memory_space<vmem>>, vector<1x16xf32>,
      %get3A_473 = vector.shape_cast %get3A_472 : vector<1x16xf32> to vector<16xf32>
      %mul3A_474 = arith.constant 8.000000e+00 : f32
      %mul3A_475 = vector.broadcast %mul3A_474 : f32 to vector<16xf32>
      %mul3A_476 = arith.mulf %get3A_473, %mul3A_475 : vector<16xf32>
      %add3A_477 = arith.constant 5 : i32
      %add3A_478 = arith.addi %add3A_117, %add3A_477 : i32
      %swap3A_479 = arith.index_cast %add3A_478 : i32 to index
      %swap3A_480 = arith.constant 32 : index
      %swap3A_481 = tpu.vector_load %arg9[%swap3A_479, %swap3A_480] {strides = array<i32>} : memref<256x64xf32, #tpu.memory_space<vmem>>, vector<1x16xf32>,
      %swap3A_482 = vector.shape_cast %swap3A_481 : vector<1x16xf32> to vector<16xf32>
      %swap3A_483 = vector.shape_cast %mul3A_476 : vector<16xf32> to vector<1x16xf32>
      tpu.vector_store %arg9[%swap3A_479, %swap3A_480], %swap3A_483 {strides = array<i32>} : memref<256x64xf32, #tpu.memory_space<vmem>>, vector<1x16xf32>,
      %add3A_484 = arith.constant 5 : i32
      %add3A_485 = arith.addi %add3A_117, %add3A_484 : i32
      %get3A_486 = arith.index_cast %add3A_485 : i32 to index
      %get3A_487 = arith.constant 48 : index
      %get3A_488 = tpu.vector_load %arg7[%get3A_486, %get3A_487] {strides = array<i32>} : memref<256x64xf32, #tpu.memory_space<vmem>>, vector<1x16xf32>,
      %get3A_489 = vector.shape_cast %get3A_488 : vector<1x16xf32> to vector<16xf32>
      %mul3A_490 = arith.constant 8.000000e+00 : f32
      %mul3A_491 = vector.broadcast %mul3A_490 : f32 to vector<16xf32>
      %mul3A_492 = arith.mulf %get3A_489, %mul3A_491 : vector<16xf32>
      %add3A_493 = arith.constant 5 : i32
      %add3A_494 = arith.addi %add3A_117, %add3A_493 : i32
      %swap3A_495 = arith.index_cast %add3A_494 : i32 to index
      %swap3A_496 = arith.constant 48 : index
      %swap3A_497 = tpu.vector_load %arg9[%swap3A_495, %swap3A_496] {strides = array<i32>} : memref<256x64xf32, #tpu.memory_space<vmem>>, vector<1x16xf32>,
      %swap3A_498 = vector.shape_cast %swap3A_497 : vector<1x16xf32> to vector<16xf32>
      %swap3A_499 = vector.shape_cast %mul3A_492 : vector<16xf32> to vector<1x16xf32>
      tpu.vector_store %arg9[%swap3A_495, %swap3A_496], %swap3A_499 {strides = array<i32>} : memref<256x64xf32, #tpu.memory_space<vmem>>, vector<1x16xf32>,
      %add3A_500 = arith.constant 6 : i32
      %add3A_501 = arith.addi %add3A_117, %add3A_500 : i32
      %get3A_502 = arith.index_cast %add3A_501 : i32 to index
      %get3A_503 = arith.constant 0 : index
      %get3A_504 = tpu.vector_load %arg7[%get3A_502, %get3A_503] {strides = array<i32>} : memref<256x64xf32, #tpu.memory_space<vmem>>, vector<1x16xf32>,
      %get3A_505 = vector.shape_cast %get3A_504 : vector<1x16xf32> to vector<16xf32>
      %mul3A_506 = arith.constant 8.000000e+00 : f32
      %mul3A_507 = vector.broadcast %mul3A_506 : f32 to vector<16xf32>
      %mul3A_508 = arith.mulf %get3A_505, %mul3A_507 : vector<16xf32>
      %add3A_509 = arith.constant 6 : i32
      %add3A_510 = arith.addi %add3A_117, %add3A_509 : i32
      %swap3A_511 = arith.index_cast %add3A_510 : i32 to index
      %swap3A_512 = arith.constant 0 : index
      %swap3A_513 = tpu.vector_load %arg9[%swap3A_511, %swap3A_512] {strides = array<i32>} : memref<256x64xf32, #tpu.memory_space<vmem>>, vector<1x16xf32>,
      %swap3A_514 = vector.shape_cast %swap3A_513 : vector<1x16xf32> to vector<16xf32>
      %swap3A_515 = vector.shape_cast %mul3A_508 : vector<16xf32> to vector<1x16xf32>
      tpu.vector_store %arg9[%swap3A_511, %swap3A_512], %swap3A_515 {strides = array<i32>} : memref<256x64xf32, #tpu.memory_space<vmem>>, vector<1x16xf32>,
      %add3A_516 = arith.constant 6 : i32
      %add3A_517 = arith.addi %add3A_117, %add3A_516 : i32
      %get3A_518 = arith.index_cast %add3A_517 : i32 to index
      %get3A_519 = arith.constant 16 : index
      %get3A_520 = tpu.vector_load %arg7[%get3A_518, %get3A_519] {strides = array<i32>} : memref<256x64xf32, #tpu.memory_space<vmem>>, vector<1x16xf32>,
      %get3A_521 = vector.shape_cast %get3A_520 : vector<1x16xf32> to vector<16xf32>
      %mul3A_522 = arith.constant 8.000000e+00 : f32
      %mul3A_523 = vector.broadcast %mul3A_522 : f32 to vector<16xf32>
      %mul3A_524 = arith.mulf %get3A_521, %mul3A_523 : vector<16xf32>
      %add3A_525 = arith.constant 6 : i32
      %add3A_526 = arith.addi %add3A_117, %add3A_525 : i32
      %swap3A_527 = arith.index_cast %add3A_526 : i32 to index
      %swap3A_528 = arith.constant 16 : index
      %swap3A_529 = tpu.vector_load %arg9[%swap3A_527, %swap3A_528] {strides = array<i32>} : memref<256x64xf32, #tpu.memory_space<vmem>>, vector<1x16xf32>,
      %swap3A_530 = vector.shape_cast %swap3A_529 : vector<1x16xf32> to vector<16xf32>
      %swap3A_531 = vector.shape_cast %mul3A_524 : vector<16xf32> to vector<1x16xf32>
      tpu.vector_store %arg9[%swap3A_527, %swap3A_528], %swap3A_531 {strides = array<i32>} : memref<256x64xf32, #tpu.memory_space<vmem>>, vector<1x16xf32>,
      %add3A_532 = arith.constant 6 : i32
      %add3A_533 = arith.addi %add3A_117, %add3A_532 : i32
      %get3A_534 = arith.index_cast %add3A_533 : i32 to index
      %get3A_535 = arith.constant 32 : index
      %get3A_536 = tpu.vector_load %arg7[%get3A_534, %get3A_535] {strides = array<i32>} : memref<256x64xf32, #tpu.memory_space<vmem>>, vector<1x16xf32>,
      %get3A_537 = vector.shape_cast %get3A_536 : vector<1x16xf32> to vector<16xf32>
      %mul3A_538 = arith.constant 8.000000e+00 : f32
      %mul3A_539 = vector.broadcast %mul3A_538 : f32 to vector<16xf32>
      %mul3A_540 = arith.mulf %get3A_537, %mul3A_539 : vector<16xf32>
      %add3A_541 = arith.constant 6 : i32
      %add3A_542 = arith.addi %add3A_117, %add3A_541 : i32
      %swap3A_543 = arith.index_cast %add3A_542 : i32 to index
      %swap3A_544 = arith.constant 32 : index
      %swap3A_545 = tpu.vector_load %arg9[%swap3A_543, %swap3A_544] {strides = array<i32>} : memref<256x64xf32, #tpu.memory_space<vmem>>, vector<1x16xf32>,
      %swap3A_546 = vector.shape_cast %swap3A_545 : vector<1x16xf32> to vector<16xf32>
      %swap3A_547 = vector.shape_cast %mul3A_540 : vector<16xf32> to vector<1x16xf32>
      tpu.vector_store %arg9[%swap3A_543, %swap3A_544], %swap3A_547 {strides = array<i32>} : memref<256x64xf32, #tpu.memory_space<vmem>>, vector<1x16xf32>,
      %add3A_548 = arith.constant 6 : i32
      %add3A_549 = arith.addi %add3A_117, %add3A_548 : i32
      %get3A_550 = arith.index_cast %add3A_549 : i32 to index
      %get3A_551 = arith.constant 48 : index
      %get3A_552 = tpu.vector_load %arg7[%get3A_550, %get3A_551] {strides = array<i32>} : memref<256x64xf32, #tpu.memory_space<vmem>>, vector<1x16xf32>,
      %get3A_553 = vector.shape_cast %get3A_552 : vector<1x16xf32> to vector<16xf32>
      %mul3A_554 = arith.constant 8.000000e+00 : f32
      %mul3A_555 = vector.broadcast %mul3A_554 : f32 to vector<16xf32>
      %mul3A_556 = arith.mulf %get3A_553, %mul3A_555 : vector<16xf32>
      %add3A_557 = arith.constant 6 : i32
      %add3A_558 = arith.addi %add3A_117, %add3A_557 : i32
      %swap3A_559 = arith.index_cast %add3A_558 : i32 to index
      %swap3A_560 = arith.constant 48 : index
      %swap3A_561 = tpu.vector_load %arg9[%swap3A_559, %swap3A_560] {strides = array<i32>} : memref<256x64xf32, #tpu.memory_space<vmem>>, vector<1x16xf32>,
      %swap3A_562 = vector.shape_cast %swap3A_561 : vector<1x16xf32> to vector<16xf32>
      %swap3A_563 = vector.shape_cast %mul3A_556 : vector<16xf32> to vector<1x16xf32>
      tpu.vector_store %arg9[%swap3A_559, %swap3A_560], %swap3A_563 {strides = array<i32>} : memref<256x64xf32, #tpu.memory_space<vmem>>, vector<1x16xf32>,
      %add3A_564 = arith.constant 7 : i32
      %add3A_565 = arith.addi %add3A_117, %add3A_564 : i32
      %get3A_566 = arith.index_cast %add3A_565 : i32 to index
      %get3A_567 = arith.constant 0 : index
      %get3A_568 = tpu.vector_load %arg7[%get3A_566, %get3A_567] {strides = array<i32>} : memref<256x64xf32, #tpu.memory_space<vmem>>, vector<1x16xf32>,
      %get3A_569 = vector.shape_cast %get3A_568 : vector<1x16xf32> to vector<16xf32>
      %mul3A_570 = arith.constant 8.000000e+00 : f32
      %mul3A_571 = vector.broadcast %mul3A_570 : f32 to vector<16xf32>
      %mul3A_572 = arith.mulf %get3A_569, %mul3A_571 : vector<16xf32>
      %add3A_573 = arith.constant 7 : i32
      %add3A_574 = arith.addi %add3A_117, %add3A_573 : i32
      %swap3A_575 = arith.index_cast %add3A_574 : i32 to index
      %swap3A_576 = arith.constant 0 : index
      %swap3A_577 = tpu.vector_load %arg9[%swap3A_575, %swap3A_576] {strides = array<i32>} : memref<256x64xf32, #tpu.memory_space<vmem>>, vector<1x16xf32>,
      %swap3A_578 = vector.shape_cast %swap3A_577 : vector<1x16xf32> to vector<16xf32>
      %swap3A_579 = vector.shape_cast %mul3A_572 : vector<16xf32> to vector<1x16xf32>
      tpu.vector_store %arg9[%swap3A_575, %swap3A_576], %swap3A_579 {strides = array<i32>} : memref<256x64xf32, #tpu.memory_space<vmem>>, vector<1x16xf32>,
      %add3A_580 = arith.constant 7 : i32
      %add3A_581 = arith.addi %add3A_117, %add3A_580 : i32
      %get3A_582 = arith.index_cast %add3A_581 : i32 to index
      %get3A_583 = arith.constant 16 : index
      %get3A_584 = tpu.vector_load %arg7[%get3A_582, %get3A_583] {strides = array<i32>} : memref<256x64xf32, #tpu.memory_space<vmem>>, vector<1x16xf32>,
      %get3A_585 = vector.shape_cast %get3A_584 : vector<1x16xf32> to vector<16xf32>
      %mul3A_586 = arith.constant 8.000000e+00 : f32
      %mul3A_587 = vector.broadcast %mul3A_586 : f32 to vector<16xf32>
      %mul3A_588 = arith.mulf %get3A_585, %mul3A_587 : vector<16xf32>
      %add3A_589 = arith.constant 7 : i32
      %add3A_590 = arith.addi %add3A_117, %add3A_589 : i32
      %swap3A_591 = arith.index_cast %add3A_590 : i32 to index
      %swap3A_592 = arith.constant 16 : index
      %swap3A_593 = tpu.vector_load %arg9[%swap3A_591, %swap3A_592] {strides = array<i32>} : memref<256x64xf32, #tpu.memory_space<vmem>>, vector<1x16xf32>,
      %swap3A_594 = vector.shape_cast %swap3A_593 : vector<1x16xf32> to vector<16xf32>
      %swap3A_595 = vector.shape_cast %mul3A_588 : vector<16xf32> to vector<1x16xf32>
      tpu.vector_store %arg9[%swap3A_591, %swap3A_592], %swap3A_595 {strides = array<i32>} : memref<256x64xf32, #tpu.memory_space<vmem>>, vector<1x16xf32>,
      %add3A_596 = arith.constant 7 : i32
      %add3A_597 = arith.addi %add3A_117, %add3A_596 : i32
      %get3A_598 = arith.index_cast %add3A_597 : i32 to index
      %get3A_599 = arith.constant 32 : index
      %get3A_600 = tpu.vector_load %arg7[%get3A_598, %get3A_599] {strides = array<i32>} : memref<256x64xf32, #tpu.memory_space<vmem>>, vector<1x16xf32>,
      %get3A_601 = vector.shape_cast %get3A_600 : vector<1x16xf32> to vector<16xf32>
      %mul3A_602 = arith.constant 8.000000e+00 : f32
      %mul3A_603 = vector.broadcast %mul3A_602 : f32 to vector<16xf32>
      %mul3A_604 = arith.mulf %get3A_601, %mul3A_603 : vector<16xf32>
      %add3A_605 = arith.constant 7 : i32
      %add3A_606 = arith.addi %add3A_117, %add3A_605 : i32
      %swap3A_607 = arith.index_cast %add3A_606 : i32 to index
      %swap3A_608 = arith.constant 32 : index
      %swap3A_609 = tpu.vector_load %arg9[%swap3A_607, %swap3A_608] {strides = array<i32>} : memref<256x64xf32, #tpu.memory_space<vmem>>, vector<1x16xf32>,
      %swap3A_610 = vector.shape_cast %swap3A_609 : vector<1x16xf32> to vector<16xf32>
      %swap3A_611 = vector.shape_cast %mul3A_604 : vector<16xf32> to vector<1x16xf32>
      tpu.vector_store %arg9[%swap3A_607, %swap3A_608], %swap3A_611 {strides = array<i32>} : memref<256x64xf32, #tpu.memory_space<vmem>>, vector<1x16xf32>,
      %add3A_612 = arith.constant 7 : i32
      %add3A_613 = arith.addi %add3A_117, %add3A_612 : i32
      %get3A_614 = arith.index_cast %add3A_613 : i32 to index
      %get3A_615 = arith.constant 48 : index
      %get3A_616 = tpu.vector_load %arg7[%get3A_614, %get3A_615] {strides = array<i32>} : memref<256x64xf32, #tpu.memory_space<vmem>>, vector<1x16xf32>,
      %get3A_617 = vector.shape_cast %get3A_616 : vector<1x16xf32> to vector<16xf32>
      %mul3A_618 = arith.constant 8.000000e+00 : f32
      %mul3A_619 = vector.broadcast %mul3A_618 : f32 to vector<16xf32>
      %mul3A_620 = arith.mulf %get3A_617, %mul3A_619 : vector<16xf32>
      %add3A_621 = arith.constant 7 : i32
      %add3A_622 = arith.addi %add3A_117, %add3A_621 : i32
      %swap3A_623 = arith.index_cast %add3A_622 : i32 to index
      %swap3A_624 = arith.constant 48 : index
      %swap3A_625 = tpu.vector_load %arg9[%swap3A_623, %swap3A_624] {strides = array<i32>} : memref<256x64xf32, #tpu.memory_space<vmem>>, vector<1x16xf32>,
      %swap3A_626 = vector.shape_cast %swap3A_625 : vector<1x16xf32> to vector<16xf32>
      %swap3A_627 = vector.shape_cast %mul3A_620 : vector<16xf32> to vector<1x16xf32>
      tpu.vector_store %arg9[%swap3A_623, %swap3A_624], %swap3A_627 {strides = array<i32>} : memref<256x64xf32, #tpu.memory_space<vmem>>, vector<1x16xf32>,
    }
    %scan3A_94 = arith.constant 32 : i32
    %add3A_95 = arith.constant 25344 : i32
    %add3A_96 = arith.addi %mul3A_2, %add3A_95 : i32
    %dma_start3A_97 = arith.constant 0 : i32
    %dma_start3A_98 = tpu.memref_slice %arg4[%add3A_96, %dma_start3A_97] : memref<819200x64xf32, #tpu.memory_space<hbm>> -> memref<256x64xf32, #tpu.memory_space<hbm>>
    %dma_start3A_99 = arith.constant 0 : i32
    %dma_start3A_100 = tpu.memref_slice %arg4[%add3A_96, %dma_start3A_99] : memref<819200x64xf32, #tpu.memory_space<hbm>> -> memref<256x64xf32, #tpu.memory_space<hbm>>
    tpu.enqueue_dma source(%arg9 : memref<256x64xf32, #tpu.memory_space<vmem>>) target(%dma_start3A_100 : memref<256x64xf32, #tpu.memory_space<hbm>>) target_semaphore(%arg13 : memref<!tpu.dma_semaphore, #tpu.memory_space<semaphore_mem>>)
    %add3A_101 = arith.constant 25088 : i32
    %add3A_102 = arith.addi %mul3A_2, %add3A_101 : i32
    %dma_wait3A_103 = arith.constant 0 : i32
    %dma_wait3A_104 = tpu.memref_slice %arg4[%add3A_102, %dma_wait3A_103] : memref<819200x64xf32, #tpu.memory_space<hbm>> -> memref<256x64xf32, #tpu.memory_space<hbm>>
    %dma_wait3A_105 = arith.constant 0 : i32
    %dma_wait3A_106 = tpu.memref_slice %arg4[%add3A_102, %dma_wait3A_105] : memref<819200x64xf32, #tpu.memory_space<hbm>> -> memref<256x64xf32, #tpu.memory_space<hbm>>
    tpu.wait_dma2 semaphore(%arg12 : memref<!tpu.dma_semaphore, #tpu.memory_space<semaphore_mem>>) src(%arg8 : memref<256x64xf32, #tpu.memory_space<vmem>>) dst(%dma_wait3A_106 : memref<256x64xf32, #tpu.memory_space<hbm>>)
    %add3A_107 = arith.constant 25344 : i32
    %add3A_108 = arith.addi %mul3A_2, %add3A_107 : i32
    %dma_wait3A_109 = arith.constant 0 : i32
    %dma_wait3A_110 = tpu.memref_slice %arg4[%add3A_108, %dma_wait3A_109] : memref<819200x64xf32, #tpu.memory_space<hbm>> -> memref<256x64xf32, #tpu.memory_space<hbm>>
    %dma_wait3A_111 = arith.constant 0 : i32
    %dma_wait3A_112 = tpu.memref_slice %arg4[%add3A_108, %dma_wait3A_111] : memref<819200x64xf32, #tpu.memory_space<hbm>> -> memref<256x64xf32, #tpu.memory_space<hbm>>
    tpu.wait_dma2 semaphore(%arg13 : memref<!tpu.dma_semaphore, #tpu.memory_space<semaphore_mem>>) src(%arg9 : memref<256x64xf32, #tpu.memory_space<vmem>>) dst(%dma_wait3A_112 : memref<256x64xf32, #tpu.memory_space<hbm>>)
    return
  }
}

</mosaic_0001>

<sc_bundles>
// kernel: kernel.3.cloned.1.call-start
scs
__scs_entry_jumppad:
0x0: {  	(pc) =	sbr.rel $0x88, $3  }
0x1: {  	(tag) =	ssettag $0x0;
	lr =	simm.s32 $0x1  }
0x2: {  	[smem:$0x3F9F] =	sst lr;
	_ =	strace $0xD0000000  }
0x3: {  	_ = 	snop  }
0x4: {  	_ = 	snop  }
0x5: {  	_ = 	snop  }
0x6: {  	_ = 	snop  }
0x7: {  	_ = 	snop  }
__scs_overlays_trampoline_lowered:
0x8: {  	[smem:$0x3FAE] =	sst s0  }
0x9: {  	[smem:$0x3FAF] =	sst s1  }
0xa: {  	[smem:$0x3FB0] =	sst s2  }
0xb: {  	[smem:$0x3FB1] =	sst s3  }
0xc: {  	[smem:$0x3FB2] =	sst s4  }
0xd: {  	[smem:$0x3FB3] =	sst s5  }
0xe: {  	[smem:$0x3FB4] =	sst s6  }
0xf: {  	[smem:$0x3FB5] =	sst s7  }
0x10: {  	[smem:$0x3FB6] =	sst s8  }
0x11: {  	[smem:$0x3FB7] =	sst s9;
	s0 =	simm.s32 @!p0 $0x0  }
0x12: {  	s1 =	sld [smem:$0x3F9D];
	s0 =	simm.s32 @p0 $0x1  }
0x13: {  	[smem:$0x3FB8] =	sst s0;
	s0 =	simm.s32 @!p1 $0x0  }
0x14: {  	s2 =	sld [smem:$0x3F9C];
	s0 =	simm.s32 @p1 $0x1  }
0x15: {  	[smem:$0x3FB9] =	sst s0;
	s0 =	simm.s32 @!p2 $0x0  }
0x16: {  	s3 =	sld [smem:$0x3FDB];
	s0 =	simm.s32 @p2 $0x1  }
0x17: {  	s4 =	simm.s32 $0x1BF5;
	[smem:$0x3FBB] =	sst s0  }
0x18: {  	s0 =	sld [smem:$0x3F9E];
	_ =	swait.ge [sflag:s4], $0x0  }
0x19: {  	s7 =	sld [smem:$0x3F9F]  }
0x1a: {  	s8 =	sadd.s32 $0xFFFFE003, lr  }
0x1b: {  	s9 =	sadd.s32 $0xFFFFFEF7, lr;
	s5 =	simm.s32 $0xFFFFFFFF;
	p2 =	slt.u32 s8, $0xFFFFF086  }
0x1c: {  	p1 =	slt.u32 s9, $0xF7A;
	s5 =	simm.s32 @!p2 $0x0  }
0x1d: {  	s5 =	simm.s32 @p1 $0x1;
	p0 =	seq.s32 s7, s2  }
0x1e: {  	s7 =	smul.u32 @!p0 $0xF7A, s2;
	p2 =	seq.s32 @!p0 s5, $0x0  }
0x1f: {  	s9 =	smul.u32 $0xF7A, s1;
	s8 =	simm.s32 @!p0 $0x1BF5;
	p2 =	por !p2, p0  }
0x20: {  	[sflag:s8] =	ssyncset.s32 @!p0 $0xFFFFF086;
	s6 =	sadd.s32 @!p0 s3, s7;
	s7 =	simm.s32 @!p0 $0x108  }
0x21: {  	s3 =	sadd.s32 s3, s9;
	s6 =	sadd.s32 @!p0 $0x88, s6;
	s7 =	simm.s32 @p2 $0x1082  }
0x22: {  	[simem:s7], [sflag:s8] =	dma.local @!p0 [hbm:s6], $0xF7A  }
0x23: {  	s9 =	sor.u32 $0xD0000000, s2;
	s6 =	simm.s32 $0x108;
	_ =	swait.ge @!p0 [sflag:s8], $0x0  }
0x24: {  	s3 =	sadd.s32 $0x88, s3;
	s6 =	simm.s32 @!p1 $0x1082;
	[sflag:s4] =	ssyncset.s32 $0xFFFFF086  }
0x25: {  	[simem:s6], [sflag:s4] =	dma.local [hbm:s3], $0xF7A  }
0x26: {  	[smem:$0x3F9F] =	sst s1;
	(tag) =	ssettag s2;
	_ =	strace s9  }
0x27: {  	s1 =	sld [smem:$0x3FAF]  }
0x28: {  	s2 =	sld [smem:$0x3FB0]  }
0x29: {  	s4 =	sld [smem:$0x3FB2]  }
0x2a: {  	p0 =	seq.s32 s5, $0x0;
	s5 =	sld [smem:$0x3FB3]  }
0x2b: {  	s6 =	sld [smem:$0x3FB4]  }
0x2c: {  	s7 =	sld [smem:$0x3FB5]  }
0x2d: {  	s3 =	simm.s32 $0x108;
	s8 =	sld [smem:$0x3FB6]  }
0x2e: {  	s3 =	simm.s32 @!p0 $0x1082;
	s9 =	sld [smem:$0x3FB7]  }
0x2f: {  	lr =	sadd.s32 s0, s3;
	s0 =	sld [smem:$0x3FAE]  }
0x30: {  	s3 =	sld [smem:$0x3FB1]  }
0x31: {  	[smem:$0x3FBA] =	sst s10  }
0x32: {  	s10 =	sld [smem:$0x3FB8];
	_ =	sdelay $0x3  }
0x33: {  	p0 =	seq.s32 s10, $0x1;
	s10 =	sld [smem:$0x3FBA];
	_ =	sdelay $0x3  }
0x34: {  	[smem:$0x3FBA] =	sst s10  }
0x35: {  	s10 =	sld [smem:$0x3FB9];
	_ =	sdelay $0x3  }
0x36: {  	p1 =	seq.s32 s10, $0x1;
	s10 =	sld [smem:$0x3FBA];
	_ =	sdelay $0x3  }
0x37: {  	[smem:$0x3FBA] =	sst s10  }
0x38: {  	s10 =	sld [smem:$0x3FBB]  }
0x39: {  	_ = 	snop;
	(pc) =	sbr.ind lr, $3  }
0x3a: {  	_ = 	snop  }
0x3b: {  	_ = 	snop  }
0x3c: {  	p2 =	seq.s32 s10, $0x1;
	s10 =	sld [smem:$0x3FBA]  }
0x3d: {  	_ =	shalt  }
0x3e: {  	_ =	shalt  }
0x3f: {  	_ =	shalt  }
0x40: {  	_ =	shalt  }
0x41: {  	_ =	shalt  }
0x42: {  	_ =	shalt  }
0x43: {  	_ =	shalt  }
0x44: {  	_ =	shalt  }
0x45: {  	_ =	shalt  }
0x46: {  	_ =	shalt  }
0x47: {  	_ =	shalt  }
0x48: {  	_ =	shalt  }
0x49: {  	_ =	shalt  }
0x4a: {  	_ =	shalt  }
0x4b: {  	_ =	shalt  }
0x4c: {  	_ =	shalt  }
0x4d: {  	_ =	shalt  }
0x4e: {  	_ =	shalt  }
0x4f: {  	_ =	shalt  }
0x50: {  	_ =	shalt  }
0x51: {  	_ =	shalt  }
0x52: {  	_ =	shalt  }
0x53: {  	_ =	shalt  }
0x54: {  	_ =	shalt  }
0x55: {  	_ =	shalt  }
0x56: {  	_ =	shalt  }
0x57: {  	_ =	shalt  }
0x58: {  	_ =	shalt  }
0x59: {  	_ =	shalt  }
0x5a: {  	_ =	shalt  }
0x5b: {  	_ =	shalt  }
0x5c: {  	_ =	shalt  }
0x5d: {  	_ =	shalt  }
0x5e: {  	_ =	shalt  }
0x5f: {  	_ =	shalt  }
0x60: {  	_ =	shalt  }
0x61: {  	_ =	shalt  }
0x62: {  	_ =	shalt  }
0x63: {  	_ =	shalt  }
0x64: {  	_ =	shalt  }
0x65: {  	_ =	shalt  }
0x66: {  	_ =	shalt  }
0x67: {  	_ =	shalt  }
0x68: {  	_ =	shalt  }
0x69: {  	_ =	shalt  }
0x6a: {  	_ =	shalt  }
0x6b: {  	_ =	shalt  }
0x6c: {  	_ =	shalt  }
0x6d: {  	_ =	shalt  }
0x6e: {  	_ =	shalt  }
0x6f: {  	_ =	shalt  }
0x70: {  	_ =	shalt  }
0x71: {  	_ =	shalt  }
0x72: {  	_ =	shalt  }
0x73: {  	_ =	shalt  }
0x74: {  	_ =	shalt  }
0x75: {  	_ =	shalt  }
0x76: {  	_ =	shalt  }
0x77: {  	_ =	shalt  }
0x78: {  	_ =	shalt  }
0x79: {  	_ =	shalt  }
0x7a: {  	_ =	shalt  }
0x7b: {  	_ =	shalt  }
0x7c: {  	_ =	shalt  }
0x7d: {  	_ =	shalt  }
0x7e: {  	_ =	shalt  }
0x7f: {  	_ =	shalt  }
0x80: {  	_ =	shalt  }
0x81: {  	_ =	shalt  }
0x82: {  	_ =	shalt  }
0x83: {  	_ =	shalt  }
0x84: {  	_ =	shalt  }
0x85: {  	_ =	shalt  }
0x86: {  	_ =	shalt  }
0x87: {  	_ =	shalt  }
.Lfunc_end0:
.L_simem_size_0:
called_computation.1_lowered:
.L_overlay_start_0:
0x88: {  	s2 =	sld [smem:$0x3FD9]  }
0x89: {  	s3 =	sld [smem:$0x3FFE];
	_ =	sdelay $0x1  }
0x8a: {  	s1 =	srdreg.scid  }
0x8b: {  	s0 =	sand.u32 $0x1, s1  }
0x8c: {  	s17 =	sshll.u32 s0, $0xA;
	s2 =	sadd.s32 s3, s2  }
0x8d: {  	s2 =	sadd.s32 s2, s17  }
0x8e: {  	[smem:$0x3FC6] =	sst s2  }
0x8f: {  	_ = 	snop  }
0x90: {  	s2 =	sld [smem:$0x3FD0];
	(tm) =	ssettm $0x1  }
0x91: {  	s18 =	sld [smem:$0x3FFB];
	_ =	sdelay $0x3  }
0x92: {  	_ =	strace s18  }
0x93: {  	s3 =	sld [smem:$0x3FFC];
	_ =	sdelay $0x3  }
0x94: {  	_ =	strace s3  }
0x95: {  	s3 =	sld [smem:$0x3FFD];
	_ =	sdelay $0x3  }
0x96: {  	_ =	strace s3  }
0x97: {  	_ =	strace $0x8FFFFFFF  }
0x98: {  	s19 =	sld [smem:$0x3FDB];
	_ =	sdelay $0x1  }
0x99: {  	s4 =	simm.s32 $_scs_section_size  }
0x9a: {  	s5 =	simm.s32 $_size__tile_overlayer_lowered;
	s6 =	simm.s32 $_tile_overlayer_lowered  }
0x9b: {  	s22 =	simm.s32 $0x1BFF;
	s21 =	sshll.u32 s6, $0x1;
	s3 =	sadd.s32 s4, s19  }
0x9c: {  	s7 =	simm.s32 $0x0;
	s20 =	sshll.u32 s5, $0x1;
	s5 =	sadd.s32 s21, s3  }
0x9d: {  	[timem:s7], [sflag:s22] =	dma.local [hbm:s5], s20  }
0x9e: {  	_ =	swait.ge [sflag:s22], s20  }
0x9f: {  	s4 =	ssub.s32 $0x0, s20;
	[sflag:s22] =	ssyncset.done $0x0  }
0xa0: {  	[sflag:s22] =	ssyncadd.s32 s4;
	_ =	sdelay $0x1  }
0xa1: {  	s23 =	simm.s32 $0x1B8B  }
0xa2: {  	_ =	swait.ge [sflag:s23], $0x1  }
0xa3: {  	[sflag:s23] =	ssyncset.done $0x0  }
0xa4: {  	s25 =	simm.s32 $0x1B8E;
	s24 =	sld [smem:$0x3FFE];
	[sflag:s23] =	ssyncadd.s32 $0xFFFFFFFF  }
0xa5: {  	s26 =	simm.s32 $execute0_lowered;
	[smem:$0x3FD2] =	sst s25  }
0xa6: {  	s5 =	sshll.u32 s26, $0x1;
	_ =	strace $0x80000046;
	[dreg:$0x1] =	wrdreg $0xFFFFFFFF  }
0xa7: {  	s28 =	simm.s32 $_size_execute0_lowered;
	s3 =	sadd.s32 s3, s5;
	[dreg:$0x0] =	wrdreg $0x0  }
0xa8: {  	s5 =	sshll.u32 s28, $0x1;
	[dreg:$0x2] =	wrdreg s3  }
0xa9: {  	[dreg:$0x3] =	wrdreg s5  }
0xaa: {  	[dreg:$0x4] =	wrdreg $0xC0  }
0xab: {  	_ =	task [dreg:s7], $0x5FFFF  }
0xac: {  	[dreg:$0x1] =	wrdreg $0xFFFFFFFF  }
0xad: {  	[dreg:$0x0] =	wrdreg $0x60  }
0xae: {  	[dreg:$0x2] =	wrdreg s24  }
0xaf: {  	[dreg:$0x3] =	wrdreg s2  }
0xb0: {  	[dreg:$0x4] =	wrdreg $0x9  }
0xb1: {  	_ =	task.clear_ibuf [dreg:s7], $0x5FFFF;
	_ =	strace $0x90000046  }
0xb2: {  	s29 =	simm.s32 $0x9;
	_ =	strace $0x80000048  }
0xb3: {  	_ =	swait.ge [sflag:s29], $0x1  }
0xb4: {  	[sflag:s29] =	ssyncadd.s32 $0xFFFFFFFF  }
0xb5: {  	_ =	strace $0x90000048  }
0xb6: {  	_ =	sfence  }
0xb7: {  	s30 =	sld [smem:$0x0];
	_ =	sdelay $0x2  }
0xb8: {  	s31 =	sshll.u32 s1, $0xD;
	s1 =	sshrl.u32 s1, $0x2  }
0xb9: {  	s3 =	sand.u32 $0x4000, s31;
	s1 =	sadd.s32 s1, s30  }
0xba: {  	s0 =	sor.u32 s3, s0;
	s1 =	sshll.u32 s1, $0x11  }
0xbb: {  	s0 =	sor.u32 s1, s0  }
0xbc: {  	s0 =	sadd.s32 $0x8F2B, s0  }
0xbd: {  	[sflag:s0] =	ssyncadd.remote.s32 $0x1  }
0xbe: {  	_ =	sfence.sel $0xFFFF  }
0xbf: {  	[dreg:$0x0] =	wrdreg $0xFFFFFFFF;
	(pc) =	sbr.abs _section_cstart, $3  }
0xc0: {  	[dreg:$0x1] =	wrdreg $0xFFFFFFFF  }
0xc1: {  	_ =	task.clear_ibuf [dreg:s7], $0x2FFFF;
	_ =	strace $0x9FFFFFFF  }
0xc2: {  	(tm) =	ssettm $0x7FFFFFFF  }
0xc3: {  	_ =	shalt  }
tec
execute0_lowered:
.L_overlay_start_1:
0x0: {  	(tag) =	ssettag $0x1  }
0x1: {  	s1 =	rddreg [dreg:$0x0]  }
0x2: {  	s3 =	srdreg.scid;
	s0 =	stileid.u32  }
0x3: {  	s2 =	rddreg [dreg:$0x1];
	s13 =	simm.s32 $0x5;
	s14 =	simm.s32 $0x100  }
0x4: {  	s15 =	simm.s32 $0x6400;
	s16 =	simm.s32 $0xA400;
	s17 =	simm.s32 $0x1  }
0x5: {  	s18 =	simm.s32 $0xE400;
	s19 =	simm.s32 $0x200;
	s20 =	simm.s32 $0x2  }
0x6: {  	s21 =	simm.s32 $0x12400;
	s4 =	sand.u32 $0x1, s3;
	s5 =	sshll.u32 s0, $0x1  }
0x7: {  	s22 =	simm.s32 $0x300;
	s23 =	simm.s32 $0x3;
	s5 =	sor.u32 s4, s5  }
0x8: {  	s24 =	simm.s32 $0x4;
	s25 =	simm.s32 $0x0;
	s9 =	smul.u32 $0x6400, s5  }
0x9: {  	s3 =	simm.s32 $0x0;
	s8 =	ssub.s32 $0x2, s4;
	s6 =	smul.u32 $0x32000, s5  }
0xa: {  	[smem:$0x7FF] =	sst s3;
	s10 =	smul.u32 $0x190000, s5;
	s29 =	sshrl.u32 s8, $0x1  }
0xb: {  	s4 =	sadd.s32 $0xF42E00, s1;
	_ =	strace $0x80000047;
	s12 =	ssub.s32 s8, s29  }
0xc: {  	s7 =	sshrl.u32 s9, $0x3;
	s5 =	sadd.s32 s2, s6;
	s30 =	sshrl.u32 s10, $0x3  }
0xd: {  	s8 =	sor.u32 $0x200, s9;
	s9 =	sor.u32 $0x300, s9;
	s12 =	smax.u32 s12, $0x1  }
0xe: {  	s1 =	sadd.s32 s7, s1;
	s7 =	sadd.s32 $0x800, s5;
	s31 =	sadd.s32 s2, s30  }
0xf: {  	s6 =	sadd.s32 $0xA00, s1;
	s10 =	sadd.s32 $0x31000, s31;
	s11 =	sadd.s32 $0x31800, s31  }
.LBB2_1:
0x10: {  	[tilespmem:s3], [sflag:$0x5] =	stream.linear.gather [hbm4b:s6+s3], $0x6400, $0x38;
	[tilespmem:$0x16400] =	vst v63  }
0x11: {  	_ =	swait.ge [sflag:s13], $0x6400  }
0x12: {  	[sflag:s13] =	ssyncset.done $0x0  }
0x13: {  	[sflag:s13] =	ssyncadd.s32 $0xFFFF9C00  }
0x14: {  	[tilespmem:s15], [sflag:$0x1] =	stream.indirect.gather [hbm4b:s4+s14], $0x40, s3, s14, $0xb8;
	[tilespmem:$0x16400] =	vst v63  }
0x15: {  	_ = 	snop  }
0x16: {  	[tilespmem:s16], [sflag:$0x2] =	stream.indirect.gather [hbm4b:s4+s14], $0x40, s14, s14, $0xb8;
	[tilespmem:$0x16400] =	vst v63  }
0x17: {  	_ =	swait.ge [sflag:s17], $0x4000  }
0x18: {  	[sflag:s17] =	ssyncset.done $0x0  }
0x19: {  	s26 =	simm.s32 $0x0;
	[sflag:s17] =	ssyncadd.s32 $0xFFFFC000  }
0x1a: {  	v0 =	vld [tilespmem:s26+$0x65F0]  }
0x1b: {  	v1 =	vld [tilespmem:s26+$0x6400];
	_ =	sdelay $0x1  }
0x1c: {  	v2 =	vld [tilespmem:s26+$0x6410]  }
0x1d: {  	v3 =	vld [tilespmem:s26+$0x6420]  }
0x1e: {  	v4 =	vld [tilespmem:s26+$0x6430];
	v0 =	vmul.f32 $8.000000000e+00, v0  }
0x1f: {  	v5 =	vld [tilespmem:s26+$0x6440];
	v1 =	vmul.f32 $8.000000000e+00, v1  }
0x20: {  	v6 =	vld [tilespmem:s26+$0x6450];
	[tilespmem:s26+$0xE5F0] =	vst v0  }
0x21: {  	v0 =	vmul.f32 $8.000000000e+00, v2;
	[tilespmem:s26+$0xE400] =	vst v1;
	v1 =	vld [tilespmem:s26+$0x6470]  }
0x22: {  	v7 =	vld [tilespmem:s26+$0x6460];
	v2 =	vmul.f32 $8.000000000e+00, v3  }
0x23: {  	v3 =	vmul.f32 $8.000000000e+00, v4;
	[tilespmem:s26+$0xE410] =	vst v0;
	v0 =	vld [tilespmem:s26+$0x6480]  }
0x24: {  	v4 =	vmul.f32 $8.000000000e+00, v5;
	[tilespmem:s26+$0xE420] =	vst v2;
	v2 =	vld [tilespmem:s26+$0x6490]  }
0x25: {  	v5 =	vmul.f32 $8.000000000e+00, v6;
	[tilespmem:s26+$0xE430] =	vst v3;
	v3 =	vld [tilespmem:s26+$0x64A0]  }
0x26: {  	[tilespmem:s26+$0xE440] =	vst v4;
	v4 =	vld [tilespmem:s26+$0x64B0];
	v1 =	vmul.f32 $8.000000000e+00, v1  }
0x27: {  	v6 =	vmul.f32 $8.000000000e+00, v7;
	[tilespmem:s26+$0xE450] =	vst v5;
	v5 =	vld [tilespmem:s26+$0x64C0]  }
0x28: {  	v0 =	vmul.f32 $8.000000000e+00, v0;
	[tilespmem:s26+$0xE470] =	vst v1;
	v1 =	vld [tilespmem:s26+$0x64E0]  }
0x29: {  	[tilespmem:s26+$0xE460] =	vst v6;
	v6 =	vld [tilespmem:s26+$0x64D0];
	v2 =	vmul.f32 $8.000000000e+00, v2  }
0x2a: {  	v3 =	vmul.f32 $8.000000000e+00, v3;
	[tilespmem:s26+$0xE480] =	vst v0;
	v0 =	vld [tilespmem:s26+$0x64F0]  }
0x2b: {  	v4 =	vmul.f32 $8.000000000e+00, v4;
	[tilespmem:s26+$0xE490] =	vst v2;
	v2 =	vld [tilespmem:s26+$0x6500]  }
0x2c: {  	v5 =	vmul.f32 $8.000000000e+00, v5;
	[tilespmem:s26+$0xE4A0] =	vst v3;
	v3 =	vld [tilespmem:s26+$0x6510]  }
0x2d: {  	[tilespmem:s26+$0xE4B0] =	vst v4;
	v4 =	vld [tilespmem:s26+$0x6520];
	v1 =	vmul.f32 $8.000000000e+00, v1  }
0x2e: {  	v6 =	vmul.f32 $8.000000000e+00, v6;
	[tilespmem:s26+$0xE4C0] =	vst v5;
	v5 =	vld [tilespmem:s26+$0x6530]  }
0x2f: {  	v0 =	vmul.f32 $8.000000000e+00, v0;
	[tilespmem:s26+$0xE4E0] =	vst v1;
	v1 =	vld [tilespmem:s26+$0x6550]  }
0x30: {  	[tilespmem:s26+$0xE4D0] =	vst v6;
	v6 =	vld [tilespmem:s26+$0x6540];
	v2 =	vmul.f32 $8.000000000e+00, v2  }
0x31: {  	[tilespmem:s26+$0xE4F0] =	vst v0;
	v0 =	vmul.f32 $8.000000000e+00, v3;
	v3 =	vld [tilespmem:s26+$0x6570]  }
0x32: {  	v7 =	vld [tilespmem:s26+$0x6560];
	[tilespmem:s26+$0xE500] =	vst v2;
	v2 =	vmul.f32 $8.000000000e+00, v4  }
0x33: {  	v4 =	vld [tilespmem:s26+$0x6580];
	[tilespmem:s26+$0xE510] =	vst v0;
	v0 =	vmul.f32 $8.000000000e+00, v5  }
0x34: {  	v8 =	vld [tilespmem:s26+$0x6590];
	[tilespmem:s26+$0xE520] =	vst v2;
	v5 =	vmul.f32 $8.000000000e+00, v1  }
0x35: {  	v2 =	vmul.f32 $8.000000000e+00, v6;
	[tilespmem:s26+$0xE530] =	vst v0;
	v0 =	vld [tilespmem:s26+$0x65A0]  }
0x36: {  	v1 =	vld [tilespmem:s26+$0x65B0];
	[tilespmem:s26+$0xE550] =	vst v5;
	v5 =	vmul.f32 $8.000000000e+00, v3  }
0x37: {  	v6 =	vmul.f32 $8.000000000e+00, v7;
	[tilespmem:s26+$0xE540] =	vst v2;
	v2 =	vld [tilespmem:s26+$0x65C0]  }
0x38: {  	v3 =	vld [tilespmem:s26+$0x65D0];
	[tilespmem:s26+$0xE570] =	vst v5;
	v5 =	vmul.f32 $8.000000000e+00, v4  }
0x39: {  	s28 =	simm.s32 $0x200;
	s29 =	simm.s32 $0x1000;
	[tilespmem:s26+$0xE560] =	vst v6;
	v6 =	vmul.f32 $8.000000000e+00, v8;
	v4 =	vld [tilespmem:s26+$0x65E0]  }
.LBB2_2:
0x3a: {  	p0 =	sne.s32 s29, $0xF800;
	v7 =	vld [tilespmem:s28+$0x65F0];
	[tilespmem:s26+$0xE580] =	vst v5;
	v0 =	vmul.f32 $8.000000000e+00, v0  }
0x3b: {  	v5 =	vld [tilespmem:s28+$0x6400];
	[tilespmem:s26+$0xE590] =	vst v6;
	v1 =	vmul.f32 $8.000000000e+00, v1  }
0x3c: {  	v6 =	vld [tilespmem:s28+$0x6410];
	[tilespmem:s26+$0xE5A0] =	vst v0;
	v0 =	vmul.f32 $8.000000000e+00, v2  }
0x3d: {  	v2 =	vld [tilespmem:s28+$0x6420];
	[tilespmem:s26+$0xE5B0] =	vst v1;
	v1 =	vmul.f32 $8.000000000e+00, v3  }
0x3e: {  	v3 =	vld [tilespmem:s28+$0x6430];
	[tilespmem:s26+$0xE5C0] =	vst v0;
	v0 =	vmul.f32 $8.000000000e+00, v4  }
0x3f: {  	v4 =	vld [tilespmem:s28+$0x6440];
	v7 =	vmul.f32 $8.000000000e+00, v7;
	[tilespmem:s26+$0xE5D0] =	vst v1  }
0x40: {  	v1 =	vmul.f32 $8.000000000e+00, v5;
	v5 =	vld [tilespmem:s28+$0x6450];
	[tilespmem:s26+$0xE5E0] =	vst v0;
	s26 =	smov.u32 s28  }
0x41: {  	v0 =	vmul.f32 $8.000000000e+00, v6;
	v6 =	vld [tilespmem:s26+$0x6460];
	[tilespmem:s26+$0xE5F0] =	vst v7  }
0x42: {  	[tilespmem:s26+$0xE400] =	vst v1;
	v1 =	vmul.f32 $8.000000000e+00, v2;
	v2 =	vld [tilespmem:s26+$0x6470]  }
0x43: {  	[tilespmem:s26+$0xE410] =	vst v0;
	v0 =	vmul.f32 $8.000000000e+00, v3;
	v3 =	vld [tilespmem:s26+$0x6480]  }
0x44: {  	[tilespmem:s26+$0xE420] =	vst v1;
	v1 =	vmul.f32 $8.000000000e+00, v4;
	v4 =	vld [tilespmem:s26+$0x6490]  }
0x45: {  	[tilespmem:s26+$0xE430] =	vst v0;
	v0 =	vmul.f32 $8.000000000e+00, v5;
	v5 =	vld [tilespmem:s26+$0x64A0]  }
0x46: {  	[tilespmem:s26+$0xE440] =	vst v1;
	v1 =	vmul.f32 $8.000000000e+00, v6;
	v6 =	vld [tilespmem:s26+$0x64B0]  }
0x47: {  	[tilespmem:s26+$0xE450] =	vst v0;
	v0 =	vmul.f32 $8.000000000e+00, v2;
	v2 =	vld [tilespmem:s26+$0x64C0]  }
0x48: {  	[tilespmem:s26+$0xE460] =	vst v1;
	v1 =	vmul.f32 $8.000000000e+00, v3;
	v3 =	vld [tilespmem:s26+$0x64D0]  }
0x49: {  	[tilespmem:s26+$0xE470] =	vst v0;
	v0 =	vmul.f32 $8.000000000e+00, v4;
	v4 =	vld [tilespmem:s26+$0x64E0]  }
0x4a: {  	[tilespmem:s26+$0xE480] =	vst v1;
	v1 =	vmul.f32 $8.000000000e+00, v5;
	v5 =	vld [tilespmem:s26+$0x64F0]  }
0x4b: {  	[tilespmem:s26+$0xE490] =	vst v0;
	v0 =	vmul.f32 $8.000000000e+00, v6;
	v6 =	vld [tilespmem:s26+$0x6500]  }
0x4c: {  	[tilespmem:s26+$0xE4A0] =	vst v1;
	v1 =	vmul.f32 $8.000000000e+00, v2;
	v2 =	vld [tilespmem:s26+$0x6510]  }
0x4d: {  	[tilespmem:s26+$0xE4B0] =	vst v0;
	v0 =	vmul.f32 $8.000000000e+00, v3;
	v3 =	vld [tilespmem:s26+$0x6520]  }
0x4e: {  	[tilespmem:s26+$0xE4C0] =	vst v1;
	v1 =	vmul.f32 $8.000000000e+00, v4;
	v4 =	vld [tilespmem:s26+$0x6530]  }
0x4f: {  	[tilespmem:s26+$0xE4D0] =	vst v0;
	v0 =	vmul.f32 $8.000000000e+00, v5;
	v5 =	vld [tilespmem:s26+$0x6540]  }
0x50: {  	[tilespmem:s26+$0xE4E0] =	vst v1;
	v1 =	vmul.f32 $8.000000000e+00, v6;
	v6 =	vld [tilespmem:s26+$0x6550]  }
0x51: {  	[tilespmem:s26+$0xE4F0] =	vst v0;
	v0 =	vmul.f32 $8.000000000e+00, v2;
	v2 =	vld [tilespmem:s26+$0x6560]  }
0x52: {  	[tilespmem:s26+$0xE500] =	vst v1;
	v1 =	vmul.f32 $8.000000000e+00, v3;
	v3 =	vld [tilespmem:s26+$0x6570]  }
0x53: {  	[tilespmem:s26+$0xE510] =	vst v0;
	v0 =	vmul.f32 $8.000000000e+00, v4;
	v4 =	vld [tilespmem:s26+$0x6580]  }
0x54: {  	[tilespmem:s26+$0xE520] =	vst v1;
	v1 =	vmul.f32 $8.000000000e+00, v5;
	v7 =	vld [tilespmem:s26+$0x6590]  }
.Ltmp0:
0x55: {  	[tilespmem:s26+$0xE530] =	vst v0;
	v5 =	vmul.f32 $8.000000000e+00, v6;
	v0 =	vld [tilespmem:s26+$0x65A0];
	(pc) =	sbr.rel @p0 .LBB2_2-.Ltmp0, $4  }
0x56: {  	[tilespmem:s26+$0xE540] =	vst v1;
	v6 =	vmul.f32 $8.000000000e+00, v2;
	v1 =	vld [tilespmem:s26+$0x65B0]  }
0x57: {  	[tilespmem:s26+$0xE550] =	vst v5;
	v8 =	vmul.f32 $8.000000000e+00, v3;
	v2 =	vld [tilespmem:s26+$0x65C0]  }
0x58: {  	[tilespmem:s26+$0xE560] =	vst v6;
	v5 =	vmul.f32 $8.000000000e+00, v4;
	v3 =	vld [tilespmem:s26+$0x65D0]  }
0x59: {  	s28 =	sshra.s32 s29, $0x2;
	s29 =	sadd.s32 $0x800, s29;
	[tilespmem:s26+$0xE570] =	vst v8;
	v6 =	vmul.f32 $8.000000000e+00, v7;
	v4 =	vld [tilespmem:s26+$0x65E0]  }
0x5a: {  	v7 =	vld [tilespmem:s28+$0x65F0];
	[tilespmem:s26+$0xE580] =	vst v5;
	v0 =	vmul.f32 $8.000000000e+00, v0  }
0x5b: {  	v5 =	vld [tilespmem:s28+$0x6400];
	[tilespmem:s26+$0xE590] =	vst v6;
	v1 =	vmul.f32 $8.000000000e+00, v1  }
0x5c: {  	v6 =	vld [tilespmem:s28+$0x6410];
	[tilespmem:s26+$0xE5A0] =	vst v0;
	v2 =	vmul.f32 $8.000000000e+00, v2  }
0x5d: {  	v0 =	vld [tilespmem:s28+$0x6420];
	[tilespmem:s26+$0xE5B0] =	vst v1;
	v3 =	vmul.f32 $8.000000000e+00, v3  }
0x5e: {  	v1 =	vld [tilespmem:s28+$0x6430];
	[tilespmem:s26+$0xE5C0] =	vst v2;
	v4 =	vmul.f32 $8.000000000e+00, v4  }
0x5f: {  	v2 =	vld [tilespmem:s28+$0x6440];
	[tilespmem:s26+$0xE5D0] =	vst v3;
	v7 =	vmul.f32 $8.000000000e+00, v7  }
0x60: {  	v3 =	vld [tilespmem:s28+$0x6450];
	[tilespmem:s26+$0xE5E0] =	vst v4;
	v4 =	vmul.f32 $8.000000000e+00, v5  }
0x61: {  	v5 =	vld [tilespmem:s28+$0x6460];
	[tilespmem:s28+$0xE5F0] =	vst v7;
	v6 =	vmul.f32 $8.000000000e+00, v6  }
0x62: {  	[tilespmem:s28+$0xE400] =	vst v4;
	v4 =	vld [tilespmem:s28+$0x6470];
	v0 =	vmul.f32 $8.000000000e+00, v0  }
0x63: {  	[tilespmem:s28+$0xE410] =	vst v6;
	v6 =	vld [tilespmem:s28+$0x6480];
	v1 =	vmul.f32 $8.000000000e+00, v1  }
0x64: {  	[tilespmem:s28+$0xE420] =	vst v0;
	v0 =	vld [tilespmem:s28+$0x6490];
	v2 =	vmul.f32 $8.000000000e+00, v2  }
0x65: {  	[tilespmem:s28+$0xE430] =	vst v1;
	v1 =	vld [tilespmem:s28+$0x64A0];
	v3 =	vmul.f32 $8.000000000e+00, v3  }
0x66: {  	[tilespmem:s28+$0xE440] =	vst v2;
	v2 =	vld [tilespmem:s28+$0x64B0];
	v5 =	vmul.f32 $8.000000000e+00, v5  }
0x67: {  	[tilespmem:s28+$0xE450] =	vst v3;
	v3 =	vld [tilespmem:s28+$0x64C0];
	v4 =	vmul.f32 $8.000000000e+00, v4  }
0x68: {  	[tilespmem:s28+$0xE460] =	vst v5;
	v5 =	vld [tilespmem:s28+$0x64D0];
	v6 =	vmul.f32 $8.000000000e+00, v6  }
0x69: {  	[tilespmem:s28+$0xE470] =	vst v4;
	v4 =	vld [tilespmem:s28+$0x64E0];
	v0 =	vmul.f32 $8.000000000e+00, v0  }
0x6a: {  	[tilespmem:s28+$0xE480] =	vst v6;
	v6 =	vld [tilespmem:s28+$0x64F0];
	v1 =	vmul.f32 $8.000000000e+00, v1  }
0x6b: {  	[tilespmem:s28+$0xE490] =	vst v0;
	v0 =	vld [tilespmem:s28+$0x6500];
	v2 =	vmul.f32 $8.000000000e+00, v2  }
0x6c: {  	[tilespmem:s28+$0xE4A0] =	vst v1;
	v1 =	vld [tilespmem:s28+$0x6510];
	v3 =	vmul.f32 $8.000000000e+00, v3  }
0x6d: {  	[tilespmem:s28+$0xE4B0] =	vst v2;
	v2 =	vld [tilespmem:s28+$0x6520];
	v5 =	vmul.f32 $8.000000000e+00, v5  }
0x6e: {  	[tilespmem:s28+$0xE4C0] =	vst v3;
	v3 =	vld [tilespmem:s28+$0x6530];
	v4 =	vmul.f32 $8.000000000e+00, v4  }
0x6f: {  	[tilespmem:s28+$0xE4D0] =	vst v5;
	v5 =	vld [tilespmem:s28+$0x6540];
	v6 =	vmul.f32 $8.000000000e+00, v6  }
0x70: {  	[tilespmem:s28+$0xE4E0] =	vst v4;
	v4 =	vld [tilespmem:s28+$0x6550];
	v0 =	vmul.f32 $8.000000000e+00, v0  }
0x71: {  	[tilespmem:s28+$0xE4F0] =	vst v6;
	v6 =	vld [tilespmem:s28+$0x6560];
	v1 =	vmul.f32 $8.000000000e+00, v1  }
0x72: {  	[tilespmem:s28+$0xE500] =	vst v0;
	v0 =	vld [tilespmem:s28+$0x6570];
	v2 =	vmul.f32 $8.000000000e+00, v2  }
0x73: {  	[tilespmem:s28+$0xE510] =	vst v1;
	v1 =	vld [tilespmem:s28+$0x6580];
	v3 =	vmul.f32 $8.000000000e+00, v3  }
0x74: {  	[tilespmem:s28+$0xE520] =	vst v2;
	v2 =	vld [tilespmem:s28+$0x6590];
	v5 =	vmul.f32 $8.000000000e+00, v5  }
0x75: {  	[tilespmem:s28+$0xE530] =	vst v3;
	v3 =	vld [tilespmem:s28+$0x65A0];
	v4 =	vmul.f32 $8.000000000e+00, v4  }
0x76: {  	[tilespmem:s28+$0xE540] =	vst v5;
	v5 =	vld [tilespmem:s28+$0x65B0];
	v6 =	vmul.f32 $8.000000000e+00, v6  }
0x77: {  	[tilespmem:s28+$0xE550] =	vst v4;
	v4 =	vld [tilespmem:s28+$0x65C0];
	v0 =	vmul.f32 $8.000000000e+00, v0  }
0x78: {  	[tilespmem:s28+$0xE560] =	vst v6;
	v6 =	vld [tilespmem:s28+$0x65D0];
	v1 =	vmul.f32 $8.000000000e+00, v1  }
0x79: {  	[tilespmem:s28+$0xE570] =	vst v0;
	v0 =	vmul.f32 $8.000000000e+00, v2;
	v2 =	vld [tilespmem:s28+$0x65E0]  }
0x7a: {  	[tilespmem:s28+$0xE580] =	vst v1;
	v1 =	vmul.f32 $8.000000000e+00, v3  }
0x7b: {  	[tilespmem:s28+$0xE590] =	vst v0;
	v0 =	vmul.f32 $8.000000000e+00, v5  }
0x7c: {  	[tilespmem:s28+$0xE5A0] =	vst v1;
	v1 =	vmul.f32 $8.000000000e+00, v4  }
0x7d: {  	[tilespmem:s28+$0xE5B0] =	vst v0;
	v0 =	vmul.f32 $8.000000000e+00, v6  }
0x7e: {  	[tilespmem:s28+$0xE5C0] =	vst v1;
	v1 =	vmul.f32 $8.000000000e+00, v2  }
0x7f: {  	[tilespmem:s28+$0xE5D0] =	vst v0  }
0x80: {  	s1 =	simm.s32 $0x0;
	[tilespmem:s28+$0xE5E0] =	vst v1  }
0x81: {  	[hbm4b:s5+s1] =	stream.linear.scatter [tilespmem:s18], [sflag:$0x3], $0x4000, $0x38;
	[tilespmem:$0x16400] =	vst v63  }
0x82: {  	_ = 	snop  }
0x83: {  	[tilespmem:s15], [sflag:$0x1] =	stream.indirect.gather [hbm4b:s4+s14], $0x40, s19, s14, $0xb8;
	[tilespmem:$0x16400] =	vst v63  }
0x84: {  	_ =	swait.ge [sflag:s20], $0x4000  }
0x85: {  	[sflag:s20] =	ssyncset.done $0x0  }
0x86: {  	s26 =	simm.s32 $0x0;
	[sflag:s20] =	ssyncadd.s32 $0xFFFFC000  }
0x87: {  	v0 =	vld [tilespmem:s26+$0xA5F0]  }
0x88: {  	v1 =	vld [tilespmem:s26+$0xA400];
	_ =	sdelay $0x1  }
0x89: {  	v2 =	vld [tilespmem:s26+$0xA410]  }
0x8a: {  	v3 =	vld [tilespmem:s26+$0xA420]  }
0x8b: {  	v4 =	vld [tilespmem:s26+$0xA430];
	v0 =	vmul.f32 $8.000000000e+00, v0  }
0x8c: {  	v5 =	vld [tilespmem:s26+$0xA440];
	v1 =	vmul.f32 $8.000000000e+00, v1  }
0x8d: {  	v6 =	vld [tilespmem:s26+$0xA450];
	[tilespmem:s26+$0x125F0] =	vst v0  }
0x8e: {  	v0 =	vmul.f32 $8.000000000e+00, v2;
	[tilespmem:s26+$0x12400] =	vst v1;
	v1 =	vld [tilespmem:s26+$0xA470]  }
0x8f: {  	v7 =	vld [tilespmem:s26+$0xA460];
	v2 =	vmul.f32 $8.000000000e+00, v3  }
0x90: {  	v3 =	vmul.f32 $8.000000000e+00, v4;
	[tilespmem:s26+$0x12410] =	vst v0;
	v0 =	vld [tilespmem:s26+$0xA480]  }
0x91: {  	v4 =	vmul.f32 $8.000000000e+00, v5;
	[tilespmem:s26+$0x12420] =	vst v2;
	v2 =	vld [tilespmem:s26+$0xA490]  }
0x92: {  	v5 =	vmul.f32 $8.000000000e+00, v6;
	[tilespmem:s26+$0x12430] =	vst v3;
	v3 =	vld [tilespmem:s26+$0xA4A0]  }
0x93: {  	[tilespmem:s26+$0x12440] =	vst v4;
	v4 =	vld [tilespmem:s26+$0xA4B0];
	v1 =	vmul.f32 $8.000000000e+00, v1  }
0x94: {  	v6 =	vmul.f32 $8.000000000e+00, v7;
	[tilespmem:s26+$0x12450] =	vst v5;
	v5 =	vld [tilespmem:s26+$0xA4C0]  }
0x95: {  	v0 =	vmul.f32 $8.000000000e+00, v0;
	[tilespmem:s26+$0x12470] =	vst v1;
	v1 =	vld [tilespmem:s26+$0xA4E0]  }
0x96: {  	[tilespmem:s26+$0x12460] =	vst v6;
	v6 =	vld [tilespmem:s26+$0xA4D0];
	v2 =	vmul.f32 $8.000000000e+00, v2  }
0x97: {  	v3 =	vmul.f32 $8.000000000e+00, v3;
	[tilespmem:s26+$0x12480] =	vst v0;
	v0 =	vld [tilespmem:s26+$0xA4F0]  }
0x98: {  	v4 =	vmul.f32 $8.000000000e+00, v4;
	[tilespmem:s26+$0x12490] =	vst v2;
	v2 =	vld [tilespmem:s26+$0xA500]  }
0x99: {  	v5 =	vmul.f32 $8.000000000e+00, v5;
	[tilespmem:s26+$0x124A0] =	vst v3;
	v3 =	vld [tilespmem:s26+$0xA510]  }
0x9a: {  	[tilespmem:s26+$0x124B0] =	vst v4;
	v4 =	vld [tilespmem:s26+$0xA520];
	v1 =	vmul.f32 $8.000000000e+00, v1  }
0x9b: {  	v6 =	vmul.f32 $8.000000000e+00, v6;
	[tilespmem:s26+$0x124C0] =	vst v5;
	v5 =	vld [tilespmem:s26+$0xA530]  }
0x9c: {  	v0 =	vmul.f32 $8.000000000e+00, v0;
	[tilespmem:s26+$0x124E0] =	vst v1;
	v1 =	vld [tilespmem:s26+$0xA550]  }
0x9d: {  	[tilespmem:s26+$0x124D0] =	vst v6;
	v6 =	vld [tilespmem:s26+$0xA540];
	v2 =	vmul.f32 $8.000000000e+00, v2  }
0x9e: {  	[tilespmem:s26+$0x124F0] =	vst v0;
	v0 =	vmul.f32 $8.000000000e+00, v3;
	v3 =	vld [tilespmem:s26+$0xA570]  }
0x9f: {  	v7 =	vld [tilespmem:s26+$0xA560];
	[tilespmem:s26+$0x12500] =	vst v2;
	v2 =	vmul.f32 $8.000000000e+00, v4  }
0xa0: {  	v4 =	vld [tilespmem:s26+$0xA580];
	[tilespmem:s26+$0x12510] =	vst v0;
	v0 =	vmul.f32 $8.000000000e+00, v5  }
0xa1: {  	v8 =	vld [tilespmem:s26+$0xA590];
	[tilespmem:s26+$0x12520] =	vst v2;
	v5 =	vmul.f32 $8.000000000e+00, v1  }
0xa2: {  	v2 =	vmul.f32 $8.000000000e+00, v6;
	[tilespmem:s26+$0x12530] =	vst v0;
	v0 =	vld [tilespmem:s26+$0xA5A0]  }
0xa3: {  	v1 =	vld [tilespmem:s26+$0xA5B0];
	[tilespmem:s26+$0x12550] =	vst v5;
	v5 =	vmul.f32 $8.000000000e+00, v3  }
0xa4: {  	v6 =	vmul.f32 $8.000000000e+00, v7;
	[tilespmem:s26+$0x12540] =	vst v2;
	v2 =	vld [tilespmem:s26+$0xA5C0]  }
0xa5: {  	v3 =	vld [tilespmem:s26+$0xA5D0];
	[tilespmem:s26+$0x12570] =	vst v5;
	v5 =	vmul.f32 $8.000000000e+00, v4  }
0xa6: {  	s29 =	simm.s32 $0x1000;
	s28 =	simm.s32 $0x200;
	[tilespmem:s26+$0x12560] =	vst v6;
	v6 =	vmul.f32 $8.000000000e+00, v8;
	v4 =	vld [tilespmem:s26+$0xA5E0]  }
.LBB2_4:
0xa7: {  	p0 =	sne.s32 s29, $0xF800;
	v7 =	vld [tilespmem:s28+$0xA5F0];
	[tilespmem:s26+$0x12580] =	vst v5;
	v0 =	vmul.f32 $8.000000000e+00, v0  }
0xa8: {  	v5 =	vld [tilespmem:s28+$0xA400];
	[tilespmem:s26+$0x12590] =	vst v6;
	v1 =	vmul.f32 $8.000000000e+00, v1  }
0xa9: {  	v6 =	vld [tilespmem:s28+$0xA410];
	[tilespmem:s26+$0x125A0] =	vst v0;
	v0 =	vmul.f32 $8.000000000e+00, v2  }
0xaa: {  	v2 =	vld [tilespmem:s28+$0xA420];
	[tilespmem:s26+$0x125B0] =	vst v1;
	v1 =	vmul.f32 $8.000000000e+00, v3  }
0xab: {  	v3 =	vld [tilespmem:s28+$0xA430];
	[tilespmem:s26+$0x125C0] =	vst v0;
	v0 =	vmul.f32 $8.000000000e+00, v4  }
0xac: {  	v4 =	vld [tilespmem:s28+$0xA440];
	v7 =	vmul.f32 $8.000000000e+00, v7;
	[tilespmem:s26+$0x125D0] =	vst v1  }
0xad: {  	v1 =	vmul.f32 $8.000000000e+00, v5;
	v5 =	vld [tilespmem:s28+$0xA450];
	[tilespmem:s26+$0x125E0] =	vst v0;
	s26 =	smov.u32 s28  }
0xae: {  	v0 =	vmul.f32 $8.000000000e+00, v6;
	v6 =	vld [tilespmem:s26+$0xA460];
	[tilespmem:s26+$0x125F0] =	vst v7  }
0xaf: {  	[tilespmem:s26+$0x12400] =	vst v1;
	v1 =	vmul.f32 $8.000000000e+00, v2;
	v2 =	vld [tilespmem:s26+$0xA470]  }
0xb0: {  	[tilespmem:s26+$0x12410] =	vst v0;
	v0 =	vmul.f32 $8.000000000e+00, v3;
	v3 =	vld [tilespmem:s26+$0xA480]  }
0xb1: {  	[tilespmem:s26+$0x12420] =	vst v1;
	v1 =	vmul.f32 $8.000000000e+00, v4;
	v4 =	vld [tilespmem:s26+$0xA490]  }
0xb2: {  	[tilespmem:s26+$0x12430] =	vst v0;
	v0 =	vmul.f32 $8.000000000e+00, v5;
	v5 =	vld [tilespmem:s26+$0xA4A0]  }
0xb3: {  	[tilespmem:s26+$0x12440] =	vst v1;
	v1 =	vmul.f32 $8.000000000e+00, v6;
	v6 =	vld [tilespmem:s26+$0xA4B0]  }
0xb4: {  	[tilespmem:s26+$0x12450] =	vst v0;
	v0 =	vmul.f32 $8.000000000e+00, v2;
	v2 =	vld [tilespmem:s26+$0xA4C0]  }
0xb5: {  	[tilespmem:s26+$0x12460] =	vst v1;
	v1 =	vmul.f32 $8.000000000e+00, v3;
	v3 =	vld [tilespmem:s26+$0xA4D0]  }
0xb6: {  	[tilespmem:s26+$0x12470] =	vst v0;
	v0 =	vmul.f32 $8.000000000e+00, v4;
	v4 =	vld [tilespmem:s26+$0xA4E0]  }
0xb7: {  	[tilespmem:s26+$0x12480] =	vst v1;
	v1 =	vmul.f32 $8.000000000e+00, v5;
	v5 =	vld [tilespmem:s26+$0xA4F0]  }
0xb8: {  	[tilespmem:s26+$0x12490] =	vst v0;
	v0 =	vmul.f32 $8.000000000e+00, v6;
	v6 =	vld [tilespmem:s26+$0xA500]  }
0xb9: {  	[tilespmem:s26+$0x124A0] =	vst v1;
	v1 =	vmul.f32 $8.000000000e+00, v2;
	v2 =	vld [tilespmem:s26+$0xA510]  }
0xba: {  	[tilespmem:s26+$0x124B0] =	vst v0;
	v0 =	vmul.f32 $8.000000000e+00, v3;
	v3 =	vld [tilespmem:s26+$0xA520]  }
0xbb: {  	[tilespmem:s26+$0x124C0] =	vst v1;
	v1 =	vmul.f32 $8.000000000e+00, v4;
	v4 =	vld [tilespmem:s26+$0xA530]  }
0xbc: {  	[tilespmem:s26+$0x124D0] =	vst v0;
	v0 =	vmul.f32 $8.000000000e+00, v5;
	v5 =	vld [tilespmem:s26+$0xA540]  }
0xbd: {  	[tilespmem:s26+$0x124E0] =	vst v1;
	v1 =	vmul.f32 $8.000000000e+00, v6;
	v6 =	vld [tilespmem:s26+$0xA550]  }
0xbe: {  	[tilespmem:s26+$0x124F0] =	vst v0;
	v0 =	vmul.f32 $8.000000000e+00, v2;
	v2 =	vld [tilespmem:s26+$0xA560]  }
0xbf: {  	[tilespmem:s26+$0x12500] =	vst v1;
	v1 =	vmul.f32 $8.000000000e+00, v3;
	v3 =	vld [tilespmem:s26+$0xA570]  }
0xc0: {  	[tilespmem:s26+$0x12510] =	vst v0;
	v0 =	vmul.f32 $8.000000000e+00, v4;
	v4 =	vld [tilespmem:s26+$0xA580]  }
0xc1: {  	[tilespmem:s26+$0x12520] =	vst v1;
	v1 =	vmul.f32 $8.000000000e+00, v5;
	v7 =	vld [tilespmem:s26+$0xA590]  }
.Ltmp1:
0xc2: {  	[tilespmem:s26+$0x12530] =	vst v0;
	v5 =	vmul.f32 $8.000000000e+00, v6;
	v0 =	vld [tilespmem:s26+$0xA5A0];
	(pc) =	sbr.rel @p0 .LBB2_4-.Ltmp1, $4  }
0xc3: {  	[tilespmem:s26+$0x12540] =	vst v1;
	v6 =	vmul.f32 $8.000000000e+00, v2;
	v1 =	vld [tilespmem:s26+$0xA5B0]  }
0xc4: {  	[tilespmem:s26+$0x12550] =	vst v5;
	v8 =	vmul.f32 $8.000000000e+00, v3;
	v2 =	vld [tilespmem:s26+$0xA5C0]  }
0xc5: {  	[tilespmem:s26+$0x12560] =	vst v6;
	v5 =	vmul.f32 $8.000000000e+00, v4;
	v3 =	vld [tilespmem:s26+$0xA5D0]  }
0xc6: {  	s28 =	sshra.s32 s29, $0x2;
	s29 =	sadd.s32 $0x800, s29;
	[tilespmem:s26+$0x12570] =	vst v8;
	v6 =	vmul.f32 $8.000000000e+00, v7;
	v4 =	vld [tilespmem:s26+$0xA5E0]  }
0xc7: {  	v7 =	vld [tilespmem:s28+$0xA5F0];
	[tilespmem:s26+$0x12580] =	vst v5;
	v0 =	vmul.f32 $8.000000000e+00, v0  }
0xc8: {  	v5 =	vld [tilespmem:s28+$0xA400];
	[tilespmem:s26+$0x12590] =	vst v6;
	v1 =	vmul.f32 $8.000000000e+00, v1  }
0xc9: {  	v6 =	vld [tilespmem:s28+$0xA410];
	[tilespmem:s26+$0x125A0] =	vst v0;
	v2 =	vmul.f32 $8.000000000e+00, v2  }
0xca: {  	v0 =	vld [tilespmem:s28+$0xA420];
	[tilespmem:s26+$0x125B0] =	vst v1;
	v3 =	vmul.f32 $8.000000000e+00, v3  }
0xcb: {  	v1 =	vld [tilespmem:s28+$0xA430];
	[tilespmem:s26+$0x125C0] =	vst v2;
	v4 =	vmul.f32 $8.000000000e+00, v4  }
0xcc: {  	v2 =	vld [tilespmem:s28+$0xA440];
	[tilespmem:s26+$0x125D0] =	vst v3;
	v7 =	vmul.f32 $8.000000000e+00, v7  }
0xcd: {  	v3 =	vld [tilespmem:s28+$0xA450];
	[tilespmem:s26+$0x125E0] =	vst v4;
	v32 =	vmul.f32 $8.000000000e+00, v5  }
0xce: {  	v33 =	vld [tilespmem:s28+$0xA460];
	[tilespmem:s28+$0x125F0] =	vst v7;
	v6 =	vmul.f32 $8.000000000e+00, v6  }
0xcf: {  	v34 =	vld [tilespmem:s28+$0xA470];
	[tilespmem:s28+$0x12400] =	vst v32;
	v0 =	vmul.f32 $8.000000000e+00, v0  }
0xd0: {  	v35 =	vld [tilespmem:s28+$0xA480];
	[tilespmem:s28+$0x12410] =	vst v6;
	v1 =	vmul.f32 $8.000000000e+00, v1  }
0xd1: {  	v36 =	vld [tilespmem:s28+$0xA490];
	[tilespmem:s28+$0x12420] =	vst v0;
	v2 =	vmul.f32 $8.000000000e+00, v2  }
0xd2: {  	v37 =	vld [tilespmem:s28+$0xA4A0];
	[tilespmem:s28+$0x12430] =	vst v1;
	v3 =	vmul.f32 $8.000000000e+00, v3  }
0xd3: {  	v38 =	vld [tilespmem:s28+$0xA4B0];
	[tilespmem:s28+$0x12440] =	vst v2;
	v5 =	vmul.f32 $8.000000000e+00, v33  }
0xd4: {  	v52 =	vld [tilespmem:s28+$0xA590];
	v4 =	vmul.f32 $8.000000000e+00, v34;
	[tilespmem:s28+$0x12450] =	vst v3  }
0xd5: {  	v53 =	vld [tilespmem:s28+$0xA5A0];
	v6 =	vmul.f32 $8.000000000e+00, v35;
	[tilespmem:s28+$0x12460] =	vst v5  }
0xd6: {  	v54 =	vld [tilespmem:s28+$0xA5B0];
	v0 =	vmul.f32 $8.000000000e+00, v36;
	[tilespmem:s28+$0x12470] =	vst v4  }
0xd7: {  	v55 =	vld [tilespmem:s28+$0xA5C0];
	v1 =	vmul.f32 $8.000000000e+00, v37;
	[tilespmem:s28+$0x12480] =	vst v6  }
0xd8: {  	v56 =	vld [tilespmem:s28+$0xA5D0];
	v2 =	vmul.f32 $8.000000000e+00, v38;
	[tilespmem:s28+$0x12490] =	vst v0  }
0xd9: {  	v58 =	vld [tilespmem:s28+$0xA5E0];
	v57 =	vmul.f32 $8.000000000e+00, v52;
	[tilespmem:s28+$0x124A0] =	vst v1  }
0xda: {  	v39 =	vld [tilespmem:s28+$0xA4C0];
	v59 =	vmul.f32 $8.000000000e+00, v53;
	[tilespmem:s28+$0x124B0] =	vst v2  }
0xdb: {  	v40 =	vld [tilespmem:s28+$0xA4D0];
	v60 =	vmul.f32 $8.000000000e+00, v54;
	[tilespmem:s28+$0x12590] =	vst v57  }
0xdc: {  	v41 =	vld [tilespmem:s28+$0xA4E0];
	v61 =	vmul.f32 $8.000000000e+00, v55;
	[tilespmem:s28+$0x125A0] =	vst v59  }
0xdd: {  	v42 =	vld [tilespmem:s28+$0xA4F0];
	v62 =	vmul.f32 $8.000000000e+00, v56;
	[tilespmem:s28+$0x125B0] =	vst v60  }
0xde: {  	v43 =	vld [tilespmem:s28+$0xA500];
	v63 =	vmul.f32 $8.000000000e+00, v58;
	[tilespmem:s28+$0x125C0] =	vst v61  }
0xdf: {  	v44 =	vld [tilespmem:s28+$0xA510];
	v3 =	vmul.f32 $8.000000000e+00, v39;
	[tilespmem:s28+$0x125D0] =	vst v62  }
0xe0: {  	v45 =	vld [tilespmem:s28+$0xA520];
	v5 =	vmul.f32 $8.000000000e+00, v40;
	[tilespmem:s28+$0x125E0] =	vst v63  }
0xe1: {  	v46 =	vld [tilespmem:s28+$0xA530];
	v4 =	vmul.f32 $8.000000000e+00, v41;
	[tilespmem:s28+$0x124C0] =	vst v3  }
0xe2: {  	v47 =	vld [tilespmem:s28+$0xA540];
	v6 =	vmul.f32 $8.000000000e+00, v42;
	[tilespmem:s28+$0x124D0] =	vst v5  }
0xe3: {  	v48 =	vld [tilespmem:s28+$0xA550];
	v0 =	vmul.f32 $8.000000000e+00, v43;
	[tilespmem:s28+$0x124E0] =	vst v4  }
0xe4: {  	v49 =	vld [tilespmem:s28+$0xA560];
	v1 =	vmul.f32 $8.000000000e+00, v44;
	[tilespmem:s28+$0x124F0] =	vst v6  }
0xe5: {  	v50 =	vld [tilespmem:s28+$0xA570];
	v2 =	vmul.f32 $8.000000000e+00, v45;
	[tilespmem:s28+$0x12500] =	vst v0  }
0xe6: {  	v51 =	vld [tilespmem:s28+$0xA580];
	v3 =	vmul.f32 $8.000000000e+00, v46;
	[tilespmem:s28+$0x12510] =	vst v1  }
0xe7: {  	[tilespmem:s28+$0x12520] =	vst v2;
	v5 =	vmul.f32 $8.000000000e+00, v47  }
0xe8: {  	v4 =	vmul.f32 $8.000000000e+00, v48;
	[tilespmem:s28+$0x12530] =	vst v3  }
0xe9: {  	v6 =	vmul.f32 $8.000000000e+00, v49;
	[tilespmem:s28+$0x12540] =	vst v5  }
0xea: {  	v0 =	vmul.f32 $8.000000000e+00, v50;
	[tilespmem:s28+$0x12550] =	vst v4  }
0xeb: {  	v1 =	vmul.f32 $8.000000000e+00, v51;
	[tilespmem:s28+$0x12560] =	vst v6  }
0xec: {  	[tilespmem:s28+$0x12570] =	vst v0  }
0xed: {  	s26 =	simm.s32 $0x0;
	[tilespmem:s28+$0x12580] =	vst v1  }
0xee: {  	[hbm4b:s7+s26] =	stream.linear.scatter [tilespmem:s21], [sflag:$0x4], $0x4000, $0x38;
	[tilespmem:$0x16400] =	vst v63  }
0xef: {  	_ = 	snop  }
0xf0: {  	[tilespmem:s16], [sflag:$0x2] =	stream.indirect.gather [hbm4b:s4+s14], $0x40, s22, s14, $0xb8;
	[tilespmem:$0x16400] =	vst v63  }
.LBB2_6:
0xf1: {  	_ =	swait.ge [sflag:s17], $0x4000  }
0xf2: {  	[sflag:s17] =	ssyncset.done $0x0  }
0xf3: {  	[sflag:s17] =	ssyncadd.s32 $0xFFFFC000  }
0xf4: {  	_ =	swait.ge [sflag:s23], $0x4000  }
0xf5: {  	[sflag:s23] =	ssyncset.done $0x0  }
0xf6: {  	s28 =	simm.s32 $0x0;
	[sflag:s23] =	ssyncadd.s32 $0xFFFFC000  }
0xf7: {  	v0 =	vld [tilespmem:s28+$0x65F0]  }
0xf8: {  	v1 =	vld [tilespmem:s28+$0x6400];
	_ =	sdelay $0x1  }
0xf9: {  	v2 =	vld [tilespmem:s28+$0x6410]  }
0xfa: {  	v3 =	vld [tilespmem:s28+$0x6420]  }
0xfb: {  	v4 =	vld [tilespmem:s28+$0x6430];
	v0 =	vmul.f32 $8.000000000e+00, v0  }
0xfc: {  	v5 =	vld [tilespmem:s28+$0x6440];
	v1 =	vmul.f32 $8.000000000e+00, v1  }
0xfd: {  	v6 =	vld [tilespmem:s28+$0x6450];
	[tilespmem:s28+$0xE5F0] =	vst v0  }
0xfe: {  	v0 =	vmul.f32 $8.000000000e+00, v2;
	[tilespmem:s28+$0xE400] =	vst v1;
	v1 =	vld [tilespmem:s28+$0x6470]  }
0xff: {  	v7 =	vld [tilespmem:s28+$0x6460];
	v2 =	vmul.f32 $8.000000000e+00, v3  }
0x100: {  	v3 =	vmul.f32 $8.000000000e+00, v4;
	[tilespmem:s28+$0xE410] =	vst v0;
	v0 =	vld [tilespmem:s28+$0x6480]  }
0x101: {  	v4 =	vmul.f32 $8.000000000e+00, v5;
	[tilespmem:s28+$0xE420] =	vst v2;
	v2 =	vld [tilespmem:s28+$0x6490]  }
0x102: {  	v5 =	vmul.f32 $8.000000000e+00, v6;
	[tilespmem:s28+$0xE430] =	vst v3;
	v3 =	vld [tilespmem:s28+$0x64A0]  }
0x103: {  	[tilespmem:s28+$0xE440] =	vst v4;
	v4 =	vld [tilespmem:s28+$0x64B0];
	v1 =	vmul.f32 $8.000000000e+00, v1  }
0x104: {  	v6 =	vmul.f32 $8.000000000e+00, v7;
	[tilespmem:s28+$0xE450] =	vst v5;
	v5 =	vld [tilespmem:s28+$0x64C0]  }
0x105: {  	v0 =	vmul.f32 $8.000000000e+00, v0;
	[tilespmem:s28+$0xE470] =	vst v1;
	v1 =	vld [tilespmem:s28+$0x64E0]  }
0x106: {  	[tilespmem:s28+$0xE460] =	vst v6;
	v6 =	vld [tilespmem:s28+$0x64D0];
	v2 =	vmul.f32 $8.000000000e+00, v2  }
0x107: {  	v3 =	vmul.f32 $8.000000000e+00, v3;
	[tilespmem:s28+$0xE480] =	vst v0;
	v0 =	vld [tilespmem:s28+$0x64F0]  }
0x108: {  	v4 =	vmul.f32 $8.000000000e+00, v4;
	[tilespmem:s28+$0xE490] =	vst v2;
	v2 =	vld [tilespmem:s28+$0x6500]  }
0x109: {  	v5 =	vmul.f32 $8.000000000e+00, v5;
	[tilespmem:s28+$0xE4A0] =	vst v3;
	v3 =	vld [tilespmem:s28+$0x6510]  }
0x10a: {  	[tilespmem:s28+$0xE4B0] =	vst v4;
	v4 =	vld [tilespmem:s28+$0x6520];
	v1 =	vmul.f32 $8.000000000e+00, v1  }
0x10b: {  	v6 =	vmul.f32 $8.000000000e+00, v6;
	[tilespmem:s28+$0xE4C0] =	vst v5;
	v5 =	vld [tilespmem:s28+$0x6530]  }
0x10c: {  	v0 =	vmul.f32 $8.000000000e+00, v0;
	[tilespmem:s28+$0xE4E0] =	vst v1;
	v1 =	vld [tilespmem:s28+$0x6550]  }
0x10d: {  	[tilespmem:s28+$0xE4D0] =	vst v6;
	v6 =	vld [tilespmem:s28+$0x6540];
	v2 =	vmul.f32 $8.000000000e+00, v2  }
0x10e: {  	[tilespmem:s28+$0xE4F0] =	vst v0;
	v0 =	vmul.f32 $8.000000000e+00, v3;
	v3 =	vld [tilespmem:s28+$0x6570]  }
0x10f: {  	v7 =	vld [tilespmem:s28+$0x6560];
	[tilespmem:s28+$0xE500] =	vst v2;
	v2 =	vmul.f32 $8.000000000e+00, v4  }
0x110: {  	v4 =	vld [tilespmem:s28+$0x6580];
	[tilespmem:s28+$0xE510] =	vst v0;
	v0 =	vmul.f32 $8.000000000e+00, v5  }
0x111: {  	v8 =	vld [tilespmem:s28+$0x6590];
	[tilespmem:s28+$0xE520] =	vst v2;
	v5 =	vmul.f32 $8.000000000e+00, v1  }
0x112: {  	v2 =	vmul.f32 $8.000000000e+00, v6;
	[tilespmem:s28+$0xE530] =	vst v0;
	v0 =	vld [tilespmem:s28+$0x65A0]  }
0x113: {  	v1 =	vld [tilespmem:s28+$0x65B0];
	[tilespmem:s28+$0xE550] =	vst v5;
	v5 =	vmul.f32 $8.000000000e+00, v3  }
0x114: {  	v6 =	vmul.f32 $8.000000000e+00, v7;
	[tilespmem:s28+$0xE540] =	vst v2;
	v2 =	vld [tilespmem:s28+$0x65C0]  }
0x115: {  	v3 =	vld [tilespmem:s28+$0x65D0];
	[tilespmem:s28+$0xE570] =	vst v5;
	v5 =	vmul.f32 $8.000000000e+00, v4  }
0x116: {  	s29 =	simm.s32 $0x200;
	s30 =	simm.s32 $0x1000;
	[tilespmem:s28+$0xE560] =	vst v6;
	v6 =	vmul.f32 $8.000000000e+00, v8;
	v4 =	vld [tilespmem:s28+$0x65E0]  }
.LBB2_7:
0x117: {  	p0 =	sne.s32 s30, $0xF800;
	v7 =	vld [tilespmem:s29+$0x65F0];
	[tilespmem:s28+$0xE580] =	vst v5;
	v0 =	vmul.f32 $8.000000000e+00, v0  }
0x118: {  	v5 =	vld [tilespmem:s29+$0x6400];
	[tilespmem:s28+$0xE590] =	vst v6;
	v1 =	vmul.f32 $8.000000000e+00, v1  }
0x119: {  	v6 =	vld [tilespmem:s29+$0x6410];
	[tilespmem:s28+$0xE5A0] =	vst v0;
	v0 =	vmul.f32 $8.000000000e+00, v2  }
0x11a: {  	v2 =	vld [tilespmem:s29+$0x6420];
	[tilespmem:s28+$0xE5B0] =	vst v1;
	v1 =	vmul.f32 $8.000000000e+00, v3  }
0x11b: {  	v3 =	vld [tilespmem:s29+$0x6430];
	[tilespmem:s28+$0xE5C0] =	vst v0;
	v0 =	vmul.f32 $8.000000000e+00, v4  }
0x11c: {  	v4 =	vld [tilespmem:s29+$0x6440];
	v7 =	vmul.f32 $8.000000000e+00, v7;
	[tilespmem:s28+$0xE5D0] =	vst v1  }
0x11d: {  	v1 =	vmul.f32 $8.000000000e+00, v5;
	v5 =	vld [tilespmem:s29+$0x6450];
	[tilespmem:s28+$0xE5E0] =	vst v0;
	s28 =	smov.u32 s29  }
0x11e: {  	v0 =	vmul.f32 $8.000000000e+00, v6;
	v6 =	vld [tilespmem:s28+$0x6460];
	[tilespmem:s28+$0xE5F0] =	vst v7  }
0x11f: {  	[tilespmem:s28+$0xE400] =	vst v1;
	v1 =	vmul.f32 $8.000000000e+00, v2;
	v2 =	vld [tilespmem:s28+$0x6470]  }
0x120: {  	[tilespmem:s28+$0xE410] =	vst v0;
	v0 =	vmul.f32 $8.000000000e+00, v3;
	v3 =	vld [tilespmem:s28+$0x6480]  }
0x121: {  	[tilespmem:s28+$0xE420] =	vst v1;
	v1 =	vmul.f32 $8.000000000e+00, v4;
	v4 =	vld [tilespmem:s28+$0x6490]  }
0x122: {  	[tilespmem:s28+$0xE430] =	vst v0;
	v0 =	vmul.f32 $8.000000000e+00, v5;
	v5 =	vld [tilespmem:s28+$0x64A0]  }
0x123: {  	[tilespmem:s28+$0xE440] =	vst v1;
	v1 =	vmul.f32 $8.000000000e+00, v6;
	v6 =	vld [tilespmem:s28+$0x64B0]  }
0x124: {  	[tilespmem:s28+$0xE450] =	vst v0;
	v0 =	vmul.f32 $8.000000000e+00, v2;
	v2 =	vld [tilespmem:s28+$0x64C0]  }
0x125: {  	[tilespmem:s28+$0xE460] =	vst v1;
	v1 =	vmul.f32 $8.000000000e+00, v3;
	v3 =	vld [tilespmem:s28+$0x64D0]  }
0x126: {  	[tilespmem:s28+$0xE470] =	vst v0;
	v0 =	vmul.f32 $8.000000000e+00, v4;
	v4 =	vld [tilespmem:s28+$0x64E0]  }
0x127: {  	[tilespmem:s28+$0xE480] =	vst v1;
	v1 =	vmul.f32 $8.000000000e+00, v5;
	v5 =	vld [tilespmem:s28+$0x64F0]  }
0x128: {  	[tilespmem:s28+$0xE490] =	vst v0;
	v0 =	vmul.f32 $8.000000000e+00, v6;
	v6 =	vld [tilespmem:s28+$0x6500]  }
0x129: {  	[tilespmem:s28+$0xE4A0] =	vst v1;
	v1 =	vmul.f32 $8.000000000e+00, v2;
	v2 =	vld [tilespmem:s28+$0x6510]  }
0x12a: {  	[tilespmem:s28+$0xE4B0] =	vst v0;
	v0 =	vmul.f32 $8.000000000e+00, v3;
	v3 =	vld [tilespmem:s28+$0x6520]  }
0x12b: {  	[tilespmem:s28+$0xE4C0] =	vst v1;
	v1 =	vmul.f32 $8.000000000e+00, v4;
	v4 =	vld [tilespmem:s28+$0x6530]  }
0x12c: {  	[tilespmem:s28+$0xE4D0] =	vst v0;
	v0 =	vmul.f32 $8.000000000e+00, v5;
	v5 =	vld [tilespmem:s28+$0x6540]  }
0x12d: {  	[tilespmem:s28+$0xE4E0] =	vst v1;
	v1 =	vmul.f32 $8.000000000e+00, v6;
	v6 =	vld [tilespmem:s28+$0x6550]  }
0x12e: {  	[tilespmem:s28+$0xE4F0] =	vst v0;
	v0 =	vmul.f32 $8.000000000e+00, v2;
	v2 =	vld [tilespmem:s28+$0x6560]  }
0x12f: {  	[tilespmem:s28+$0xE500] =	vst v1;
	v1 =	vmul.f32 $8.000000000e+00, v3;
	v3 =	vld [tilespmem:s28+$0x6570]  }
0x130: {  	[tilespmem:s28+$0xE510] =	vst v0;
	v0 =	vmul.f32 $8.000000000e+00, v4;
	v4 =	vld [tilespmem:s28+$0x6580]  }
0x131: {  	[tilespmem:s28+$0xE520] =	vst v1;
	v1 =	vmul.f32 $8.000000000e+00, v5;
	v7 =	vld [tilespmem:s28+$0x6590]  }
.Ltmp2:
0x132: {  	[tilespmem:s28+$0xE530] =	vst v0;
	v5 =	vmul.f32 $8.000000000e+00, v6;
	v0 =	vld [tilespmem:s28+$0x65A0];
	(pc) =	sbr.rel @p0 .LBB2_7-.Ltmp2, $4  }
0x133: {  	[tilespmem:s28+$0xE540] =	vst v1;
	v6 =	vmul.f32 $8.000000000e+00, v2;
	v1 =	vld [tilespmem:s28+$0x65B0]  }
0x134: {  	[tilespmem:s28+$0xE550] =	vst v5;
	v8 =	vmul.f32 $8.000000000e+00, v3;
	v2 =	vld [tilespmem:s28+$0x65C0]  }
0x135: {  	[tilespmem:s28+$0xE560] =	vst v6;
	v5 =	vmul.f32 $8.000000000e+00, v4;
	v3 =	vld [tilespmem:s28+$0x65D0]  }
0x136: {  	s29 =	sshra.s32 s30, $0x2;
	s30 =	sadd.s32 $0x800, s30;
	[tilespmem:s28+$0xE570] =	vst v8;
	v6 =	vmul.f32 $8.000000000e+00, v7;
	v4 =	vld [tilespmem:s28+$0x65E0]  }
0x137: {  	v7 =	vld [tilespmem:s29+$0x65F0];
	[tilespmem:s28+$0xE580] =	vst v5;
	v0 =	vmul.f32 $8.000000000e+00, v0  }
0x138: {  	v5 =	vld [tilespmem:s29+$0x6400];
	[tilespmem:s28+$0xE590] =	vst v6;
	v1 =	vmul.f32 $8.000000000e+00, v1  }
0x139: {  	v6 =	vld [tilespmem:s29+$0x6410];
	[tilespmem:s28+$0xE5A0] =	vst v0;
	v2 =	vmul.f32 $8.000000000e+00, v2  }
0x13a: {  	v0 =	vld [tilespmem:s29+$0x6420];
	[tilespmem:s28+$0xE5B0] =	vst v1;
	v3 =	vmul.f32 $8.000000000e+00, v3  }
0x13b: {  	v1 =	vld [tilespmem:s29+$0x6430];
	[tilespmem:s28+$0xE5C0] =	vst v2;
	v4 =	vmul.f32 $8.000000000e+00, v4  }
0x13c: {  	v2 =	vld [tilespmem:s29+$0x6440];
	[tilespmem:s28+$0xE5D0] =	vst v3;
	v7 =	vmul.f32 $8.000000000e+00, v7  }
0x13d: {  	v3 =	vld [tilespmem:s29+$0x6450];
	[tilespmem:s28+$0xE5E0] =	vst v4;
	v4 =	vmul.f32 $8.000000000e+00, v5  }
0x13e: {  	v5 =	vld [tilespmem:s29+$0x6460];
	[tilespmem:s29+$0xE5F0] =	vst v7;
	v6 =	vmul.f32 $8.000000000e+00, v6  }
0x13f: {  	[tilespmem:s29+$0xE400] =	vst v4;
	v4 =	vld [tilespmem:s29+$0x6470];
	v0 =	vmul.f32 $8.000000000e+00, v0  }
0x140: {  	[tilespmem:s29+$0xE410] =	vst v6;
	v6 =	vld [tilespmem:s29+$0x6480];
	v1 =	vmul.f32 $8.000000000e+00, v1  }
0x141: {  	[tilespmem:s29+$0xE420] =	vst v0;
	v0 =	vld [tilespmem:s29+$0x6490];
	v2 =	vmul.f32 $8.000000000e+00, v2  }
0x142: {  	[tilespmem:s29+$0xE430] =	vst v1;
	v1 =	vld [tilespmem:s29+$0x64A0];
	v3 =	vmul.f32 $8.000000000e+00, v3  }
0x143: {  	[tilespmem:s29+$0xE440] =	vst v2;
	v2 =	vld [tilespmem:s29+$0x64B0];
	v5 =	vmul.f32 $8.000000000e+00, v5  }
0x144: {  	[tilespmem:s29+$0xE450] =	vst v3;
	v3 =	vld [tilespmem:s29+$0x64C0];
	v4 =	vmul.f32 $8.000000000e+00, v4  }
0x145: {  	[tilespmem:s29+$0xE460] =	vst v5;
	v5 =	vld [tilespmem:s29+$0x64D0];
	v6 =	vmul.f32 $8.000000000e+00, v6  }
0x146: {  	[tilespmem:s29+$0xE470] =	vst v4;
	v4 =	vld [tilespmem:s29+$0x64E0];
	v0 =	vmul.f32 $8.000000000e+00, v0  }
0x147: {  	[tilespmem:s29+$0xE480] =	vst v6;
	v6 =	vld [tilespmem:s29+$0x64F0];
	v1 =	vmul.f32 $8.000000000e+00, v1  }
0x148: {  	[tilespmem:s29+$0xE490] =	vst v0;
	v0 =	vld [tilespmem:s29+$0x6500];
	v2 =	vmul.f32 $8.000000000e+00, v2  }
0x149: {  	[tilespmem:s29+$0xE4A0] =	vst v1;
	v1 =	vld [tilespmem:s29+$0x6510];
	v3 =	vmul.f32 $8.000000000e+00, v3  }
0x14a: {  	[tilespmem:s29+$0xE4B0] =	vst v2;
	v2 =	vld [tilespmem:s29+$0x6520];
	v5 =	vmul.f32 $8.000000000e+00, v5  }
0x14b: {  	[tilespmem:s29+$0xE4C0] =	vst v3;
	v3 =	vld [tilespmem:s29+$0x6530];
	v4 =	vmul.f32 $8.000000000e+00, v4  }
0x14c: {  	[tilespmem:s29+$0xE4D0] =	vst v5;
	v5 =	vld [tilespmem:s29+$0x6540];
	v6 =	vmul.f32 $8.000000000e+00, v6  }
0x14d: {  	[tilespmem:s29+$0xE4E0] =	vst v4;
	v4 =	vld [tilespmem:s29+$0x6550];
	v0 =	vmul.f32 $8.000000000e+00, v0  }
0x14e: {  	[tilespmem:s29+$0xE4F0] =	vst v6;
	v6 =	vld [tilespmem:s29+$0x6560];
	v1 =	vmul.f32 $8.000000000e+00, v1  }
0x14f: {  	[tilespmem:s29+$0xE500] =	vst v0;
	v0 =	vld [tilespmem:s29+$0x6570];
	v2 =	vmul.f32 $8.000000000e+00, v2  }
0x150: {  	[tilespmem:s29+$0xE510] =	vst v1;
	v1 =	vld [tilespmem:s29+$0x6580];
	v3 =	vmul.f32 $8.000000000e+00, v3  }
0x151: {  	[tilespmem:s29+$0xE520] =	vst v2;
	v2 =	vld [tilespmem:s29+$0x6590];
	v5 =	vmul.f32 $8.000000000e+00, v5  }
0x152: {  	[tilespmem:s29+$0xE530] =	vst v3;
	v3 =	vld [tilespmem:s29+$0x65A0];
	v4 =	vmul.f32 $8.000000000e+00, v4  }
0x153: {  	[tilespmem:s29+$0xE540] =	vst v5;
	v5 =	vld [tilespmem:s29+$0x65B0];
	v6 =	vmul.f32 $8.000000000e+00, v6  }
0x154: {  	[tilespmem:s29+$0xE550] =	vst v4;
	v4 =	vld [tilespmem:s29+$0x65C0];
	v0 =	vmul.f32 $8.000000000e+00, v0  }
0x155: {  	[tilespmem:s29+$0xE560] =	vst v6;
	v6 =	vld [tilespmem:s29+$0x65D0];
	v1 =	vmul.f32 $8.000000000e+00, v1  }
0x156: {  	[tilespmem:s29+$0xE570] =	vst v0;
	v0 =	vmul.f32 $8.000000000e+00, v2;
	v2 =	vld [tilespmem:s29+$0x65E0]  }
0x157: {  	[tilespmem:s29+$0xE580] =	vst v1;
	v1 =	vmul.f32 $8.000000000e+00, v3  }
0x158: {  	[tilespmem:s29+$0xE590] =	vst v0;
	v0 =	vmul.f32 $8.000000000e+00, v5  }
0x159: {  	s28 =	sshll.u32 s26, $0x9;
	[tilespmem:s29+$0xE5A0] =	vst v1;
	v1 =	vmul.f32 $8.000000000e+00, v4  }
0x15a: {  	s1 =	sadd.s32 s28, s8;
	[tilespmem:s29+$0xE5B0] =	vst v0;
	v0 =	vmul.f32 $8.000000000e+00, v6  }
0x15b: {  	s1 =	sshll.u32 s1, $0x3;
	[tilespmem:s29+$0xE5C0] =	vst v1;
	v1 =	vmul.f32 $8.000000000e+00, v2  }
0x15c: {  	s1 =	sand.u32 $0x1FFFF000, s1;
	[tilespmem:s29+$0xE5D0] =	vst v0  }
0x15d: {  	s1 =	sadd.s32 s2, s1;
	[tilespmem:s29+$0xE5E0] =	vst v1;
	s29 =	simm.s32 $0x0  }
0x15e: {  	[hbm4b:s1+s29] =	stream.linear.scatter [tilespmem:s18], [sflag:$0x3], $0x4000, $0x38;
	[tilespmem:$0x16400] =	vst v63  }
0x15f: {  	s29 =	sand.u32 $0x3FFFFE00, s28  }
0x160: {  	s1 =	sadd.s32 $0x400, s29  }
0x161: {  	[tilespmem:s15], [sflag:$0x1] =	stream.indirect.gather [hbm4b:s4+s14], $0x40, s1, s14, $0xb8;
	[tilespmem:$0x16400] =	vst v63  }
0x162: {  	_ =	swait.ge [sflag:s20], $0x4000  }
0x163: {  	[sflag:s20] =	ssyncset.done $0x0  }
0x164: {  	[sflag:s20] =	ssyncadd.s32 $0xFFFFC000  }
0x165: {  	_ =	swait.ge [sflag:s24], $0x4000  }
0x166: {  	[sflag:s24] =	ssyncset.done $0x0  }
0x167: {  	s30 =	simm.s32 $0x0;
	[sflag:s24] =	ssyncadd.s32 $0xFFFFC000  }
0x168: {  	v0 =	vld [tilespmem:s30+$0xA5F0]  }
0x169: {  	v1 =	vld [tilespmem:s30+$0xA400];
	_ =	sdelay $0x1  }
0x16a: {  	v2 =	vld [tilespmem:s30+$0xA410]  }
0x16b: {  	v3 =	vld [tilespmem:s30+$0xA420]  }
0x16c: {  	v4 =	vld [tilespmem:s30+$0xA430];
	v0 =	vmul.f32 $8.000000000e+00, v0  }
0x16d: {  	v5 =	vld [tilespmem:s30+$0xA440];
	v1 =	vmul.f32 $8.000000000e+00, v1  }
0x16e: {  	v6 =	vld [tilespmem:s30+$0xA450];
	[tilespmem:s30+$0x125F0] =	vst v0  }
0x16f: {  	v0 =	vmul.f32 $8.000000000e+00, v2;
	[tilespmem:s30+$0x12400] =	vst v1;
	v1 =	vld [tilespmem:s30+$0xA470]  }
0x170: {  	v7 =	vld [tilespmem:s30+$0xA460];
	v2 =	vmul.f32 $8.000000000e+00, v3  }
0x171: {  	v3 =	vmul.f32 $8.000000000e+00, v4;
	[tilespmem:s30+$0x12410] =	vst v0;
	v0 =	vld [tilespmem:s30+$0xA480]  }
0x172: {  	v4 =	vmul.f32 $8.000000000e+00, v5;
	[tilespmem:s30+$0x12420] =	vst v2;
	v2 =	vld [tilespmem:s30+$0xA490]  }
0x173: {  	v5 =	vmul.f32 $8.000000000e+00, v6;
	[tilespmem:s30+$0x12430] =	vst v3;
	v3 =	vld [tilespmem:s30+$0xA4A0]  }
0x174: {  	[tilespmem:s30+$0x12440] =	vst v4;
	v4 =	vld [tilespmem:s30+$0xA4B0];
	v1 =	vmul.f32 $8.000000000e+00, v1  }
0x175: {  	v6 =	vmul.f32 $8.000000000e+00, v7;
	[tilespmem:s30+$0x12450] =	vst v5;
	v5 =	vld [tilespmem:s30+$0xA4C0]  }
0x176: {  	v0 =	vmul.f32 $8.000000000e+00, v0;
	[tilespmem:s30+$0x12470] =	vst v1;
	v1 =	vld [tilespmem:s30+$0xA4E0]  }
0x177: {  	[tilespmem:s30+$0x12460] =	vst v6;
	v6 =	vld [tilespmem:s30+$0xA4D0];
	v2 =	vmul.f32 $8.000000000e+00, v2  }
0x178: {  	v3 =	vmul.f32 $8.000000000e+00, v3;
	[tilespmem:s30+$0x12480] =	vst v0;
	v0 =	vld [tilespmem:s30+$0xA4F0]  }
0x179: {  	v4 =	vmul.f32 $8.000000000e+00, v4;
	[tilespmem:s30+$0x12490] =	vst v2;
	v2 =	vld [tilespmem:s30+$0xA500]  }
0x17a: {  	v5 =	vmul.f32 $8.000000000e+00, v5;
	[tilespmem:s30+$0x124A0] =	vst v3;
	v3 =	vld [tilespmem:s30+$0xA510]  }
0x17b: {  	[tilespmem:s30+$0x124B0] =	vst v4;
	v4 =	vld [tilespmem:s30+$0xA520];
	v1 =	vmul.f32 $8.000000000e+00, v1  }
0x17c: {  	v6 =	vmul.f32 $8.000000000e+00, v6;
	[tilespmem:s30+$0x124C0] =	vst v5;
	v5 =	vld [tilespmem:s30+$0xA530]  }
0x17d: {  	v0 =	vmul.f32 $8.000000000e+00, v0;
	[tilespmem:s30+$0x124E0] =	vst v1;
	v1 =	vld [tilespmem:s30+$0xA550]  }
0x17e: {  	[tilespmem:s30+$0x124D0] =	vst v6;
	v6 =	vld [tilespmem:s30+$0xA540];
	v2 =	vmul.f32 $8.000000000e+00, v2  }
0x17f: {  	[tilespmem:s30+$0x124F0] =	vst v0;
	v0 =	vmul.f32 $8.000000000e+00, v3;
	v3 =	vld [tilespmem:s30+$0xA570]  }
0x180: {  	v7 =	vld [tilespmem:s30+$0xA560];
	[tilespmem:s30+$0x12500] =	vst v2;
	v2 =	vmul.f32 $8.000000000e+00, v4  }
0x181: {  	v4 =	vld [tilespmem:s30+$0xA580];
	[tilespmem:s30+$0x12510] =	vst v0;
	v0 =	vmul.f32 $8.000000000e+00, v5  }
0x182: {  	v8 =	vld [tilespmem:s30+$0xA590];
	[tilespmem:s30+$0x12520] =	vst v2;
	v5 =	vmul.f32 $8.000000000e+00, v1  }
0x183: {  	v2 =	vmul.f32 $8.000000000e+00, v6;
	[tilespmem:s30+$0x12530] =	vst v0;
	v0 =	vld [tilespmem:s30+$0xA5A0]  }
0x184: {  	v1 =	vld [tilespmem:s30+$0xA5B0];
	[tilespmem:s30+$0x12550] =	vst v5;
	v5 =	vmul.f32 $8.000000000e+00, v3  }
0x185: {  	v6 =	vmul.f32 $8.000000000e+00, v7;
	[tilespmem:s30+$0x12540] =	vst v2;
	v2 =	vld [tilespmem:s30+$0xA5C0]  }
0x186: {  	v3 =	vld [tilespmem:s30+$0xA5D0];
	[tilespmem:s30+$0x12570] =	vst v5;
	v5 =	vmul.f32 $8.000000000e+00, v4  }
0x187: {  	s31 =	simm.s32 $0x200;
	s1 =	simm.s32 $0x1000;
	[tilespmem:s30+$0x12560] =	vst v6;
	v6 =	vmul.f32 $8.000000000e+00, v8;
	v4 =	vld [tilespmem:s30+$0xA5E0]  }
.LBB2_9:
0x188: {  	p0 =	sne.s32 s1, $0xF800;
	v7 =	vld [tilespmem:s31+$0xA5F0];
	[tilespmem:s30+$0x12580] =	vst v5;
	v0 =	vmul.f32 $8.000000000e+00, v0  }
0x189: {  	v5 =	vld [tilespmem:s31+$0xA400];
	[tilespmem:s30+$0x12590] =	vst v6;
	v1 =	vmul.f32 $8.000000000e+00, v1  }
0x18a: {  	v6 =	vld [tilespmem:s31+$0xA410];
	[tilespmem:s30+$0x125A0] =	vst v0;
	v0 =	vmul.f32 $8.000000000e+00, v2  }
0x18b: {  	v2 =	vld [tilespmem:s31+$0xA420];
	[tilespmem:s30+$0x125B0] =	vst v1;
	v1 =	vmul.f32 $8.000000000e+00, v3  }
0x18c: {  	v3 =	vld [tilespmem:s31+$0xA430];
	[tilespmem:s30+$0x125C0] =	vst v0;
	v0 =	vmul.f32 $8.000000000e+00, v4  }
0x18d: {  	v4 =	vld [tilespmem:s31+$0xA440];
	v7 =	vmul.f32 $8.000000000e+00, v7;
	[tilespmem:s30+$0x125D0] =	vst v1  }
0x18e: {  	v1 =	vmul.f32 $8.000000000e+00, v5;
	v5 =	vld [tilespmem:s31+$0xA450];
	[tilespmem:s30+$0x125E0] =	vst v0;
	s30 =	smov.u32 s31  }
0x18f: {  	v0 =	vmul.f32 $8.000000000e+00, v6;
	v6 =	vld [tilespmem:s30+$0xA460];
	[tilespmem:s30+$0x125F0] =	vst v7  }
0x190: {  	[tilespmem:s30+$0x12400] =	vst v1;
	v1 =	vmul.f32 $8.000000000e+00, v2;
	v2 =	vld [tilespmem:s30+$0xA470]  }
0x191: {  	[tilespmem:s30+$0x12410] =	vst v0;
	v0 =	vmul.f32 $8.000000000e+00, v3;
	v3 =	vld [tilespmem:s30+$0xA480]  }
0x192: {  	[tilespmem:s30+$0x12420] =	vst v1;
	v1 =	vmul.f32 $8.000000000e+00, v4;
	v4 =	vld [tilespmem:s30+$0xA490]  }
0x193: {  	[tilespmem:s30+$0x12430] =	vst v0;
	v0 =	vmul.f32 $8.000000000e+00, v5;
	v5 =	vld [tilespmem:s30+$0xA4A0]  }
0x194: {  	[tilespmem:s30+$0x12440] =	vst v1;
	v1 =	vmul.f32 $8.000000000e+00, v6;
	v6 =	vld [tilespmem:s30+$0xA4B0]  }
0x195: {  	[tilespmem:s30+$0x12450] =	vst v0;
	v0 =	vmul.f32 $8.000000000e+00, v2;
	v2 =	vld [tilespmem:s30+$0xA4C0]  }
0x196: {  	[tilespmem:s30+$0x12460] =	vst v1;
	v1 =	vmul.f32 $8.000000000e+00, v3;
	v3 =	vld [tilespmem:s30+$0xA4D0]  }
0x197: {  	[tilespmem:s30+$0x12470] =	vst v0;
	v0 =	vmul.f32 $8.000000000e+00, v4;
	v4 =	vld [tilespmem:s30+$0xA4E0]  }
0x198: {  	[tilespmem:s30+$0x12480] =	vst v1;
	v1 =	vmul.f32 $8.000000000e+00, v5;
	v5 =	vld [tilespmem:s30+$0xA4F0]  }
0x199: {  	[tilespmem:s30+$0x12490] =	vst v0;
	v0 =	vmul.f32 $8.000000000e+00, v6;
	v6 =	vld [tilespmem:s30+$0xA500]  }
0x19a: {  	[tilespmem:s30+$0x124A0] =	vst v1;
	v1 =	vmul.f32 $8.000000000e+00, v2;
	v2 =	vld [tilespmem:s30+$0xA510]  }
0x19b: {  	[tilespmem:s30+$0x124B0] =	vst v0;
	v0 =	vmul.f32 $8.000000000e+00, v3;
	v3 =	vld [tilespmem:s30+$0xA520]  }
0x19c: {  	[tilespmem:s30+$0x124C0] =	vst v1;
	v1 =	vmul.f32 $8.000000000e+00, v4;
	v4 =	vld [tilespmem:s30+$0xA530]  }
0x19d: {  	[tilespmem:s30+$0x124D0] =	vst v0;
	v0 =	vmul.f32 $8.000000000e+00, v5;
	v5 =	vld [tilespmem:s30+$0xA540]  }
0x19e: {  	[tilespmem:s30+$0x124E0] =	vst v1;
	v1 =	vmul.f32 $8.000000000e+00, v6;
	v6 =	vld [tilespmem:s30+$0xA550]  }
0x19f: {  	[tilespmem:s30+$0x124F0] =	vst v0;
	v0 =	vmul.f32 $8.000000000e+00, v2;
	v2 =	vld [tilespmem:s30+$0xA560]  }
0x1a0: {  	[tilespmem:s30+$0x12500] =	vst v1;
	v1 =	vmul.f32 $8.000000000e+00, v3;
	v3 =	vld [tilespmem:s30+$0xA570]  }
0x1a1: {  	[tilespmem:s30+$0x12510] =	vst v0;
	v0 =	vmul.f32 $8.000000000e+00, v4;
	v4 =	vld [tilespmem:s30+$0xA580]  }
0x1a2: {  	[tilespmem:s30+$0x12520] =	vst v1;
	v1 =	vmul.f32 $8.000000000e+00, v5;
	v7 =	vld [tilespmem:s30+$0xA590]  }
.Ltmp3:
0x1a3: {  	[tilespmem:s30+$0x12530] =	vst v0;
	v5 =	vmul.f32 $8.000000000e+00, v6;
	v0 =	vld [tilespmem:s30+$0xA5A0];
	(pc) =	sbr.rel @p0 .LBB2_9-.Ltmp3, $4  }
0x1a4: {  	[tilespmem:s30+$0x12540] =	vst v1;
	v6 =	vmul.f32 $8.000000000e+00, v2;
	v1 =	vld [tilespmem:s30+$0xA5B0]  }
0x1a5: {  	[tilespmem:s30+$0x12550] =	vst v5;
	v8 =	vmul.f32 $8.000000000e+00, v3;
	v2 =	vld [tilespmem:s30+$0xA5C0]  }
0x1a6: {  	[tilespmem:s30+$0x12560] =	vst v6;
	v5 =	vmul.f32 $8.000000000e+00, v4;
	v3 =	vld [tilespmem:s30+$0xA5D0]  }
0x1a7: {  	s31 =	sshra.s32 s1, $0x2;
	s1 =	sadd.s32 $0x800, s1;
	[tilespmem:s30+$0x12570] =	vst v8;
	v6 =	vmul.f32 $8.000000000e+00, v7;
	v4 =	vld [tilespmem:s30+$0xA5E0]  }
0x1a8: {  	v7 =	vld [tilespmem:s31+$0xA5F0];
	[tilespmem:s30+$0x12580] =	vst v5;
	v0 =	vmul.f32 $8.000000000e+00, v0  }
0x1a9: {  	v5 =	vld [tilespmem:s31+$0xA400];
	[tilespmem:s30+$0x12590] =	vst v6;
	v1 =	vmul.f32 $8.000000000e+00, v1  }
0x1aa: {  	v6 =	vld [tilespmem:s31+$0xA410];
	[tilespmem:s30+$0x125A0] =	vst v0;
	v2 =	vmul.f32 $8.000000000e+00, v2  }
0x1ab: {  	v0 =	vld [tilespmem:s31+$0xA420];
	[tilespmem:s30+$0x125B0] =	vst v1;
	v3 =	vmul.f32 $8.000000000e+00, v3  }
0x1ac: {  	v1 =	vld [tilespmem:s31+$0xA430];
	[tilespmem:s30+$0x125C0] =	vst v2;
	v4 =	vmul.f32 $8.000000000e+00, v4  }
0x1ad: {  	v2 =	vld [tilespmem:s31+$0xA440];
	[tilespmem:s30+$0x125D0] =	vst v3;
	v7 =	vmul.f32 $8.000000000e+00, v7  }
0x1ae: {  	v3 =	vld [tilespmem:s31+$0xA450];
	[tilespmem:s30+$0x125E0] =	vst v4;
	v32 =	vmul.f32 $8.000000000e+00, v5  }
0x1af: {  	v33 =	vld [tilespmem:s31+$0xA460];
	[tilespmem:s31+$0x125F0] =	vst v7;
	v6 =	vmul.f32 $8.000000000e+00, v6  }
0x1b0: {  	v34 =	vld [tilespmem:s31+$0xA470];
	[tilespmem:s31+$0x12400] =	vst v32;
	v0 =	vmul.f32 $8.000000000e+00, v0  }
0x1b1: {  	v35 =	vld [tilespmem:s31+$0xA480];
	[tilespmem:s31+$0x12410] =	vst v6;
	v1 =	vmul.f32 $8.000000000e+00, v1  }
0x1b2: {  	v36 =	vld [tilespmem:s31+$0xA490];
	[tilespmem:s31+$0x12420] =	vst v0;
	v2 =	vmul.f32 $8.000000000e+00, v2  }
0x1b3: {  	v37 =	vld [tilespmem:s31+$0xA4A0];
	[tilespmem:s31+$0x12430] =	vst v1;
	v3 =	vmul.f32 $8.000000000e+00, v3  }
0x1b4: {  	v38 =	vld [tilespmem:s31+$0xA4B0];
	[tilespmem:s31+$0x12440] =	vst v2;
	v5 =	vmul.f32 $8.000000000e+00, v33  }
0x1b5: {  	v52 =	vld [tilespmem:s31+$0xA590];
	v4 =	vmul.f32 $8.000000000e+00, v34;
	[tilespmem:s31+$0x12450] =	vst v3  }
0x1b6: {  	v53 =	vld [tilespmem:s31+$0xA5A0];
	v6 =	vmul.f32 $8.000000000e+00, v35;
	[tilespmem:s31+$0x12460] =	vst v5  }
0x1b7: {  	v54 =	vld [tilespmem:s31+$0xA5B0];
	v0 =	vmul.f32 $8.000000000e+00, v36;
	[tilespmem:s31+$0x12470] =	vst v4  }
0x1b8: {  	v55 =	vld [tilespmem:s31+$0xA5C0];
	v1 =	vmul.f32 $8.000000000e+00, v37;
	[tilespmem:s31+$0x12480] =	vst v6  }
0x1b9: {  	v56 =	vld [tilespmem:s31+$0xA5D0];
	v2 =	vmul.f32 $8.000000000e+00, v38;
	[tilespmem:s31+$0x12490] =	vst v0  }
0x1ba: {  	v58 =	vld [tilespmem:s31+$0xA5E0];
	v57 =	vmul.f32 $8.000000000e+00, v52;
	[tilespmem:s31+$0x124A0] =	vst v1  }
0x1bb: {  	v39 =	vld [tilespmem:s31+$0xA4C0];
	v59 =	vmul.f32 $8.000000000e+00, v53;
	[tilespmem:s31+$0x124B0] =	vst v2  }
0x1bc: {  	v40 =	vld [tilespmem:s31+$0xA4D0];
	v60 =	vmul.f32 $8.000000000e+00, v54;
	[tilespmem:s31+$0x12590] =	vst v57  }
0x1bd: {  	v41 =	vld [tilespmem:s31+$0xA4E0];
	v61 =	vmul.f32 $8.000000000e+00, v55;
	[tilespmem:s31+$0x125A0] =	vst v59  }
0x1be: {  	v42 =	vld [tilespmem:s31+$0xA4F0];
	v62 =	vmul.f32 $8.000000000e+00, v56;
	[tilespmem:s31+$0x125B0] =	vst v60  }
0x1bf: {  	v43 =	vld [tilespmem:s31+$0xA500];
	v63 =	vmul.f32 $8.000000000e+00, v58;
	[tilespmem:s31+$0x125C0] =	vst v61  }
0x1c0: {  	v44 =	vld [tilespmem:s31+$0xA510];
	v3 =	vmul.f32 $8.000000000e+00, v39;
	[tilespmem:s31+$0x125D0] =	vst v62  }
0x1c1: {  	v45 =	vld [tilespmem:s31+$0xA520];
	v5 =	vmul.f32 $8.000000000e+00, v40;
	[tilespmem:s31+$0x125E0] =	vst v63  }
0x1c2: {  	v46 =	vld [tilespmem:s31+$0xA530];
	v4 =	vmul.f32 $8.000000000e+00, v41;
	[tilespmem:s31+$0x124C0] =	vst v3  }
0x1c3: {  	v47 =	vld [tilespmem:s31+$0xA540];
	v6 =	vmul.f32 $8.000000000e+00, v42;
	[tilespmem:s31+$0x124D0] =	vst v5  }
0x1c4: {  	v48 =	vld [tilespmem:s31+$0xA550];
	v0 =	vmul.f32 $8.000000000e+00, v43;
	[tilespmem:s31+$0x124E0] =	vst v4  }
0x1c5: {  	v49 =	vld [tilespmem:s31+$0xA560];
	v1 =	vmul.f32 $8.000000000e+00, v44;
	[tilespmem:s31+$0x124F0] =	vst v6  }
0x1c6: {  	v50 =	vld [tilespmem:s31+$0xA570];
	v2 =	vmul.f32 $8.000000000e+00, v45;
	[tilespmem:s31+$0x12500] =	vst v0  }
0x1c7: {  	v51 =	vld [tilespmem:s31+$0xA580];
	v3 =	vmul.f32 $8.000000000e+00, v46;
	[tilespmem:s31+$0x12510] =	vst v1  }
0x1c8: {  	[tilespmem:s31+$0x12520] =	vst v2;
	v5 =	vmul.f32 $8.000000000e+00, v47  }
0x1c9: {  	v4 =	vmul.f32 $8.000000000e+00, v48;
	[tilespmem:s31+$0x12530] =	vst v3  }
0x1ca: {  	v6 =	vmul.f32 $8.000000000e+00, v49;
	[tilespmem:s31+$0x12540] =	vst v5  }
0x1cb: {  	s1 =	sadd.s32 s28, s9;
	s26 =	sadd.s32 $0x1, s26;
	v0 =	vmul.f32 $8.000000000e+00, v50;
	[tilespmem:s31+$0x12550] =	vst v4  }
0x1cc: {  	s1 =	sshll.u32 s1, $0x3;
	p0 =	sne.s32 s26, $0x30;
	v1 =	vmul.f32 $8.000000000e+00, v51;
	[tilespmem:s31+$0x12560] =	vst v6  }
.Ltmp4:
0x1cd: {  	s1 =	sand.u32 $0x1FFFF800, s1;
	[tilespmem:s31+$0x12570] =	vst v0;
	(pc) =	sbr.rel @p0 .LBB2_6-.Ltmp4, $4  }
0x1ce: {  	s1 =	sadd.s32 s2, s1;
	[tilespmem:s31+$0x12580] =	vst v1  }
0x1cf: {  	[hbm4b:s1+s3] =	stream.linear.scatter [tilespmem:s21], [sflag:$0x4], $0x4000, $0x38;
	[tilespmem:$0x16400] =	vst v63  }
0x1d0: {  	s31 =	sadd.s32 $0x500, s29  }
0x1d1: {  	[tilespmem:s16], [sflag:$0x2] =	stream.indirect.gather [hbm4b:s4+s14], $0x40, s31, s14, $0xb8;
	[tilespmem:$0x16400] =	vst v63  }
0x1d2: {  	_ =	swait.ge [sflag:s17], $0x4000  }
0x1d3: {  	[sflag:s17] =	ssyncset.done $0x0  }
0x1d4: {  	[sflag:s17] =	ssyncadd.s32 $0xFFFFC000  }
0x1d5: {  	_ =	swait.ge [sflag:s23], $0x4000  }
0x1d6: {  	[sflag:s23] =	ssyncset.done $0x0  }
0x1d7: {  	s26 =	simm.s32 $0x0;
	[sflag:s23] =	ssyncadd.s32 $0xFFFFC000  }
0x1d8: {  	v0 =	vld [tilespmem:s26+$0x65F0]  }
0x1d9: {  	v1 =	vld [tilespmem:s26+$0x6400];
	_ =	sdelay $0x1  }
0x1da: {  	v2 =	vld [tilespmem:s26+$0x6410]  }
0x1db: {  	v3 =	vld [tilespmem:s26+$0x6420]  }
0x1dc: {  	v4 =	vld [tilespmem:s26+$0x6430];
	v0 =	vmul.f32 $8.000000000e+00, v0  }
0x1dd: {  	v5 =	vld [tilespmem:s26+$0x6440];
	v1 =	vmul.f32 $8.000000000e+00, v1  }
0x1de: {  	v6 =	vld [tilespmem:s26+$0x6450];
	[tilespmem:s26+$0xE5F0] =	vst v0  }
0x1df: {  	v0 =	vmul.f32 $8.000000000e+00, v2;
	[tilespmem:s26+$0xE400] =	vst v1;
	v1 =	vld [tilespmem:s26+$0x6470]  }
0x1e0: {  	v7 =	vld [tilespmem:s26+$0x6460];
	v2 =	vmul.f32 $8.000000000e+00, v3  }
0x1e1: {  	v3 =	vmul.f32 $8.000000000e+00, v4;
	[tilespmem:s26+$0xE410] =	vst v0;
	v0 =	vld [tilespmem:s26+$0x6480]  }
0x1e2: {  	v4 =	vmul.f32 $8.000000000e+00, v5;
	[tilespmem:s26+$0xE420] =	vst v2;
	v2 =	vld [tilespmem:s26+$0x6490]  }
0x1e3: {  	v5 =	vmul.f32 $8.000000000e+00, v6;
	[tilespmem:s26+$0xE430] =	vst v3;
	v3 =	vld [tilespmem:s26+$0x64A0]  }
0x1e4: {  	[tilespmem:s26+$0xE440] =	vst v4;
	v4 =	vld [tilespmem:s26+$0x64B0];
	v1 =	vmul.f32 $8.000000000e+00, v1  }
0x1e5: {  	v6 =	vmul.f32 $8.000000000e+00, v7;
	[tilespmem:s26+$0xE450] =	vst v5;
	v5 =	vld [tilespmem:s26+$0x64C0]  }
0x1e6: {  	v0 =	vmul.f32 $8.000000000e+00, v0;
	[tilespmem:s26+$0xE470] =	vst v1;
	v1 =	vld [tilespmem:s26+$0x64E0]  }
0x1e7: {  	[tilespmem:s26+$0xE460] =	vst v6;
	v6 =	vld [tilespmem:s26+$0x64D0];
	v2 =	vmul.f32 $8.000000000e+00, v2  }
0x1e8: {  	v3 =	vmul.f32 $8.000000000e+00, v3;
	[tilespmem:s26+$0xE480] =	vst v0;
	v0 =	vld [tilespmem:s26+$0x64F0]  }
0x1e9: {  	v4 =	vmul.f32 $8.000000000e+00, v4;
	[tilespmem:s26+$0xE490] =	vst v2;
	v2 =	vld [tilespmem:s26+$0x6500]  }
0x1ea: {  	v5 =	vmul.f32 $8.000000000e+00, v5;
	[tilespmem:s26+$0xE4A0] =	vst v3;
	v3 =	vld [tilespmem:s26+$0x6510]  }
0x1eb: {  	[tilespmem:s26+$0xE4B0] =	vst v4;
	v4 =	vld [tilespmem:s26+$0x6520];
	v1 =	vmul.f32 $8.000000000e+00, v1  }
0x1ec: {  	v6 =	vmul.f32 $8.000000000e+00, v6;
	[tilespmem:s26+$0xE4C0] =	vst v5;
	v5 =	vld [tilespmem:s26+$0x6530]  }
0x1ed: {  	v0 =	vmul.f32 $8.000000000e+00, v0;
	[tilespmem:s26+$0xE4E0] =	vst v1;
	v1 =	vld [tilespmem:s26+$0x6550]  }
0x1ee: {  	[tilespmem:s26+$0xE4D0] =	vst v6;
	v6 =	vld [tilespmem:s26+$0x6540];
	v2 =	vmul.f32 $8.000000000e+00, v2  }
0x1ef: {  	[tilespmem:s26+$0xE4F0] =	vst v0;
	v0 =	vmul.f32 $8.000000000e+00, v3;
	v3 =	vld [tilespmem:s26+$0x6570]  }
0x1f0: {  	v7 =	vld [tilespmem:s26+$0x6560];
	[tilespmem:s26+$0xE500] =	vst v2;
	v2 =	vmul.f32 $8.000000000e+00, v4  }
0x1f1: {  	v4 =	vld [tilespmem:s26+$0x6580];
	[tilespmem:s26+$0xE510] =	vst v0;
	v0 =	vmul.f32 $8.000000000e+00, v5  }
0x1f2: {  	v8 =	vld [tilespmem:s26+$0x6590];
	[tilespmem:s26+$0xE520] =	vst v2;
	v5 =	vmul.f32 $8.000000000e+00, v1  }
0x1f3: {  	v2 =	vmul.f32 $8.000000000e+00, v6;
	[tilespmem:s26+$0xE530] =	vst v0;
	v0 =	vld [tilespmem:s26+$0x65A0]  }
0x1f4: {  	v1 =	vld [tilespmem:s26+$0x65B0];
	[tilespmem:s26+$0xE550] =	vst v5;
	v5 =	vmul.f32 $8.000000000e+00, v3  }
0x1f5: {  	v6 =	vmul.f32 $8.000000000e+00, v7;
	[tilespmem:s26+$0xE540] =	vst v2;
	v2 =	vld [tilespmem:s26+$0x65C0]  }
0x1f6: {  	v3 =	vld [tilespmem:s26+$0x65D0];
	[tilespmem:s26+$0xE570] =	vst v5;
	v5 =	vmul.f32 $8.000000000e+00, v4  }
0x1f7: {  	s28 =	simm.s32 $0x200;
	s1 =	simm.s32 $0x1000;
	[tilespmem:s26+$0xE560] =	vst v6;
	v6 =	vmul.f32 $8.000000000e+00, v8;
	v4 =	vld [tilespmem:s26+$0x65E0]  }
.LBB2_12:
0x1f8: {  	p0 =	sne.s32 s1, $0xF800;
	v7 =	vld [tilespmem:s28+$0x65F0];
	[tilespmem:s26+$0xE580] =	vst v5;
	v0 =	vmul.f32 $8.000000000e+00, v0  }
0x1f9: {  	v5 =	vld [tilespmem:s28+$0x6400];
	[tilespmem:s26+$0xE590] =	vst v6;
	v1 =	vmul.f32 $8.000000000e+00, v1  }
0x1fa: {  	v6 =	vld [tilespmem:s28+$0x6410];
	[tilespmem:s26+$0xE5A0] =	vst v0;
	v0 =	vmul.f32 $8.000000000e+00, v2  }
0x1fb: {  	v2 =	vld [tilespmem:s28+$0x6420];
	[tilespmem:s26+$0xE5B0] =	vst v1;
	v1 =	vmul.f32 $8.000000000e+00, v3  }
0x1fc: {  	v3 =	vld [tilespmem:s28+$0x6430];
	[tilespmem:s26+$0xE5C0] =	vst v0;
	v0 =	vmul.f32 $8.000000000e+00, v4  }
0x1fd: {  	v4 =	vld [tilespmem:s28+$0x6440];
	v7 =	vmul.f32 $8.000000000e+00, v7;
	[tilespmem:s26+$0xE5D0] =	vst v1  }
0x1fe: {  	v1 =	vmul.f32 $8.000000000e+00, v5;
	v5 =	vld [tilespmem:s28+$0x6450];
	[tilespmem:s26+$0xE5E0] =	vst v0;
	s26 =	smov.u32 s28  }
0x1ff: {  	v0 =	vmul.f32 $8.000000000e+00, v6;
	v6 =	vld [tilespmem:s26+$0x6460];
	[tilespmem:s26+$0xE5F0] =	vst v7  }
0x200: {  	[tilespmem:s26+$0xE400] =	vst v1;
	v1 =	vmul.f32 $8.000000000e+00, v2;
	v2 =	vld [tilespmem:s26+$0x6470]  }
0x201: {  	[tilespmem:s26+$0xE410] =	vst v0;
	v0 =	vmul.f32 $8.000000000e+00, v3;
	v3 =	vld [tilespmem:s26+$0x6480]  }
0x202: {  	[tilespmem:s26+$0xE420] =	vst v1;
	v1 =	vmul.f32 $8.000000000e+00, v4;
	v4 =	vld [tilespmem:s26+$0x6490]  }
0x203: {  	[tilespmem:s26+$0xE430] =	vst v0;
	v0 =	vmul.f32 $8.000000000e+00, v5;
	v5 =	vld [tilespmem:s26+$0x64A0]  }
0x204: {  	[tilespmem:s26+$0xE440] =	vst v1;
	v1 =	vmul.f32 $8.000000000e+00, v6;
	v6 =	vld [tilespmem:s26+$0x64B0]  }
0x205: {  	[tilespmem:s26+$0xE450] =	vst v0;
	v0 =	vmul.f32 $8.000000000e+00, v2;
	v2 =	vld [tilespmem:s26+$0x64C0]  }
0x206: {  	[tilespmem:s26+$0xE460] =	vst v1;
	v1 =	vmul.f32 $8.000000000e+00, v3;
	v3 =	vld [tilespmem:s26+$0x64D0]  }
0x207: {  	[tilespmem:s26+$0xE470] =	vst v0;
	v0 =	vmul.f32 $8.000000000e+00, v4;
	v4 =	vld [tilespmem:s26+$0x64E0]  }
0x208: {  	[tilespmem:s26+$0xE480] =	vst v1;
	v1 =	vmul.f32 $8.000000000e+00, v5;
	v5 =	vld [tilespmem:s26+$0x64F0]  }
0x209: {  	[tilespmem:s26+$0xE490] =	vst v0;
	v0 =	vmul.f32 $8.000000000e+00, v6;
	v6 =	vld [tilespmem:s26+$0x6500]  }
0x20a: {  	[tilespmem:s26+$0xE4A0] =	vst v1;
	v1 =	vmul.f32 $8.000000000e+00, v2;
	v2 =	vld [tilespmem:s26+$0x6510]  }
0x20b: {  	[tilespmem:s26+$0xE4B0] =	vst v0;
	v0 =	vmul.f32 $8.000000000e+00, v3;
	v3 =	vld [tilespmem:s26+$0x6520]  }
0x20c: {  	[tilespmem:s26+$0xE4C0] =	vst v1;
	v1 =	vmul.f32 $8.000000000e+00, v4;
	v4 =	vld [tilespmem:s26+$0x6530]  }
0x20d: {  	[tilespmem:s26+$0xE4D0] =	vst v0;
	v0 =	vmul.f32 $8.000000000e+00, v5;
	v5 =	vld [tilespmem:s26+$0x6540]  }
0x20e: {  	[tilespmem:s26+$0xE4E0] =	vst v1;
	v1 =	vmul.f32 $8.000000000e+00, v6;
	v6 =	vld [tilespmem:s26+$0x6550]  }
0x20f: {  	[tilespmem:s26+$0xE4F0] =	vst v0;
	v0 =	vmul.f32 $8.000000000e+00, v2;
	v2 =	vld [tilespmem:s26+$0x6560]  }
0x210: {  	[tilespmem:s26+$0xE500] =	vst v1;
	v1 =	vmul.f32 $8.000000000e+00, v3;
	v3 =	vld [tilespmem:s26+$0x6570]  }
0x211: {  	[tilespmem:s26+$0xE510] =	vst v0;
	v0 =	vmul.f32 $8.000000000e+00, v4;
	v4 =	vld [tilespmem:s26+$0x6580]  }
0x212: {  	[tilespmem:s26+$0xE520] =	vst v1;
	v1 =	vmul.f32 $8.000000000e+00, v5;
	v7 =	vld [tilespmem:s26+$0x6590]  }
.Ltmp5:
0x213: {  	[tilespmem:s26+$0xE530] =	vst v0;
	v5 =	vmul.f32 $8.000000000e+00, v6;
	v0 =	vld [tilespmem:s26+$0x65A0];
	(pc) =	sbr.rel @p0 .LBB2_12-.Ltmp5, $4  }
0x214: {  	[tilespmem:s26+$0xE540] =	vst v1;
	v6 =	vmul.f32 $8.000000000e+00, v2;
	v1 =	vld [tilespmem:s26+$0x65B0]  }
0x215: {  	[tilespmem:s26+$0xE550] =	vst v5;
	v8 =	vmul.f32 $8.000000000e+00, v3;
	v2 =	vld [tilespmem:s26+$0x65C0]  }
0x216: {  	[tilespmem:s26+$0xE560] =	vst v6;
	v5 =	vmul.f32 $8.000000000e+00, v4;
	v3 =	vld [tilespmem:s26+$0x65D0]  }
0x217: {  	s28 =	sshra.s32 s1, $0x2;
	s1 =	sadd.s32 $0x800, s1;
	[tilespmem:s26+$0xE570] =	vst v8;
	v6 =	vmul.f32 $8.000000000e+00, v7;
	v4 =	vld [tilespmem:s26+$0x65E0]  }
0x218: {  	v7 =	vld [tilespmem:s28+$0x65F0];
	[tilespmem:s26+$0xE580] =	vst v5;
	v0 =	vmul.f32 $8.000000000e+00, v0  }
0x219: {  	v5 =	vld [tilespmem:s28+$0x6400];
	[tilespmem:s26+$0xE590] =	vst v6;
	v1 =	vmul.f32 $8.000000000e+00, v1  }
0x21a: {  	v6 =	vld [tilespmem:s28+$0x6410];
	[tilespmem:s26+$0xE5A0] =	vst v0;
	v2 =	vmul.f32 $8.000000000e+00, v2  }
0x21b: {  	v0 =	vld [tilespmem:s28+$0x6420];
	[tilespmem:s26+$0xE5B0] =	vst v1;
	v3 =	vmul.f32 $8.000000000e+00, v3  }
0x21c: {  	v1 =	vld [tilespmem:s28+$0x6430];
	[tilespmem:s26+$0xE5C0] =	vst v2;
	v4 =	vmul.f32 $8.000000000e+00, v4  }
0x21d: {  	v2 =	vld [tilespmem:s28+$0x6440];
	[tilespmem:s26+$0xE5D0] =	vst v3;
	v7 =	vmul.f32 $8.000000000e+00, v7  }
0x21e: {  	v3 =	vld [tilespmem:s28+$0x6450];
	[tilespmem:s26+$0xE5E0] =	vst v4;
	v4 =	vmul.f32 $8.000000000e+00, v5  }
0x21f: {  	v5 =	vld [tilespmem:s28+$0x6460];
	[tilespmem:s28+$0xE5F0] =	vst v7;
	v6 =	vmul.f32 $8.000000000e+00, v6  }
0x220: {  	[tilespmem:s28+$0xE400] =	vst v4;
	v4 =	vld [tilespmem:s28+$0x6470];
	v0 =	vmul.f32 $8.000000000e+00, v0  }
0x221: {  	[tilespmem:s28+$0xE410] =	vst v6;
	v6 =	vld [tilespmem:s28+$0x6480];
	v1 =	vmul.f32 $8.000000000e+00, v1  }
0x222: {  	[tilespmem:s28+$0xE420] =	vst v0;
	v0 =	vld [tilespmem:s28+$0x6490];
	v2 =	vmul.f32 $8.000000000e+00, v2  }
0x223: {  	[tilespmem:s28+$0xE430] =	vst v1;
	v1 =	vld [tilespmem:s28+$0x64A0];
	v3 =	vmul.f32 $8.000000000e+00, v3  }
0x224: {  	[tilespmem:s28+$0xE440] =	vst v2;
	v2 =	vld [tilespmem:s28+$0x64B0];
	v5 =	vmul.f32 $8.000000000e+00, v5  }
0x225: {  	[tilespmem:s28+$0xE450] =	vst v3;
	v3 =	vld [tilespmem:s28+$0x64C0];
	v4 =	vmul.f32 $8.000000000e+00, v4  }
0x226: {  	[tilespmem:s28+$0xE460] =	vst v5;
	v5 =	vld [tilespmem:s28+$0x64D0];
	v6 =	vmul.f32 $8.000000000e+00, v6  }
0x227: {  	[tilespmem:s28+$0xE470] =	vst v4;
	v4 =	vld [tilespmem:s28+$0x64E0];
	v0 =	vmul.f32 $8.000000000e+00, v0  }
0x228: {  	[tilespmem:s28+$0xE480] =	vst v6;
	v6 =	vld [tilespmem:s28+$0x64F0];
	v1 =	vmul.f32 $8.000000000e+00, v1  }
0x229: {  	[tilespmem:s28+$0xE490] =	vst v0;
	v0 =	vld [tilespmem:s28+$0x6500];
	v2 =	vmul.f32 $8.000000000e+00, v2  }
0x22a: {  	[tilespmem:s28+$0xE4A0] =	vst v1;
	v1 =	vld [tilespmem:s28+$0x6510];
	v3 =	vmul.f32 $8.000000000e+00, v3  }
0x22b: {  	[tilespmem:s28+$0xE4B0] =	vst v2;
	v2 =	vld [tilespmem:s28+$0x6520];
	v5 =	vmul.f32 $8.000000000e+00, v5  }
0x22c: {  	[tilespmem:s28+$0xE4C0] =	vst v3;
	v3 =	vld [tilespmem:s28+$0x6530];
	v4 =	vmul.f32 $8.000000000e+00, v4  }
0x22d: {  	[tilespmem:s28+$0xE4D0] =	vst v5;
	v5 =	vld [tilespmem:s28+$0x6540];
	v6 =	vmul.f32 $8.000000000e+00, v6  }
0x22e: {  	[tilespmem:s28+$0xE4E0] =	vst v4;
	v4 =	vld [tilespmem:s28+$0x6550];
	v0 =	vmul.f32 $8.000000000e+00, v0  }
0x22f: {  	[tilespmem:s28+$0xE4F0] =	vst v6;
	v6 =	vld [tilespmem:s28+$0x6560];
	v1 =	vmul.f32 $8.000000000e+00, v1  }
0x230: {  	[tilespmem:s28+$0xE500] =	vst v0;
	v0 =	vld [tilespmem:s28+$0x6570];
	v2 =	vmul.f32 $8.000000000e+00, v2  }
0x231: {  	[tilespmem:s28+$0xE510] =	vst v1;
	v1 =	vld [tilespmem:s28+$0x6580];
	v3 =	vmul.f32 $8.000000000e+00, v3  }
0x232: {  	[tilespmem:s28+$0xE520] =	vst v2;
	v2 =	vld [tilespmem:s28+$0x6590];
	v5 =	vmul.f32 $8.000000000e+00, v5  }
0x233: {  	[tilespmem:s28+$0xE530] =	vst v3;
	v3 =	vld [tilespmem:s28+$0x65A0];
	v4 =	vmul.f32 $8.000000000e+00, v4  }
0x234: {  	[tilespmem:s28+$0xE540] =	vst v5;
	v5 =	vld [tilespmem:s28+$0x65B0];
	v6 =	vmul.f32 $8.000000000e+00, v6  }
0x235: {  	[tilespmem:s28+$0xE550] =	vst v4;
	v4 =	vld [tilespmem:s28+$0x65C0];
	v0 =	vmul.f32 $8.000000000e+00, v0  }
0x236: {  	[tilespmem:s28+$0xE560] =	vst v6;
	v6 =	vld [tilespmem:s28+$0x65D0];
	v1 =	vmul.f32 $8.000000000e+00, v1  }
0x237: {  	[tilespmem:s28+$0xE570] =	vst v0;
	v0 =	vmul.f32 $8.000000000e+00, v2;
	v2 =	vld [tilespmem:s28+$0x65E0]  }
0x238: {  	[tilespmem:s28+$0xE580] =	vst v1;
	v1 =	vmul.f32 $8.000000000e+00, v3  }
0x239: {  	[tilespmem:s28+$0xE590] =	vst v0;
	v0 =	vmul.f32 $8.000000000e+00, v5  }
0x23a: {  	[tilespmem:s28+$0xE5A0] =	vst v1;
	v1 =	vmul.f32 $8.000000000e+00, v4  }
0x23b: {  	[tilespmem:s28+$0xE5B0] =	vst v0;
	v0 =	vmul.f32 $8.000000000e+00, v6  }
0x23c: {  	[tilespmem:s28+$0xE5C0] =	vst v1;
	v1 =	vmul.f32 $8.000000000e+00, v2  }
0x23d: {  	[tilespmem:s28+$0xE5D0] =	vst v0  }
0x23e: {  	s1 =	simm.s32 $0x0;
	[tilespmem:s28+$0xE5E0] =	vst v1  }
0x23f: {  	[hbm4b:s10+s1] =	stream.linear.scatter [tilespmem:s18], [sflag:$0x3], $0x4000, $0x38;
	[tilespmem:$0x16400] =	vst v63  }
0x240: {  	_ =	swait.ge [sflag:s20], $0x4000  }
0x241: {  	[sflag:s20] =	ssyncset.done $0x0  }
0x242: {  	[sflag:s20] =	ssyncadd.s32 $0xFFFFC000  }
0x243: {  	_ =	swait.ge [sflag:s24], $0x4000  }
0x244: {  	[sflag:s24] =	ssyncset.done $0x0  }
0x245: {  	s26 =	simm.s32 $0x0;
	[sflag:s24] =	ssyncadd.s32 $0xFFFFC000  }
0x246: {  	v0 =	vld [tilespmem:s26+$0xA5F0]  }
0x247: {  	v1 =	vld [tilespmem:s26+$0xA400];
	_ =	sdelay $0x1  }
0x248: {  	v2 =	vld [tilespmem:s26+$0xA410]  }
0x249: {  	v3 =	vld [tilespmem:s26+$0xA420]  }
0x24a: {  	v4 =	vld [tilespmem:s26+$0xA430];
	v0 =	vmul.f32 $8.000000000e+00, v0  }
0x24b: {  	v5 =	vld [tilespmem:s26+$0xA440];
	v1 =	vmul.f32 $8.000000000e+00, v1  }
0x24c: {  	v6 =	vld [tilespmem:s26+$0xA450];
	[tilespmem:s26+$0x125F0] =	vst v0  }
0x24d: {  	v0 =	vmul.f32 $8.000000000e+00, v2;
	[tilespmem:s26+$0x12400] =	vst v1;
	v1 =	vld [tilespmem:s26+$0xA470]  }
0x24e: {  	v7 =	vld [tilespmem:s26+$0xA460];
	v2 =	vmul.f32 $8.000000000e+00, v3  }
0x24f: {  	v3 =	vmul.f32 $8.000000000e+00, v4;
	[tilespmem:s26+$0x12410] =	vst v0;
	v0 =	vld [tilespmem:s26+$0xA480]  }
0x250: {  	v4 =	vmul.f32 $8.000000000e+00, v5;
	[tilespmem:s26+$0x12420] =	vst v2;
	v2 =	vld [tilespmem:s26+$0xA490]  }
0x251: {  	v5 =	vmul.f32 $8.000000000e+00, v6;
	[tilespmem:s26+$0x12430] =	vst v3;
	v3 =	vld [tilespmem:s26+$0xA4A0]  }
0x252: {  	[tilespmem:s26+$0x12440] =	vst v4;
	v4 =	vld [tilespmem:s26+$0xA4B0];
	v1 =	vmul.f32 $8.000000000e+00, v1  }
0x253: {  	v6 =	vmul.f32 $8.000000000e+00, v7;
	[tilespmem:s26+$0x12450] =	vst v5;
	v5 =	vld [tilespmem:s26+$0xA4C0]  }
0x254: {  	v0 =	vmul.f32 $8.000000000e+00, v0;
	[tilespmem:s26+$0x12470] =	vst v1;
	v1 =	vld [tilespmem:s26+$0xA4E0]  }
0x255: {  	[tilespmem:s26+$0x12460] =	vst v6;
	v6 =	vld [tilespmem:s26+$0xA4D0];
	v2 =	vmul.f32 $8.000000000e+00, v2  }
0x256: {  	v3 =	vmul.f32 $8.000000000e+00, v3;
	[tilespmem:s26+$0x12480] =	vst v0;
	v0 =	vld [tilespmem:s26+$0xA4F0]  }
0x257: {  	v4 =	vmul.f32 $8.000000000e+00, v4;
	[tilespmem:s26+$0x12490] =	vst v2;
	v2 =	vld [tilespmem:s26+$0xA500]  }
0x258: {  	v5 =	vmul.f32 $8.000000000e+00, v5;
	[tilespmem:s26+$0x124A0] =	vst v3;
	v3 =	vld [tilespmem:s26+$0xA510]  }
0x259: {  	[tilespmem:s26+$0x124B0] =	vst v4;
	v4 =	vld [tilespmem:s26+$0xA520];
	v1 =	vmul.f32 $8.000000000e+00, v1  }
0x25a: {  	v6 =	vmul.f32 $8.000000000e+00, v6;
	[tilespmem:s26+$0x124C0] =	vst v5;
	v5 =	vld [tilespmem:s26+$0xA530]  }
0x25b: {  	v0 =	vmul.f32 $8.000000000e+00, v0;
	[tilespmem:s26+$0x124E0] =	vst v1;
	v1 =	vld [tilespmem:s26+$0xA550]  }
0x25c: {  	[tilespmem:s26+$0x124D0] =	vst v6;
	v6 =	vld [tilespmem:s26+$0xA540];
	v2 =	vmul.f32 $8.000000000e+00, v2  }
0x25d: {  	[tilespmem:s26+$0x124F0] =	vst v0;
	v0 =	vmul.f32 $8.000000000e+00, v3;
	v3 =	vld [tilespmem:s26+$0xA570]  }
0x25e: {  	v7 =	vld [tilespmem:s26+$0xA560];
	[tilespmem:s26+$0x12500] =	vst v2;
	v2 =	vmul.f32 $8.000000000e+00, v4  }
0x25f: {  	v4 =	vld [tilespmem:s26+$0xA580];
	[tilespmem:s26+$0x12510] =	vst v0;
	v0 =	vmul.f32 $8.000000000e+00, v5  }
0x260: {  	v8 =	vld [tilespmem:s26+$0xA590];
	[tilespmem:s26+$0x12520] =	vst v2;
	v5 =	vmul.f32 $8.000000000e+00, v1  }
0x261: {  	v2 =	vmul.f32 $8.000000000e+00, v6;
	[tilespmem:s26+$0x12530] =	vst v0;
	v0 =	vld [tilespmem:s26+$0xA5A0]  }
0x262: {  	v1 =	vld [tilespmem:s26+$0xA5B0];
	[tilespmem:s26+$0x12550] =	vst v5;
	v5 =	vmul.f32 $8.000000000e+00, v3  }
0x263: {  	v6 =	vmul.f32 $8.000000000e+00, v7;
	[tilespmem:s26+$0x12540] =	vst v2;
	v2 =	vld [tilespmem:s26+$0xA5C0]  }
0x264: {  	v3 =	vld [tilespmem:s26+$0xA5D0];
	[tilespmem:s26+$0x12570] =	vst v5;
	v5 =	vmul.f32 $8.000000000e+00, v4  }
0x265: {  	s28 =	simm.s32 $0x200;
	s1 =	simm.s32 $0x1000;
	[tilespmem:s26+$0x12560] =	vst v6;
	v6 =	vmul.f32 $8.000000000e+00, v8;
	v4 =	vld [tilespmem:s26+$0xA5E0]  }
.LBB2_14:
0x266: {  	p0 =	sne.s32 s1, $0xF800;
	v7 =	vld [tilespmem:s28+$0xA5F0];
	[tilespmem:s26+$0x12580] =	vst v5;
	v0 =	vmul.f32 $8.000000000e+00, v0  }
0x267: {  	v5 =	vld [tilespmem:s28+$0xA400];
	[tilespmem:s26+$0x12590] =	vst v6;
	v1 =	vmul.f32 $8.000000000e+00, v1  }
0x268: {  	v6 =	vld [tilespmem:s28+$0xA410];
	[tilespmem:s26+$0x125A0] =	vst v0;
	v0 =	vmul.f32 $8.000000000e+00, v2  }
0x269: {  	v2 =	vld [tilespmem:s28+$0xA420];
	[tilespmem:s26+$0x125B0] =	vst v1;
	v1 =	vmul.f32 $8.000000000e+00, v3  }
0x26a: {  	v3 =	vld [tilespmem:s28+$0xA430];
	[tilespmem:s26+$0x125C0] =	vst v0;
	v0 =	vmul.f32 $8.000000000e+00, v4  }
0x26b: {  	v4 =	vld [tilespmem:s28+$0xA440];
	v7 =	vmul.f32 $8.000000000e+00, v7;
	[tilespmem:s26+$0x125D0] =	vst v1  }
0x26c: {  	v1 =	vmul.f32 $8.000000000e+00, v5;
	v5 =	vld [tilespmem:s28+$0xA450];
	[tilespmem:s26+$0x125E0] =	vst v0;
	s26 =	smov.u32 s28  }
0x26d: {  	v0 =	vmul.f32 $8.000000000e+00, v6;
	v6 =	vld [tilespmem:s26+$0xA460];
	[tilespmem:s26+$0x125F0] =	vst v7  }
0x26e: {  	[tilespmem:s26+$0x12400] =	vst v1;
	v1 =	vmul.f32 $8.000000000e+00, v2;
	v2 =	vld [tilespmem:s26+$0xA470]  }
0x26f: {  	[tilespmem:s26+$0x12410] =	vst v0;
	v0 =	vmul.f32 $8.000000000e+00, v3;
	v3 =	vld [tilespmem:s26+$0xA480]  }
0x270: {  	[tilespmem:s26+$0x12420] =	vst v1;
	v1 =	vmul.f32 $8.000000000e+00, v4;
	v4 =	vld [tilespmem:s26+$0xA490]  }
0x271: {  	[tilespmem:s26+$0x12430] =	vst v0;
	v0 =	vmul.f32 $8.000000000e+00, v5;
	v5 =	vld [tilespmem:s26+$0xA4A0]  }
0x272: {  	[tilespmem:s26+$0x12440] =	vst v1;
	v1 =	vmul.f32 $8.000000000e+00, v6;
	v6 =	vld [tilespmem:s26+$0xA4B0]  }
0x273: {  	[tilespmem:s26+$0x12450] =	vst v0;
	v0 =	vmul.f32 $8.000000000e+00, v2;
	v2 =	vld [tilespmem:s26+$0xA4C0]  }
0x274: {  	[tilespmem:s26+$0x12460] =	vst v1;
	v1 =	vmul.f32 $8.000000000e+00, v3;
	v3 =	vld [tilespmem:s26+$0xA4D0]  }
0x275: {  	[tilespmem:s26+$0x12470] =	vst v0;
	v0 =	vmul.f32 $8.000000000e+00, v4;
	v4 =	vld [tilespmem:s26+$0xA4E0]  }
0x276: {  	[tilespmem:s26+$0x12480] =	vst v1;
	v1 =	vmul.f32 $8.000000000e+00, v5;
	v5 =	vld [tilespmem:s26+$0xA4F0]  }
0x277: {  	[tilespmem:s26+$0x12490] =	vst v0;
	v0 =	vmul.f32 $8.000000000e+00, v6;
	v6 =	vld [tilespmem:s26+$0xA500]  }
0x278: {  	[tilespmem:s26+$0x124A0] =	vst v1;
	v1 =	vmul.f32 $8.000000000e+00, v2;
	v2 =	vld [tilespmem:s26+$0xA510]  }
0x279: {  	[tilespmem:s26+$0x124B0] =	vst v0;
	v0 =	vmul.f32 $8.000000000e+00, v3;
	v3 =	vld [tilespmem:s26+$0xA520]  }
0x27a: {  	[tilespmem:s26+$0x124C0] =	vst v1;
	v1 =	vmul.f32 $8.000000000e+00, v4;
	v4 =	vld [tilespmem:s26+$0xA530]  }
0x27b: {  	[tilespmem:s26+$0x124D0] =	vst v0;
	v0 =	vmul.f32 $8.000000000e+00, v5;
	v5 =	vld [tilespmem:s26+$0xA540]  }
0x27c: {  	[tilespmem:s26+$0x124E0] =	vst v1;
	v1 =	vmul.f32 $8.000000000e+00, v6;
	v6 =	vld [tilespmem:s26+$0xA550]  }
0x27d: {  	[tilespmem:s26+$0x124F0] =	vst v0;
	v0 =	vmul.f32 $8.000000000e+00, v2;
	v2 =	vld [tilespmem:s26+$0xA560]  }
0x27e: {  	[tilespmem:s26+$0x12500] =	vst v1;
	v1 =	vmul.f32 $8.000000000e+00, v3;
	v3 =	vld [tilespmem:s26+$0xA570]  }
0x27f: {  	[tilespmem:s26+$0x12510] =	vst v0;
	v0 =	vmul.f32 $8.000000000e+00, v4;
	v4 =	vld [tilespmem:s26+$0xA580]  }
0x280: {  	[tilespmem:s26+$0x12520] =	vst v1;
	v1 =	vmul.f32 $8.000000000e+00, v5;
	v7 =	vld [tilespmem:s26+$0xA590]  }
.Ltmp6:
0x281: {  	[tilespmem:s26+$0x12530] =	vst v0;
	v5 =	vmul.f32 $8.000000000e+00, v6;
	v0 =	vld [tilespmem:s26+$0xA5A0];
	(pc) =	sbr.rel @p0 .LBB2_14-.Ltmp6, $4  }
0x282: {  	[tilespmem:s26+$0x12540] =	vst v1;
	v6 =	vmul.f32 $8.000000000e+00, v2;
	v1 =	vld [tilespmem:s26+$0xA5B0]  }
0x283: {  	[tilespmem:s26+$0x12550] =	vst v5;
	v8 =	vmul.f32 $8.000000000e+00, v3;
	v2 =	vld [tilespmem:s26+$0xA5C0]  }
0x284: {  	[tilespmem:s26+$0x12560] =	vst v6;
	v5 =	vmul.f32 $8.000000000e+00, v4;
	v3 =	vld [tilespmem:s26+$0xA5D0]  }
0x285: {  	s28 =	sshra.s32 s1, $0x2;
	s1 =	sadd.s32 $0x800, s1;
	[tilespmem:s26+$0x12570] =	vst v8;
	v6 =	vmul.f32 $8.000000000e+00, v7;
	v4 =	vld [tilespmem:s26+$0xA5E0]  }
0x286: {  	v7 =	vld [tilespmem:s28+$0xA5F0];
	[tilespmem:s26+$0x12580] =	vst v5;
	v0 =	vmul.f32 $8.000000000e+00, v0  }
0x287: {  	v5 =	vld [tilespmem:s28+$0xA400];
	[tilespmem:s26+$0x12590] =	vst v6;
	v1 =	vmul.f32 $8.000000000e+00, v1  }
0x288: {  	v6 =	vld [tilespmem:s28+$0xA410];
	[tilespmem:s26+$0x125A0] =	vst v0;
	v2 =	vmul.f32 $8.000000000e+00, v2  }
0x289: {  	v0 =	vld [tilespmem:s28+$0xA420];
	[tilespmem:s26+$0x125B0] =	vst v1;
	v3 =	vmul.f32 $8.000000000e+00, v3  }
0x28a: {  	v1 =	vld [tilespmem:s28+$0xA430];
	[tilespmem:s26+$0x125C0] =	vst v2;
	v4 =	vmul.f32 $8.000000000e+00, v4  }
0x28b: {  	v2 =	vld [tilespmem:s28+$0xA440];
	[tilespmem:s26+$0x125D0] =	vst v3;
	v7 =	vmul.f32 $8.000000000e+00, v7  }
0x28c: {  	v3 =	vld [tilespmem:s28+$0xA450];
	[tilespmem:s26+$0x125E0] =	vst v4;
	v32 =	vmul.f32 $8.000000000e+00, v5  }
0x28d: {  	v33 =	vld [tilespmem:s28+$0xA460];
	[tilespmem:s28+$0x125F0] =	vst v7;
	v6 =	vmul.f32 $8.000000000e+00, v6  }
0x28e: {  	v34 =	vld [tilespmem:s28+$0xA470];
	[tilespmem:s28+$0x12400] =	vst v32;
	v0 =	vmul.f32 $8.000000000e+00, v0  }
0x28f: {  	v35 =	vld [tilespmem:s28+$0xA480];
	[tilespmem:s28+$0x12410] =	vst v6;
	v1 =	vmul.f32 $8.000000000e+00, v1  }
0x290: {  	v36 =	vld [tilespmem:s28+$0xA490];
	[tilespmem:s28+$0x12420] =	vst v0;
	v2 =	vmul.f32 $8.000000000e+00, v2  }
0x291: {  	v37 =	vld [tilespmem:s28+$0xA4A0];
	[tilespmem:s28+$0x12430] =	vst v1;
	v3 =	vmul.f32 $8.000000000e+00, v3  }
0x292: {  	v38 =	vld [tilespmem:s28+$0xA4B0];
	[tilespmem:s28+$0x12440] =	vst v2;
	v5 =	vmul.f32 $8.000000000e+00, v33  }
0x293: {  	v52 =	vld [tilespmem:s28+$0xA590];
	v4 =	vmul.f32 $8.000000000e+00, v34;
	[tilespmem:s28+$0x12450] =	vst v3  }
0x294: {  	v53 =	vld [tilespmem:s28+$0xA5A0];
	v6 =	vmul.f32 $8.000000000e+00, v35;
	[tilespmem:s28+$0x12460] =	vst v5  }
0x295: {  	v54 =	vld [tilespmem:s28+$0xA5B0];
	v0 =	vmul.f32 $8.000000000e+00, v36;
	[tilespmem:s28+$0x12470] =	vst v4  }
0x296: {  	v55 =	vld [tilespmem:s28+$0xA5C0];
	v1 =	vmul.f32 $8.000000000e+00, v37;
	[tilespmem:s28+$0x12480] =	vst v6  }
0x297: {  	v56 =	vld [tilespmem:s28+$0xA5D0];
	v2 =	vmul.f32 $8.000000000e+00, v38;
	[tilespmem:s28+$0x12490] =	vst v0  }
0x298: {  	v58 =	vld [tilespmem:s28+$0xA5E0];
	v57 =	vmul.f32 $8.000000000e+00, v52;
	[tilespmem:s28+$0x124A0] =	vst v1  }
0x299: {  	v39 =	vld [tilespmem:s28+$0xA4C0];
	v59 =	vmul.f32 $8.000000000e+00, v53;
	[tilespmem:s28+$0x124B0] =	vst v2  }
0x29a: {  	v40 =	vld [tilespmem:s28+$0xA4D0];
	v60 =	vmul.f32 $8.000000000e+00, v54;
	[tilespmem:s28+$0x12590] =	vst v57  }
0x29b: {  	v41 =	vld [tilespmem:s28+$0xA4E0];
	v61 =	vmul.f32 $8.000000000e+00, v55;
	[tilespmem:s28+$0x125A0] =	vst v59  }
0x29c: {  	v42 =	vld [tilespmem:s28+$0xA4F0];
	v62 =	vmul.f32 $8.000000000e+00, v56;
	[tilespmem:s28+$0x125B0] =	vst v60  }
0x29d: {  	v43 =	vld [tilespmem:s28+$0xA500];
	v63 =	vmul.f32 $8.000000000e+00, v58;
	[tilespmem:s28+$0x125C0] =	vst v61  }
0x29e: {  	v44 =	vld [tilespmem:s28+$0xA510];
	v3 =	vmul.f32 $8.000000000e+00, v39;
	[tilespmem:s28+$0x125D0] =	vst v62  }
0x29f: {  	v45 =	vld [tilespmem:s28+$0xA520];
	v5 =	vmul.f32 $8.000000000e+00, v40;
	[tilespmem:s28+$0x125E0] =	vst v63  }
0x2a0: {  	v46 =	vld [tilespmem:s28+$0xA530];
	v4 =	vmul.f32 $8.000000000e+00, v41;
	[tilespmem:s28+$0x124C0] =	vst v3  }
0x2a1: {  	v47 =	vld [tilespmem:s28+$0xA540];
	v6 =	vmul.f32 $8.000000000e+00, v42;
	[tilespmem:s28+$0x124D0] =	vst v5  }
0x2a2: {  	v48 =	vld [tilespmem:s28+$0xA550];
	v0 =	vmul.f32 $8.000000000e+00, v43;
	[tilespmem:s28+$0x124E0] =	vst v4  }
0x2a3: {  	v49 =	vld [tilespmem:s28+$0xA560];
	v1 =	vmul.f32 $8.000000000e+00, v44;
	[tilespmem:s28+$0x124F0] =	vst v6  }
0x2a4: {  	v50 =	vld [tilespmem:s28+$0xA570];
	v2 =	vmul.f32 $8.000000000e+00, v45;
	[tilespmem:s28+$0x12500] =	vst v0  }
0x2a5: {  	v51 =	vld [tilespmem:s28+$0xA580];
	v3 =	vmul.f32 $8.000000000e+00, v46;
	[tilespmem:s28+$0x12510] =	vst v1  }
0x2a6: {  	[tilespmem:s28+$0x12520] =	vst v2;
	v5 =	vmul.f32 $8.000000000e+00, v47  }
0x2a7: {  	v4 =	vmul.f32 $8.000000000e+00, v48;
	[tilespmem:s28+$0x12530] =	vst v3  }
0x2a8: {  	v6 =	vmul.f32 $8.000000000e+00, v49;
	[tilespmem:s28+$0x12540] =	vst v5  }
0x2a9: {  	v0 =	vmul.f32 $8.000000000e+00, v50;
	[tilespmem:s28+$0x12550] =	vst v4  }
0x2aa: {  	v1 =	vmul.f32 $8.000000000e+00, v51;
	[tilespmem:s28+$0x12560] =	vst v6  }
0x2ab: {  	[tilespmem:s28+$0x12570] =	vst v0  }
0x2ac: {  	s25 =	sadd.s32 $0x1, s25;
	[tilespmem:s28+$0x12580] =	vst v1  }
0x2ad: {  	[hbm4b:s11+s3] =	stream.linear.scatter [tilespmem:s21], [sflag:$0x4], $0x4000, $0x38;
	[tilespmem:$0x16400] =	vst v63  }
0x2ae: {  	p0 =	sne.s32 s25, s12;
	_ =	swait.ge [sflag:s23], $0x4000  }
.Ltmp7:
0x2af: {  	[sflag:s23] =	ssyncset.done $0x0;
	(pc) =	sbr.rel @p0 .LBB2_1-.Ltmp7, $4  }
0x2b0: {  	[sflag:s23] =	ssyncadd.s32 $0xFFFFC000  }
0x2b1: {  	_ =	swait.ge [sflag:s24], $0x4000  }
0x2b2: {  	[sflag:s24] =	ssyncset.done $0x0  }
0x2b3: {  	[sflag:s24] =	ssyncadd.s32 $0xFFFFC000  }
0x2b4: {  	_ =	sfence.sel $0x180000  }
0x2b5: {  	[bflag:$0x0] =	sbarrier.arrive $0xFFFF  }
0x2b6: {  	_ =	strace $0x90000047  }
0x2b7: {  	[bflag:$0x2] =	sbarrier.arrive $0xFFFF  }
0x2b8: {  	p0 =	sne.s32 s0, $0x0;
	s0 =	rddreg [dreg:$0x2]  }
0x2b9: {  	s0 =	sadd.s32 @!p0 $0x100000, s0  }
0x2ba: {  	[sflag:s0] =	ssyncadd.tile.s32 @!p0 $0x1;
	_ =	shalt  }
.Lfunc_end2:
_tile_overlayer_lowered:
.L_overlay_start_2:
0x2bb: {  	(tag) =	ssettag $0x2  }
0x2bc: {  	s0 =	rddreg [dreg:$0x0];
	s2 =	stileid.u32  }
0x2bd: {  	s1 =	rddreg [dreg:$0x1];
	p0 =	sne.s32 s2, $0x0  }
0x2be: {  	s3 =	rddreg [dreg:$0x2];
	[bflag:$0x3] =	sbarrier.arrive $0xFFFF;
	s2 =	simm.s32 @!p0 $0x1C05  }
0x2bf: {  	[timem:s3], [sflag:s2] =	dma.local @!p0 [hbm:s0], s1  }
0x2c0: {  	s0 =	simm.s32 @!p0 $0x5  }
0x2c1: {  	_ =	swait.ge @!p0 [sflag:s0], s1  }
0x2c2: {  	s1 =	ssub.s32 @!p0 $0x0, s1;
	[sflag:s0] =	ssyncset.done @!p0 $0x0  }
0x2c3: {  	[sflag:s0] =	ssyncadd.s32 @!p0 s1  }
0x2c4: {  	[bflag:$0x3] =	sbarrier.arrive $0xFFFF  }
0x2c5: {  	_ =	shalt  }

// kernel: sparse-core-data-format-call.cloned.1.call-start
scs
called_computation_lowered:
.L_overlay_start_0:
0x0: {  	s2 =	sld [smem:$0x3FD9]  }
0x1: {  	s3 =	sld [smem:$0x3FFE];
	_ =	sdelay $0x1  }
0x2: {  	s1 =	srdreg.scid  }
0x3: {  	s0 =	sand.u32 $0x1, s1  }
0x4: {  	s18 =	sshll.u32 s0, $0xA;
	s2 =	sadd.s32 s3, s2  }
0x5: {  	s2 =	sadd.s32 s2, s18  }
0x6: {  	[smem:$0x3FC6] =	sst s2  }
0x7: {  	_ = 	snop  }
0x8: {  	s2 =	sld [smem:$0x3FD0];
	(tm) =	ssettm $0x1  }
0x9: {  	s19 =	sld [smem:$0x3FFB];
	_ =	sdelay $0x3  }
0xa: {  	_ =	strace s19  }
0xb: {  	s3 =	sld [smem:$0x3FFC];
	_ =	sdelay $0x3  }
0xc: {  	_ =	strace s3  }
0xd: {  	s3 =	sld [smem:$0x3FFD];
	_ =	sdelay $0x3  }
0xe: {  	_ =	strace s3  }
0xf: {  	_ =	strace $0x8FFFFFFF  }
0x10: {  	s20 =	sld [smem:$0x3FDB];
	_ =	sdelay $0x1  }
0x11: {  	s4 =	simm.s32 $_scs_section_size  }
0x12: {  	s5 =	simm.s32 $_size__tile_overlayer_lowered;
	s6 =	simm.s32 $_tile_overlayer_lowered  }
0x13: {  	s23 =	simm.s32 $0x1BFF;
	s22 =	sshll.u32 s6, $0x1;
	s3 =	sadd.s32 s4, s20  }
0x14: {  	s7 =	simm.s32 $0x0;
	s21 =	sshll.u32 s5, $0x1;
	s5 =	sadd.s32 s22, s3  }
0x15: {  	[timem:s7], [sflag:s23] =	dma.local [hbm:s5], s21  }
0x16: {  	_ =	swait.ge [sflag:s23], s21  }
0x17: {  	s4 =	ssub.s32 $0x0, s21;
	[sflag:s23] =	ssyncset.done $0x0  }
0x18: {  	[sflag:s23] =	ssyncadd.s32 s4;
	_ =	sdelay $0x1  }
0x19: {  	s24 =	simm.s32 $0x1B8B  }
0x1a: {  	_ =	swait.ge [sflag:s24], $0x1  }
0x1b: {  	[sflag:s24] =	ssyncset.done $0x0  }
0x1c: {  	s26 =	simm.s32 $0x1B8E;
	s25 =	sld [smem:$0x3FFE];
	[sflag:s24] =	ssyncadd.s32 $0xFFFFFFFF  }
0x1d: {  	s27 =	simm.s32 $execute0_lowered;
	[smem:$0x3FD2] =	sst s26  }
0x1e: {  	s5 =	sshll.u32 s27, $0x1;
	_ =	strace $0x80000049;
	[dreg:$0x1] =	wrdreg $0xFFFFFFFF  }
0x1f: {  	s28 =	simm.s32 $_size_execute0_lowered;
	s3 =	sadd.s32 s3, s5;
	[dreg:$0x0] =	wrdreg $0x0  }
0x20: {  	s5 =	sshll.u32 s28, $0x1;
	[dreg:$0x2] =	wrdreg s3  }
0x21: {  	[dreg:$0x3] =	wrdreg s5  }
0x22: {  	[dreg:$0x4] =	wrdreg $0xC0  }
0x23: {  	_ =	task [dreg:s7], $0x5FFFF  }
0x24: {  	[dreg:$0x1] =	wrdreg $0xFFFFFFFF  }
0x25: {  	[dreg:$0x0] =	wrdreg $0x60  }
0x26: {  	[dreg:$0x2] =	wrdreg s25  }
0x27: {  	[dreg:$0x3] =	wrdreg s2  }
0x28: {  	[dreg:$0x4] =	wrdreg $0x9  }
0x29: {  	_ =	task.clear_ibuf [dreg:s7], $0x5FFFF;
	_ =	strace $0x90000049  }
0x2a: {  	s29 =	simm.s32 $0x9;
	_ =	strace $0x8000004B  }
0x2b: {  	_ =	swait.ge [sflag:s29], $0x1  }
0x2c: {  	[sflag:s29] =	ssyncadd.s32 $0xFFFFFFFF  }
0x2d: {  	_ =	strace $0x9000004B  }
0x2e: {  	_ =	sfence  }
0x2f: {  	s30 =	sld [smem:$0x0];
	_ =	sdelay $0x2  }
0x30: {  	s31 =	sshll.u32 s1, $0xD;
	s1 =	sshrl.u32 s1, $0x2  }
0x31: {  	s3 =	sand.u32 $0x4000, s31;
	s1 =	sadd.s32 s1, s30  }
0x32: {  	s0 =	sor.u32 s3, s0;
	s1 =	sshll.u32 s1, $0x11  }
0x33: {  	s0 =	sor.u32 s1, s0  }
0x34: {  	s0 =	sadd.s32 $0x8F2B, s0  }
0x35: {  	[sflag:s0] =	ssyncadd.remote.s32 $0x1  }
0x36: {  	_ =	sfence.sel $0xFFFF  }
0x37: {  	[dreg:$0x0] =	wrdreg $0xFFFFFFFF;
	(pc) =	sbr.abs _section_cstart, $3  }
0x38: {  	[dreg:$0x1] =	wrdreg $0xFFFFFFFF  }
0x39: {  	_ =	task.clear_ibuf [dreg:s7], $0x2FFFF;
	_ =	strace $0x9FFFFFFF  }
0x3a: {  	(tm) =	ssettm $0x7FFFFFFF  }
0x3b: {  	_ =	shalt  }
tec
execute0_lowered:
.L_overlay_start_1:
0x0: {  	(tag) =	ssettag $0x1  }
0x1: {  	s0 =	srdreg.scid  }
0x2: {  	s1 =	sshll.u32 s0, $0x4  }
0x3: {  	s0 =	stileid.u32;
	s1 =	sand.u32 $0x10, s1  }
0x4: {  	s1 =	sor.u32 s0, s1  }
0x5: {  	s6 =	rddreg [dreg:$0x0];
	s4 =	simm.s32 $0x1;
	s2 =	sshll.u32 s1, $0x7  }
0x6: {  	s7 =	simm.s32 $0x2;
	s12 =	simm.s32 $0x0;
	s1 =	ssub.s32 $0x4000, s2  }
0x7: {  	s8 =	simm.s32 $0x20000;
	s13 =	simm.s32 $0x0;
	s3 =	sand.u32 $0xF80, s1  }
0x8: {  	s9 =	simm.s32 $0x0;
	s5 =	sshrl.u32 s1, $0xC;
	p0 =	sne.s32 s3, $0x0  }
.Ltmp0:
0x9: {  	s1 =	rddreg [dreg:$0x2];
	s4 =	simm.s32 @!p0 $0x0;
	(pc) =	sbr.rel .LBB1_1-.Ltmp0, $4  }
0xa: {  	s11 =	simm.s32 $0x0;
	s3 =	rddreg [dreg:$0x1];
	s5 =	sadd.s32 s4, s5  }
0xb: {  	_ =	strace $0x8000004A;
	s4 =	simm.s32 $0x1;
	s5 =	smul.u32 $0x32, s5  }
0xc: {  	s6 =	sadd.s32 $0xA00, s6;
	s10 =	smov.u32 s2;
	[sflag:s4] =	ssyncpa.u1 $0x0  }
0xd: {  	p0 =	por $0x0, $0x0;
	[sflag:s7] =	ssyncpa.u1 $0x0;
	s7 =	sor.u32 $0x1, s5  }
.LBB1_4:
0xe: {  	s16 =	sshll.u32 s13, $0x3;
	s17 =	sand.u32 $0x78, s13  }
0xf: {  	s30 =	sand.u32 $0x1F800, s13;
	s12 =	sshll.u32 s12, $0x11;
	s16 =	sand.u32 $0x3C00, s16  }
0x10: {  	[tilespmem:s15+$0x810 ss:$0x81] =	vst.msk $0xffff, v2;
	s31 =	sand.u32 $0x7, s13;
	s16 =	sor.u32 s17, s16;
	s17 =	sadd.s32 s3, s30  }
0x11: {  	[tilespmem:s15+$0x1020 ss:$0x81] =	vst.msk $0xffff, v0;
	s13 =	sshll.u32 s31, $0x12;
	s12 =	sadd.s32 s12, s17;
	s16 =	sshrl.u32 s16, $0x3  }
0x12: {  	[tilespmem:s15+$0x0 ss:$0x81] =	vst.msk $0xffff, v1;
	s13 =	sor.u32 $0x400, s13;
	s12 =	sadd.s32 s16, s12  }
0x13: {  	[hbm4b:s12+s13] =	stream.strided.scatter [tilespmem:s14], [sflag:$0x2], $0x2000, s8, s13, $0x20;
	[tilespmem:$0x8080] =	vst v63  }
.LBB1_5:
0x14: {  	s14 =	sadd.s32 $0x1, s9  }
0x15: {  	s12 =	sadd.s32 $0x1000, s10;
	s16 =	smov.u32 s10;
	p2 =	sgt.s32 s14, $0x31  }
0x16: {  	s16 =	smov.u32 @p2 s12  }
0x17: {  	s14 =	simm.s32 @p2 $0x0;
	p2 =	sgt.s32 s16, $0x3FFF  }
0x18: {  	s16 =	smov.u32 @p2 s2;
	p2 =	sne.s32 s11, s7  }
.Ltmp1:
0x19: {  	p1 =	slt.u32 s11, $0x2;
	(pc) =	sbr.rel @!p2 .LBB1_6-.Ltmp1, $4  }
0x1a: {  	s15 =	simm.s32 @!p1 $0x2  }
0x1b: {  	s13 =	smov.u32 s10;
	p0 =	por !p0, !p0;
	_ =	swait.ge @!p1 [sflag:s15], $0x2000  }
0x1c: {  	s12 =	smov.u32 s9;
	[sflag:s15] =	ssyncset.done @!p1 $0x0;
	s9 =	smov.u32 s14  }
0x1d: {  	s11 =	sadd.s32 $0x1, s11;
	[sflag:s15] =	ssyncadd.s32 @!p1 $0xFFFFE000;
	s10 =	smov.u32 s16  }
.LBB1_1:
0x1e: {  	p1 =	sge.u32 s11, s5  }
0x1f: {  	s14 =	sand.u32 @!p1 $0x1FFFFFF, s9  }
0x20: {  	s15 =	smulhi.u32 @!p1 $0x4924925, s14;
	_ =	sdelay $0x1  }
0x21: {  	s15 =	smul.u32 @!p1 $0x38, s15  }
0x22: {  	s16 =	sxor.u32 @!p1 $0xFFFFFFFF, s11;
	s17 =	smul.u32 @!p1 $0x380, s10  }
0x23: {  	s31 =	sadd.s32 $0xFFFFFFFF, s11;
	s16 =	sshll.u32 @!p1 s16, $0xD;
	s14 =	ssub.s32 @!p1 s14, s15  }
0x24: {  	s15 =	sand.u32 @!p1 $0x2000, s16;
	s16 =	sadd.s32 @!p1 s6, s17;
	s14 =	sshll.u32 @!p1 s14, $0x4  }
0x25: {  	s17 =	simm.s32 @!p1 $0x1C00;
	s14 =	sadd.s32 @!p1 s14, s16;
	s16 =	simm.s32 @!p1 $0x40  }
0x26: {  	[tilespmem:s15], [sflag:$0x1] =	stream.strided.gather @!p1 [hbm4b:s14+s16], $0x2000, s17, s16, $0x38;
	[tilespmem:$0x8080] =	vst v63  }
0x27: {  	p1 =	sge.u32 s31, s5  }
.Ltmp2:
0x28: {  	_ = 	snop;
	(pc) =	sbr.rel @p1 .LBB1_5-.Ltmp2, $1  }
0x29: {  	_ =	sdelay $0x3  }
0x2a: {  	s14 =	simm.s32 $0x1  }
0x2b: {  	_ =	swait.ge [sflag:s4], $0x2000;
	s14 =	simm.s32 @!p0 $0x0  }
0x2c: {  	[sflag:s4] =	ssyncset.done $0x0;
	s15 =	sshll.u32 s14, $0xD  }
0x2d: {  	[sflag:s4] =	ssyncadd.s32 $0xFFFFE000;
	s18 =	sor.u32 $0x20, s15  }
0x2e: {  	s14 =	smul.u32 $0x8100, s14;
	v3 =	vld [tilespmem:s18+$0x10]  }
0x2f: {  	s30 =	sand.u32 $0x1, s11;
	v2 =	vld [tilespmem:s18+$0xFFFFFFF0]  }
0x30: {  	s15 =	smul.u32 $0x8100, s30;
	s14 =	sshrl.u32 s14, $0x2;
	v0 =	vld [tilespmem:s18+$0x0]  }
0x31: {  	v1 =	vld [tilespmem:s18+$0xFFFFFFE0];
	s16 =	sor.u32 $0x4000, s14  }
0x32: {  	s31 =	sshrl.u32 s15, $0x2;
	s15 =	sadd.s32 $0x0, s16  }
0x33: {  	s17 =	simm.s32 $0x4;
	s18 =	sadd.s32 $0x40, s18;
	s14 =	sor.u32 $0x4000, s31;
	[tilespmem:s15+$0x1830 ss:$0x81] =	vst.msk $0xffff, v3  }
.LBB1_3:
0x34: {  	v3 =	vld [tilespmem:s18+$0x10];
	p1 =	sne.s32 s17, $0x1FC;
	[tilespmem:s15+$0x810 ss:$0x81] =	vst.msk $0xffff, v2;
	s19 =	smov.u32 s17;
	s17 =	sadd.s32 $0x4, s17  }
.Ltmp3:
0x35: {  	v2 =	vld [tilespmem:s18+$0xFFFFFFF0];
	[tilespmem:s15+$0x1020 ss:$0x81] =	vst.msk $0xffff, v0;
	(pc) =	sbr.rel @p1 .LBB1_3-.Ltmp3, $4  }
0x36: {  	v0 =	vld [tilespmem:s18+$0x0];
	[tilespmem:s15+$0x0 ss:$0x81] =	vst.msk $0xffff, v1  }
0x37: {  	s15 =	sshra.s32 s19, $0x2;
	v1 =	vld [tilespmem:s18+$0xFFFFFFE0]  }
0x38: {  	s15 =	sadd.s32 s15, s16  }
0x39: {  	s18 =	sadd.s32 $0x40, s18;
	[tilespmem:s15+$0x1830 ss:$0x81] =	vst.msk $0xffff, v3  }
.Ltmp4:
0x3a: {  	_ = 	snop;
	(pc) =	sbr.rel .LBB1_4-.Ltmp4, $1  }
0x3b: {  	_ =	sdelay $0x3  }
.LBB1_6:
0x3c: {  	_ =	sfence.sel $0x180000  }
0x3d: {  	s2 =	simm.s32 $0x1;
	[bflag:$0x0] =	sbarrier.arrive $0xFFFF  }
0x3e: {  	s31 =	simm.s32 $0x2;
	[sflag:s2] =	ssyncpa.u1 $0x1  }
0x3f: {  	[sflag:s31] =	ssyncpa.u1 $0x1  }
0x40: {  	p0 =	sne.s32 s0, $0x0;
	_ =	strace $0x9000004A  }
0x41: {  	s0 =	sadd.s32 @!p0 $0x100000, s1;
	[bflag:$0x2] =	sbarrier.arrive $0xFFFF  }
0x42: {  	[sflag:s0] =	ssyncadd.tile.s32 @!p0 $0x1;
	_ =	shalt  }
.Lfunc_end1:
_tile_overlayer_lowered:
.L_overlay_start_2:
0x43: {  	(tag) =	ssettag $0x2  }
0x44: {  	s0 =	rddreg [dreg:$0x0];
	s2 =	stileid.u32  }
0x45: {  	s1 =	rddreg [dreg:$0x1];
	p0 =	sne.s32 s2, $0x0  }
0x46: {  	s3 =	rddreg [dreg:$0x2];
	[bflag:$0x3] =	sbarrier.arrive $0xFFFF;
	s2 =	simm.s32 @!p0 $0x1C01  }
0x47: {  	[timem:s3], [sflag:s2] =	dma.local @!p0 [hbm:s0], s1  }
0x48: {  	s0 =	simm.s32 @!p0 $0x1  }
0x49: {  	_ =	swait.ge @!p0 [sflag:s0], s1  }
0x4a: {  	s1 =	ssub.s32 @!p0 $0x0, s1;
	[sflag:s0] =	ssyncset.done @!p0 $0x0  }
0x4b: {  	[sflag:s0] =	ssyncadd.s32 @!p0 s1  }
0x4c: {  	[bflag:$0x3] =	sbarrier.arrive $0xFFFF  }
0x4d: {  	_ =	shalt  }

</sc_bundles>
